<compile_context>
chip_gen: v7x
topology: tpu7x:2x2x1
jax: 0.10.2.dev20260603
libtpu: 0.0.44.dev20260713+nightly
codegen_flags: <defaults>
</compile_context>

<pallas_src>
import functools

import jax
import jax.numpy as jnp
from jax import lax
from jax.experimental import pallas as pl
from jax.experimental.pallas import tpu as pltpu
from jax.experimental.pallas import tpu_sc as plsc

N = 10000
E = 160000
D = 256
H = 256
R = 3
NC = 2
NS = 16
HH = 128

AC, AS = 125, 40
DEG_Z = 5000
RNDS, CH, ES = 2, 40, 128
EPT = RNDS * CH * ES
N_ACC = N + 16
ROWS_PER_TILE = N // NS
ZR = 25

def _deg_body(dst_hbm, ones_hbm, zeros_hbm, degp_hbm,
              didx, ones_v, zbuf, deg0, deg1, deg2):
    c = lax.axis_index("c")
    s = lax.axis_index("s")
    wid = c * NS + s
    degs = [deg0, deg1, deg2]

    pltpu.sync_copy(ones_hbm, ones_v)

    @pl.when(s == 0)
    def _():
        pltpu.sync_copy(zeros_hbm, zbuf)
        for r in range(R):
            for k in range(N // DEG_Z):
                pltpu.sync_copy(zbuf, degs[r].at[pl.ds(k * DEG_Z, DEG_Z)])

    plsc.subcore_barrier()

    for r in range(R):
        pltpu.sync_copy(dst_hbm.at[r, wid], didx)

        @pl.loop(0, AC)
        def _(j):
            pltpu.sync_copy(
                ones_v.at[pl.ds(0, AS)], degs[r].at[didx.at[j]], add=True
            )

    plsc.subcore_barrier()

    for r in range(R):
        @pl.when(s == r)
        def _(r=r):
            for k in range(N // DEG_Z):
                pltpu.sync_copy(degs[r].at[pl.ds(k * DEG_Z, DEG_Z)], zbuf)
                pltpu.sync_copy(
                    zbuf, degp_hbm.at[pl.ds((c * R + r) * N + k * DEG_Z, DEG_Z)]
                )


NB = 1000


def _mm_body(x_ref, w_ref, dinv_ref, out_ref):
    out_ref[...] = (
        jnp.dot(x_ref[...], w_ref[0], preferred_element_type=jnp.float32)
        * dinv_ref[0]
    )


_mm_call = pl.pallas_call(
    _mm_body,
    grid=(R, NC, N // NB),
    in_specs=[
        pl.BlockSpec((NB, D), lambda r, c, i: (i, 0)),
        pl.BlockSpec((1, D, HH), lambda r, c, i: (r, 0, c)),
        pl.BlockSpec((1, NB, 1), lambda r, c, i: (r, i, 0)),
    ],
    out_specs=pl.BlockSpec(
        (NB, HH), lambda r, c, i: ((r * NC + c) * (N // NB) + i, 0)
    ),
    out_shape=jax.ShapeDtypeStruct((R * NC * N, HH), jnp.float32),
)


def _agg_body(hs_hbm, src_hbm, dst_hbm, zrow_hbm, agg_hbm,
              sidx, didx, buf0, buf1, zrow, acc, gsem0, gsem1):
    c = lax.axis_index("c")
    s = lax.axis_index("s")

    pltpu.sync_copy(zrow_hbm, zrow)

    def gather(j, buf, sem):
        pltpu.async_copy(hs_hbm.at[sidx.at[j]], buf, sem)

    def gwait(buf, sem):
        pltpu.make_async_copy(hs_hbm.at[sidx.at[0]], buf, sem).wait()

    def scatter(j, buf):
        pltpu.sync_copy(buf, acc.at[didx.at[j]], add=True)

    for r in range(R):
        for k in range(ROWS_PER_TILE // ZR):
            pltpu.sync_copy(zrow, acc.at[pl.ds(s * ROWS_PER_TILE + k * ZR, ZR)])
        plsc.subcore_barrier()

        ofs = (r * NC + c) * N
        for rnd in range(RNDS):
            pltpu.sync_copy(src_hbm.at[r, s, rnd], sidx)
            pltpu.sync_copy(dst_hbm.at[r, s, rnd], didx)

            @pl.loop(0, CH)
            def _(row):
                for g in range(ES // 16):
                    sl = pl.ds(g * 16, 16)
                    sidx[row, sl] = sidx[row, sl] + ofs

            gather(0, buf0, gsem0)
            gather(1, buf1, gsem1)

            @pl.loop(0, CH - 3, step=2)
            def _(j):
                gwait(buf0, gsem0)
                scatter(j, buf0)
                gather(j + 2, buf0, gsem0)
                gwait(buf1, gsem1)
                scatter(j + 1, buf1)
                gather(j + 3, buf1, gsem1)

            gwait(buf0, gsem0)
            scatter(CH - 2, buf0)
            gwait(buf1, gsem1)
            scatter(CH - 1, buf1)

        plsc.subcore_barrier()
        rcbase = (r * NC + c) * N

        @pl.when(s < NS - 1)
        def _():
            off = pl.multiple_of(s * 624, 8)
            pltpu.sync_copy(
                acc.at[pl.ds(off, 624)], agg_hbm.at[pl.ds(rcbase + off, 624)]
            )

        @pl.when(s == NS - 1)
        def _():
            pltpu.sync_copy(
                acc.at[pl.ds(9360, 640)], agg_hbm.at[pl.ds(rcbase + 9360, 640)]
            )


def _fuse_body(agg_ref, hs_ref, dinv_ref, b_ref, w1_ref, b1_ref, w2_ref,
               fused_ref, sum_ref):
    embs = []
    for r in range(R):
        agg = jnp.concatenate([agg_ref[r, 0], agg_ref[r, 1]], axis=1)
        hs = jnp.concatenate([hs_ref[r, 0], hs_ref[r, 1]], axis=1)
        emb = jnp.maximum(dinv_ref[r] * (agg + hs) + b_ref[r][None, :], 0.0)
        embs.append(emb)
    scores = []
    for r in range(R):
        t = jnp.tanh(
            jnp.dot(embs[r], w1_ref[...], preferred_element_type=jnp.float32)
            + b1_ref[...]
        )
        scores.append(jnp.dot(t, w2_ref[...], preferred_element_type=jnp.float32))
    sc = jnp.concatenate(scores, axis=1)
    m = jnp.max(sc, axis=1, keepdims=True)
    ex = jnp.exp(sc - m)
    aw = ex / jnp.sum(ex, axis=1, keepdims=True)
    fused_ref[...] = (
        aw[:, 0:1] * embs[0] + aw[:, 1:2] * embs[1] + aw[:, 2:3] * embs[2]
    )
    sum_ref[...] = (embs[0] + embs[1] + embs[2]) * (1.0 / 3.0)


_fuse_call = pl.pallas_call(
    _fuse_body,
    grid=(N // NB,),
    in_specs=[
        pl.BlockSpec((R, NC, NB, HH), lambda i: (0, 0, i, 0)),
        pl.BlockSpec((R, NC, NB, HH), lambda i: (0, 0, i, 0)),
        pl.BlockSpec((R, NB, 1), lambda i: (0, i, 0)),
        pl.BlockSpec((R, H), lambda i: (0, 0)),
        pl.BlockSpec((H, H), lambda i: (0, 0)),
        pl.BlockSpec((1, H), lambda i: (0, 0)),
        pl.BlockSpec((H, 1), lambda i: (0, 0)),
    ],
    out_specs=[
        pl.BlockSpec((NB, H), lambda i: (i, 0)),
        pl.BlockSpec((NB, H), lambda i: (i, 0)),
    ],
    out_shape=[
        jax.ShapeDtypeStruct((N, H), jnp.float32),
        jax.ShapeDtypeStruct((N, H), jnp.float32),
    ],
)


@functools.lru_cache(maxsize=None)
def _sc_kernels():
    mesh = plsc.VectorSubcoreMesh(
        core_axis_name="c", subcore_axis_name="s",
        num_cores=NC, num_subcores=NS,
    )
    deg_call = pl.kernel(
        _deg_body,
        out_type=jax.ShapeDtypeStruct((NC * R * N,), jnp.float32),
        mesh=mesh,
        scratch_types=[
            pltpu.VMEM((AC, AS), jnp.int32),
            pltpu.VMEM((128,), jnp.float32),
            pltpu.VMEM((DEG_Z,), jnp.float32),
            pltpu.VMEM_SHARED((N,), jnp.float32),
            pltpu.VMEM_SHARED((N,), jnp.float32),
            pltpu.VMEM_SHARED((N,), jnp.float32),
        ],
    )
    agg_call = pl.kernel(
        _agg_body,
        out_type=jax.ShapeDtypeStruct((R * NC * N, HH), jnp.float32),
        mesh=mesh,
        scratch_types=[
            pltpu.VMEM((CH, ES), jnp.int32),
            pltpu.VMEM((CH, ES), jnp.int32),
            pltpu.VMEM((ES, HH), jnp.float32),
            pltpu.VMEM((ES, HH), jnp.float32),
            pltpu.VMEM((ZR, HH), jnp.float32),
            pltpu.VMEM_SHARED((N_ACC, HH), jnp.float32),
            pltpu.SemaphoreType.DMA,
            pltpu.SemaphoreType.DMA,
        ],
    )
    return deg_call, agg_call


def kernel(x, edge_index_0, edge_index_1, edge_index_2,
           W_gcn, b_gcn, att_W1, att_b1, att_w2):
    _deg_kernel, _agg_kernel = _sc_kernels()
    ei = jnp.stack([edge_index_0, edge_index_1, edge_index_2]).astype(jnp.int32)
    src = ei[:, 0, :]
    dst = ei[:, 1, :]

    dst_deg = dst.reshape(R, NC * NS, AC, AS)
    PAD = EPT - E // NS
    src_p = jnp.pad(src.reshape(R, NS, E // NS), ((0, 0), (0, 0), (0, PAD)))
    dst_p = jnp.pad(
        dst.reshape(R, NS, E // NS), ((0, 0), (0, 0), (0, PAD)),
        constant_values=N,
    )
    dst_agg = dst_p.reshape(R, NS, RNDS, CH, ES)
    src_agg = src_p.reshape(R, NS, RNDS, CH, ES)

    ones_a = jnp.ones((128,), jnp.float32)
    zeros_a = jnp.zeros((DEG_Z,), jnp.float32)
    zrow = jnp.zeros((ZR, HH), jnp.float32)

    degp = _deg_kernel(dst_deg, ones_a, zeros_a).reshape(NC, R, N)
    deg = degp[0] + degp[1] + 1.0
    dinv = lax.rsqrt(deg)

    hs = _mm_call(x, W_gcn, dinv.reshape(R, N, 1))
    agg = _agg_kernel(hs, src_agg, dst_agg, zrow)

    fused, summary = _fuse_call(
        agg.reshape(R, NC, N, HH),
        hs.reshape(R, NC, N, HH),
        dinv.reshape(R, N, 1),
        b_gcn,
        att_W1,
        att_b1.reshape(1, H),
        att_w2.reshape(H, 1),
    )
    return fused, summary

# --- scband reference (transcript-rebuilt; emitter-appended) ---
"""Pipeline reference for scband-miehet-grl-64871186038927 (READ-ONLY COPY).

The authoritative reference and input builder live on the scoring server;
editing this copy changes nothing except your own understanding.
"""

import jax, jax.numpy as jnp
import numpy as np

N = 10000
E = 160000
D = 256
H = 256
R = 3


def setup_inputs(seed: int = 0) -> dict:
    key = jax.random.key(seed)
    ks = jax.random.split(key, 10)
    x = jax.random.normal(ks[0], (N, D), dtype=jnp.float32)
    edge_index_0 = jax.random.randint(ks[1], (2, E), 0, N, dtype=jnp.int64) if jax.config.jax_enable_x64 else jax.random.randint(ks[1], (2, E), 0, N).astype(jnp.int32)
    edge_index_1 = jax.random.randint(ks[2], (2, E), 0, N).astype(edge_index_0.dtype)
    edge_index_2 = jax.random.randint(ks[3], (2, E), 0, N).astype(edge_index_0.dtype)
    W_gcn = jax.random.normal(ks[4], (R, D, H), dtype=jnp.float32) * 0.05
    b_gcn = jnp.zeros((R, H), dtype=jnp.float32)
    att_W1 = jax.random.normal(ks[5], (H, H), dtype=jnp.float32) * 0.05
    att_b1 = jnp.zeros((H,), dtype=jnp.float32)
    att_w2 = jax.random.normal(ks[6], (H,), dtype=jnp.float32) * 0.05
    return {
        "x": x,
        "edge_index_0": edge_index_0,
        "edge_index_1": edge_index_1,
        "edge_index_2": edge_index_2,
        "W_gcn": W_gcn,
        "b_gcn": b_gcn,
        "att_W1": att_W1,
        "att_b1": att_b1,
        "att_w2": att_w2,
    }


def _gcn_conv(x, W, b, edge_index):
    # PyG GCNConv: add self-loops, symmetric normalization, linear transform,
    # scatter-add aggregation, then bias.
    loop = jnp.arange(N, dtype=edge_index.dtype)
    src = jnp.concatenate([edge_index[0], loop])
    dst = jnp.concatenate([edge_index[1], loop])
    deg = jnp.zeros((N,), dtype=x.dtype).at[dst].add(1.0)
    dinv = jnp.where(deg > 0, 1.0 / jnp.sqrt(jnp.maximum(deg, 1e-12)), 0.0)
    h = x @ W  # [N, H]
    coef = (dinv[src] * dinv[dst])[:, None]
    msg = h[src] * coef  # gather over src
    out = jnp.zeros((N, W.shape[1]), dtype=x.dtype).at[dst].add(msg)  # scatter-add over dst
    return out + b


def reference(x, edge_index_0, edge_index_1, edge_index_2, W_gcn, b_gcn, att_W1, att_b1, att_w2):
    eis = [edge_index_0, edge_index_1, edge_index_2]
    # RelationSpecificGNN: relu(GCNConv(x, ei)); dropout is identity in eval mode
    embs = [jax.nn.relu(_gcn_conv(x, W_gcn[i], b_gcn[i], eis[i])) for i in range(R)]
    # SemanticAttentionFusion
    stacked = jnp.stack(embs, axis=1)  # [N, R, H]
    scores = jnp.tanh(stacked @ att_W1 + att_b1) @ att_w2  # [N, R]
    attn = jax.nn.softmax(scores, axis=1)[..., None]  # [N, R, 1]
    fused = jnp.sum(attn * stacked, axis=1)  # [N, H]
    # global_summary: mean over relations
    summary = jnp.mean(jnp.stack(embs, axis=0), axis=0)  # [N, H]
    return (fused, summary)

if __name__ == "__main__":
    import jax
    _d = setup_inputs()
    print(jax.jit(kernel)(*tuple(_d.values())))

</pallas_src>

<mosaic_0001>
#map = affine_map<(d0, d1) -> (0, 0, 0, 0)>
#map1 = affine_map<(d0, d1) -> (0)>
module attributes {stable_mosaic.version = 14 : i64} {
  func.func @_deg_body(%arg0: i32, %arg1: i32, %arg2: memref<3x32x125x40xi32, #tpu.memory_space<hbm>>, %arg3: memref<128xf32, #tpu.memory_space<hbm>>, %arg4: memref<5000xf32, #tpu.memory_space<hbm>>, %arg5: memref<60000xf32, #tpu.memory_space<hbm>>, %arg6: memref<125x40xi32, #tpu.memory_space<vmem>>, %arg7: memref<128xf32, #tpu.memory_space<vmem>>, %arg8: memref<5000xf32, #tpu.memory_space<vmem>>, %arg9: memref<10000xf32, #tpu.memory_space<vmem_shared>>, %arg10: memref<10000xf32, #tpu.memory_space<vmem_shared>>, %arg11: memref<10000xf32, #tpu.memory_space<vmem_shared>>) attributes {dimension_semantics = [#tpu.dimension_semantics<core_parallel>, #tpu.dimension_semantics<subcore_parallel>], iteration_bounds = array<i64: 2, 16>, scalar_prefetch = 0 : i64, scratch_operands = 6 : i64, tpu.core_type = #tpu.core_type<sc_vector_subcore>, window_params = [{transform_indices = #map}, {transform_indices = #map1}, {transform_indices = #map1}, {transform_indices = #map1}]} {
    %mul3A = arith.constant 16 : i32
    %mul3A_0 = arith.muli %arg0, %mul3A : i32
    %add3A = arith.addi %mul3A_0, %arg1 : i32
    "tpu.region"() ({
      %run_scoped3A_35 = tpu.sem_alloc : memref<!tpu.dma_semaphore, #tpu.memory_space<semaphore_mem>>
      tpu.enqueue_dma source(%arg3 : memref<128xf32, #tpu.memory_space<hbm>>) target(%arg7 : memref<128xf32, #tpu.memory_space<vmem>>) target_semaphore(%run_scoped3A_35 : memref<!tpu.dma_semaphore, #tpu.memory_space<semaphore_mem>>)
      tpu.wait_dma2 semaphore(%run_scoped3A_35 : memref<!tpu.dma_semaphore, #tpu.memory_space<semaphore_mem>>) src(%arg3 : memref<128xf32, #tpu.memory_space<hbm>>) dst(%arg7 : memref<128xf32, #tpu.memory_space<vmem>>)
      tpu.yield
    }) : () -> ()
    %eq3A = arith.constant 0 : i32
    %eq3A_1 = arith.cmpi eq, %arg1, %eq3A : i32
    %convert_element_type3A = arith.extui %eq3A_1 : i1 to i32
    %cond3A = arith.constant 0 : i32
    %cond3A_2 = arith.cmpi ne, %convert_element_type3A, %cond3A : i32
    scf.if %cond3A_2 {
      "tpu.region"() ({
        %run_scoped3A_35 = tpu.sem_alloc : memref<!tpu.dma_semaphore, #tpu.memory_space<semaphore_mem>>
        tpu.enqueue_dma source(%arg4 : memref<5000xf32, #tpu.memory_space<hbm>>) target(%arg8 : memref<5000xf32, #tpu.memory_space<vmem>>) target_semaphore(%run_scoped3A_35 : memref<!tpu.dma_semaphore, #tpu.memory_space<semaphore_mem>>)
        tpu.wait_dma2 semaphore(%run_scoped3A_35 : memref<!tpu.dma_semaphore, #tpu.memory_space<semaphore_mem>>) src(%arg4 : memref<5000xf32, #tpu.memory_space<hbm>>) dst(%arg8 : memref<5000xf32, #tpu.memory_space<vmem>>)
        tpu.yield
      }) : () -> ()
      "tpu.region"() ({
        %run_scoped3A_35 = tpu.sem_alloc : memref<!tpu.dma_semaphore, #tpu.memory_space<semaphore_mem>>
        %dma_start3A = arith.constant 0 : i32
        %dma_start3A_36 = tpu.memref_slice %arg9[%dma_start3A] : memref<10000xf32, #tpu.memory_space<vmem_shared>> -> memref<5000xf32, #tpu.memory_space<vmem_shared>>
        %dma_start3A_37 = arith.constant 0 : i32
        %dma_start3A_38 = tpu.memref_slice %arg9[%dma_start3A_37] : memref<10000xf32, #tpu.memory_space<vmem_shared>> -> memref<5000xf32, #tpu.memory_space<vmem_shared>>
        tpu.enqueue_dma source(%arg8 : memref<5000xf32, #tpu.memory_space<vmem>>) target(%dma_start3A_38 : memref<5000xf32, #tpu.memory_space<vmem_shared>>) target_semaphore(%run_scoped3A_35 : memref<!tpu.dma_semaphore, #tpu.memory_space<semaphore_mem>>)
        %dma_wait3A = arith.constant 0 : i32
        %dma_wait3A_39 = tpu.memref_slice %arg9[%dma_wait3A] : memref<10000xf32, #tpu.memory_space<vmem_shared>> -> memref<5000xf32, #tpu.memory_space<vmem_shared>>
        %dma_wait3A_40 = arith.constant 0 : i32
        %dma_wait3A_41 = tpu.memref_slice %arg9[%dma_wait3A_40] : memref<10000xf32, #tpu.memory_space<vmem_shared>> -> memref<5000xf32, #tpu.memory_space<vmem_shared>>
        tpu.wait_dma2 semaphore(%run_scoped3A_35 : memref<!tpu.dma_semaphore, #tpu.memory_space<semaphore_mem>>) src(%arg8 : memref<5000xf32, #tpu.memory_space<vmem>>) dst(%dma_wait3A_41 : memref<5000xf32, #tpu.memory_space<vmem_shared>>)
        tpu.yield
      }) : () -> ()
      "tpu.region"() ({
        %run_scoped3A_35 = tpu.sem_alloc : memref<!tpu.dma_semaphore, #tpu.memory_space<semaphore_mem>>
        %dma_start3A = arith.constant 5000 : i32
        %dma_start3A_36 = tpu.memref_slice %arg9[%dma_start3A] : memref<10000xf32, #tpu.memory_space<vmem_shared>> -> memref<5000xf32, #tpu.memory_space<vmem_shared>>
        %dma_start3A_37 = arith.constant 5000 : i32
        %dma_start3A_38 = tpu.memref_slice %arg9[%dma_start3A_37] : memref<10000xf32, #tpu.memory_space<vmem_shared>> -> memref<5000xf32, #tpu.memory_space<vmem_shared>>
        tpu.enqueue_dma source(%arg8 : memref<5000xf32, #tpu.memory_space<vmem>>) target(%dma_start3A_38 : memref<5000xf32, #tpu.memory_space<vmem_shared>>) target_semaphore(%run_scoped3A_35 : memref<!tpu.dma_semaphore, #tpu.memory_space<semaphore_mem>>)
        %dma_wait3A = arith.constant 5000 : i32
        %dma_wait3A_39 = tpu.memref_slice %arg9[%dma_wait3A] : memref<10000xf32, #tpu.memory_space<vmem_shared>> -> memref<5000xf32, #tpu.memory_space<vmem_shared>>
        %dma_wait3A_40 = arith.constant 5000 : i32
        %dma_wait3A_41 = tpu.memref_slice %arg9[%dma_wait3A_40] : memref<10000xf32, #tpu.memory_space<vmem_shared>> -> memref<5000xf32, #tpu.memory_space<vmem_shared>>
        tpu.wait_dma2 semaphore(%run_scoped3A_35 : memref<!tpu.dma_semaphore, #tpu.memory_space<semaphore_mem>>) src(%arg8 : memref<5000xf32, #tpu.memory_space<vmem>>) dst(%dma_wait3A_41 : memref<5000xf32, #tpu.memory_space<vmem_shared>>)
        tpu.yield
      }) : () -> ()
      "tpu.region"() ({
        %run_scoped3A_35 = tpu.sem_alloc : memref<!tpu.dma_semaphore, #tpu.memory_space<semaphore_mem>>
        %dma_start3A = arith.constant 0 : i32
        %dma_start3A_36 = tpu.memref_slice %arg10[%dma_start3A] : memref<10000xf32, #tpu.memory_space<vmem_shared>> -> memref<5000xf32, #tpu.memory_space<vmem_shared>>
        %dma_start3A_37 = arith.constant 0 : i32
        %dma_start3A_38 = tpu.memref_slice %arg10[%dma_start3A_37] : memref<10000xf32, #tpu.memory_space<vmem_shared>> -> memref<5000xf32, #tpu.memory_space<vmem_shared>>
        tpu.enqueue_dma source(%arg8 : memref<5000xf32, #tpu.memory_space<vmem>>) target(%dma_start3A_38 : memref<5000xf32, #tpu.memory_space<vmem_shared>>) target_semaphore(%run_scoped3A_35 : memref<!tpu.dma_semaphore, #tpu.memory_space<semaphore_mem>>)
        %dma_wait3A = arith.constant 0 : i32
        %dma_wait3A_39 = tpu.memref_slice %arg10[%dma_wait3A] : memref<10000xf32, #tpu.memory_space<vmem_shared>> -> memref<5000xf32, #tpu.memory_space<vmem_shared>>
        %dma_wait3A_40 = arith.constant 0 : i32
        %dma_wait3A_41 = tpu.memref_slice %arg10[%dma_wait3A_40] : memref<10000xf32, #tpu.memory_space<vmem_shared>> -> memref<5000xf32, #tpu.memory_space<vmem_shared>>
        tpu.wait_dma2 semaphore(%run_scoped3A_35 : memref<!tpu.dma_semaphore, #tpu.memory_space<semaphore_mem>>) src(%arg8 : memref<5000xf32, #tpu.memory_space<vmem>>) dst(%dma_wait3A_41 : memref<5000xf32, #tpu.memory_space<vmem_shared>>)
        tpu.yield
      }) : () -> ()
      "tpu.region"() ({
        %run_scoped3A_35 = tpu.sem_alloc : memref<!tpu.dma_semaphore, #tpu.memory_space<semaphore_mem>>
        %dma_start3A = arith.constant 5000 : i32
        %dma_start3A_36 = tpu.memref_slice %arg10[%dma_start3A] : memref<10000xf32, #tpu.memory_space<vmem_shared>> -> memref<5000xf32, #tpu.memory_space<vmem_shared>>
        %dma_start3A_37 = arith.constant 5000 : i32
        %dma_start3A_38 = tpu.memref_slice %arg10[%dma_start3A_37] : memref<10000xf32, #tpu.memory_space<vmem_shared>> -> memref<5000xf32, #tpu.memory_space<vmem_shared>>
        tpu.enqueue_dma source(%arg8 : memref<5000xf32, #tpu.memory_space<vmem>>) target(%dma_start3A_38 : memref<5000xf32, #tpu.memory_space<vmem_shared>>) target_semaphore(%run_scoped3A_35 : memref<!tpu.dma_semaphore, #tpu.memory_space<semaphore_mem>>)
        %dma_wait3A = arith.constant 5000 : i32
        %dma_wait3A_39 = tpu.memref_slice %arg10[%dma_wait3A] : memref<10000xf32, #tpu.memory_space<vmem_shared>> -> memref<5000xf32, #tpu.memory_space<vmem_shared>>
        %dma_wait3A_40 = arith.constant 5000 : i32
        %dma_wait3A_41 = tpu.memref_slice %arg10[%dma_wait3A_40] : memref<10000xf32, #tpu.memory_space<vmem_shared>> -> memref<5000xf32, #tpu.memory_space<vmem_shared>>
        tpu.wait_dma2 semaphore(%run_scoped3A_35 : memref<!tpu.dma_semaphore, #tpu.memory_space<semaphore_mem>>) src(%arg8 : memref<5000xf32, #tpu.memory_space<vmem>>) dst(%dma_wait3A_41 : memref<5000xf32, #tpu.memory_space<vmem_shared>>)
        tpu.yield
      }) : () -> ()
      "tpu.region"() ({
        %run_scoped3A_35 = tpu.sem_alloc : memref<!tpu.dma_semaphore, #tpu.memory_space<semaphore_mem>>
        %dma_start3A = arith.constant 0 : i32
        %dma_start3A_36 = tpu.memref_slice %arg11[%dma_start3A] : memref<10000xf32, #tpu.memory_space<vmem_shared>> -> memref<5000xf32, #tpu.memory_space<vmem_shared>>
        %dma_start3A_37 = arith.constant 0 : i32
        %dma_start3A_38 = tpu.memref_slice %arg11[%dma_start3A_37] : memref<10000xf32, #tpu.memory_space<vmem_shared>> -> memref<5000xf32, #tpu.memory_space<vmem_shared>>
        tpu.enqueue_dma source(%arg8 : memref<5000xf32, #tpu.memory_space<vmem>>) target(%dma_start3A_38 : memref<5000xf32, #tpu.memory_space<vmem_shared>>) target_semaphore(%run_scoped3A_35 : memref<!tpu.dma_semaphore, #tpu.memory_space<semaphore_mem>>)
        %dma_wait3A = arith.constant 0 : i32
        %dma_wait3A_39 = tpu.memref_slice %arg11[%dma_wait3A] : memref<10000xf32, #tpu.memory_space<vmem_shared>> -> memref<5000xf32, #tpu.memory_space<vmem_shared>>
        %dma_wait3A_40 = arith.constant 0 : i32
        %dma_wait3A_41 = tpu.memref_slice %arg11[%dma_wait3A_40] : memref<10000xf32, #tpu.memory_space<vmem_shared>> -> memref<5000xf32, #tpu.memory_space<vmem_shared>>
        tpu.wait_dma2 semaphore(%run_scoped3A_35 : memref<!tpu.dma_semaphore, #tpu.memory_space<semaphore_mem>>) src(%arg8 : memref<5000xf32, #tpu.memory_space<vmem>>) dst(%dma_wait3A_41 : memref<5000xf32, #tpu.memory_space<vmem_shared>>)
        tpu.yield
      }) : () -> ()
      "tpu.region"() ({
        %run_scoped3A_35 = tpu.sem_alloc : memref<!tpu.dma_semaphore, #tpu.memory_space<semaphore_mem>>
        %dma_start3A = arith.constant 5000 : i32
        %dma_start3A_36 = tpu.memref_slice %arg11[%dma_start3A] : memref<10000xf32, #tpu.memory_space<vmem_shared>> -> memref<5000xf32, #tpu.memory_space<vmem_shared>>
        %dma_start3A_37 = arith.constant 5000 : i32
        %dma_start3A_38 = tpu.memref_slice %arg11[%dma_start3A_37] : memref<10000xf32, #tpu.memory_space<vmem_shared>> -> memref<5000xf32, #tpu.memory_space<vmem_shared>>
        tpu.enqueue_dma source(%arg8 : memref<5000xf32, #tpu.memory_space<vmem>>) target(%dma_start3A_38 : memref<5000xf32, #tpu.memory_space<vmem_shared>>) target_semaphore(%run_scoped3A_35 : memref<!tpu.dma_semaphore, #tpu.memory_space<semaphore_mem>>)
        %dma_wait3A = arith.constant 5000 : i32
        %dma_wait3A_39 = tpu.memref_slice %arg11[%dma_wait3A] : memref<10000xf32, #tpu.memory_space<vmem_shared>> -> memref<5000xf32, #tpu.memory_space<vmem_shared>>
        %dma_wait3A_40 = arith.constant 5000 : i32
        %dma_wait3A_41 = tpu.memref_slice %arg11[%dma_wait3A_40] : memref<10000xf32, #tpu.memory_space<vmem_shared>> -> memref<5000xf32, #tpu.memory_space<vmem_shared>>
        tpu.wait_dma2 semaphore(%run_scoped3A_35 : memref<!tpu.dma_semaphore, #tpu.memory_space<semaphore_mem>>) src(%arg8 : memref<5000xf32, #tpu.memory_space<vmem>>) dst(%dma_wait3A_41 : memref<5000xf32, #tpu.memory_space<vmem_shared>>)
        tpu.yield
      }) : () -> ()
    } else {
    }
    %barrier3A = arith.constant 0 : index
    tpu.barrier barrier_id(%barrier3A)
    %run_scoped3A = arith.constant 0 : i32
    "tpu.region"() ({
      %run_scoped3A_35 = tpu.sem_alloc : memref<!tpu.dma_semaphore, #tpu.memory_space<semaphore_mem>>
      %dma_start3A = arith.constant 0 : i32
      %dma_start3A_36 = arith.constant 0 : i32
      %dma_start3A_37 = tpu.memref_slice %arg2[%run_scoped3A, %add3A, %dma_start3A, %dma_start3A_36] : memref<3x32x125x40xi32, #tpu.memory_space<hbm>> -> memref<1x1x125x40xi32, #tpu.memory_space<hbm>>
      %dma_start3A_38 = tpu.memref_squeeze %dma_start3A_37 : memref<1x1x125x40xi32, #tpu.memory_space<hbm>> -> memref<125x40xi32, #tpu.memory_space<hbm>>
      %dma_start3A_39 = arith.constant 0 : i32
      %dma_start3A_40 = arith.constant 0 : i32
      %dma_start3A_41 = tpu.memref_slice %arg2[%run_scoped3A, %add3A, %dma_start3A_39, %dma_start3A_40] : memref<3x32x125x40xi32, #tpu.memory_space<hbm>> -> memref<1x1x125x40xi32, #tpu.memory_space<hbm>>
      %dma_start3A_42 = tpu.memref_squeeze %dma_start3A_41 : memref<1x1x125x40xi32, #tpu.memory_space<hbm>> -> memref<125x40xi32, #tpu.memory_space<hbm>>
      tpu.enqueue_dma source(%dma_start3A_42 : memref<125x40xi32, #tpu.memory_space<hbm>>) target(%arg6 : memref<125x40xi32, #tpu.memory_space<vmem>>) target_semaphore(%run_scoped3A_35 : memref<!tpu.dma_semaphore, #tpu.memory_space<semaphore_mem>>)
      %dma_wait3A = arith.constant 0 : i32
      %dma_wait3A_43 = arith.constant 0 : i32
      %dma_wait3A_44 = tpu.memref_slice %arg2[%run_scoped3A, %add3A, %dma_wait3A, %dma_wait3A_43] : memref<3x32x125x40xi32, #tpu.memory_space<hbm>> -> memref<1x1x125x40xi32, #tpu.memory_space<hbm>>
      %dma_wait3A_45 = tpu.memref_squeeze %dma_wait3A_44 : memref<1x1x125x40xi32, #tpu.memory_space<hbm>> -> memref<125x40xi32, #tpu.memory_space<hbm>>
      %dma_wait3A_46 = arith.constant 0 : i32
      %dma_wait3A_47 = arith.constant 0 : i32
      %dma_wait3A_48 = tpu.memref_slice %arg2[%run_scoped3A, %add3A, %dma_wait3A_46, %dma_wait3A_47] : memref<3x32x125x40xi32, #tpu.memory_space<hbm>> -> memref<1x1x125x40xi32, #tpu.memory_space<hbm>>
      %dma_wait3A_49 = tpu.memref_squeeze %dma_wait3A_48 : memref<1x1x125x40xi32, #tpu.memory_space<hbm>> -> memref<125x40xi32, #tpu.memory_space<hbm>>
      tpu.wait_dma2 semaphore(%run_scoped3A_35 : memref<!tpu.dma_semaphore, #tpu.memory_space<semaphore_mem>>) src(%dma_wait3A_49 : memref<125x40xi32, #tpu.memory_space<hbm>>) dst(%arg6 : memref<125x40xi32, #tpu.memory_space<vmem>>)
      tpu.yield
    }) : () -> ()
    %scan3A = arith.constant 0 : i32
    %scan3A_3 = arith.constant 125 : i32
    %scan3A_4 = arith.addi %scan3A, %scan3A_3 : i32
    %scan3A_5 = arith.constant 1 : i32
    scf.for %scan3A_35 = %scan3A to %scan3A_4 step %scan3A_5  : i32 {
      %mul3A_36 = arith.constant 1 : i32
      %mul3A_37 = arith.muli %scan3A_35, %mul3A_36 : i32
      %add3A_38 = arith.constant 0 : i32
      %add3A_39 = arith.addi %add3A_38, %mul3A_37 : i32
      "tpu.region"() ({
        %run_scoped3A_40 = tpu.sem_alloc : memref<!tpu.dma_semaphore, #tpu.memory_space<semaphore_mem>>
        %dma_start3A = arith.constant 0 : i32
        %dma_start3A_41 = tpu.memref_slice %arg7[%dma_start3A] : memref<128xf32, #tpu.memory_space<vmem>> -> memref<40xf32, #tpu.memory_space<vmem>>
        %dma_start3A_42 = arith.constant 0 : i32
        %dma_start3A_43 = tpu.memref_slice %arg6[%add3A_39, %dma_start3A_42] : memref<125x40xi32, #tpu.memory_space<vmem>> -> memref<1x40xi32, #tpu.memory_space<vmem>>
        %dma_start3A_44 = tpu.memref_squeeze %dma_start3A_43 : memref<1x40xi32, #tpu.memory_space<vmem>> -> memref<40xi32, #tpu.memory_space<vmem>>
        %dma_start3A_45 = arith.constant 0 : i32
        %dma_start3A_46 = tpu.memref_slice %arg9[%dma_start3A_45] : memref<10000xf32, #tpu.memory_space<vmem_shared>> -> memref<10000xf32, #tpu.memory_space<vmem_shared>>
        tpu.enqueue_indirect_dma source(%dma_start3A_41 : memref<40xf32, #tpu.memory_space<vmem>>) target(%dma_start3A_46 : memref<10000xf32, #tpu.memory_space<vmem_shared>>) offsets(%dma_start3A_44 : memref<40xi32, #tpu.memory_space<vmem>>) semaphore(%run_scoped3A_40 : memref<!tpu.dma_semaphore, #tpu.memory_space<semaphore_mem>>) {add = true}
        %dma_wait3A = arith.constant 0 : i32
        %dma_wait3A_47 = tpu.memref_slice %arg7[%dma_wait3A] : memref<128xf32, #tpu.memory_space<vmem>> -> memref<40xf32, #tpu.memory_space<vmem>>
        %dma_wait3A_48 = arith.constant 0 : i32
        %dma_wait3A_49 = tpu.memref_slice %arg6[%add3A_39, %dma_wait3A_48] : memref<125x40xi32, #tpu.memory_space<vmem>> -> memref<1x40xi32, #tpu.memory_space<vmem>>
        %dma_wait3A_50 = tpu.memref_squeeze %dma_wait3A_49 : memref<1x40xi32, #tpu.memory_space<vmem>> -> memref<40xi32, #tpu.memory_space<vmem>>
        %dma_wait3A_51 = arith.constant 0 : i32
        %dma_wait3A_52 = tpu.memref_slice %arg9[%dma_wait3A_51] : memref<10000xf32, #tpu.memory_space<vmem_shared>> -> memref<10000xf32, #tpu.memory_space<vmem_shared>>
        tpu.wait_indirect_dma semaphore(%run_scoped3A_40 : memref<!tpu.dma_semaphore, #tpu.memory_space<semaphore_mem>>) src(%dma_wait3A_47 : memref<40xf32, #tpu.memory_space<vmem>>) dst(%dma_wait3A_52 : memref<10000xf32, #tpu.memory_space<vmem_shared>>)
        tpu.yield
      }) : () -> ()
    }
    %scan3A_6 = arith.constant 125 : i32
    %run_scoped3A_7 = arith.constant 1 : i32
    "tpu.region"() ({
      %run_scoped3A_35 = tpu.sem_alloc : memref<!tpu.dma_semaphore, #tpu.memory_space<semaphore_mem>>
      %dma_start3A = arith.constant 0 : i32
      %dma_start3A_36 = arith.constant 0 : i32
      %dma_start3A_37 = tpu.memref_slice %arg2[%run_scoped3A_7, %add3A, %dma_start3A, %dma_start3A_36] : memref<3x32x125x40xi32, #tpu.memory_space<hbm>> -> memref<1x1x125x40xi32, #tpu.memory_space<hbm>>
      %dma_start3A_38 = tpu.memref_squeeze %dma_start3A_37 : memref<1x1x125x40xi32, #tpu.memory_space<hbm>> -> memref<125x40xi32, #tpu.memory_space<hbm>>
      %dma_start3A_39 = arith.constant 0 : i32
      %dma_start3A_40 = arith.constant 0 : i32
      %dma_start3A_41 = tpu.memref_slice %arg2[%run_scoped3A_7, %add3A, %dma_start3A_39, %dma_start3A_40] : memref<3x32x125x40xi32, #tpu.memory_space<hbm>> -> memref<1x1x125x40xi32, #tpu.memory_space<hbm>>
      %dma_start3A_42 = tpu.memref_squeeze %dma_start3A_41 : memref<1x1x125x40xi32, #tpu.memory_space<hbm>> -> memref<125x40xi32, #tpu.memory_space<hbm>>
      tpu.enqueue_dma source(%dma_start3A_42 : memref<125x40xi32, #tpu.memory_space<hbm>>) target(%arg6 : memref<125x40xi32, #tpu.memory_space<vmem>>) target_semaphore(%run_scoped3A_35 : memref<!tpu.dma_semaphore, #tpu.memory_space<semaphore_mem>>)
      %dma_wait3A = arith.constant 0 : i32
      %dma_wait3A_43 = arith.constant 0 : i32
      %dma_wait3A_44 = tpu.memref_slice %arg2[%run_scoped3A_7, %add3A, %dma_wait3A, %dma_wait3A_43] : memref<3x32x125x40xi32, #tpu.memory_space<hbm>> -> memref<1x1x125x40xi32, #tpu.memory_space<hbm>>
      %dma_wait3A_45 = tpu.memref_squeeze %dma_wait3A_44 : memref<1x1x125x40xi32, #tpu.memory_space<hbm>> -> memref<125x40xi32, #tpu.memory_space<hbm>>
      %dma_wait3A_46 = arith.constant 0 : i32
      %dma_wait3A_47 = arith.constant 0 : i32
      %dma_wait3A_48 = tpu.memref_slice %arg2[%run_scoped3A_7, %add3A, %dma_wait3A_46, %dma_wait3A_47] : memref<3x32x125x40xi32, #tpu.memory_space<hbm>> -> memref<1x1x125x40xi32, #tpu.memory_space<hbm>>
      %dma_wait3A_49 = tpu.memref_squeeze %dma_wait3A_48 : memref<1x1x125x40xi32, #tpu.memory_space<hbm>> -> memref<125x40xi32, #tpu.memory_space<hbm>>
      tpu.wait_dma2 semaphore(%run_scoped3A_35 : memref<!tpu.dma_semaphore, #tpu.memory_space<semaphore_mem>>) src(%dma_wait3A_49 : memref<125x40xi32, #tpu.memory_space<hbm>>) dst(%arg6 : memref<125x40xi32, #tpu.memory_space<vmem>>)
      tpu.yield
    }) : () -> ()
    %scan3A_8 = arith.constant 0 : i32
    %scan3A_9 = arith.constant 125 : i32
    %scan3A_10 = arith.addi %scan3A_8, %scan3A_9 : i32
    %scan3A_11 = arith.constant 1 : i32
    scf.for %scan3A_35 = %scan3A_8 to %scan3A_10 step %scan3A_11  : i32 {
      %mul3A_36 = arith.constant 1 : i32
      %mul3A_37 = arith.muli %scan3A_35, %mul3A_36 : i32
      %add3A_38 = arith.constant 0 : i32
      %add3A_39 = arith.addi %add3A_38, %mul3A_37 : i32
      "tpu.region"() ({
        %run_scoped3A_40 = tpu.sem_alloc : memref<!tpu.dma_semaphore, #tpu.memory_space<semaphore_mem>>
        %dma_start3A = arith.constant 0 : i32
        %dma_start3A_41 = tpu.memref_slice %arg7[%dma_start3A] : memref<128xf32, #tpu.memory_space<vmem>> -> memref<40xf32, #tpu.memory_space<vmem>>
        %dma_start3A_42 = arith.constant 0 : i32
        %dma_start3A_43 = tpu.memref_slice %arg6[%add3A_39, %dma_start3A_42] : memref<125x40xi32, #tpu.memory_space<vmem>> -> memref<1x40xi32, #tpu.memory_space<vmem>>
        %dma_start3A_44 = tpu.memref_squeeze %dma_start3A_43 : memref<1x40xi32, #tpu.memory_space<vmem>> -> memref<40xi32, #tpu.memory_space<vmem>>
        %dma_start3A_45 = arith.constant 0 : i32
        %dma_start3A_46 = tpu.memref_slice %arg10[%dma_start3A_45] : memref<10000xf32, #tpu.memory_space<vmem_shared>> -> memref<10000xf32, #tpu.memory_space<vmem_shared>>
        tpu.enqueue_indirect_dma source(%dma_start3A_41 : memref<40xf32, #tpu.memory_space<vmem>>) target(%dma_start3A_46 : memref<10000xf32, #tpu.memory_space<vmem_shared>>) offsets(%dma_start3A_44 : memref<40xi32, #tpu.memory_space<vmem>>) semaphore(%run_scoped3A_40 : memref<!tpu.dma_semaphore, #tpu.memory_space<semaphore_mem>>) {add = true}
        %dma_wait3A = arith.constant 0 : i32
        %dma_wait3A_47 = tpu.memref_slice %arg7[%dma_wait3A] : memref<128xf32, #tpu.memory_space<vmem>> -> memref<40xf32, #tpu.memory_space<vmem>>
        %dma_wait3A_48 = arith.constant 0 : i32
        %dma_wait3A_49 = tpu.memref_slice %arg6[%add3A_39, %dma_wait3A_48] : memref<125x40xi32, #tpu.memory_space<vmem>> -> memref<1x40xi32, #tpu.memory_space<vmem>>
        %dma_wait3A_50 = tpu.memref_squeeze %dma_wait3A_49 : memref<1x40xi32, #tpu.memory_space<vmem>> -> memref<40xi32, #tpu.memory_space<vmem>>
        %dma_wait3A_51 = arith.constant 0 : i32
        %dma_wait3A_52 = tpu.memref_slice %arg10[%dma_wait3A_51] : memref<10000xf32, #tpu.memory_space<vmem_shared>> -> memref<10000xf32, #tpu.memory_space<vmem_shared>>
        tpu.wait_indirect_dma semaphore(%run_scoped3A_40 : memref<!tpu.dma_semaphore, #tpu.memory_space<semaphore_mem>>) src(%dma_wait3A_47 : memref<40xf32, #tpu.memory_space<vmem>>) dst(%dma_wait3A_52 : memref<10000xf32, #tpu.memory_space<vmem_shared>>)
        tpu.yield
      }) : () -> ()
    }
    %scan3A_12 = arith.constant 125 : i32
    %run_scoped3A_13 = arith.constant 2 : i32
    "tpu.region"() ({
      %run_scoped3A_35 = tpu.sem_alloc : memref<!tpu.dma_semaphore, #tpu.memory_space<semaphore_mem>>
      %dma_start3A = arith.constant 0 : i32
      %dma_start3A_36 = arith.constant 0 : i32
      %dma_start3A_37 = tpu.memref_slice %arg2[%run_scoped3A_13, %add3A, %dma_start3A, %dma_start3A_36] : memref<3x32x125x40xi32, #tpu.memory_space<hbm>> -> memref<1x1x125x40xi32, #tpu.memory_space<hbm>>
      %dma_start3A_38 = tpu.memref_squeeze %dma_start3A_37 : memref<1x1x125x40xi32, #tpu.memory_space<hbm>> -> memref<125x40xi32, #tpu.memory_space<hbm>>
      %dma_start3A_39 = arith.constant 0 : i32
      %dma_start3A_40 = arith.constant 0 : i32
      %dma_start3A_41 = tpu.memref_slice %arg2[%run_scoped3A_13, %add3A, %dma_start3A_39, %dma_start3A_40] : memref<3x32x125x40xi32, #tpu.memory_space<hbm>> -> memref<1x1x125x40xi32, #tpu.memory_space<hbm>>
      %dma_start3A_42 = tpu.memref_squeeze %dma_start3A_41 : memref<1x1x125x40xi32, #tpu.memory_space<hbm>> -> memref<125x40xi32, #tpu.memory_space<hbm>>
      tpu.enqueue_dma source(%dma_start3A_42 : memref<125x40xi32, #tpu.memory_space<hbm>>) target(%arg6 : memref<125x40xi32, #tpu.memory_space<vmem>>) target_semaphore(%run_scoped3A_35 : memref<!tpu.dma_semaphore, #tpu.memory_space<semaphore_mem>>)
      %dma_wait3A = arith.constant 0 : i32
      %dma_wait3A_43 = arith.constant 0 : i32
      %dma_wait3A_44 = tpu.memref_slice %arg2[%run_scoped3A_13, %add3A, %dma_wait3A, %dma_wait3A_43] : memref<3x32x125x40xi32, #tpu.memory_space<hbm>> -> memref<1x1x125x40xi32, #tpu.memory_space<hbm>>
      %dma_wait3A_45 = tpu.memref_squeeze %dma_wait3A_44 : memref<1x1x125x40xi32, #tpu.memory_space<hbm>> -> memref<125x40xi32, #tpu.memory_space<hbm>>
      %dma_wait3A_46 = arith.constant 0 : i32
      %dma_wait3A_47 = arith.constant 0 : i32
      %dma_wait3A_48 = tpu.memref_slice %arg2[%run_scoped3A_13, %add3A, %dma_wait3A_46, %dma_wait3A_47] : memref<3x32x125x40xi32, #tpu.memory_space<hbm>> -> memref<1x1x125x40xi32, #tpu.memory_space<hbm>>
      %dma_wait3A_49 = tpu.memref_squeeze %dma_wait3A_48 : memref<1x1x125x40xi32, #tpu.memory_space<hbm>> -> memref<125x40xi32, #tpu.memory_space<hbm>>
      tpu.wait_dma2 semaphore(%run_scoped3A_35 : memref<!tpu.dma_semaphore, #tpu.memory_space<semaphore_mem>>) src(%dma_wait3A_49 : memref<125x40xi32, #tpu.memory_space<hbm>>) dst(%arg6 : memref<125x40xi32, #tpu.memory_space<vmem>>)
      tpu.yield
    }) : () -> ()
    %scan3A_14 = arith.constant 0 : i32
    %scan3A_15 = arith.constant 125 : i32
    %scan3A_16 = arith.addi %scan3A_14, %scan3A_15 : i32
    %scan3A_17 = arith.constant 1 : i32
    scf.for %scan3A_35 = %scan3A_14 to %scan3A_16 step %scan3A_17  : i32 {
      %mul3A_36 = arith.constant 1 : i32
      %mul3A_37 = arith.muli %scan3A_35, %mul3A_36 : i32
      %add3A_38 = arith.constant 0 : i32
      %add3A_39 = arith.addi %add3A_38, %mul3A_37 : i32
      "tpu.region"() ({
        %run_scoped3A_40 = tpu.sem_alloc : memref<!tpu.dma_semaphore, #tpu.memory_space<semaphore_mem>>
        %dma_start3A = arith.constant 0 : i32
        %dma_start3A_41 = tpu.memref_slice %arg7[%dma_start3A] : memref<128xf32, #tpu.memory_space<vmem>> -> memref<40xf32, #tpu.memory_space<vmem>>
        %dma_start3A_42 = arith.constant 0 : i32
        %dma_start3A_43 = tpu.memref_slice %arg6[%add3A_39, %dma_start3A_42] : memref<125x40xi32, #tpu.memory_space<vmem>> -> memref<1x40xi32, #tpu.memory_space<vmem>>
        %dma_start3A_44 = tpu.memref_squeeze %dma_start3A_43 : memref<1x40xi32, #tpu.memory_space<vmem>> -> memref<40xi32, #tpu.memory_space<vmem>>
        %dma_start3A_45 = arith.constant 0 : i32
        %dma_start3A_46 = tpu.memref_slice %arg11[%dma_start3A_45] : memref<10000xf32, #tpu.memory_space<vmem_shared>> -> memref<10000xf32, #tpu.memory_space<vmem_shared>>
        tpu.enqueue_indirect_dma source(%dma_start3A_41 : memref<40xf32, #tpu.memory_space<vmem>>) target(%dma_start3A_46 : memref<10000xf32, #tpu.memory_space<vmem_shared>>) offsets(%dma_start3A_44 : memref<40xi32, #tpu.memory_space<vmem>>) semaphore(%run_scoped3A_40 : memref<!tpu.dma_semaphore, #tpu.memory_space<semaphore_mem>>) {add = true}
        %dma_wait3A = arith.constant 0 : i32
        %dma_wait3A_47 = tpu.memref_slice %arg7[%dma_wait3A] : memref<128xf32, #tpu.memory_space<vmem>> -> memref<40xf32, #tpu.memory_space<vmem>>
        %dma_wait3A_48 = arith.constant 0 : i32
        %dma_wait3A_49 = tpu.memref_slice %arg6[%add3A_39, %dma_wait3A_48] : memref<125x40xi32, #tpu.memory_space<vmem>> -> memref<1x40xi32, #tpu.memory_space<vmem>>
        %dma_wait3A_50 = tpu.memref_squeeze %dma_wait3A_49 : memref<1x40xi32, #tpu.memory_space<vmem>> -> memref<40xi32, #tpu.memory_space<vmem>>
        %dma_wait3A_51 = arith.constant 0 : i32
        %dma_wait3A_52 = tpu.memref_slice %arg11[%dma_wait3A_51] : memref<10000xf32, #tpu.memory_space<vmem_shared>> -> memref<10000xf32, #tpu.memory_space<vmem_shared>>
        tpu.wait_indirect_dma semaphore(%run_scoped3A_40 : memref<!tpu.dma_semaphore, #tpu.memory_space<semaphore_mem>>) src(%dma_wait3A_47 : memref<40xf32, #tpu.memory_space<vmem>>) dst(%dma_wait3A_52 : memref<10000xf32, #tpu.memory_space<vmem_shared>>)
        tpu.yield
      }) : () -> ()
    }
    %scan3A_18 = arith.constant 125 : i32
    %barrier3A_19 = arith.constant 0 : index
    tpu.barrier barrier_id(%barrier3A_19)
    %eq3A_20 = arith.constant 0 : i32
    %eq3A_21 = arith.cmpi eq, %arg1, %eq3A_20 : i32
    %convert_element_type3A_22 = arith.extui %eq3A_21 : i1 to i32
    %cond3A_23 = arith.constant 0 : i32
    %cond3A_24 = arith.cmpi ne, %convert_element_type3A_22, %cond3A_23 : i32
    scf.if %cond3A_24 {
      "tpu.region"() ({
        %run_scoped3A_51 = tpu.sem_alloc : memref<!tpu.dma_semaphore, #tpu.memory_space<semaphore_mem>>
        %dma_start3A = arith.constant 0 : i32
        %dma_start3A_52 = tpu.memref_slice %arg9[%dma_start3A] : memref<10000xf32, #tpu.memory_space<vmem_shared>> -> memref<5000xf32, #tpu.memory_space<vmem_shared>>
        %dma_start3A_53 = arith.constant 0 : i32
        %dma_start3A_54 = tpu.memref_slice %arg9[%dma_start3A_53] : memref<10000xf32, #tpu.memory_space<vmem_shared>> -> memref<5000xf32, #tpu.memory_space<vmem_shared>>
        tpu.enqueue_dma source(%dma_start3A_54 : memref<5000xf32, #tpu.memory_space<vmem_shared>>) target(%arg8 : memref<5000xf32, #tpu.memory_space<vmem>>) target_semaphore(%run_scoped3A_51 : memref<!tpu.dma_semaphore, #tpu.memory_space<semaphore_mem>>)
        %dma_wait3A = arith.constant 0 : i32
        %dma_wait3A_55 = tpu.memref_slice %arg9[%dma_wait3A] : memref<10000xf32, #tpu.memory_space<vmem_shared>> -> memref<5000xf32, #tpu.memory_space<vmem_shared>>
        %dma_wait3A_56 = arith.constant 0 : i32
        %dma_wait3A_57 = tpu.memref_slice %arg9[%dma_wait3A_56] : memref<10000xf32, #tpu.memory_space<vmem_shared>> -> memref<5000xf32, #tpu.memory_space<vmem_shared>>
        tpu.wait_dma2 semaphore(%run_scoped3A_51 : memref<!tpu.dma_semaphore, #tpu.memory_space<semaphore_mem>>) src(%dma_wait3A_57 : memref<5000xf32, #tpu.memory_space<vmem_shared>>) dst(%arg8 : memref<5000xf32, #tpu.memory_space<vmem>>)
        tpu.yield
      }) : () -> ()
      %mul3A_35 = arith.constant 3 : i32
      %mul3A_36 = arith.muli %arg0, %mul3A_35 : i32
      %add3A_37 = arith.constant 0 : i32
      %add3A_38 = arith.addi %mul3A_36, %add3A_37 : i32
      %mul3A_39 = arith.constant 10000 : i32
      %mul3A_40 = arith.muli %add3A_38, %mul3A_39 : i32
      %add3A_41 = arith.constant 0 : i32
      %add3A_42 = arith.addi %mul3A_40, %add3A_41 : i32
      "tpu.region"() ({
        %run_scoped3A_51 = tpu.sem_alloc : memref<!tpu.dma_semaphore, #tpu.memory_space<semaphore_mem>>
        %dma_start3A = tpu.memref_slice %arg5[%add3A_42] : memref<60000xf32, #tpu.memory_space<hbm>> -> memref<5000xf32, #tpu.memory_space<hbm>>
        %dma_start3A_52 = tpu.memref_slice %arg5[%add3A_42] : memref<60000xf32, #tpu.memory_space<hbm>> -> memref<5000xf32, #tpu.memory_space<hbm>>
        tpu.enqueue_dma source(%arg8 : memref<5000xf32, #tpu.memory_space<vmem>>) target(%dma_start3A_52 : memref<5000xf32, #tpu.memory_space<hbm>>) target_semaphore(%run_scoped3A_51 : memref<!tpu.dma_semaphore, #tpu.memory_space<semaphore_mem>>)
        %dma_wait3A = tpu.memref_slice %arg5[%add3A_42] : memref<60000xf32, #tpu.memory_space<hbm>> -> memref<5000xf32, #tpu.memory_space<hbm>>
        %dma_wait3A_53 = tpu.memref_slice %arg5[%add3A_42] : memref<60000xf32, #tpu.memory_space<hbm>> -> memref<5000xf32, #tpu.memory_space<hbm>>
        tpu.wait_dma2 semaphore(%run_scoped3A_51 : memref<!tpu.dma_semaphore, #tpu.memory_space<semaphore_mem>>) src(%arg8 : memref<5000xf32, #tpu.memory_space<vmem>>) dst(%dma_wait3A_53 : memref<5000xf32, #tpu.memory_space<hbm>>)
        tpu.yield
      }) : () -> ()
      "tpu.region"() ({
        %run_scoped3A_51 = tpu.sem_alloc : memref<!tpu.dma_semaphore, #tpu.memory_space<semaphore_mem>>
        %dma_start3A = arith.constant 5000 : i32
        %dma_start3A_52 = tpu.memref_slice %arg9[%dma_start3A] : memref<10000xf32, #tpu.memory_space<vmem_shared>> -> memref<5000xf32, #tpu.memory_space<vmem_shared>>
        %dma_start3A_53 = arith.constant 5000 : i32
        %dma_start3A_54 = tpu.memref_slice %arg9[%dma_start3A_53] : memref<10000xf32, #tpu.memory_space<vmem_shared>> -> memref<5000xf32, #tpu.memory_space<vmem_shared>>
        tpu.enqueue_dma source(%dma_start3A_54 : memref<5000xf32, #tpu.memory_space<vmem_shared>>) target(%arg8 : memref<5000xf32, #tpu.memory_space<vmem>>) target_semaphore(%run_scoped3A_51 : memref<!tpu.dma_semaphore, #tpu.memory_space<semaphore_mem>>)
        %dma_wait3A = arith.constant 5000 : i32
        %dma_wait3A_55 = tpu.memref_slice %arg9[%dma_wait3A] : memref<10000xf32, #tpu.memory_space<vmem_shared>> -> memref<5000xf32, #tpu.memory_space<vmem_shared>>
        %dma_wait3A_56 = arith.constant 5000 : i32
        %dma_wait3A_57 = tpu.memref_slice %arg9[%dma_wait3A_56] : memref<10000xf32, #tpu.memory_space<vmem_shared>> -> memref<5000xf32, #tpu.memory_space<vmem_shared>>
        tpu.wait_dma2 semaphore(%run_scoped3A_51 : memref<!tpu.dma_semaphore, #tpu.memory_space<semaphore_mem>>) src(%dma_wait3A_57 : memref<5000xf32, #tpu.memory_space<vmem_shared>>) dst(%arg8 : memref<5000xf32, #tpu.memory_space<vmem>>)
        tpu.yield
      }) : () -> ()
      %mul3A_43 = arith.constant 3 : i32
      %mul3A_44 = arith.muli %arg0, %mul3A_43 : i32
      %add3A_45 = arith.constant 0 : i32
      %add3A_46 = arith.addi %mul3A_44, %add3A_45 : i32
      %mul3A_47 = arith.constant 10000 : i32
      %mul3A_48 = arith.muli %add3A_46, %mul3A_47 : i32
      %add3A_49 = arith.constant 5000 : i32
      %add3A_50 = arith.addi %mul3A_48, %add3A_49 : i32
      "tpu.region"() ({
        %run_scoped3A_51 = tpu.sem_alloc : memref<!tpu.dma_semaphore, #tpu.memory_space<semaphore_mem>>
        %dma_start3A = tpu.memref_slice %arg5[%add3A_50] : memref<60000xf32, #tpu.memory_space<hbm>> -> memref<5000xf32, #tpu.memory_space<hbm>>
        %dma_start3A_52 = tpu.memref_slice %arg5[%add3A_50] : memref<60000xf32, #tpu.memory_space<hbm>> -> memref<5000xf32, #tpu.memory_space<hbm>>
        tpu.enqueue_dma source(%arg8 : memref<5000xf32, #tpu.memory_space<vmem>>) target(%dma_start3A_52 : memref<5000xf32, #tpu.memory_space<hbm>>) target_semaphore(%run_scoped3A_51 : memref<!tpu.dma_semaphore, #tpu.memory_space<semaphore_mem>>)
        %dma_wait3A = tpu.memref_slice %arg5[%add3A_50] : memref<60000xf32, #tpu.memory_space<hbm>> -> memref<5000xf32, #tpu.memory_space<hbm>>
        %dma_wait3A_53 = tpu.memref_slice %arg5[%add3A_50] : memref<60000xf32, #tpu.memory_space<hbm>> -> memref<5000xf32, #tpu.memory_space<hbm>>
        tpu.wait_dma2 semaphore(%run_scoped3A_51 : memref<!tpu.dma_semaphore, #tpu.memory_space<semaphore_mem>>) src(%arg8 : memref<5000xf32, #tpu.memory_space<vmem>>) dst(%dma_wait3A_53 : memref<5000xf32, #tpu.memory_space<hbm>>)
        tpu.yield
      }) : () -> ()
    } else {
    }
    %eq3A_25 = arith.constant 1 : i32
    %eq3A_26 = arith.cmpi eq, %arg1, %eq3A_25 : i32
    %convert_element_type3A_27 = arith.extui %eq3A_26 : i1 to i32
    %cond3A_28 = arith.constant 0 : i32
    %cond3A_29 = arith.cmpi ne, %convert_element_type3A_27, %cond3A_28 : i32
    scf.if %cond3A_29 {
      "tpu.region"() ({
        %run_scoped3A_51 = tpu.sem_alloc : memref<!tpu.dma_semaphore, #tpu.memory_space<semaphore_mem>>
        %dma_start3A = arith.constant 0 : i32
        %dma_start3A_52 = tpu.memref_slice %arg10[%dma_start3A] : memref<10000xf32, #tpu.memory_space<vmem_shared>> -> memref<5000xf32, #tpu.memory_space<vmem_shared>>
        %dma_start3A_53 = arith.constant 0 : i32
        %dma_start3A_54 = tpu.memref_slice %arg10[%dma_start3A_53] : memref<10000xf32, #tpu.memory_space<vmem_shared>> -> memref<5000xf32, #tpu.memory_space<vmem_shared>>
        tpu.enqueue_dma source(%dma_start3A_54 : memref<5000xf32, #tpu.memory_space<vmem_shared>>) target(%arg8 : memref<5000xf32, #tpu.memory_space<vmem>>) target_semaphore(%run_scoped3A_51 : memref<!tpu.dma_semaphore, #tpu.memory_space<semaphore_mem>>)
        %dma_wait3A = arith.constant 0 : i32
        %dma_wait3A_55 = tpu.memref_slice %arg10[%dma_wait3A] : memref<10000xf32, #tpu.memory_space<vmem_shared>> -> memref<5000xf32, #tpu.memory_space<vmem_shared>>
        %dma_wait3A_56 = arith.constant 0 : i32
        %dma_wait3A_57 = tpu.memref_slice %arg10[%dma_wait3A_56] : memref<10000xf32, #tpu.memory_space<vmem_shared>> -> memref<5000xf32, #tpu.memory_space<vmem_shared>>
        tpu.wait_dma2 semaphore(%run_scoped3A_51 : memref<!tpu.dma_semaphore, #tpu.memory_space<semaphore_mem>>) src(%dma_wait3A_57 : memref<5000xf32, #tpu.memory_space<vmem_shared>>) dst(%arg8 : memref<5000xf32, #tpu.memory_space<vmem>>)
        tpu.yield
      }) : () -> ()
      %mul3A_35 = arith.constant 3 : i32
      %mul3A_36 = arith.muli %arg0, %mul3A_35 : i32
      %add3A_37 = arith.constant 1 : i32
      %add3A_38 = arith.addi %mul3A_36, %add3A_37 : i32
      %mul3A_39 = arith.constant 10000 : i32
      %mul3A_40 = arith.muli %add3A_38, %mul3A_39 : i32
      %add3A_41 = arith.constant 0 : i32
      %add3A_42 = arith.addi %mul3A_40, %add3A_41 : i32
      "tpu.region"() ({
        %run_scoped3A_51 = tpu.sem_alloc : memref<!tpu.dma_semaphore, #tpu.memory_space<semaphore_mem>>
        %dma_start3A = tpu.memref_slice %arg5[%add3A_42] : memref<60000xf32, #tpu.memory_space<hbm>> -> memref<5000xf32, #tpu.memory_space<hbm>>
        %dma_start3A_52 = tpu.memref_slice %arg5[%add3A_42] : memref<60000xf32, #tpu.memory_space<hbm>> -> memref<5000xf32, #tpu.memory_space<hbm>>
        tpu.enqueue_dma source(%arg8 : memref<5000xf32, #tpu.memory_space<vmem>>) target(%dma_start3A_52 : memref<5000xf32, #tpu.memory_space<hbm>>) target_semaphore(%run_scoped3A_51 : memref<!tpu.dma_semaphore, #tpu.memory_space<semaphore_mem>>)
        %dma_wait3A = tpu.memref_slice %arg5[%add3A_42] : memref<60000xf32, #tpu.memory_space<hbm>> -> memref<5000xf32, #tpu.memory_space<hbm>>
        %dma_wait3A_53 = tpu.memref_slice %arg5[%add3A_42] : memref<60000xf32, #tpu.memory_space<hbm>> -> memref<5000xf32, #tpu.memory_space<hbm>>
        tpu.wait_dma2 semaphore(%run_scoped3A_51 : memref<!tpu.dma_semaphore, #tpu.memory_space<semaphore_mem>>) src(%arg8 : memref<5000xf32, #tpu.memory_space<vmem>>) dst(%dma_wait3A_53 : memref<5000xf32, #tpu.memory_space<hbm>>)
        tpu.yield
      }) : () -> ()
      "tpu.region"() ({
        %run_scoped3A_51 = tpu.sem_alloc : memref<!tpu.dma_semaphore, #tpu.memory_space<semaphore_mem>>
        %dma_start3A = arith.constant 5000 : i32
        %dma_start3A_52 = tpu.memref_slice %arg10[%dma_start3A] : memref<10000xf32, #tpu.memory_space<vmem_shared>> -> memref<5000xf32, #tpu.memory_space<vmem_shared>>
        %dma_start3A_53 = arith.constant 5000 : i32
        %dma_start3A_54 = tpu.memref_slice %arg10[%dma_start3A_53] : memref<10000xf32, #tpu.memory_space<vmem_shared>> -> memref<5000xf32, #tpu.memory_space<vmem_shared>>
        tpu.enqueue_dma source(%dma_start3A_54 : memref<5000xf32, #tpu.memory_space<vmem_shared>>) target(%arg8 : memref<5000xf32, #tpu.memory_space<vmem>>) target_semaphore(%run_scoped3A_51 : memref<!tpu.dma_semaphore, #tpu.memory_space<semaphore_mem>>)
        %dma_wait3A = arith.constant 5000 : i32
        %dma_wait3A_55 = tpu.memref_slice %arg10[%dma_wait3A] : memref<10000xf32, #tpu.memory_space<vmem_shared>> -> memref<5000xf32, #tpu.memory_space<vmem_shared>>
        %dma_wait3A_56 = arith.constant 5000 : i32
        %dma_wait3A_57 = tpu.memref_slice %arg10[%dma_wait3A_56] : memref<10000xf32, #tpu.memory_space<vmem_shared>> -> memref<5000xf32, #tpu.memory_space<vmem_shared>>
        tpu.wait_dma2 semaphore(%run_scoped3A_51 : memref<!tpu.dma_semaphore, #tpu.memory_space<semaphore_mem>>) src(%dma_wait3A_57 : memref<5000xf32, #tpu.memory_space<vmem_shared>>) dst(%arg8 : memref<5000xf32, #tpu.memory_space<vmem>>)
        tpu.yield
      }) : () -> ()
      %mul3A_43 = arith.constant 3 : i32
      %mul3A_44 = arith.muli %arg0, %mul3A_43 : i32
      %add3A_45 = arith.constant 1 : i32
      %add3A_46 = arith.addi %mul3A_44, %add3A_45 : i32
      %mul3A_47 = arith.constant 10000 : i32
      %mul3A_48 = arith.muli %add3A_46, %mul3A_47 : i32
      %add3A_49 = arith.constant 5000 : i32
      %add3A_50 = arith.addi %mul3A_48, %add3A_49 : i32
      "tpu.region"() ({
        %run_scoped3A_51 = tpu.sem_alloc : memref<!tpu.dma_semaphore, #tpu.memory_space<semaphore_mem>>
        %dma_start3A = tpu.memref_slice %arg5[%add3A_50] : memref<60000xf32, #tpu.memory_space<hbm>> -> memref<5000xf32, #tpu.memory_space<hbm>>
        %dma_start3A_52 = tpu.memref_slice %arg5[%add3A_50] : memref<60000xf32, #tpu.memory_space<hbm>> -> memref<5000xf32, #tpu.memory_space<hbm>>
        tpu.enqueue_dma source(%arg8 : memref<5000xf32, #tpu.memory_space<vmem>>) target(%dma_start3A_52 : memref<5000xf32, #tpu.memory_space<hbm>>) target_semaphore(%run_scoped3A_51 : memref<!tpu.dma_semaphore, #tpu.memory_space<semaphore_mem>>)
        %dma_wait3A = tpu.memref_slice %arg5[%add3A_50] : memref<60000xf32, #tpu.memory_space<hbm>> -> memref<5000xf32, #tpu.memory_space<hbm>>
        %dma_wait3A_53 = tpu.memref_slice %arg5[%add3A_50] : memref<60000xf32, #tpu.memory_space<hbm>> -> memref<5000xf32, #tpu.memory_space<hbm>>
        tpu.wait_dma2 semaphore(%run_scoped3A_51 : memref<!tpu.dma_semaphore, #tpu.memory_space<semaphore_mem>>) src(%arg8 : memref<5000xf32, #tpu.memory_space<vmem>>) dst(%dma_wait3A_53 : memref<5000xf32, #tpu.memory_space<hbm>>)
        tpu.yield
      }) : () -> ()
    } else {
    }
    %eq3A_30 = arith.constant 2 : i32
    %eq3A_31 = arith.cmpi eq, %arg1, %eq3A_30 : i32
    %convert_element_type3A_32 = arith.extui %eq3A_31 : i1 to i32
    %cond3A_33 = arith.constant 0 : i32
    %cond3A_34 = arith.cmpi ne, %convert_element_type3A_32, %cond3A_33 : i32
    scf.if %cond3A_34 {
      "tpu.region"() ({
        %run_scoped3A_51 = tpu.sem_alloc : memref<!tpu.dma_semaphore, #tpu.memory_space<semaphore_mem>>
        %dma_start3A = arith.constant 0 : i32
        %dma_start3A_52 = tpu.memref_slice %arg11[%dma_start3A] : memref<10000xf32, #tpu.memory_space<vmem_shared>> -> memref<5000xf32, #tpu.memory_space<vmem_shared>>
        %dma_start3A_53 = arith.constant 0 : i32
        %dma_start3A_54 = tpu.memref_slice %arg11[%dma_start3A_53] : memref<10000xf32, #tpu.memory_space<vmem_shared>> -> memref<5000xf32, #tpu.memory_space<vmem_shared>>
        tpu.enqueue_dma source(%dma_start3A_54 : memref<5000xf32, #tpu.memory_space<vmem_shared>>) target(%arg8 : memref<5000xf32, #tpu.memory_space<vmem>>) target_semaphore(%run_scoped3A_51 : memref<!tpu.dma_semaphore, #tpu.memory_space<semaphore_mem>>)
        %dma_wait3A = arith.constant 0 : i32
        %dma_wait3A_55 = tpu.memref_slice %arg11[%dma_wait3A] : memref<10000xf32, #tpu.memory_space<vmem_shared>> -> memref<5000xf32, #tpu.memory_space<vmem_shared>>
        %dma_wait3A_56 = arith.constant 0 : i32
        %dma_wait3A_57 = tpu.memref_slice %arg11[%dma_wait3A_56] : memref<10000xf32, #tpu.memory_space<vmem_shared>> -> memref<5000xf32, #tpu.memory_space<vmem_shared>>
        tpu.wait_dma2 semaphore(%run_scoped3A_51 : memref<!tpu.dma_semaphore, #tpu.memory_space<semaphore_mem>>) src(%dma_wait3A_57 : memref<5000xf32, #tpu.memory_space<vmem_shared>>) dst(%arg8 : memref<5000xf32, #tpu.memory_space<vmem>>)
        tpu.yield
      }) : () -> ()
      %mul3A_35 = arith.constant 3 : i32
      %mul3A_36 = arith.muli %arg0, %mul3A_35 : i32
      %add3A_37 = arith.constant 2 : i32
      %add3A_38 = arith.addi %mul3A_36, %add3A_37 : i32
      %mul3A_39 = arith.constant 10000 : i32
      %mul3A_40 = arith.muli %add3A_38, %mul3A_39 : i32
      %add3A_41 = arith.constant 0 : i32
      %add3A_42 = arith.addi %mul3A_40, %add3A_41 : i32
      "tpu.region"() ({
        %run_scoped3A_51 = tpu.sem_alloc : memref<!tpu.dma_semaphore, #tpu.memory_space<semaphore_mem>>
        %dma_start3A = tpu.memref_slice %arg5[%add3A_42] : memref<60000xf32, #tpu.memory_space<hbm>> -> memref<5000xf32, #tpu.memory_space<hbm>>
        %dma_start3A_52 = tpu.memref_slice %arg5[%add3A_42] : memref<60000xf32, #tpu.memory_space<hbm>> -> memref<5000xf32, #tpu.memory_space<hbm>>
        tpu.enqueue_dma source(%arg8 : memref<5000xf32, #tpu.memory_space<vmem>>) target(%dma_start3A_52 : memref<5000xf32, #tpu.memory_space<hbm>>) target_semaphore(%run_scoped3A_51 : memref<!tpu.dma_semaphore, #tpu.memory_space<semaphore_mem>>)
        %dma_wait3A = tpu.memref_slice %arg5[%add3A_42] : memref<60000xf32, #tpu.memory_space<hbm>> -> memref<5000xf32, #tpu.memory_space<hbm>>
        %dma_wait3A_53 = tpu.memref_slice %arg5[%add3A_42] : memref<60000xf32, #tpu.memory_space<hbm>> -> memref<5000xf32, #tpu.memory_space<hbm>>
        tpu.wait_dma2 semaphore(%run_scoped3A_51 : memref<!tpu.dma_semaphore, #tpu.memory_space<semaphore_mem>>) src(%arg8 : memref<5000xf32, #tpu.memory_space<vmem>>) dst(%dma_wait3A_53 : memref<5000xf32, #tpu.memory_space<hbm>>)
        tpu.yield
      }) : () -> ()
      "tpu.region"() ({
        %run_scoped3A_51 = tpu.sem_alloc : memref<!tpu.dma_semaphore, #tpu.memory_space<semaphore_mem>>
        %dma_start3A = arith.constant 5000 : i32
        %dma_start3A_52 = tpu.memref_slice %arg11[%dma_start3A] : memref<10000xf32, #tpu.memory_space<vmem_shared>> -> memref<5000xf32, #tpu.memory_space<vmem_shared>>
        %dma_start3A_53 = arith.constant 5000 : i32
        %dma_start3A_54 = tpu.memref_slice %arg11[%dma_start3A_53] : memref<10000xf32, #tpu.memory_space<vmem_shared>> -> memref<5000xf32, #tpu.memory_space<vmem_shared>>
        tpu.enqueue_dma source(%dma_start3A_54 : memref<5000xf32, #tpu.memory_space<vmem_shared>>) target(%arg8 : memref<5000xf32, #tpu.memory_space<vmem>>) target_semaphore(%run_scoped3A_51 : memref<!tpu.dma_semaphore, #tpu.memory_space<semaphore_mem>>)
        %dma_wait3A = arith.constant 5000 : i32
        %dma_wait3A_55 = tpu.memref_slice %arg11[%dma_wait3A] : memref<10000xf32, #tpu.memory_space<vmem_shared>> -> memref<5000xf32, #tpu.memory_space<vmem_shared>>
        %dma_wait3A_56 = arith.constant 5000 : i32
        %dma_wait3A_57 = tpu.memref_slice %arg11[%dma_wait3A_56] : memref<10000xf32, #tpu.memory_space<vmem_shared>> -> memref<5000xf32, #tpu.memory_space<vmem_shared>>
        tpu.wait_dma2 semaphore(%run_scoped3A_51 : memref<!tpu.dma_semaphore, #tpu.memory_space<semaphore_mem>>) src(%dma_wait3A_57 : memref<5000xf32, #tpu.memory_space<vmem_shared>>) dst(%arg8 : memref<5000xf32, #tpu.memory_space<vmem>>)
        tpu.yield
      }) : () -> ()
      %mul3A_43 = arith.constant 3 : i32
      %mul3A_44 = arith.muli %arg0, %mul3A_43 : i32
      %add3A_45 = arith.constant 2 : i32
      %add3A_46 = arith.addi %mul3A_44, %add3A_45 : i32
      %mul3A_47 = arith.constant 10000 : i32
      %mul3A_48 = arith.muli %add3A_46, %mul3A_47 : i32
      %add3A_49 = arith.constant 5000 : i32
      %add3A_50 = arith.addi %mul3A_48, %add3A_49 : i32
      "tpu.region"() ({
        %run_scoped3A_51 = tpu.sem_alloc : memref<!tpu.dma_semaphore, #tpu.memory_space<semaphore_mem>>
        %dma_start3A = tpu.memref_slice %arg5[%add3A_50] : memref<60000xf32, #tpu.memory_space<hbm>> -> memref<5000xf32, #tpu.memory_space<hbm>>
        %dma_start3A_52 = tpu.memref_slice %arg5[%add3A_50] : memref<60000xf32, #tpu.memory_space<hbm>> -> memref<5000xf32, #tpu.memory_space<hbm>>
        tpu.enqueue_dma source(%arg8 : memref<5000xf32, #tpu.memory_space<vmem>>) target(%dma_start3A_52 : memref<5000xf32, #tpu.memory_space<hbm>>) target_semaphore(%run_scoped3A_51 : memref<!tpu.dma_semaphore, #tpu.memory_space<semaphore_mem>>)
        %dma_wait3A = tpu.memref_slice %arg5[%add3A_50] : memref<60000xf32, #tpu.memory_space<hbm>> -> memref<5000xf32, #tpu.memory_space<hbm>>
        %dma_wait3A_53 = tpu.memref_slice %arg5[%add3A_50] : memref<60000xf32, #tpu.memory_space<hbm>> -> memref<5000xf32, #tpu.memory_space<hbm>>
        tpu.wait_dma2 semaphore(%run_scoped3A_51 : memref<!tpu.dma_semaphore, #tpu.memory_space<semaphore_mem>>) src(%arg8 : memref<5000xf32, #tpu.memory_space<vmem>>) dst(%dma_wait3A_53 : memref<5000xf32, #tpu.memory_space<hbm>>)
        tpu.yield
      }) : () -> ()
    } else {
    }
    return
  }
}

#map = affine_map<(d0, d1) -> (0, 0)>
#map1 = affine_map<(d0, d1) -> (0, 0, 0, 0, 0)>
module attributes {stable_mosaic.version = 14 : i64} {
  func.func @_agg_body(%arg0: i32, %arg1: i32, %arg2: memref<60000x128xf32, #tpu.memory_space<hbm>>, %arg3: memref<3x16x2x40x128xi32, #tpu.memory_space<hbm>>, %arg4: memref<3x16x2x40x128xi32, #tpu.memory_space<hbm>>, %arg5: memref<25x128xf32, #tpu.memory_space<hbm>>, %arg6: memref<60000x128xf32, #tpu.memory_space<hbm>>, %arg7: memref<40x128xi32, #tpu.memory_space<vmem>>, %arg8: memref<40x128xi32, #tpu.memory_space<vmem>>, %arg9: memref<128x128xf32, #tpu.memory_space<vmem>>, %arg10: memref<128x128xf32, #tpu.memory_space<vmem>>, %arg11: memref<25x128xf32, #tpu.memory_space<vmem>>, %arg12: memref<10016x128xf32, #tpu.memory_space<vmem_shared>>, %arg13: memref<!tpu.dma_semaphore, #tpu.memory_space<semaphore_mem>>, %arg14: memref<!tpu.dma_semaphore, #tpu.memory_space<semaphore_mem>>) attributes {dimension_semantics = [#tpu.dimension_semantics<core_parallel>, #tpu.dimension_semantics<subcore_parallel>], iteration_bounds = array<i64: 2, 16>, scalar_prefetch = 0 : i64, scratch_operands = 8 : i64, tpu.core_type = #tpu.core_type<sc_vector_subcore>, window_params = [{transform_indices = #map}, {transform_indices = #map1}, {transform_indices = #map1}, {transform_indices = #map}, {transform_indices = #map}]} {
    "tpu.region"() ({
      %run_scoped3A_613 = tpu.sem_alloc : memref<!tpu.dma_semaphore, #tpu.memory_space<semaphore_mem>>
      tpu.enqueue_dma source(%arg5 : memref<25x128xf32, #tpu.memory_space<hbm>>) target(%arg11 : memref<25x128xf32, #tpu.memory_space<vmem>>) target_semaphore(%run_scoped3A_613 : memref<!tpu.dma_semaphore, #tpu.memory_space<semaphore_mem>>)
      tpu.wait_dma2 semaphore(%run_scoped3A_613 : memref<!tpu.dma_semaphore, #tpu.memory_space<semaphore_mem>>) src(%arg5 : memref<25x128xf32, #tpu.memory_space<hbm>>) dst(%arg11 : memref<25x128xf32, #tpu.memory_space<vmem>>)
      tpu.yield
    }) : () -> ()
    %mul3A = arith.constant 625 : i32
    %mul3A_0 = arith.muli %arg1, %mul3A : i32
    %add3A = arith.constant 0 : i32
    %add3A_1 = arith.addi %mul3A_0, %add3A : i32
    "tpu.region"() ({
      %run_scoped3A_613 = tpu.sem_alloc : memref<!tpu.dma_semaphore, #tpu.memory_space<semaphore_mem>>
      %dma_start3A_614 = arith.constant 0 : i32
      %dma_start3A_615 = tpu.memref_slice %arg12[%add3A_1, %dma_start3A_614] : memref<10016x128xf32, #tpu.memory_space<vmem_shared>> -> memref<25x128xf32, #tpu.memory_space<vmem_shared>>
      %dma_start3A_616 = arith.constant 0 : i32
      %dma_start3A_617 = tpu.memref_slice %arg12[%add3A_1, %dma_start3A_616] : memref<10016x128xf32, #tpu.memory_space<vmem_shared>> -> memref<25x128xf32, #tpu.memory_space<vmem_shared>>
      tpu.enqueue_dma source(%arg11 : memref<25x128xf32, #tpu.memory_space<vmem>>) target(%dma_start3A_617 : memref<25x128xf32, #tpu.memory_space<vmem_shared>>) target_semaphore(%run_scoped3A_613 : memref<!tpu.dma_semaphore, #tpu.memory_space<semaphore_mem>>)
      %dma_wait3A_618 = arith.constant 0 : i32
      %dma_wait3A_619 = tpu.memref_slice %arg12[%add3A_1, %dma_wait3A_618] : memref<10016x128xf32, #tpu.memory_space<vmem_shared>> -> memref<25x128xf32, #tpu.memory_space<vmem_shared>>
      %dma_wait3A_620 = arith.constant 0 : i32
      %dma_wait3A_621 = tpu.memref_slice %arg12[%add3A_1, %dma_wait3A_620] : memref<10016x128xf32, #tpu.memory_space<vmem_shared>> -> memref<25x128xf32, #tpu.memory_space<vmem_shared>>
      tpu.wait_dma2 semaphore(%run_scoped3A_613 : memref<!tpu.dma_semaphore, #tpu.memory_space<semaphore_mem>>) src(%arg11 : memref<25x128xf32, #tpu.memory_space<vmem>>) dst(%dma_wait3A_621 : memref<25x128xf32, #tpu.memory_space<vmem_shared>>)
      tpu.yield
    }) : () -> ()
    %mul3A_2 = arith.constant 625 : i32
    %mul3A_3 = arith.muli %arg1, %mul3A_2 : i32
    %add3A_4 = arith.constant 25 : i32
    %add3A_5 = arith.addi %mul3A_3, %add3A_4 : i32
    "tpu.region"() ({
      %run_scoped3A_613 = tpu.sem_alloc : memref<!tpu.dma_semaphore, #tpu.memory_space<semaphore_mem>>
      %dma_start3A_614 = arith.constant 0 : i32
      %dma_start3A_615 = tpu.memref_slice %arg12[%add3A_5, %dma_start3A_614] : memref<10016x128xf32, #tpu.memory_space<vmem_shared>> -> memref<25x128xf32, #tpu.memory_space<vmem_shared>>
      %dma_start3A_616 = arith.constant 0 : i32
      %dma_start3A_617 = tpu.memref_slice %arg12[%add3A_5, %dma_start3A_616] : memref<10016x128xf32, #tpu.memory_space<vmem_shared>> -> memref<25x128xf32, #tpu.memory_space<vmem_shared>>
      tpu.enqueue_dma source(%arg11 : memref<25x128xf32, #tpu.memory_space<vmem>>) target(%dma_start3A_617 : memref<25x128xf32, #tpu.memory_space<vmem_shared>>) target_semaphore(%run_scoped3A_613 : memref<!tpu.dma_semaphore, #tpu.memory_space<semaphore_mem>>)
      %dma_wait3A_618 = arith.constant 0 : i32
      %dma_wait3A_619 = tpu.memref_slice %arg12[%add3A_5, %dma_wait3A_618] : memref<10016x128xf32, #tpu.memory_space<vmem_shared>> -> memref<25x128xf32, #tpu.memory_space<vmem_shared>>
      %dma_wait3A_620 = arith.constant 0 : i32
      %dma_wait3A_621 = tpu.memref_slice %arg12[%add3A_5, %dma_wait3A_620] : memref<10016x128xf32, #tpu.memory_space<vmem_shared>> -> memref<25x128xf32, #tpu.memory_space<vmem_shared>>
      tpu.wait_dma2 semaphore(%run_scoped3A_613 : memref<!tpu.dma_semaphore, #tpu.memory_space<semaphore_mem>>) src(%arg11 : memref<25x128xf32, #tpu.memory_space<vmem>>) dst(%dma_wait3A_621 : memref<25x128xf32, #tpu.memory_space<vmem_shared>>)
      tpu.yield
    }) : () -> ()
    %mul3A_6 = arith.constant 625 : i32
    %mul3A_7 = arith.muli %arg1, %mul3A_6 : i32
    %add3A_8 = arith.constant 50 : i32
    %add3A_9 = arith.addi %mul3A_7, %add3A_8 : i32
    "tpu.region"() ({
      %run_scoped3A_613 = tpu.sem_alloc : memref<!tpu.dma_semaphore, #tpu.memory_space<semaphore_mem>>
      %dma_start3A_614 = arith.constant 0 : i32
      %dma_start3A_615 = tpu.memref_slice %arg12[%add3A_9, %dma_start3A_614] : memref<10016x128xf32, #tpu.memory_space<vmem_shared>> -> memref<25x128xf32, #tpu.memory_space<vmem_shared>>
      %dma_start3A_616 = arith.constant 0 : i32
      %dma_start3A_617 = tpu.memref_slice %arg12[%add3A_9, %dma_start3A_616] : memref<10016x128xf32, #tpu.memory_space<vmem_shared>> -> memref<25x128xf32, #tpu.memory_space<vmem_shared>>
      tpu.enqueue_dma source(%arg11 : memref<25x128xf32, #tpu.memory_space<vmem>>) target(%dma_start3A_617 : memref<25x128xf32, #tpu.memory_space<vmem_shared>>) target_semaphore(%run_scoped3A_613 : memref<!tpu.dma_semaphore, #tpu.memory_space<semaphore_mem>>)
      %dma_wait3A_618 = arith.constant 0 : i32
      %dma_wait3A_619 = tpu.memref_slice %arg12[%add3A_9, %dma_wait3A_618] : memref<10016x128xf32, #tpu.memory_space<vmem_shared>> -> memref<25x128xf32, #tpu.memory_space<vmem_shared>>
      %dma_wait3A_620 = arith.constant 0 : i32
      %dma_wait3A_621 = tpu.memref_slice %arg12[%add3A_9, %dma_wait3A_620] : memref<10016x128xf32, #tpu.memory_space<vmem_shared>> -> memref<25x128xf32, #tpu.memory_space<vmem_shared>>
      tpu.wait_dma2 semaphore(%run_scoped3A_613 : memref<!tpu.dma_semaphore, #tpu.memory_space<semaphore_mem>>) src(%arg11 : memref<25x128xf32, #tpu.memory_space<vmem>>) dst(%dma_wait3A_621 : memref<25x128xf32, #tpu.memory_space<vmem_shared>>)
      tpu.yield
    }) : () -> ()
    %mul3A_10 = arith.constant 625 : i32
    %mul3A_11 = arith.muli %arg1, %mul3A_10 : i32
    %add3A_12 = arith.constant 75 : i32
    %add3A_13 = arith.addi %mul3A_11, %add3A_12 : i32
    "tpu.region"() ({
      %run_scoped3A_613 = tpu.sem_alloc : memref<!tpu.dma_semaphore, #tpu.memory_space<semaphore_mem>>
      %dma_start3A_614 = arith.constant 0 : i32
      %dma_start3A_615 = tpu.memref_slice %arg12[%add3A_13, %dma_start3A_614] : memref<10016x128xf32, #tpu.memory_space<vmem_shared>> -> memref<25x128xf32, #tpu.memory_space<vmem_shared>>
      %dma_start3A_616 = arith.constant 0 : i32
      %dma_start3A_617 = tpu.memref_slice %arg12[%add3A_13, %dma_start3A_616] : memref<10016x128xf32, #tpu.memory_space<vmem_shared>> -> memref<25x128xf32, #tpu.memory_space<vmem_shared>>
      tpu.enqueue_dma source(%arg11 : memref<25x128xf32, #tpu.memory_space<vmem>>) target(%dma_start3A_617 : memref<25x128xf32, #tpu.memory_space<vmem_shared>>) target_semaphore(%run_scoped3A_613 : memref<!tpu.dma_semaphore, #tpu.memory_space<semaphore_mem>>)
      %dma_wait3A_618 = arith.constant 0 : i32
      %dma_wait3A_619 = tpu.memref_slice %arg12[%add3A_13, %dma_wait3A_618] : memref<10016x128xf32, #tpu.memory_space<vmem_shared>> -> memref<25x128xf32, #tpu.memory_space<vmem_shared>>
      %dma_wait3A_620 = arith.constant 0 : i32
      %dma_wait3A_621 = tpu.memref_slice %arg12[%add3A_13, %dma_wait3A_620] : memref<10016x128xf32, #tpu.memory_space<vmem_shared>> -> memref<25x128xf32, #tpu.memory_space<vmem_shared>>
      tpu.wait_dma2 semaphore(%run_scoped3A_613 : memref<!tpu.dma_semaphore, #tpu.memory_space<semaphore_mem>>) src(%arg11 : memref<25x128xf32, #tpu.memory_space<vmem>>) dst(%dma_wait3A_621 : memref<25x128xf32, #tpu.memory_space<vmem_shared>>)
      tpu.yield
    }) : () -> ()
    %mul3A_14 = arith.constant 625 : i32
    %mul3A_15 = arith.muli %arg1, %mul3A_14 : i32
    %add3A_16 = arith.constant 100 : i32
    %add3A_17 = arith.addi %mul3A_15, %add3A_16 : i32
    "tpu.region"() ({
      %run_scoped3A_613 = tpu.sem_alloc : memref<!tpu.dma_semaphore, #tpu.memory_space<semaphore_mem>>
      %dma_start3A_614 = arith.constant 0 : i32
      %dma_start3A_615 = tpu.memref_slice %arg12[%add3A_17, %dma_start3A_614] : memref<10016x128xf32, #tpu.memory_space<vmem_shared>> -> memref<25x128xf32, #tpu.memory_space<vmem_shared>>
      %dma_start3A_616 = arith.constant 0 : i32
      %dma_start3A_617 = tpu.memref_slice %arg12[%add3A_17, %dma_start3A_616] : memref<10016x128xf32, #tpu.memory_space<vmem_shared>> -> memref<25x128xf32, #tpu.memory_space<vmem_shared>>
      tpu.enqueue_dma source(%arg11 : memref<25x128xf32, #tpu.memory_space<vmem>>) target(%dma_start3A_617 : memref<25x128xf32, #tpu.memory_space<vmem_shared>>) target_semaphore(%run_scoped3A_613 : memref<!tpu.dma_semaphore, #tpu.memory_space<semaphore_mem>>)
      %dma_wait3A_618 = arith.constant 0 : i32
      %dma_wait3A_619 = tpu.memref_slice %arg12[%add3A_17, %dma_wait3A_618] : memref<10016x128xf32, #tpu.memory_space<vmem_shared>> -> memref<25x128xf32, #tpu.memory_space<vmem_shared>>
      %dma_wait3A_620 = arith.constant 0 : i32
      %dma_wait3A_621 = tpu.memref_slice %arg12[%add3A_17, %dma_wait3A_620] : memref<10016x128xf32, #tpu.memory_space<vmem_shared>> -> memref<25x128xf32, #tpu.memory_space<vmem_shared>>
      tpu.wait_dma2 semaphore(%run_scoped3A_613 : memref<!tpu.dma_semaphore, #tpu.memory_space<semaphore_mem>>) src(%arg11 : memref<25x128xf32, #tpu.memory_space<vmem>>) dst(%dma_wait3A_621 : memref<25x128xf32, #tpu.memory_space<vmem_shared>>)
      tpu.yield
    }) : () -> ()
    %mul3A_18 = arith.constant 625 : i32
    %mul3A_19 = arith.muli %arg1, %mul3A_18 : i32
    %add3A_20 = arith.constant 125 : i32
    %add3A_21 = arith.addi %mul3A_19, %add3A_20 : i32
    "tpu.region"() ({
      %run_scoped3A_613 = tpu.sem_alloc : memref<!tpu.dma_semaphore, #tpu.memory_space<semaphore_mem>>
      %dma_start3A_614 = arith.constant 0 : i32
      %dma_start3A_615 = tpu.memref_slice %arg12[%add3A_21, %dma_start3A_614] : memref<10016x128xf32, #tpu.memory_space<vmem_shared>> -> memref<25x128xf32, #tpu.memory_space<vmem_shared>>
      %dma_start3A_616 = arith.constant 0 : i32
      %dma_start3A_617 = tpu.memref_slice %arg12[%add3A_21, %dma_start3A_616] : memref<10016x128xf32, #tpu.memory_space<vmem_shared>> -> memref<25x128xf32, #tpu.memory_space<vmem_shared>>
      tpu.enqueue_dma source(%arg11 : memref<25x128xf32, #tpu.memory_space<vmem>>) target(%dma_start3A_617 : memref<25x128xf32, #tpu.memory_space<vmem_shared>>) target_semaphore(%run_scoped3A_613 : memref<!tpu.dma_semaphore, #tpu.memory_space<semaphore_mem>>)
      %dma_wait3A_618 = arith.constant 0 : i32
      %dma_wait3A_619 = tpu.memref_slice %arg12[%add3A_21, %dma_wait3A_618] : memref<10016x128xf32, #tpu.memory_space<vmem_shared>> -> memref<25x128xf32, #tpu.memory_space<vmem_shared>>
      %dma_wait3A_620 = arith.constant 0 : i32
      %dma_wait3A_621 = tpu.memref_slice %arg12[%add3A_21, %dma_wait3A_620] : memref<10016x128xf32, #tpu.memory_space<vmem_shared>> -> memref<25x128xf32, #tpu.memory_space<vmem_shared>>
      tpu.wait_dma2 semaphore(%run_scoped3A_613 : memref<!tpu.dma_semaphore, #tpu.memory_space<semaphore_mem>>) src(%arg11 : memref<25x128xf32, #tpu.memory_space<vmem>>) dst(%dma_wait3A_621 : memref<25x128xf32, #tpu.memory_space<vmem_shared>>)
      tpu.yield
    }) : () -> ()
    %mul3A_22 = arith.constant 625 : i32
    %mul3A_23 = arith.muli %arg1, %mul3A_22 : i32
    %add3A_24 = arith.constant 150 : i32
    %add3A_25 = arith.addi %mul3A_23, %add3A_24 : i32
    "tpu.region"() ({
      %run_scoped3A_613 = tpu.sem_alloc : memref<!tpu.dma_semaphore, #tpu.memory_space<semaphore_mem>>
      %dma_start3A_614 = arith.constant 0 : i32
      %dma_start3A_615 = tpu.memref_slice %arg12[%add3A_25, %dma_start3A_614] : memref<10016x128xf32, #tpu.memory_space<vmem_shared>> -> memref<25x128xf32, #tpu.memory_space<vmem_shared>>
      %dma_start3A_616 = arith.constant 0 : i32
      %dma_start3A_617 = tpu.memref_slice %arg12[%add3A_25, %dma_start3A_616] : memref<10016x128xf32, #tpu.memory_space<vmem_shared>> -> memref<25x128xf32, #tpu.memory_space<vmem_shared>>
      tpu.enqueue_dma source(%arg11 : memref<25x128xf32, #tpu.memory_space<vmem>>) target(%dma_start3A_617 : memref<25x128xf32, #tpu.memory_space<vmem_shared>>) target_semaphore(%run_scoped3A_613 : memref<!tpu.dma_semaphore, #tpu.memory_space<semaphore_mem>>)
      %dma_wait3A_618 = arith.constant 0 : i32
      %dma_wait3A_619 = tpu.memref_slice %arg12[%add3A_25, %dma_wait3A_618] : memref<10016x128xf32, #tpu.memory_space<vmem_shared>> -> memref<25x128xf32, #tpu.memory_space<vmem_shared>>
      %dma_wait3A_620 = arith.constant 0 : i32
      %dma_wait3A_621 = tpu.memref_slice %arg12[%add3A_25, %dma_wait3A_620] : memref<10016x128xf32, #tpu.memory_space<vmem_shared>> -> memref<25x128xf32, #tpu.memory_space<vmem_shared>>
      tpu.wait_dma2 semaphore(%run_scoped3A_613 : memref<!tpu.dma_semaphore, #tpu.memory_space<semaphore_mem>>) src(%arg11 : memref<25x128xf32, #tpu.memory_space<vmem>>) dst(%dma_wait3A_621 : memref<25x128xf32, #tpu.memory_space<vmem_shared>>)
      tpu.yield
    }) : () -> ()
    %mul3A_26 = arith.constant 625 : i32
    %mul3A_27 = arith.muli %arg1, %mul3A_26 : i32
    %add3A_28 = arith.constant 175 : i32
    %add3A_29 = arith.addi %mul3A_27, %add3A_28 : i32
    "tpu.region"() ({
      %run_scoped3A_613 = tpu.sem_alloc : memref<!tpu.dma_semaphore, #tpu.memory_space<semaphore_mem>>
      %dma_start3A_614 = arith.constant 0 : i32
      %dma_start3A_615 = tpu.memref_slice %arg12[%add3A_29, %dma_start3A_614] : memref<10016x128xf32, #tpu.memory_space<vmem_shared>> -> memref<25x128xf32, #tpu.memory_space<vmem_shared>>
      %dma_start3A_616 = arith.constant 0 : i32
      %dma_start3A_617 = tpu.memref_slice %arg12[%add3A_29, %dma_start3A_616] : memref<10016x128xf32, #tpu.memory_space<vmem_shared>> -> memref<25x128xf32, #tpu.memory_space<vmem_shared>>
      tpu.enqueue_dma source(%arg11 : memref<25x128xf32, #tpu.memory_space<vmem>>) target(%dma_start3A_617 : memref<25x128xf32, #tpu.memory_space<vmem_shared>>) target_semaphore(%run_scoped3A_613 : memref<!tpu.dma_semaphore, #tpu.memory_space<semaphore_mem>>)
      %dma_wait3A_618 = arith.constant 0 : i32
      %dma_wait3A_619 = tpu.memref_slice %arg12[%add3A_29, %dma_wait3A_618] : memref<10016x128xf32, #tpu.memory_space<vmem_shared>> -> memref<25x128xf32, #tpu.memory_space<vmem_shared>>
      %dma_wait3A_620 = arith.constant 0 : i32
      %dma_wait3A_621 = tpu.memref_slice %arg12[%add3A_29, %dma_wait3A_620] : memref<10016x128xf32, #tpu.memory_space<vmem_shared>> -> memref<25x128xf32, #tpu.memory_space<vmem_shared>>
      tpu.wait_dma2 semaphore(%run_scoped3A_613 : memref<!tpu.dma_semaphore, #tpu.memory_space<semaphore_mem>>) src(%arg11 : memref<25x128xf32, #tpu.memory_space<vmem>>) dst(%dma_wait3A_621 : memref<25x128xf32, #tpu.memory_space<vmem_shared>>)
      tpu.yield
    }) : () -> ()
    %mul3A_30 = arith.constant 625 : i32
    %mul3A_31 = arith.muli %arg1, %mul3A_30 : i32
    %add3A_32 = arith.constant 200 : i32
    %add3A_33 = arith.addi %mul3A_31, %add3A_32 : i32
    "tpu.region"() ({
      %run_scoped3A_613 = tpu.sem_alloc : memref<!tpu.dma_semaphore, #tpu.memory_space<semaphore_mem>>
      %dma_start3A_614 = arith.constant 0 : i32
      %dma_start3A_615 = tpu.memref_slice %arg12[%add3A_33, %dma_start3A_614] : memref<10016x128xf32, #tpu.memory_space<vmem_shared>> -> memref<25x128xf32, #tpu.memory_space<vmem_shared>>
      %dma_start3A_616 = arith.constant 0 : i32
      %dma_start3A_617 = tpu.memref_slice %arg12[%add3A_33, %dma_start3A_616] : memref<10016x128xf32, #tpu.memory_space<vmem_shared>> -> memref<25x128xf32, #tpu.memory_space<vmem_shared>>
      tpu.enqueue_dma source(%arg11 : memref<25x128xf32, #tpu.memory_space<vmem>>) target(%dma_start3A_617 : memref<25x128xf32, #tpu.memory_space<vmem_shared>>) target_semaphore(%run_scoped3A_613 : memref<!tpu.dma_semaphore, #tpu.memory_space<semaphore_mem>>)
      %dma_wait3A_618 = arith.constant 0 : i32
      %dma_wait3A_619 = tpu.memref_slice %arg12[%add3A_33, %dma_wait3A_618] : memref<10016x128xf32, #tpu.memory_space<vmem_shared>> -> memref<25x128xf32, #tpu.memory_space<vmem_shared>>
      %dma_wait3A_620 = arith.constant 0 : i32
      %dma_wait3A_621 = tpu.memref_slice %arg12[%add3A_33, %dma_wait3A_620] : memref<10016x128xf32, #tpu.memory_space<vmem_shared>> -> memref<25x128xf32, #tpu.memory_space<vmem_shared>>
      tpu.wait_dma2 semaphore(%run_scoped3A_613 : memref<!tpu.dma_semaphore, #tpu.memory_space<semaphore_mem>>) src(%arg11 : memref<25x128xf32, #tpu.memory_space<vmem>>) dst(%dma_wait3A_621 : memref<25x128xf32, #tpu.memory_space<vmem_shared>>)
      tpu.yield
    }) : () -> ()
    %mul3A_34 = arith.constant 625 : i32
    %mul3A_35 = arith.muli %arg1, %mul3A_34 : i32
    %add3A_36 = arith.constant 225 : i32
    %add3A_37 = arith.addi %mul3A_35, %add3A_36 : i32
    "tpu.region"() ({
      %run_scoped3A_613 = tpu.sem_alloc : memref<!tpu.dma_semaphore, #tpu.memory_space<semaphore_mem>>
      %dma_start3A_614 = arith.constant 0 : i32
      %dma_start3A_615 = tpu.memref_slice %arg12[%add3A_37, %dma_start3A_614] : memref<10016x128xf32, #tpu.memory_space<vmem_shared>> -> memref<25x128xf32, #tpu.memory_space<vmem_shared>>
      %dma_start3A_616 = arith.constant 0 : i32
      %dma_start3A_617 = tpu.memref_slice %arg12[%add3A_37, %dma_start3A_616] : memref<10016x128xf32, #tpu.memory_space<vmem_shared>> -> memref<25x128xf32, #tpu.memory_space<vmem_shared>>
      tpu.enqueue_dma source(%arg11 : memref<25x128xf32, #tpu.memory_space<vmem>>) target(%dma_start3A_617 : memref<25x128xf32, #tpu.memory_space<vmem_shared>>) target_semaphore(%run_scoped3A_613 : memref<!tpu.dma_semaphore, #tpu.memory_space<semaphore_mem>>)
      %dma_wait3A_618 = arith.constant 0 : i32
      %dma_wait3A_619 = tpu.memref_slice %arg12[%add3A_37, %dma_wait3A_618] : memref<10016x128xf32, #tpu.memory_space<vmem_shared>> -> memref<25x128xf32, #tpu.memory_space<vmem_shared>>
      %dma_wait3A_620 = arith.constant 0 : i32
      %dma_wait3A_621 = tpu.memref_slice %arg12[%add3A_37, %dma_wait3A_620] : memref<10016x128xf32, #tpu.memory_space<vmem_shared>> -> memref<25x128xf32, #tpu.memory_space<vmem_shared>>
      tpu.wait_dma2 semaphore(%run_scoped3A_613 : memref<!tpu.dma_semaphore, #tpu.memory_space<semaphore_mem>>) src(%arg11 : memref<25x128xf32, #tpu.memory_space<vmem>>) dst(%dma_wait3A_621 : memref<25x128xf32, #tpu.memory_space<vmem_shared>>)
      tpu.yield
    }) : () -> ()
    %mul3A_38 = arith.constant 625 : i32
    %mul3A_39 = arith.muli %arg1, %mul3A_38 : i32
    %add3A_40 = arith.constant 250 : i32
    %add3A_41 = arith.addi %mul3A_39, %add3A_40 : i32
    "tpu.region"() ({
      %run_scoped3A_613 = tpu.sem_alloc : memref<!tpu.dma_semaphore, #tpu.memory_space<semaphore_mem>>
      %dma_start3A_614 = arith.constant 0 : i32
      %dma_start3A_615 = tpu.memref_slice %arg12[%add3A_41, %dma_start3A_614] : memref<10016x128xf32, #tpu.memory_space<vmem_shared>> -> memref<25x128xf32, #tpu.memory_space<vmem_shared>>
      %dma_start3A_616 = arith.constant 0 : i32
      %dma_start3A_617 = tpu.memref_slice %arg12[%add3A_41, %dma_start3A_616] : memref<10016x128xf32, #tpu.memory_space<vmem_shared>> -> memref<25x128xf32, #tpu.memory_space<vmem_shared>>
      tpu.enqueue_dma source(%arg11 : memref<25x128xf32, #tpu.memory_space<vmem>>) target(%dma_start3A_617 : memref<25x128xf32, #tpu.memory_space<vmem_shared>>) target_semaphore(%run_scoped3A_613 : memref<!tpu.dma_semaphore, #tpu.memory_space<semaphore_mem>>)
      %dma_wait3A_618 = arith.constant 0 : i32
      %dma_wait3A_619 = tpu.memref_slice %arg12[%add3A_41, %dma_wait3A_618] : memref<10016x128xf32, #tpu.memory_space<vmem_shared>> -> memref<25x128xf32, #tpu.memory_space<vmem_shared>>
      %dma_wait3A_620 = arith.constant 0 : i32
      %dma_wait3A_621 = tpu.memref_slice %arg12[%add3A_41, %dma_wait3A_620] : memref<10016x128xf32, #tpu.memory_space<vmem_shared>> -> memref<25x128xf32, #tpu.memory_space<vmem_shared>>
      tpu.wait_dma2 semaphore(%run_scoped3A_613 : memref<!tpu.dma_semaphore, #tpu.memory_space<semaphore_mem>>) src(%arg11 : memref<25x128xf32, #tpu.memory_space<vmem>>) dst(%dma_wait3A_621 : memref<25x128xf32, #tpu.memory_space<vmem_shared>>)
      tpu.yield
    }) : () -> ()
    %mul3A_42 = arith.constant 625 : i32
    %mul3A_43 = arith.muli %arg1, %mul3A_42 : i32
    %add3A_44 = arith.constant 275 : i32
    %add3A_45 = arith.addi %mul3A_43, %add3A_44 : i32
    "tpu.region"() ({
      %run_scoped3A_613 = tpu.sem_alloc : memref<!tpu.dma_semaphore, #tpu.memory_space<semaphore_mem>>
      %dma_start3A_614 = arith.constant 0 : i32
      %dma_start3A_615 = tpu.memref_slice %arg12[%add3A_45, %dma_start3A_614] : memref<10016x128xf32, #tpu.memory_space<vmem_shared>> -> memref<25x128xf32, #tpu.memory_space<vmem_shared>>
      %dma_start3A_616 = arith.constant 0 : i32
      %dma_start3A_617 = tpu.memref_slice %arg12[%add3A_45, %dma_start3A_616] : memref<10016x128xf32, #tpu.memory_space<vmem_shared>> -> memref<25x128xf32, #tpu.memory_space<vmem_shared>>
      tpu.enqueue_dma source(%arg11 : memref<25x128xf32, #tpu.memory_space<vmem>>) target(%dma_start3A_617 : memref<25x128xf32, #tpu.memory_space<vmem_shared>>) target_semaphore(%run_scoped3A_613 : memref<!tpu.dma_semaphore, #tpu.memory_space<semaphore_mem>>)
      %dma_wait3A_618 = arith.constant 0 : i32
      %dma_wait3A_619 = tpu.memref_slice %arg12[%add3A_45, %dma_wait3A_618] : memref<10016x128xf32, #tpu.memory_space<vmem_shared>> -> memref<25x128xf32, #tpu.memory_space<vmem_shared>>
      %dma_wait3A_620 = arith.constant 0 : i32
      %dma_wait3A_621 = tpu.memref_slice %arg12[%add3A_45, %dma_wait3A_620] : memref<10016x128xf32, #tpu.memory_space<vmem_shared>> -> memref<25x128xf32, #tpu.memory_space<vmem_shared>>
      tpu.wait_dma2 semaphore(%run_scoped3A_613 : memref<!tpu.dma_semaphore, #tpu.memory_space<semaphore_mem>>) src(%arg11 : memref<25x128xf32, #tpu.memory_space<vmem>>) dst(%dma_wait3A_621 : memref<25x128xf32, #tpu.memory_space<vmem_shared>>)
      tpu.yield
    }) : () -> ()
    %mul3A_46 = arith.constant 625 : i32
    %mul3A_47 = arith.muli %arg1, %mul3A_46 : i32
    %add3A_48 = arith.constant 300 : i32
    %add3A_49 = arith.addi %mul3A_47, %add3A_48 : i32
    "tpu.region"() ({
      %run_scoped3A_613 = tpu.sem_alloc : memref<!tpu.dma_semaphore, #tpu.memory_space<semaphore_mem>>
      %dma_start3A_614 = arith.constant 0 : i32
      %dma_start3A_615 = tpu.memref_slice %arg12[%add3A_49, %dma_start3A_614] : memref<10016x128xf32, #tpu.memory_space<vmem_shared>> -> memref<25x128xf32, #tpu.memory_space<vmem_shared>>
      %dma_start3A_616 = arith.constant 0 : i32
      %dma_start3A_617 = tpu.memref_slice %arg12[%add3A_49, %dma_start3A_616] : memref<10016x128xf32, #tpu.memory_space<vmem_shared>> -> memref<25x128xf32, #tpu.memory_space<vmem_shared>>
      tpu.enqueue_dma source(%arg11 : memref<25x128xf32, #tpu.memory_space<vmem>>) target(%dma_start3A_617 : memref<25x128xf32, #tpu.memory_space<vmem_shared>>) target_semaphore(%run_scoped3A_613 : memref<!tpu.dma_semaphore, #tpu.memory_space<semaphore_mem>>)
      %dma_wait3A_618 = arith.constant 0 : i32
      %dma_wait3A_619 = tpu.memref_slice %arg12[%add3A_49, %dma_wait3A_618] : memref<10016x128xf32, #tpu.memory_space<vmem_shared>> -> memref<25x128xf32, #tpu.memory_space<vmem_shared>>
      %dma_wait3A_620 = arith.constant 0 : i32
      %dma_wait3A_621 = tpu.memref_slice %arg12[%add3A_49, %dma_wait3A_620] : memref<10016x128xf32, #tpu.memory_space<vmem_shared>> -> memref<25x128xf32, #tpu.memory_space<vmem_shared>>
      tpu.wait_dma2 semaphore(%run_scoped3A_613 : memref<!tpu.dma_semaphore, #tpu.memory_space<semaphore_mem>>) src(%arg11 : memref<25x128xf32, #tpu.memory_space<vmem>>) dst(%dma_wait3A_621 : memref<25x128xf32, #tpu.memory_space<vmem_shared>>)
      tpu.yield
    }) : () -> ()
    %mul3A_50 = arith.constant 625 : i32
    %mul3A_51 = arith.muli %arg1, %mul3A_50 : i32
    %add3A_52 = arith.constant 325 : i32
    %add3A_53 = arith.addi %mul3A_51, %add3A_52 : i32
    "tpu.region"() ({
      %run_scoped3A_613 = tpu.sem_alloc : memref<!tpu.dma_semaphore, #tpu.memory_space<semaphore_mem>>
      %dma_start3A_614 = arith.constant 0 : i32
      %dma_start3A_615 = tpu.memref_slice %arg12[%add3A_53, %dma_start3A_614] : memref<10016x128xf32, #tpu.memory_space<vmem_shared>> -> memref<25x128xf32, #tpu.memory_space<vmem_shared>>
      %dma_start3A_616 = arith.constant 0 : i32
      %dma_start3A_617 = tpu.memref_slice %arg12[%add3A_53, %dma_start3A_616] : memref<10016x128xf32, #tpu.memory_space<vmem_shared>> -> memref<25x128xf32, #tpu.memory_space<vmem_shared>>
      tpu.enqueue_dma source(%arg11 : memref<25x128xf32, #tpu.memory_space<vmem>>) target(%dma_start3A_617 : memref<25x128xf32, #tpu.memory_space<vmem_shared>>) target_semaphore(%run_scoped3A_613 : memref<!tpu.dma_semaphore, #tpu.memory_space<semaphore_mem>>)
      %dma_wait3A_618 = arith.constant 0 : i32
      %dma_wait3A_619 = tpu.memref_slice %arg12[%add3A_53, %dma_wait3A_618] : memref<10016x128xf32, #tpu.memory_space<vmem_shared>> -> memref<25x128xf32, #tpu.memory_space<vmem_shared>>
      %dma_wait3A_620 = arith.constant 0 : i32
      %dma_wait3A_621 = tpu.memref_slice %arg12[%add3A_53, %dma_wait3A_620] : memref<10016x128xf32, #tpu.memory_space<vmem_shared>> -> memref<25x128xf32, #tpu.memory_space<vmem_shared>>
      tpu.wait_dma2 semaphore(%run_scoped3A_613 : memref<!tpu.dma_semaphore, #tpu.memory_space<semaphore_mem>>) src(%arg11 : memref<25x128xf32, #tpu.memory_space<vmem>>) dst(%dma_wait3A_621 : memref<25x128xf32, #tpu.memory_space<vmem_shared>>)
      tpu.yield
    }) : () -> ()
    %mul3A_54 = arith.constant 625 : i32
    %mul3A_55 = arith.muli %arg1, %mul3A_54 : i32
    %add3A_56 = arith.constant 350 : i32
    %add3A_57 = arith.addi %mul3A_55, %add3A_56 : i32
    "tpu.region"() ({
      %run_scoped3A_613 = tpu.sem_alloc : memref<!tpu.dma_semaphore, #tpu.memory_space<semaphore_mem>>
      %dma_start3A_614 = arith.constant 0 : i32
      %dma_start3A_615 = tpu.memref_slice %arg12[%add3A_57, %dma_start3A_614] : memref<10016x128xf32, #tpu.memory_space<vmem_shared>> -> memref<25x128xf32, #tpu.memory_space<vmem_shared>>
      %dma_start3A_616 = arith.constant 0 : i32
      %dma_start3A_617 = tpu.memref_slice %arg12[%add3A_57, %dma_start3A_616] : memref<10016x128xf32, #tpu.memory_space<vmem_shared>> -> memref<25x128xf32, #tpu.memory_space<vmem_shared>>
      tpu.enqueue_dma source(%arg11 : memref<25x128xf32, #tpu.memory_space<vmem>>) target(%dma_start3A_617 : memref<25x128xf32, #tpu.memory_space<vmem_shared>>) target_semaphore(%run_scoped3A_613 : memref<!tpu.dma_semaphore, #tpu.memory_space<semaphore_mem>>)
      %dma_wait3A_618 = arith.constant 0 : i32
      %dma_wait3A_619 = tpu.memref_slice %arg12[%add3A_57, %dma_wait3A_618] : memref<10016x128xf32, #tpu.memory_space<vmem_shared>> -> memref<25x128xf32, #tpu.memory_space<vmem_shared>>
      %dma_wait3A_620 = arith.constant 0 : i32
      %dma_wait3A_621 = tpu.memref_slice %arg12[%add3A_57, %dma_wait3A_620] : memref<10016x128xf32, #tpu.memory_space<vmem_shared>> -> memref<25x128xf32, #tpu.memory_space<vmem_shared>>
      tpu.wait_dma2 semaphore(%run_scoped3A_613 : memref<!tpu.dma_semaphore, #tpu.memory_space<semaphore_mem>>) src(%arg11 : memref<25x128xf32, #tpu.memory_space<vmem>>) dst(%dma_wait3A_621 : memref<25x128xf32, #tpu.memory_space<vmem_shared>>)
      tpu.yield
    }) : () -> ()
    %mul3A_58 = arith.constant 625 : i32
    %mul3A_59 = arith.muli %arg1, %mul3A_58 : i32
    %add3A_60 = arith.constant 375 : i32
    %add3A_61 = arith.addi %mul3A_59, %add3A_60 : i32
    "tpu.region"() ({
      %run_scoped3A_613 = tpu.sem_alloc : memref<!tpu.dma_semaphore, #tpu.memory_space<semaphore_mem>>
      %dma_start3A_614 = arith.constant 0 : i32
      %dma_start3A_615 = tpu.memref_slice %arg12[%add3A_61, %dma_start3A_614] : memref<10016x128xf32, #tpu.memory_space<vmem_shared>> -> memref<25x128xf32, #tpu.memory_space<vmem_shared>>
      %dma_start3A_616 = arith.constant 0 : i32
      %dma_start3A_617 = tpu.memref_slice %arg12[%add3A_61, %dma_start3A_616] : memref<10016x128xf32, #tpu.memory_space<vmem_shared>> -> memref<25x128xf32, #tpu.memory_space<vmem_shared>>
      tpu.enqueue_dma source(%arg11 : memref<25x128xf32, #tpu.memory_space<vmem>>) target(%dma_start3A_617 : memref<25x128xf32, #tpu.memory_space<vmem_shared>>) target_semaphore(%run_scoped3A_613 : memref<!tpu.dma_semaphore, #tpu.memory_space<semaphore_mem>>)
      %dma_wait3A_618 = arith.constant 0 : i32
      %dma_wait3A_619 = tpu.memref_slice %arg12[%add3A_61, %dma_wait3A_618] : memref<10016x128xf32, #tpu.memory_space<vmem_shared>> -> memref<25x128xf32, #tpu.memory_space<vmem_shared>>
      %dma_wait3A_620 = arith.constant 0 : i32
      %dma_wait3A_621 = tpu.memref_slice %arg12[%add3A_61, %dma_wait3A_620] : memref<10016x128xf32, #tpu.memory_space<vmem_shared>> -> memref<25x128xf32, #tpu.memory_space<vmem_shared>>
      tpu.wait_dma2 semaphore(%run_scoped3A_613 : memref<!tpu.dma_semaphore, #tpu.memory_space<semaphore_mem>>) src(%arg11 : memref<25x128xf32, #tpu.memory_space<vmem>>) dst(%dma_wait3A_621 : memref<25x128xf32, #tpu.memory_space<vmem_shared>>)
      tpu.yield
    }) : () -> ()
    %mul3A_62 = arith.constant 625 : i32
    %mul3A_63 = arith.muli %arg1, %mul3A_62 : i32
    %add3A_64 = arith.constant 400 : i32
    %add3A_65 = arith.addi %mul3A_63, %add3A_64 : i32
    "tpu.region"() ({
      %run_scoped3A_613 = tpu.sem_alloc : memref<!tpu.dma_semaphore, #tpu.memory_space<semaphore_mem>>
      %dma_start3A_614 = arith.constant 0 : i32
      %dma_start3A_615 = tpu.memref_slice %arg12[%add3A_65, %dma_start3A_614] : memref<10016x128xf32, #tpu.memory_space<vmem_shared>> -> memref<25x128xf32, #tpu.memory_space<vmem_shared>>
      %dma_start3A_616 = arith.constant 0 : i32
      %dma_start3A_617 = tpu.memref_slice %arg12[%add3A_65, %dma_start3A_616] : memref<10016x128xf32, #tpu.memory_space<vmem_shared>> -> memref<25x128xf32, #tpu.memory_space<vmem_shared>>
      tpu.enqueue_dma source(%arg11 : memref<25x128xf32, #tpu.memory_space<vmem>>) target(%dma_start3A_617 : memref<25x128xf32, #tpu.memory_space<vmem_shared>>) target_semaphore(%run_scoped3A_613 : memref<!tpu.dma_semaphore, #tpu.memory_space<semaphore_mem>>)
      %dma_wait3A_618 = arith.constant 0 : i32
      %dma_wait3A_619 = tpu.memref_slice %arg12[%add3A_65, %dma_wait3A_618] : memref<10016x128xf32, #tpu.memory_space<vmem_shared>> -> memref<25x128xf32, #tpu.memory_space<vmem_shared>>
      %dma_wait3A_620 = arith.constant 0 : i32
      %dma_wait3A_621 = tpu.memref_slice %arg12[%add3A_65, %dma_wait3A_620] : memref<10016x128xf32, #tpu.memory_space<vmem_shared>> -> memref<25x128xf32, #tpu.memory_space<vmem_shared>>
      tpu.wait_dma2 semaphore(%run_scoped3A_613 : memref<!tpu.dma_semaphore, #tpu.memory_space<semaphore_mem>>) src(%arg11 : memref<25x128xf32, #tpu.memory_space<vmem>>) dst(%dma_wait3A_621 : memref<25x128xf32, #tpu.memory_space<vmem_shared>>)
      tpu.yield
    }) : () -> ()
    %mul3A_66 = arith.constant 625 : i32
    %mul3A_67 = arith.muli %arg1, %mul3A_66 : i32
    %add3A_68 = arith.constant 425 : i32
    %add3A_69 = arith.addi %mul3A_67, %add3A_68 : i32
    "tpu.region"() ({
      %run_scoped3A_613 = tpu.sem_alloc : memref<!tpu.dma_semaphore, #tpu.memory_space<semaphore_mem>>
      %dma_start3A_614 = arith.constant 0 : i32
      %dma_start3A_615 = tpu.memref_slice %arg12[%add3A_69, %dma_start3A_614] : memref<10016x128xf32, #tpu.memory_space<vmem_shared>> -> memref<25x128xf32, #tpu.memory_space<vmem_shared>>
      %dma_start3A_616 = arith.constant 0 : i32
      %dma_start3A_617 = tpu.memref_slice %arg12[%add3A_69, %dma_start3A_616] : memref<10016x128xf32, #tpu.memory_space<vmem_shared>> -> memref<25x128xf32, #tpu.memory_space<vmem_shared>>
      tpu.enqueue_dma source(%arg11 : memref<25x128xf32, #tpu.memory_space<vmem>>) target(%dma_start3A_617 : memref<25x128xf32, #tpu.memory_space<vmem_shared>>) target_semaphore(%run_scoped3A_613 : memref<!tpu.dma_semaphore, #tpu.memory_space<semaphore_mem>>)
      %dma_wait3A_618 = arith.constant 0 : i32
      %dma_wait3A_619 = tpu.memref_slice %arg12[%add3A_69, %dma_wait3A_618] : memref<10016x128xf32, #tpu.memory_space<vmem_shared>> -> memref<25x128xf32, #tpu.memory_space<vmem_shared>>
      %dma_wait3A_620 = arith.constant 0 : i32
      %dma_wait3A_621 = tpu.memref_slice %arg12[%add3A_69, %dma_wait3A_620] : memref<10016x128xf32, #tpu.memory_space<vmem_shared>> -> memref<25x128xf32, #tpu.memory_space<vmem_shared>>
      tpu.wait_dma2 semaphore(%run_scoped3A_613 : memref<!tpu.dma_semaphore, #tpu.memory_space<semaphore_mem>>) src(%arg11 : memref<25x128xf32, #tpu.memory_space<vmem>>) dst(%dma_wait3A_621 : memref<25x128xf32, #tpu.memory_space<vmem_shared>>)
      tpu.yield
    }) : () -> ()
    %mul3A_70 = arith.constant 625 : i32
    %mul3A_71 = arith.muli %arg1, %mul3A_70 : i32
    %add3A_72 = arith.constant 450 : i32
    %add3A_73 = arith.addi %mul3A_71, %add3A_72 : i32
    "tpu.region"() ({
      %run_scoped3A_613 = tpu.sem_alloc : memref<!tpu.dma_semaphore, #tpu.memory_space<semaphore_mem>>
      %dma_start3A_614 = arith.constant 0 : i32
      %dma_start3A_615 = tpu.memref_slice %arg12[%add3A_73, %dma_start3A_614] : memref<10016x128xf32, #tpu.memory_space<vmem_shared>> -> memref<25x128xf32, #tpu.memory_space<vmem_shared>>
      %dma_start3A_616 = arith.constant 0 : i32
      %dma_start3A_617 = tpu.memref_slice %arg12[%add3A_73, %dma_start3A_616] : memref<10016x128xf32, #tpu.memory_space<vmem_shared>> -> memref<25x128xf32, #tpu.memory_space<vmem_shared>>
      tpu.enqueue_dma source(%arg11 : memref<25x128xf32, #tpu.memory_space<vmem>>) target(%dma_start3A_617 : memref<25x128xf32, #tpu.memory_space<vmem_shared>>) target_semaphore(%run_scoped3A_613 : memref<!tpu.dma_semaphore, #tpu.memory_space<semaphore_mem>>)
      %dma_wait3A_618 = arith.constant 0 : i32
      %dma_wait3A_619 = tpu.memref_slice %arg12[%add3A_73, %dma_wait3A_618] : memref<10016x128xf32, #tpu.memory_space<vmem_shared>> -> memref<25x128xf32, #tpu.memory_space<vmem_shared>>
      %dma_wait3A_620 = arith.constant 0 : i32
      %dma_wait3A_621 = tpu.memref_slice %arg12[%add3A_73, %dma_wait3A_620] : memref<10016x128xf32, #tpu.memory_space<vmem_shared>> -> memref<25x128xf32, #tpu.memory_space<vmem_shared>>
      tpu.wait_dma2 semaphore(%run_scoped3A_613 : memref<!tpu.dma_semaphore, #tpu.memory_space<semaphore_mem>>) src(%arg11 : memref<25x128xf32, #tpu.memory_space<vmem>>) dst(%dma_wait3A_621 : memref<25x128xf32, #tpu.memory_space<vmem_shared>>)
      tpu.yield
    }) : () -> ()
    %mul3A_74 = arith.constant 625 : i32
    %mul3A_75 = arith.muli %arg1, %mul3A_74 : i32
    %add3A_76 = arith.constant 475 : i32
    %add3A_77 = arith.addi %mul3A_75, %add3A_76 : i32
    "tpu.region"() ({
      %run_scoped3A_613 = tpu.sem_alloc : memref<!tpu.dma_semaphore, #tpu.memory_space<semaphore_mem>>
      %dma_start3A_614 = arith.constant 0 : i32
      %dma_start3A_615 = tpu.memref_slice %arg12[%add3A_77, %dma_start3A_614] : memref<10016x128xf32, #tpu.memory_space<vmem_shared>> -> memref<25x128xf32, #tpu.memory_space<vmem_shared>>
      %dma_start3A_616 = arith.constant 0 : i32
      %dma_start3A_617 = tpu.memref_slice %arg12[%add3A_77, %dma_start3A_616] : memref<10016x128xf32, #tpu.memory_space<vmem_shared>> -> memref<25x128xf32, #tpu.memory_space<vmem_shared>>
      tpu.enqueue_dma source(%arg11 : memref<25x128xf32, #tpu.memory_space<vmem>>) target(%dma_start3A_617 : memref<25x128xf32, #tpu.memory_space<vmem_shared>>) target_semaphore(%run_scoped3A_613 : memref<!tpu.dma_semaphore, #tpu.memory_space<semaphore_mem>>)
      %dma_wait3A_618 = arith.constant 0 : i32
      %dma_wait3A_619 = tpu.memref_slice %arg12[%add3A_77, %dma_wait3A_618] : memref<10016x128xf32, #tpu.memory_space<vmem_shared>> -> memref<25x128xf32, #tpu.memory_space<vmem_shared>>
      %dma_wait3A_620 = arith.constant 0 : i32
      %dma_wait3A_621 = tpu.memref_slice %arg12[%add3A_77, %dma_wait3A_620] : memref<10016x128xf32, #tpu.memory_space<vmem_shared>> -> memref<25x128xf32, #tpu.memory_space<vmem_shared>>
      tpu.wait_dma2 semaphore(%run_scoped3A_613 : memref<!tpu.dma_semaphore, #tpu.memory_space<semaphore_mem>>) src(%arg11 : memref<25x128xf32, #tpu.memory_space<vmem>>) dst(%dma_wait3A_621 : memref<25x128xf32, #tpu.memory_space<vmem_shared>>)
      tpu.yield
    }) : () -> ()
    %mul3A_78 = arith.constant 625 : i32
    %mul3A_79 = arith.muli %arg1, %mul3A_78 : i32
    %add3A_80 = arith.constant 500 : i32
    %add3A_81 = arith.addi %mul3A_79, %add3A_80 : i32
    "tpu.region"() ({
      %run_scoped3A_613 = tpu.sem_alloc : memref<!tpu.dma_semaphore, #tpu.memory_space<semaphore_mem>>
      %dma_start3A_614 = arith.constant 0 : i32
      %dma_start3A_615 = tpu.memref_slice %arg12[%add3A_81, %dma_start3A_614] : memref<10016x128xf32, #tpu.memory_space<vmem_shared>> -> memref<25x128xf32, #tpu.memory_space<vmem_shared>>
      %dma_start3A_616 = arith.constant 0 : i32
      %dma_start3A_617 = tpu.memref_slice %arg12[%add3A_81, %dma_start3A_616] : memref<10016x128xf32, #tpu.memory_space<vmem_shared>> -> memref<25x128xf32, #tpu.memory_space<vmem_shared>>
      tpu.enqueue_dma source(%arg11 : memref<25x128xf32, #tpu.memory_space<vmem>>) target(%dma_start3A_617 : memref<25x128xf32, #tpu.memory_space<vmem_shared>>) target_semaphore(%run_scoped3A_613 : memref<!tpu.dma_semaphore, #tpu.memory_space<semaphore_mem>>)
      %dma_wait3A_618 = arith.constant 0 : i32
      %dma_wait3A_619 = tpu.memref_slice %arg12[%add3A_81, %dma_wait3A_618] : memref<10016x128xf32, #tpu.memory_space<vmem_shared>> -> memref<25x128xf32, #tpu.memory_space<vmem_shared>>
      %dma_wait3A_620 = arith.constant 0 : i32
      %dma_wait3A_621 = tpu.memref_slice %arg12[%add3A_81, %dma_wait3A_620] : memref<10016x128xf32, #tpu.memory_space<vmem_shared>> -> memref<25x128xf32, #tpu.memory_space<vmem_shared>>
      tpu.wait_dma2 semaphore(%run_scoped3A_613 : memref<!tpu.dma_semaphore, #tpu.memory_space<semaphore_mem>>) src(%arg11 : memref<25x128xf32, #tpu.memory_space<vmem>>) dst(%dma_wait3A_621 : memref<25x128xf32, #tpu.memory_space<vmem_shared>>)
      tpu.yield
    }) : () -> ()
    %mul3A_82 = arith.constant 625 : i32
    %mul3A_83 = arith.muli %arg1, %mul3A_82 : i32
    %add3A_84 = arith.constant 525 : i32
    %add3A_85 = arith.addi %mul3A_83, %add3A_84 : i32
    "tpu.region"() ({
      %run_scoped3A_613 = tpu.sem_alloc : memref<!tpu.dma_semaphore, #tpu.memory_space<semaphore_mem>>
      %dma_start3A_614 = arith.constant 0 : i32
      %dma_start3A_615 = tpu.memref_slice %arg12[%add3A_85, %dma_start3A_614] : memref<10016x128xf32, #tpu.memory_space<vmem_shared>> -> memref<25x128xf32, #tpu.memory_space<vmem_shared>>
      %dma_start3A_616 = arith.constant 0 : i32
      %dma_start3A_617 = tpu.memref_slice %arg12[%add3A_85, %dma_start3A_616] : memref<10016x128xf32, #tpu.memory_space<vmem_shared>> -> memref<25x128xf32, #tpu.memory_space<vmem_shared>>
      tpu.enqueue_dma source(%arg11 : memref<25x128xf32, #tpu.memory_space<vmem>>) target(%dma_start3A_617 : memref<25x128xf32, #tpu.memory_space<vmem_shared>>) target_semaphore(%run_scoped3A_613 : memref<!tpu.dma_semaphore, #tpu.memory_space<semaphore_mem>>)
      %dma_wait3A_618 = arith.constant 0 : i32
      %dma_wait3A_619 = tpu.memref_slice %arg12[%add3A_85, %dma_wait3A_618] : memref<10016x128xf32, #tpu.memory_space<vmem_shared>> -> memref<25x128xf32, #tpu.memory_space<vmem_shared>>
      %dma_wait3A_620 = arith.constant 0 : i32
      %dma_wait3A_621 = tpu.memref_slice %arg12[%add3A_85, %dma_wait3A_620] : memref<10016x128xf32, #tpu.memory_space<vmem_shared>> -> memref<25x128xf32, #tpu.memory_space<vmem_shared>>
      tpu.wait_dma2 semaphore(%run_scoped3A_613 : memref<!tpu.dma_semaphore, #tpu.memory_space<semaphore_mem>>) src(%arg11 : memref<25x128xf32, #tpu.memory_space<vmem>>) dst(%dma_wait3A_621 : memref<25x128xf32, #tpu.memory_space<vmem_shared>>)
      tpu.yield
    }) : () -> ()
    %mul3A_86 = arith.constant 625 : i32
    %mul3A_87 = arith.muli %arg1, %mul3A_86 : i32
    %add3A_88 = arith.constant 550 : i32
    %add3A_89 = arith.addi %mul3A_87, %add3A_88 : i32
    "tpu.region"() ({
      %run_scoped3A_613 = tpu.sem_alloc : memref<!tpu.dma_semaphore, #tpu.memory_space<semaphore_mem>>
      %dma_start3A_614 = arith.constant 0 : i32
      %dma_start3A_615 = tpu.memref_slice %arg12[%add3A_89, %dma_start3A_614] : memref<10016x128xf32, #tpu.memory_space<vmem_shared>> -> memref<25x128xf32, #tpu.memory_space<vmem_shared>>
      %dma_start3A_616 = arith.constant 0 : i32
      %dma_start3A_617 = tpu.memref_slice %arg12[%add3A_89, %dma_start3A_616] : memref<10016x128xf32, #tpu.memory_space<vmem_shared>> -> memref<25x128xf32, #tpu.memory_space<vmem_shared>>
      tpu.enqueue_dma source(%arg11 : memref<25x128xf32, #tpu.memory_space<vmem>>) target(%dma_start3A_617 : memref<25x128xf32, #tpu.memory_space<vmem_shared>>) target_semaphore(%run_scoped3A_613 : memref<!tpu.dma_semaphore, #tpu.memory_space<semaphore_mem>>)
      %dma_wait3A_618 = arith.constant 0 : i32
      %dma_wait3A_619 = tpu.memref_slice %arg12[%add3A_89, %dma_wait3A_618] : memref<10016x128xf32, #tpu.memory_space<vmem_shared>> -> memref<25x128xf32, #tpu.memory_space<vmem_shared>>
      %dma_wait3A_620 = arith.constant 0 : i32
      %dma_wait3A_621 = tpu.memref_slice %arg12[%add3A_89, %dma_wait3A_620] : memref<10016x128xf32, #tpu.memory_space<vmem_shared>> -> memref<25x128xf32, #tpu.memory_space<vmem_shared>>
      tpu.wait_dma2 semaphore(%run_scoped3A_613 : memref<!tpu.dma_semaphore, #tpu.memory_space<semaphore_mem>>) src(%arg11 : memref<25x128xf32, #tpu.memory_space<vmem>>) dst(%dma_wait3A_621 : memref<25x128xf32, #tpu.memory_space<vmem_shared>>)
      tpu.yield
    }) : () -> ()
    %mul3A_90 = arith.constant 625 : i32
    %mul3A_91 = arith.muli %arg1, %mul3A_90 : i32
    %add3A_92 = arith.constant 575 : i32
    %add3A_93 = arith.addi %mul3A_91, %add3A_92 : i32
    "tpu.region"() ({
      %run_scoped3A_613 = tpu.sem_alloc : memref<!tpu.dma_semaphore, #tpu.memory_space<semaphore_mem>>
      %dma_start3A_614 = arith.constant 0 : i32
      %dma_start3A_615 = tpu.memref_slice %arg12[%add3A_93, %dma_start3A_614] : memref<10016x128xf32, #tpu.memory_space<vmem_shared>> -> memref<25x128xf32, #tpu.memory_space<vmem_shared>>
      %dma_start3A_616 = arith.constant 0 : i32
      %dma_start3A_617 = tpu.memref_slice %arg12[%add3A_93, %dma_start3A_616] : memref<10016x128xf32, #tpu.memory_space<vmem_shared>> -> memref<25x128xf32, #tpu.memory_space<vmem_shared>>
      tpu.enqueue_dma source(%arg11 : memref<25x128xf32, #tpu.memory_space<vmem>>) target(%dma_start3A_617 : memref<25x128xf32, #tpu.memory_space<vmem_shared>>) target_semaphore(%run_scoped3A_613 : memref<!tpu.dma_semaphore, #tpu.memory_space<semaphore_mem>>)
      %dma_wait3A_618 = arith.constant 0 : i32
      %dma_wait3A_619 = tpu.memref_slice %arg12[%add3A_93, %dma_wait3A_618] : memref<10016x128xf32, #tpu.memory_space<vmem_shared>> -> memref<25x128xf32, #tpu.memory_space<vmem_shared>>
      %dma_wait3A_620 = arith.constant 0 : i32
      %dma_wait3A_621 = tpu.memref_slice %arg12[%add3A_93, %dma_wait3A_620] : memref<10016x128xf32, #tpu.memory_space<vmem_shared>> -> memref<25x128xf32, #tpu.memory_space<vmem_shared>>
      tpu.wait_dma2 semaphore(%run_scoped3A_613 : memref<!tpu.dma_semaphore, #tpu.memory_space<semaphore_mem>>) src(%arg11 : memref<25x128xf32, #tpu.memory_space<vmem>>) dst(%dma_wait3A_621 : memref<25x128xf32, #tpu.memory_space<vmem_shared>>)
      tpu.yield
    }) : () -> ()
    %mul3A_94 = arith.constant 625 : i32
    %mul3A_95 = arith.muli %arg1, %mul3A_94 : i32
    %add3A_96 = arith.constant 600 : i32
    %add3A_97 = arith.addi %mul3A_95, %add3A_96 : i32
    "tpu.region"() ({
      %run_scoped3A_613 = tpu.sem_alloc : memref<!tpu.dma_semaphore, #tpu.memory_space<semaphore_mem>>
      %dma_start3A_614 = arith.constant 0 : i32
      %dma_start3A_615 = tpu.memref_slice %arg12[%add3A_97, %dma_start3A_614] : memref<10016x128xf32, #tpu.memory_space<vmem_shared>> -> memref<25x128xf32, #tpu.memory_space<vmem_shared>>
      %dma_start3A_616 = arith.constant 0 : i32
      %dma_start3A_617 = tpu.memref_slice %arg12[%add3A_97, %dma_start3A_616] : memref<10016x128xf32, #tpu.memory_space<vmem_shared>> -> memref<25x128xf32, #tpu.memory_space<vmem_shared>>
      tpu.enqueue_dma source(%arg11 : memref<25x128xf32, #tpu.memory_space<vmem>>) target(%dma_start3A_617 : memref<25x128xf32, #tpu.memory_space<vmem_shared>>) target_semaphore(%run_scoped3A_613 : memref<!tpu.dma_semaphore, #tpu.memory_space<semaphore_mem>>)
      %dma_wait3A_618 = arith.constant 0 : i32
      %dma_wait3A_619 = tpu.memref_slice %arg12[%add3A_97, %dma_wait3A_618] : memref<10016x128xf32, #tpu.memory_space<vmem_shared>> -> memref<25x128xf32, #tpu.memory_space<vmem_shared>>
      %dma_wait3A_620 = arith.constant 0 : i32
      %dma_wait3A_621 = tpu.memref_slice %arg12[%add3A_97, %dma_wait3A_620] : memref<10016x128xf32, #tpu.memory_space<vmem_shared>> -> memref<25x128xf32, #tpu.memory_space<vmem_shared>>
      tpu.wait_dma2 semaphore(%run_scoped3A_613 : memref<!tpu.dma_semaphore, #tpu.memory_space<semaphore_mem>>) src(%arg11 : memref<25x128xf32, #tpu.memory_space<vmem>>) dst(%dma_wait3A_621 : memref<25x128xf32, #tpu.memory_space<vmem_shared>>)
      tpu.yield
    }) : () -> ()
    %barrier3A = arith.constant 0 : index
    tpu.barrier barrier_id(%barrier3A)
    %add3A_98 = arith.constant 0 : i32
    %add3A_99 = arith.addi %add3A_98, %arg0 : i32
    %mul3A_100 = arith.constant 10000 : i32
    %mul3A_101 = arith.muli %add3A_99, %mul3A_100 : i32
    %run_scoped3A = arith.constant 0 : i32
    %run_scoped3A_102 = arith.constant 0 : i32
    "tpu.region"() ({
      %run_scoped3A_613 = tpu.sem_alloc : memref<!tpu.dma_semaphore, #tpu.memory_space<semaphore_mem>>
      %dma_start3A_614 = arith.constant 0 : i32
      %dma_start3A_615 = arith.constant 0 : i32
      %dma_start3A_616 = tpu.memref_slice %arg3[%run_scoped3A, %arg1, %run_scoped3A_102, %dma_start3A_614, %dma_start3A_615] : memref<3x16x2x40x128xi32, #tpu.memory_space<hbm>> -> memref<1x1x1x40x128xi32, #tpu.memory_space<hbm>>
      %dma_start3A_617 = tpu.memref_squeeze %dma_start3A_616 : memref<1x1x1x40x128xi32, #tpu.memory_space<hbm>> -> memref<40x128xi32, #tpu.memory_space<hbm>>
      %dma_start3A_618 = arith.constant 0 : i32
      %dma_start3A_619 = arith.constant 0 : i32
      %dma_start3A_620 = tpu.memref_slice %arg3[%run_scoped3A, %arg1, %run_scoped3A_102, %dma_start3A_618, %dma_start3A_619] : memref<3x16x2x40x128xi32, #tpu.memory_space<hbm>> -> memref<1x1x1x40x128xi32, #tpu.memory_space<hbm>>
      %dma_start3A_621 = tpu.memref_squeeze %dma_start3A_620 : memref<1x1x1x40x128xi32, #tpu.memory_space<hbm>> -> memref<40x128xi32, #tpu.memory_space<hbm>>
      tpu.enqueue_dma source(%dma_start3A_621 : memref<40x128xi32, #tpu.memory_space<hbm>>) target(%arg7 : memref<40x128xi32, #tpu.memory_space<vmem>>) target_semaphore(%run_scoped3A_613 : memref<!tpu.dma_semaphore, #tpu.memory_space<semaphore_mem>>)
      %dma_wait3A_622 = arith.constant 0 : i32
      %dma_wait3A_623 = arith.constant 0 : i32
      %dma_wait3A_624 = tpu.memref_slice %arg3[%run_scoped3A, %arg1, %run_scoped3A_102, %dma_wait3A_622, %dma_wait3A_623] : memref<3x16x2x40x128xi32, #tpu.memory_space<hbm>> -> memref<1x1x1x40x128xi32, #tpu.memory_space<hbm>>
      %dma_wait3A_625 = tpu.memref_squeeze %dma_wait3A_624 : memref<1x1x1x40x128xi32, #tpu.memory_space<hbm>> -> memref<40x128xi32, #tpu.memory_space<hbm>>
      %dma_wait3A_626 = arith.constant 0 : i32
      %dma_wait3A_627 = arith.constant 0 : i32
      %dma_wait3A_628 = tpu.memref_slice %arg3[%run_scoped3A, %arg1, %run_scoped3A_102, %dma_wait3A_626, %dma_wait3A_627] : memref<3x16x2x40x128xi32, #tpu.memory_space<hbm>> -> memref<1x1x1x40x128xi32, #tpu.memory_space<hbm>>
      %dma_wait3A_629 = tpu.memref_squeeze %dma_wait3A_628 : memref<1x1x1x40x128xi32, #tpu.memory_space<hbm>> -> memref<40x128xi32, #tpu.memory_space<hbm>>
      tpu.wait_dma2 semaphore(%run_scoped3A_613 : memref<!tpu.dma_semaphore, #tpu.memory_space<semaphore_mem>>) src(%dma_wait3A_629 : memref<40x128xi32, #tpu.memory_space<hbm>>) dst(%arg7 : memref<40x128xi32, #tpu.memory_space<vmem>>)
      tpu.yield
    }) : () -> ()
    %run_scoped3A_103 = arith.constant 0 : i32
    %run_scoped3A_104 = arith.constant 0 : i32
    "tpu.region"() ({
      %run_scoped3A_613 = tpu.sem_alloc : memref<!tpu.dma_semaphore, #tpu.memory_space<semaphore_mem>>
      %dma_start3A_614 = arith.constant 0 : i32
      %dma_start3A_615 = arith.constant 0 : i32
      %dma_start3A_616 = tpu.memref_slice %arg4[%run_scoped3A_103, %arg1, %run_scoped3A_104, %dma_start3A_614, %dma_start3A_615] : memref<3x16x2x40x128xi32, #tpu.memory_space<hbm>> -> memref<1x1x1x40x128xi32, #tpu.memory_space<hbm>>
      %dma_start3A_617 = tpu.memref_squeeze %dma_start3A_616 : memref<1x1x1x40x128xi32, #tpu.memory_space<hbm>> -> memref<40x128xi32, #tpu.memory_space<hbm>>
      %dma_start3A_618 = arith.constant 0 : i32
      %dma_start3A_619 = arith.constant 0 : i32
      %dma_start3A_620 = tpu.memref_slice %arg4[%run_scoped3A_103, %arg1, %run_scoped3A_104, %dma_start3A_618, %dma_start3A_619] : memref<3x16x2x40x128xi32, #tpu.memory_space<hbm>> -> memref<1x1x1x40x128xi32, #tpu.memory_space<hbm>>
      %dma_start3A_621 = tpu.memref_squeeze %dma_start3A_620 : memref<1x1x1x40x128xi32, #tpu.memory_space<hbm>> -> memref<40x128xi32, #tpu.memory_space<hbm>>
      tpu.enqueue_dma source(%dma_start3A_621 : memref<40x128xi32, #tpu.memory_space<hbm>>) target(%arg8 : memref<40x128xi32, #tpu.memory_space<vmem>>) target_semaphore(%run_scoped3A_613 : memref<!tpu.dma_semaphore, #tpu.memory_space<semaphore_mem>>)
      %dma_wait3A_622 = arith.constant 0 : i32
      %dma_wait3A_623 = arith.constant 0 : i32
      %dma_wait3A_624 = tpu.memref_slice %arg4[%run_scoped3A_103, %arg1, %run_scoped3A_104, %dma_wait3A_622, %dma_wait3A_623] : memref<3x16x2x40x128xi32, #tpu.memory_space<hbm>> -> memref<1x1x1x40x128xi32, #tpu.memory_space<hbm>>
      %dma_wait3A_625 = tpu.memref_squeeze %dma_wait3A_624 : memref<1x1x1x40x128xi32, #tpu.memory_space<hbm>> -> memref<40x128xi32, #tpu.memory_space<hbm>>
      %dma_wait3A_626 = arith.constant 0 : i32
      %dma_wait3A_627 = arith.constant 0 : i32
      %dma_wait3A_628 = tpu.memref_slice %arg4[%run_scoped3A_103, %arg1, %run_scoped3A_104, %dma_wait3A_626, %dma_wait3A_627] : memref<3x16x2x40x128xi32, #tpu.memory_space<hbm>> -> memref<1x1x1x40x128xi32, #tpu.memory_space<hbm>>
      %dma_wait3A_629 = tpu.memref_squeeze %dma_wait3A_628 : memref<1x1x1x40x128xi32, #tpu.memory_space<hbm>> -> memref<40x128xi32, #tpu.memory_space<hbm>>
      tpu.wait_dma2 semaphore(%run_scoped3A_613 : memref<!tpu.dma_semaphore, #tpu.memory_space<semaphore_mem>>) src(%dma_wait3A_629 : memref<40x128xi32, #tpu.memory_space<hbm>>) dst(%arg8 : memref<40x128xi32, #tpu.memory_space<vmem>>)
      tpu.yield
    }) : () -> ()
    %scan3A = arith.constant 0 : i32
    %scan3A_105 = arith.constant 40 : i32
    %scan3A_106 = arith.addi %scan3A, %scan3A_105 : i32
    %scan3A_107 = arith.constant 1 : i32
    scf.for %scan3A_613 = %scan3A to %scan3A_106 step %scan3A_107  : i32 {
      %mul3A_614 = arith.constant 1 : i32
      %mul3A_615 = arith.muli %scan3A_613, %mul3A_614 : i32
      %add3A_616 = arith.constant 0 : i32
      %add3A_617 = arith.addi %add3A_616, %mul3A_615 : i32
      %get3A = arith.index_cast %add3A_617 : i32 to index
      %get3A_618 = arith.constant 0 : index
      %get3A_619 = tpu.vector_load %arg7[%get3A, %get3A_618] {strides = array<i32>} : memref<40x128xi32, #tpu.memory_space<vmem>>, vector<1x16xi32>,
      %get3A_620 = vector.shape_cast %get3A_619 : vector<1x16xi32> to vector<16xi32>
      %add3A_621 = vector.broadcast %mul3A_101 : i32 to vector<16xi32>
      %add3A_622 = arith.addi %get3A_620, %add3A_621 : vector<16xi32>
      %swap3A = arith.index_cast %add3A_617 : i32 to index
      %swap3A_623 = arith.constant 0 : index
      %swap3A_624 = tpu.vector_load %arg7[%swap3A, %swap3A_623] {strides = array<i32>} : memref<40x128xi32, #tpu.memory_space<vmem>>, vector<1x16xi32>,
      %swap3A_625 = vector.shape_cast %swap3A_624 : vector<1x16xi32> to vector<16xi32>
      %swap3A_626 = vector.shape_cast %add3A_622 : vector<16xi32> to vector<1x16xi32>
      tpu.vector_store %arg7[%swap3A, %swap3A_623], %swap3A_626 {strides = array<i32>} : memref<40x128xi32, #tpu.memory_space<vmem>>, vector<1x16xi32>,
      %get3A_627 = arith.index_cast %add3A_617 : i32 to index
      %get3A_628 = arith.constant 16 : index
      %get3A_629 = tpu.vector_load %arg7[%get3A_627, %get3A_628] {strides = array<i32>} : memref<40x128xi32, #tpu.memory_space<vmem>>, vector<1x16xi32>,
      %get3A_630 = vector.shape_cast %get3A_629 : vector<1x16xi32> to vector<16xi32>
      %add3A_631 = vector.broadcast %mul3A_101 : i32 to vector<16xi32>
      %add3A_632 = arith.addi %get3A_630, %add3A_631 : vector<16xi32>
      %swap3A_633 = arith.index_cast %add3A_617 : i32 to index
      %swap3A_634 = arith.constant 16 : index
      %swap3A_635 = tpu.vector_load %arg7[%swap3A_633, %swap3A_634] {strides = array<i32>} : memref<40x128xi32, #tpu.memory_space<vmem>>, vector<1x16xi32>,
      %swap3A_636 = vector.shape_cast %swap3A_635 : vector<1x16xi32> to vector<16xi32>
      %swap3A_637 = vector.shape_cast %add3A_632 : vector<16xi32> to vector<1x16xi32>
      tpu.vector_store %arg7[%swap3A_633, %swap3A_634], %swap3A_637 {strides = array<i32>} : memref<40x128xi32, #tpu.memory_space<vmem>>, vector<1x16xi32>,
      %get3A_638 = arith.index_cast %add3A_617 : i32 to index
      %get3A_639 = arith.constant 32 : index
      %get3A_640 = tpu.vector_load %arg7[%get3A_638, %get3A_639] {strides = array<i32>} : memref<40x128xi32, #tpu.memory_space<vmem>>, vector<1x16xi32>,
      %get3A_641 = vector.shape_cast %get3A_640 : vector<1x16xi32> to vector<16xi32>
      %add3A_642 = vector.broadcast %mul3A_101 : i32 to vector<16xi32>
      %add3A_643 = arith.addi %get3A_641, %add3A_642 : vector<16xi32>
      %swap3A_644 = arith.index_cast %add3A_617 : i32 to index
      %swap3A_645 = arith.constant 32 : index
      %swap3A_646 = tpu.vector_load %arg7[%swap3A_644, %swap3A_645] {strides = array<i32>} : memref<40x128xi32, #tpu.memory_space<vmem>>, vector<1x16xi32>,
      %swap3A_647 = vector.shape_cast %swap3A_646 : vector<1x16xi32> to vector<16xi32>
      %swap3A_648 = vector.shape_cast %add3A_643 : vector<16xi32> to vector<1x16xi32>
      tpu.vector_store %arg7[%swap3A_644, %swap3A_645], %swap3A_648 {strides = array<i32>} : memref<40x128xi32, #tpu.memory_space<vmem>>, vector<1x16xi32>,
      %get3A_649 = arith.index_cast %add3A_617 : i32 to index
      %get3A_650 = arith.constant 48 : index
      %get3A_651 = tpu.vector_load %arg7[%get3A_649, %get3A_650] {strides = array<i32>} : memref<40x128xi32, #tpu.memory_space<vmem>>, vector<1x16xi32>,
      %get3A_652 = vector.shape_cast %get3A_651 : vector<1x16xi32> to vector<16xi32>
      %add3A_653 = vector.broadcast %mul3A_101 : i32 to vector<16xi32>
      %add3A_654 = arith.addi %get3A_652, %add3A_653 : vector<16xi32>
      %swap3A_655 = arith.index_cast %add3A_617 : i32 to index
      %swap3A_656 = arith.constant 48 : index
      %swap3A_657 = tpu.vector_load %arg7[%swap3A_655, %swap3A_656] {strides = array<i32>} : memref<40x128xi32, #tpu.memory_space<vmem>>, vector<1x16xi32>,
      %swap3A_658 = vector.shape_cast %swap3A_657 : vector<1x16xi32> to vector<16xi32>
      %swap3A_659 = vector.shape_cast %add3A_654 : vector<16xi32> to vector<1x16xi32>
      tpu.vector_store %arg7[%swap3A_655, %swap3A_656], %swap3A_659 {strides = array<i32>} : memref<40x128xi32, #tpu.memory_space<vmem>>, vector<1x16xi32>,
      %get3A_660 = arith.index_cast %add3A_617 : i32 to index
      %get3A_661 = arith.constant 64 : index
      %get3A_662 = tpu.vector_load %arg7[%get3A_660, %get3A_661] {strides = array<i32>} : memref<40x128xi32, #tpu.memory_space<vmem>>, vector<1x16xi32>,
      %get3A_663 = vector.shape_cast %get3A_662 : vector<1x16xi32> to vector<16xi32>
      %add3A_664 = vector.broadcast %mul3A_101 : i32 to vector<16xi32>
      %add3A_665 = arith.addi %get3A_663, %add3A_664 : vector<16xi32>
      %swap3A_666 = arith.index_cast %add3A_617 : i32 to index
      %swap3A_667 = arith.constant 64 : index
      %swap3A_668 = tpu.vector_load %arg7[%swap3A_666, %swap3A_667] {strides = array<i32>} : memref<40x128xi32, #tpu.memory_space<vmem>>, vector<1x16xi32>,
      %swap3A_669 = vector.shape_cast %swap3A_668 : vector<1x16xi32> to vector<16xi32>
      %swap3A_670 = vector.shape_cast %add3A_665 : vector<16xi32> to vector<1x16xi32>
      tpu.vector_store %arg7[%swap3A_666, %swap3A_667], %swap3A_670 {strides = array<i32>} : memref<40x128xi32, #tpu.memory_space<vmem>>, vector<1x16xi32>,
      %get3A_671 = arith.index_cast %add3A_617 : i32 to index
      %get3A_672 = arith.constant 80 : index
      %get3A_673 = tpu.vector_load %arg7[%get3A_671, %get3A_672] {strides = array<i32>} : memref<40x128xi32, #tpu.memory_space<vmem>>, vector<1x16xi32>,
      %get3A_674 = vector.shape_cast %get3A_673 : vector<1x16xi32> to vector<16xi32>
      %add3A_675 = vector.broadcast %mul3A_101 : i32 to vector<16xi32>
      %add3A_676 = arith.addi %get3A_674, %add3A_675 : vector<16xi32>
      %swap3A_677 = arith.index_cast %add3A_617 : i32 to index
      %swap3A_678 = arith.constant 80 : index
      %swap3A_679 = tpu.vector_load %arg7[%swap3A_677, %swap3A_678] {strides = array<i32>} : memref<40x128xi32, #tpu.memory_space<vmem>>, vector<1x16xi32>,
      %swap3A_680 = vector.shape_cast %swap3A_679 : vector<1x16xi32> to vector<16xi32>
      %swap3A_681 = vector.shape_cast %add3A_676 : vector<16xi32> to vector<1x16xi32>
      tpu.vector_store %arg7[%swap3A_677, %swap3A_678], %swap3A_681 {strides = array<i32>} : memref<40x128xi32, #tpu.memory_space<vmem>>, vector<1x16xi32>,
      %get3A_682 = arith.index_cast %add3A_617 : i32 to index
      %get3A_683 = arith.constant 96 : index
      %get3A_684 = tpu.vector_load %arg7[%get3A_682, %get3A_683] {strides = array<i32>} : memref<40x128xi32, #tpu.memory_space<vmem>>, vector<1x16xi32>,
      %get3A_685 = vector.shape_cast %get3A_684 : vector<1x16xi32> to vector<16xi32>
      %add3A_686 = vector.broadcast %mul3A_101 : i32 to vector<16xi32>
      %add3A_687 = arith.addi %get3A_685, %add3A_686 : vector<16xi32>
      %swap3A_688 = arith.index_cast %add3A_617 : i32 to index
      %swap3A_689 = arith.constant 96 : index
      %swap3A_690 = tpu.vector_load %arg7[%swap3A_688, %swap3A_689] {strides = array<i32>} : memref<40x128xi32, #tpu.memory_space<vmem>>, vector<1x16xi32>,
      %swap3A_691 = vector.shape_cast %swap3A_690 : vector<1x16xi32> to vector<16xi32>
      %swap3A_692 = vector.shape_cast %add3A_687 : vector<16xi32> to vector<1x16xi32>
      tpu.vector_store %arg7[%swap3A_688, %swap3A_689], %swap3A_692 {strides = array<i32>} : memref<40x128xi32, #tpu.memory_space<vmem>>, vector<1x16xi32>,
      %get3A_693 = arith.index_cast %add3A_617 : i32 to index
      %get3A_694 = arith.constant 112 : index
      %get3A_695 = tpu.vector_load %arg7[%get3A_693, %get3A_694] {strides = array<i32>} : memref<40x128xi32, #tpu.memory_space<vmem>>, vector<1x16xi32>,
      %get3A_696 = vector.shape_cast %get3A_695 : vector<1x16xi32> to vector<16xi32>
      %add3A_697 = vector.broadcast %mul3A_101 : i32 to vector<16xi32>
      %add3A_698 = arith.addi %get3A_696, %add3A_697 : vector<16xi32>
      %swap3A_699 = arith.index_cast %add3A_617 : i32 to index
      %swap3A_700 = arith.constant 112 : index
      %swap3A_701 = tpu.vector_load %arg7[%swap3A_699, %swap3A_700] {strides = array<i32>} : memref<40x128xi32, #tpu.memory_space<vmem>>, vector<1x16xi32>,
      %swap3A_702 = vector.shape_cast %swap3A_701 : vector<1x16xi32> to vector<16xi32>
      %swap3A_703 = vector.shape_cast %add3A_698 : vector<16xi32> to vector<1x16xi32>
      tpu.vector_store %arg7[%swap3A_699, %swap3A_700], %swap3A_703 {strides = array<i32>} : memref<40x128xi32, #tpu.memory_space<vmem>>, vector<1x16xi32>,
    }
    %scan3A_108 = arith.constant 40 : i32
    %dma_start3A = arith.constant 0 : i32
    %dma_start3A_109 = arith.constant 0 : i32
    %dma_start3A_110 = tpu.memref_slice %arg7[%dma_start3A, %dma_start3A_109] : memref<40x128xi32, #tpu.memory_space<vmem>> -> memref<1x128xi32, #tpu.memory_space<vmem>>
    %dma_start3A_111 = tpu.memref_squeeze %dma_start3A_110 : memref<1x128xi32, #tpu.memory_space<vmem>> -> memref<128xi32, #tpu.memory_space<vmem>>
    %dma_start3A_112 = arith.constant 0 : i32
    %dma_start3A_113 = arith.constant 0 : i32
    %dma_start3A_114 = tpu.memref_slice %arg2[%dma_start3A_112, %dma_start3A_113] : memref<60000x128xf32, #tpu.memory_space<hbm>> -> memref<60000x128xf32, #tpu.memory_space<hbm>>
    tpu.enqueue_indirect_dma source(%dma_start3A_114 : memref<60000x128xf32, #tpu.memory_space<hbm>>) target(%arg9 : memref<128x128xf32, #tpu.memory_space<vmem>>) offsets(%dma_start3A_111 : memref<128xi32, #tpu.memory_space<vmem>>) semaphore(%arg13 : memref<!tpu.dma_semaphore, #tpu.memory_space<semaphore_mem>>)
    %dma_start3A_115 = arith.constant 1 : i32
    %dma_start3A_116 = arith.constant 0 : i32
    %dma_start3A_117 = tpu.memref_slice %arg7[%dma_start3A_115, %dma_start3A_116] : memref<40x128xi32, #tpu.memory_space<vmem>> -> memref<1x128xi32, #tpu.memory_space<vmem>>
    %dma_start3A_118 = tpu.memref_squeeze %dma_start3A_117 : memref<1x128xi32, #tpu.memory_space<vmem>> -> memref<128xi32, #tpu.memory_space<vmem>>
    %dma_start3A_119 = arith.constant 0 : i32
    %dma_start3A_120 = arith.constant 0 : i32
    %dma_start3A_121 = tpu.memref_slice %arg2[%dma_start3A_119, %dma_start3A_120] : memref<60000x128xf32, #tpu.memory_space<hbm>> -> memref<60000x128xf32, #tpu.memory_space<hbm>>
    tpu.enqueue_indirect_dma source(%dma_start3A_121 : memref<60000x128xf32, #tpu.memory_space<hbm>>) target(%arg10 : memref<128x128xf32, #tpu.memory_space<vmem>>) offsets(%dma_start3A_118 : memref<128xi32, #tpu.memory_space<vmem>>) semaphore(%arg14 : memref<!tpu.dma_semaphore, #tpu.memory_space<semaphore_mem>>)
    %scan3A_122 = arith.constant 0 : i32
    %scan3A_123 = arith.constant 19 : i32
    %scan3A_124 = arith.addi %scan3A_122, %scan3A_123 : i32
    %scan3A_125 = arith.constant 1 : i32
    scf.for %scan3A_613 = %scan3A_122 to %scan3A_124 step %scan3A_125  : i32 {
      %mul3A_614 = arith.constant 2 : i32
      %mul3A_615 = arith.muli %scan3A_613, %mul3A_614 : i32
      %add3A_616 = arith.constant 0 : i32
      %add3A_617 = arith.addi %add3A_616, %mul3A_615 : i32
      %dma_wait3A_618 = arith.constant 0 : i32
      %dma_wait3A_619 = arith.constant 0 : i32
      %dma_wait3A_620 = tpu.memref_slice %arg7[%dma_wait3A_618, %dma_wait3A_619] : memref<40x128xi32, #tpu.memory_space<vmem>> -> memref<1x128xi32, #tpu.memory_space<vmem>>
      %dma_wait3A_621 = tpu.memref_squeeze %dma_wait3A_620 : memref<1x128xi32, #tpu.memory_space<vmem>> -> memref<128xi32, #tpu.memory_space<vmem>>
      %dma_wait3A_622 = arith.constant 0 : i32
      %dma_wait3A_623 = arith.constant 0 : i32
      %dma_wait3A_624 = tpu.memref_slice %arg2[%dma_wait3A_622, %dma_wait3A_623] : memref<60000x128xf32, #tpu.memory_space<hbm>> -> memref<60000x128xf32, #tpu.memory_space<hbm>>
      tpu.wait_indirect_dma semaphore(%arg13 : memref<!tpu.dma_semaphore, #tpu.memory_space<semaphore_mem>>) src(%dma_wait3A_624 : memref<60000x128xf32, #tpu.memory_space<hbm>>) dst(%arg9 : memref<128x128xf32, #tpu.memory_space<vmem>>)
      "tpu.region"() ({
        %run_scoped3A_650 = tpu.sem_alloc : memref<!tpu.dma_semaphore, #tpu.memory_space<semaphore_mem>>
        %dma_start3A_651 = arith.constant 0 : i32
        %dma_start3A_652 = tpu.memref_slice %arg8[%add3A_617, %dma_start3A_651] : memref<40x128xi32, #tpu.memory_space<vmem>> -> memref<1x128xi32, #tpu.memory_space<vmem>>
        %dma_start3A_653 = tpu.memref_squeeze %dma_start3A_652 : memref<1x128xi32, #tpu.memory_space<vmem>> -> memref<128xi32, #tpu.memory_space<vmem>>
        %dma_start3A_654 = arith.constant 0 : i32
        %dma_start3A_655 = arith.constant 0 : i32
        %dma_start3A_656 = tpu.memref_slice %arg12[%dma_start3A_654, %dma_start3A_655] : memref<10016x128xf32, #tpu.memory_space<vmem_shared>> -> memref<10016x128xf32, #tpu.memory_space<vmem_shared>>
        tpu.enqueue_indirect_dma source(%arg9 : memref<128x128xf32, #tpu.memory_space<vmem>>) target(%dma_start3A_656 : memref<10016x128xf32, #tpu.memory_space<vmem_shared>>) offsets(%dma_start3A_653 : memref<128xi32, #tpu.memory_space<vmem>>) semaphore(%run_scoped3A_650 : memref<!tpu.dma_semaphore, #tpu.memory_space<semaphore_mem>>) {add = true}
        %dma_wait3A_657 = arith.constant 0 : i32
        %dma_wait3A_658 = tpu.memref_slice %arg8[%add3A_617, %dma_wait3A_657] : memref<40x128xi32, #tpu.memory_space<vmem>> -> memref<1x128xi32, #tpu.memory_space<vmem>>
        %dma_wait3A_659 = tpu.memref_squeeze %dma_wait3A_658 : memref<1x128xi32, #tpu.memory_space<vmem>> -> memref<128xi32, #tpu.memory_space<vmem>>
        %dma_wait3A_660 = arith.constant 0 : i32
        %dma_wait3A_661 = arith.constant 0 : i32
        %dma_wait3A_662 = tpu.memref_slice %arg12[%dma_wait3A_660, %dma_wait3A_661] : memref<10016x128xf32, #tpu.memory_space<vmem_shared>> -> memref<10016x128xf32, #tpu.memory_space<vmem_shared>>
        tpu.wait_indirect_dma semaphore(%run_scoped3A_650 : memref<!tpu.dma_semaphore, #tpu.memory_space<semaphore_mem>>) src(%arg9 : memref<128x128xf32, #tpu.memory_space<vmem>>) dst(%dma_wait3A_662 : memref<10016x128xf32, #tpu.memory_space<vmem_shared>>)
        tpu.yield
      }) : () -> ()
      %add3A_625 = arith.constant 2 : i32
      %add3A_626 = arith.addi %add3A_617, %add3A_625 : i32
      %dma_start3A_627 = arith.constant 0 : i32
      %dma_start3A_628 = tpu.memref_slice %arg7[%add3A_626, %dma_start3A_627] : memref<40x128xi32, #tpu.memory_space<vmem>> -> memref<1x128xi32, #tpu.memory_space<vmem>>
      %dma_start3A_629 = tpu.memref_squeeze %dma_start3A_628 : memref<1x128xi32, #tpu.memory_space<vmem>> -> memref<128xi32, #tpu.memory_space<vmem>>
      %dma_start3A_630 = arith.constant 0 : i32
      %dma_start3A_631 = arith.constant 0 : i32
      %dma_start3A_632 = tpu.memref_slice %arg2[%dma_start3A_630, %dma_start3A_631] : memref<60000x128xf32, #tpu.memory_space<hbm>> -> memref<60000x128xf32, #tpu.memory_space<hbm>>
      tpu.enqueue_indirect_dma source(%dma_start3A_632 : memref<60000x128xf32, #tpu.memory_space<hbm>>) target(%arg9 : memref<128x128xf32, #tpu.memory_space<vmem>>) offsets(%dma_start3A_629 : memref<128xi32, #tpu.memory_space<vmem>>) semaphore(%arg13 : memref<!tpu.dma_semaphore, #tpu.memory_space<semaphore_mem>>)
      %dma_wait3A_633 = arith.constant 0 : i32
      %dma_wait3A_634 = arith.constant 0 : i32
      %dma_wait3A_635 = tpu.memref_slice %arg7[%dma_wait3A_633, %dma_wait3A_634] : memref<40x128xi32, #tpu.memory_space<vmem>> -> memref<1x128xi32, #tpu.memory_space<vmem>>
      %dma_wait3A_636 = tpu.memref_squeeze %dma_wait3A_635 : memref<1x128xi32, #tpu.memory_space<vmem>> -> memref<128xi32, #tpu.memory_space<vmem>>
      %dma_wait3A_637 = arith.constant 0 : i32
      %dma_wait3A_638 = arith.constant 0 : i32
      %dma_wait3A_639 = tpu.memref_slice %arg2[%dma_wait3A_637, %dma_wait3A_638] : memref<60000x128xf32, #tpu.memory_space<hbm>> -> memref<60000x128xf32, #tpu.memory_space<hbm>>
      tpu.wait_indirect_dma semaphore(%arg14 : memref<!tpu.dma_semaphore, #tpu.memory_space<semaphore_mem>>) src(%dma_wait3A_639 : memref<60000x128xf32, #tpu.memory_space<hbm>>) dst(%arg10 : memref<128x128xf32, #tpu.memory_space<vmem>>)
      %add3A_640 = arith.constant 1 : i32
      %add3A_641 = arith.addi %add3A_617, %add3A_640 : i32
      "tpu.region"() ({
        %run_scoped3A_650 = tpu.sem_alloc : memref<!tpu.dma_semaphore, #tpu.memory_space<semaphore_mem>>
        %dma_start3A_651 = arith.constant 0 : i32
        %dma_start3A_652 = tpu.memref_slice %arg8[%add3A_641, %dma_start3A_651] : memref<40x128xi32, #tpu.memory_space<vmem>> -> memref<1x128xi32, #tpu.memory_space<vmem>>
        %dma_start3A_653 = tpu.memref_squeeze %dma_start3A_652 : memref<1x128xi32, #tpu.memory_space<vmem>> -> memref<128xi32, #tpu.memory_space<vmem>>
        %dma_start3A_654 = arith.constant 0 : i32
        %dma_start3A_655 = arith.constant 0 : i32
        %dma_start3A_656 = tpu.memref_slice %arg12[%dma_start3A_654, %dma_start3A_655] : memref<10016x128xf32, #tpu.memory_space<vmem_shared>> -> memref<10016x128xf32, #tpu.memory_space<vmem_shared>>
        tpu.enqueue_indirect_dma source(%arg10 : memref<128x128xf32, #tpu.memory_space<vmem>>) target(%dma_start3A_656 : memref<10016x128xf32, #tpu.memory_space<vmem_shared>>) offsets(%dma_start3A_653 : memref<128xi32, #tpu.memory_space<vmem>>) semaphore(%run_scoped3A_650 : memref<!tpu.dma_semaphore, #tpu.memory_space<semaphore_mem>>) {add = true}
        %dma_wait3A_657 = arith.constant 0 : i32
        %dma_wait3A_658 = tpu.memref_slice %arg8[%add3A_641, %dma_wait3A_657] : memref<40x128xi32, #tpu.memory_space<vmem>> -> memref<1x128xi32, #tpu.memory_space<vmem>>
        %dma_wait3A_659 = tpu.memref_squeeze %dma_wait3A_658 : memref<1x128xi32, #tpu.memory_space<vmem>> -> memref<128xi32, #tpu.memory_space<vmem>>
        %dma_wait3A_660 = arith.constant 0 : i32
        %dma_wait3A_661 = arith.constant 0 : i32
        %dma_wait3A_662 = tpu.memref_slice %arg12[%dma_wait3A_660, %dma_wait3A_661] : memref<10016x128xf32, #tpu.memory_space<vmem_shared>> -> memref<10016x128xf32, #tpu.memory_space<vmem_shared>>
        tpu.wait_indirect_dma semaphore(%run_scoped3A_650 : memref<!tpu.dma_semaphore, #tpu.memory_space<semaphore_mem>>) src(%arg10 : memref<128x128xf32, #tpu.memory_space<vmem>>) dst(%dma_wait3A_662 : memref<10016x128xf32, #tpu.memory_space<vmem_shared>>)
        tpu.yield
      }) : () -> ()
      %add3A_642 = arith.constant 3 : i32
      %add3A_643 = arith.addi %add3A_617, %add3A_642 : i32
      %dma_start3A_644 = arith.constant 0 : i32
      %dma_start3A_645 = tpu.memref_slice %arg7[%add3A_643, %dma_start3A_644] : memref<40x128xi32, #tpu.memory_space<vmem>> -> memref<1x128xi32, #tpu.memory_space<vmem>>
      %dma_start3A_646 = tpu.memref_squeeze %dma_start3A_645 : memref<1x128xi32, #tpu.memory_space<vmem>> -> memref<128xi32, #tpu.memory_space<vmem>>
      %dma_start3A_647 = arith.constant 0 : i32
      %dma_start3A_648 = arith.constant 0 : i32
      %dma_start3A_649 = tpu.memref_slice %arg2[%dma_start3A_647, %dma_start3A_648] : memref<60000x128xf32, #tpu.memory_space<hbm>> -> memref<60000x128xf32, #tpu.memory_space<hbm>>
      tpu.enqueue_indirect_dma source(%dma_start3A_649 : memref<60000x128xf32, #tpu.memory_space<hbm>>) target(%arg10 : memref<128x128xf32, #tpu.memory_space<vmem>>) offsets(%dma_start3A_646 : memref<128xi32, #tpu.memory_space<vmem>>) semaphore(%arg14 : memref<!tpu.dma_semaphore, #tpu.memory_space<semaphore_mem>>)
    }
    %scan3A_126 = arith.constant 19 : i32
    %dma_wait3A = arith.constant 0 : i32
    %dma_wait3A_127 = arith.constant 0 : i32
    %dma_wait3A_128 = tpu.memref_slice %arg7[%dma_wait3A, %dma_wait3A_127] : memref<40x128xi32, #tpu.memory_space<vmem>> -> memref<1x128xi32, #tpu.memory_space<vmem>>
    %dma_wait3A_129 = tpu.memref_squeeze %dma_wait3A_128 : memref<1x128xi32, #tpu.memory_space<vmem>> -> memref<128xi32, #tpu.memory_space<vmem>>
    %dma_wait3A_130 = arith.constant 0 : i32
    %dma_wait3A_131 = arith.constant 0 : i32
    %dma_wait3A_132 = tpu.memref_slice %arg2[%dma_wait3A_130, %dma_wait3A_131] : memref<60000x128xf32, #tpu.memory_space<hbm>> -> memref<60000x128xf32, #tpu.memory_space<hbm>>
    tpu.wait_indirect_dma semaphore(%arg13 : memref<!tpu.dma_semaphore, #tpu.memory_space<semaphore_mem>>) src(%dma_wait3A_132 : memref<60000x128xf32, #tpu.memory_space<hbm>>) dst(%arg9 : memref<128x128xf32, #tpu.memory_space<vmem>>)
    %run_scoped3A_133 = arith.constant 38 : i32
    "tpu.region"() ({
      %run_scoped3A_613 = tpu.sem_alloc : memref<!tpu.dma_semaphore, #tpu.memory_space<semaphore_mem>>
      %dma_start3A_614 = arith.constant 0 : i32
      %dma_start3A_615 = tpu.memref_slice %arg8[%run_scoped3A_133, %dma_start3A_614] : memref<40x128xi32, #tpu.memory_space<vmem>> -> memref<1x128xi32, #tpu.memory_space<vmem>>
      %dma_start3A_616 = tpu.memref_squeeze %dma_start3A_615 : memref<1x128xi32, #tpu.memory_space<vmem>> -> memref<128xi32, #tpu.memory_space<vmem>>
      %dma_start3A_617 = arith.constant 0 : i32
      %dma_start3A_618 = arith.constant 0 : i32
      %dma_start3A_619 = tpu.memref_slice %arg12[%dma_start3A_617, %dma_start3A_618] : memref<10016x128xf32, #tpu.memory_space<vmem_shared>> -> memref<10016x128xf32, #tpu.memory_space<vmem_shared>>
      tpu.enqueue_indirect_dma source(%arg9 : memref<128x128xf32, #tpu.memory_space<vmem>>) target(%dma_start3A_619 : memref<10016x128xf32, #tpu.memory_space<vmem_shared>>) offsets(%dma_start3A_616 : memref<128xi32, #tpu.memory_space<vmem>>) semaphore(%run_scoped3A_613 : memref<!tpu.dma_semaphore, #tpu.memory_space<semaphore_mem>>) {add = true}
      %dma_wait3A_620 = arith.constant 0 : i32
      %dma_wait3A_621 = tpu.memref_slice %arg8[%run_scoped3A_133, %dma_wait3A_620] : memref<40x128xi32, #tpu.memory_space<vmem>> -> memref<1x128xi32, #tpu.memory_space<vmem>>
      %dma_wait3A_622 = tpu.memref_squeeze %dma_wait3A_621 : memref<1x128xi32, #tpu.memory_space<vmem>> -> memref<128xi32, #tpu.memory_space<vmem>>
      %dma_wait3A_623 = arith.constant 0 : i32
      %dma_wait3A_624 = arith.constant 0 : i32
      %dma_wait3A_625 = tpu.memref_slice %arg12[%dma_wait3A_623, %dma_wait3A_624] : memref<10016x128xf32, #tpu.memory_space<vmem_shared>> -> memref<10016x128xf32, #tpu.memory_space<vmem_shared>>
      tpu.wait_indirect_dma semaphore(%run_scoped3A_613 : memref<!tpu.dma_semaphore, #tpu.memory_space<semaphore_mem>>) src(%arg9 : memref<128x128xf32, #tpu.memory_space<vmem>>) dst(%dma_wait3A_625 : memref<10016x128xf32, #tpu.memory_space<vmem_shared>>)
      tpu.yield
    }) : () -> ()
    %dma_wait3A_134 = arith.constant 0 : i32
    %dma_wait3A_135 = arith.constant 0 : i32
    %dma_wait3A_136 = tpu.memref_slice %arg7[%dma_wait3A_134, %dma_wait3A_135] : memref<40x128xi32, #tpu.memory_space<vmem>> -> memref<1x128xi32, #tpu.memory_space<vmem>>
    %dma_wait3A_137 = tpu.memref_squeeze %dma_wait3A_136 : memref<1x128xi32, #tpu.memory_space<vmem>> -> memref<128xi32, #tpu.memory_space<vmem>>
    %dma_wait3A_138 = arith.constant 0 : i32
    %dma_wait3A_139 = arith.constant 0 : i32
    %dma_wait3A_140 = tpu.memref_slice %arg2[%dma_wait3A_138, %dma_wait3A_139] : memref<60000x128xf32, #tpu.memory_space<hbm>> -> memref<60000x128xf32, #tpu.memory_space<hbm>>
    tpu.wait_indirect_dma semaphore(%arg14 : memref<!tpu.dma_semaphore, #tpu.memory_space<semaphore_mem>>) src(%dma_wait3A_140 : memref<60000x128xf32, #tpu.memory_space<hbm>>) dst(%arg10 : memref<128x128xf32, #tpu.memory_space<vmem>>)
    %run_scoped3A_141 = arith.constant 39 : i32
    "tpu.region"() ({
      %run_scoped3A_613 = tpu.sem_alloc : memref<!tpu.dma_semaphore, #tpu.memory_space<semaphore_mem>>
      %dma_start3A_614 = arith.constant 0 : i32
      %dma_start3A_615 = tpu.memref_slice %arg8[%run_scoped3A_141, %dma_start3A_614] : memref<40x128xi32, #tpu.memory_space<vmem>> -> memref<1x128xi32, #tpu.memory_space<vmem>>
      %dma_start3A_616 = tpu.memref_squeeze %dma_start3A_615 : memref<1x128xi32, #tpu.memory_space<vmem>> -> memref<128xi32, #tpu.memory_space<vmem>>
      %dma_start3A_617 = arith.constant 0 : i32
      %dma_start3A_618 = arith.constant 0 : i32
      %dma_start3A_619 = tpu.memref_slice %arg12[%dma_start3A_617, %dma_start3A_618] : memref<10016x128xf32, #tpu.memory_space<vmem_shared>> -> memref<10016x128xf32, #tpu.memory_space<vmem_shared>>
      tpu.enqueue_indirect_dma source(%arg10 : memref<128x128xf32, #tpu.memory_space<vmem>>) target(%dma_start3A_619 : memref<10016x128xf32, #tpu.memory_space<vmem_shared>>) offsets(%dma_start3A_616 : memref<128xi32, #tpu.memory_space<vmem>>) semaphore(%run_scoped3A_613 : memref<!tpu.dma_semaphore, #tpu.memory_space<semaphore_mem>>) {add = true}
      %dma_wait3A_620 = arith.constant 0 : i32
      %dma_wait3A_621 = tpu.memref_slice %arg8[%run_scoped3A_141, %dma_wait3A_620] : memref<40x128xi32, #tpu.memory_space<vmem>> -> memref<1x128xi32, #tpu.memory_space<vmem>>
      %dma_wait3A_622 = tpu.memref_squeeze %dma_wait3A_621 : memref<1x128xi32, #tpu.memory_space<vmem>> -> memref<128xi32, #tpu.memory_space<vmem>>
      %dma_wait3A_623 = arith.constant 0 : i32
      %dma_wait3A_624 = arith.constant 0 : i32
      %dma_wait3A_625 = tpu.memref_slice %arg12[%dma_wait3A_623, %dma_wait3A_624] : memref<10016x128xf32, #tpu.memory_space<vmem_shared>> -> memref<10016x128xf32, #tpu.memory_space<vmem_shared>>
      tpu.wait_indirect_dma semaphore(%run_scoped3A_613 : memref<!tpu.dma_semaphore, #tpu.memory_space<semaphore_mem>>) src(%arg10 : memref<128x128xf32, #tpu.memory_space<vmem>>) dst(%dma_wait3A_625 : memref<10016x128xf32, #tpu.memory_space<vmem_shared>>)
      tpu.yield
    }) : () -> ()
    %run_scoped3A_142 = arith.constant 0 : i32
    %run_scoped3A_143 = arith.constant 1 : i32
    "tpu.region"() ({
      %run_scoped3A_613 = tpu.sem_alloc : memref<!tpu.dma_semaphore, #tpu.memory_space<semaphore_mem>>
      %dma_start3A_614 = arith.constant 0 : i32
      %dma_start3A_615 = arith.constant 0 : i32
      %dma_start3A_616 = tpu.memref_slice %arg3[%run_scoped3A_142, %arg1, %run_scoped3A_143, %dma_start3A_614, %dma_start3A_615] : memref<3x16x2x40x128xi32, #tpu.memory_space<hbm>> -> memref<1x1x1x40x128xi32, #tpu.memory_space<hbm>>
      %dma_start3A_617 = tpu.memref_squeeze %dma_start3A_616 : memref<1x1x1x40x128xi32, #tpu.memory_space<hbm>> -> memref<40x128xi32, #tpu.memory_space<hbm>>
      %dma_start3A_618 = arith.constant 0 : i32
      %dma_start3A_619 = arith.constant 0 : i32
      %dma_start3A_620 = tpu.memref_slice %arg3[%run_scoped3A_142, %arg1, %run_scoped3A_143, %dma_start3A_618, %dma_start3A_619] : memref<3x16x2x40x128xi32, #tpu.memory_space<hbm>> -> memref<1x1x1x40x128xi32, #tpu.memory_space<hbm>>
      %dma_start3A_621 = tpu.memref_squeeze %dma_start3A_620 : memref<1x1x1x40x128xi32, #tpu.memory_space<hbm>> -> memref<40x128xi32, #tpu.memory_space<hbm>>
      tpu.enqueue_dma source(%dma_start3A_621 : memref<40x128xi32, #tpu.memory_space<hbm>>) target(%arg7 : memref<40x128xi32, #tpu.memory_space<vmem>>) target_semaphore(%run_scoped3A_613 : memref<!tpu.dma_semaphore, #tpu.memory_space<semaphore_mem>>)
      %dma_wait3A_622 = arith.constant 0 : i32
      %dma_wait3A_623 = arith.constant 0 : i32
      %dma_wait3A_624 = tpu.memref_slice %arg3[%run_scoped3A_142, %arg1, %run_scoped3A_143, %dma_wait3A_622, %dma_wait3A_623] : memref<3x16x2x40x128xi32, #tpu.memory_space<hbm>> -> memref<1x1x1x40x128xi32, #tpu.memory_space<hbm>>
      %dma_wait3A_625 = tpu.memref_squeeze %dma_wait3A_624 : memref<1x1x1x40x128xi32, #tpu.memory_space<hbm>> -> memref<40x128xi32, #tpu.memory_space<hbm>>
      %dma_wait3A_626 = arith.constant 0 : i32
      %dma_wait3A_627 = arith.constant 0 : i32
      %dma_wait3A_628 = tpu.memref_slice %arg3[%run_scoped3A_142, %arg1, %run_scoped3A_143, %dma_wait3A_626, %dma_wait3A_627] : memref<3x16x2x40x128xi32, #tpu.memory_space<hbm>> -> memref<1x1x1x40x128xi32, #tpu.memory_space<hbm>>
      %dma_wait3A_629 = tpu.memref_squeeze %dma_wait3A_628 : memref<1x1x1x40x128xi32, #tpu.memory_space<hbm>> -> memref<40x128xi32, #tpu.memory_space<hbm>>
      tpu.wait_dma2 semaphore(%run_scoped3A_613 : memref<!tpu.dma_semaphore, #tpu.memory_space<semaphore_mem>>) src(%dma_wait3A_629 : memref<40x128xi32, #tpu.memory_space<hbm>>) dst(%arg7 : memref<40x128xi32, #tpu.memory_space<vmem>>)
      tpu.yield
    }) : () -> ()
    %run_scoped3A_144 = arith.constant 0 : i32
    %run_scoped3A_145 = arith.constant 1 : i32
    "tpu.region"() ({
      %run_scoped3A_613 = tpu.sem_alloc : memref<!tpu.dma_semaphore, #tpu.memory_space<semaphore_mem>>
      %dma_start3A_614 = arith.constant 0 : i32
      %dma_start3A_615 = arith.constant 0 : i32
      %dma_start3A_616 = tpu.memref_slice %arg4[%run_scoped3A_144, %arg1, %run_scoped3A_145, %dma_start3A_614, %dma_start3A_615] : memref<3x16x2x40x128xi32, #tpu.memory_space<hbm>> -> memref<1x1x1x40x128xi32, #tpu.memory_space<hbm>>
      %dma_start3A_617 = tpu.memref_squeeze %dma_start3A_616 : memref<1x1x1x40x128xi32, #tpu.memory_space<hbm>> -> memref<40x128xi32, #tpu.memory_space<hbm>>
      %dma_start3A_618 = arith.constant 0 : i32
      %dma_start3A_619 = arith.constant 0 : i32
      %dma_start3A_620 = tpu.memref_slice %arg4[%run_scoped3A_144, %arg1, %run_scoped3A_145, %dma_start3A_618, %dma_start3A_619] : memref<3x16x2x40x128xi32, #tpu.memory_space<hbm>> -> memref<1x1x1x40x128xi32, #tpu.memory_space<hbm>>
      %dma_start3A_621 = tpu.memref_squeeze %dma_start3A_620 : memref<1x1x1x40x128xi32, #tpu.memory_space<hbm>> -> memref<40x128xi32, #tpu.memory_space<hbm>>
      tpu.enqueue_dma source(%dma_start3A_621 : memref<40x128xi32, #tpu.memory_space<hbm>>) target(%arg8 : memref<40x128xi32, #tpu.memory_space<vmem>>) target_semaphore(%run_scoped3A_613 : memref<!tpu.dma_semaphore, #tpu.memory_space<semaphore_mem>>)
      %dma_wait3A_622 = arith.constant 0 : i32
      %dma_wait3A_623 = arith.constant 0 : i32
      %dma_wait3A_624 = tpu.memref_slice %arg4[%run_scoped3A_144, %arg1, %run_scoped3A_145, %dma_wait3A_622, %dma_wait3A_623] : memref<3x16x2x40x128xi32, #tpu.memory_space<hbm>> -> memref<1x1x1x40x128xi32, #tpu.memory_space<hbm>>
      %dma_wait3A_625 = tpu.memref_squeeze %dma_wait3A_624 : memref<1x1x1x40x128xi32, #tpu.memory_space<hbm>> -> memref<40x128xi32, #tpu.memory_space<hbm>>
      %dma_wait3A_626 = arith.constant 0 : i32
      %dma_wait3A_627 = arith.constant 0 : i32
      %dma_wait3A_628 = tpu.memref_slice %arg4[%run_scoped3A_144, %arg1, %run_scoped3A_145, %dma_wait3A_626, %dma_wait3A_627] : memref<3x16x2x40x128xi32, #tpu.memory_space<hbm>> -> memref<1x1x1x40x128xi32, #tpu.memory_space<hbm>>
      %dma_wait3A_629 = tpu.memref_squeeze %dma_wait3A_628 : memref<1x1x1x40x128xi32, #tpu.memory_space<hbm>> -> memref<40x128xi32, #tpu.memory_space<hbm>>
      tpu.wait_dma2 semaphore(%run_scoped3A_613 : memref<!tpu.dma_semaphore, #tpu.memory_space<semaphore_mem>>) src(%dma_wait3A_629 : memref<40x128xi32, #tpu.memory_space<hbm>>) dst(%arg8 : memref<40x128xi32, #tpu.memory_space<vmem>>)
      tpu.yield
    }) : () -> ()
    %scan3A_146 = arith.constant 0 : i32
    %scan3A_147 = arith.constant 40 : i32
    %scan3A_148 = arith.addi %scan3A_146, %scan3A_147 : i32
    %scan3A_149 = arith.constant 1 : i32
    scf.for %scan3A_613 = %scan3A_146 to %scan3A_148 step %scan3A_149  : i32 {
      %mul3A_614 = arith.constant 1 : i32
      %mul3A_615 = arith.muli %scan3A_613, %mul3A_614 : i32
      %add3A_616 = arith.constant 0 : i32
      %add3A_617 = arith.addi %add3A_616, %mul3A_615 : i32
      %get3A = arith.index_cast %add3A_617 : i32 to index
      %get3A_618 = arith.constant 0 : index
      %get3A_619 = tpu.vector_load %arg7[%get3A, %get3A_618] {strides = array<i32>} : memref<40x128xi32, #tpu.memory_space<vmem>>, vector<1x16xi32>,
      %get3A_620 = vector.shape_cast %get3A_619 : vector<1x16xi32> to vector<16xi32>
      %add3A_621 = vector.broadcast %mul3A_101 : i32 to vector<16xi32>
      %add3A_622 = arith.addi %get3A_620, %add3A_621 : vector<16xi32>
      %swap3A = arith.index_cast %add3A_617 : i32 to index
      %swap3A_623 = arith.constant 0 : index
      %swap3A_624 = tpu.vector_load %arg7[%swap3A, %swap3A_623] {strides = array<i32>} : memref<40x128xi32, #tpu.memory_space<vmem>>, vector<1x16xi32>,
      %swap3A_625 = vector.shape_cast %swap3A_624 : vector<1x16xi32> to vector<16xi32>
      %swap3A_626 = vector.shape_cast %add3A_622 : vector<16xi32> to vector<1x16xi32>
      tpu.vector_store %arg7[%swap3A, %swap3A_623], %swap3A_626 {strides = array<i32>} : memref<40x128xi32, #tpu.memory_space<vmem>>, vector<1x16xi32>,
      %get3A_627 = arith.index_cast %add3A_617 : i32 to index
      %get3A_628 = arith.constant 16 : index
      %get3A_629 = tpu.vector_load %arg7[%get3A_627, %get3A_628] {strides = array<i32>} : memref<40x128xi32, #tpu.memory_space<vmem>>, vector<1x16xi32>,
      %get3A_630 = vector.shape_cast %get3A_629 : vector<1x16xi32> to vector<16xi32>
      %add3A_631 = vector.broadcast %mul3A_101 : i32 to vector<16xi32>
      %add3A_632 = arith.addi %get3A_630, %add3A_631 : vector<16xi32>
      %swap3A_633 = arith.index_cast %add3A_617 : i32 to index
      %swap3A_634 = arith.constant 16 : index
      %swap3A_635 = tpu.vector_load %arg7[%swap3A_633, %swap3A_634] {strides = array<i32>} : memref<40x128xi32, #tpu.memory_space<vmem>>, vector<1x16xi32>,
      %swap3A_636 = vector.shape_cast %swap3A_635 : vector<1x16xi32> to vector<16xi32>
      %swap3A_637 = vector.shape_cast %add3A_632 : vector<16xi32> to vector<1x16xi32>
      tpu.vector_store %arg7[%swap3A_633, %swap3A_634], %swap3A_637 {strides = array<i32>} : memref<40x128xi32, #tpu.memory_space<vmem>>, vector<1x16xi32>,
      %get3A_638 = arith.index_cast %add3A_617 : i32 to index
      %get3A_639 = arith.constant 32 : index
      %get3A_640 = tpu.vector_load %arg7[%get3A_638, %get3A_639] {strides = array<i32>} : memref<40x128xi32, #tpu.memory_space<vmem>>, vector<1x16xi32>,
      %get3A_641 = vector.shape_cast %get3A_640 : vector<1x16xi32> to vector<16xi32>
      %add3A_642 = vector.broadcast %mul3A_101 : i32 to vector<16xi32>
      %add3A_643 = arith.addi %get3A_641, %add3A_642 : vector<16xi32>
      %swap3A_644 = arith.index_cast %add3A_617 : i32 to index
      %swap3A_645 = arith.constant 32 : index
      %swap3A_646 = tpu.vector_load %arg7[%swap3A_644, %swap3A_645] {strides = array<i32>} : memref<40x128xi32, #tpu.memory_space<vmem>>, vector<1x16xi32>,
      %swap3A_647 = vector.shape_cast %swap3A_646 : vector<1x16xi32> to vector<16xi32>
      %swap3A_648 = vector.shape_cast %add3A_643 : vector<16xi32> to vector<1x16xi32>
      tpu.vector_store %arg7[%swap3A_644, %swap3A_645], %swap3A_648 {strides = array<i32>} : memref<40x128xi32, #tpu.memory_space<vmem>>, vector<1x16xi32>,
      %get3A_649 = arith.index_cast %add3A_617 : i32 to index
      %get3A_650 = arith.constant 48 : index
      %get3A_651 = tpu.vector_load %arg7[%get3A_649, %get3A_650] {strides = array<i32>} : memref<40x128xi32, #tpu.memory_space<vmem>>, vector<1x16xi32>,
      %get3A_652 = vector.shape_cast %get3A_651 : vector<1x16xi32> to vector<16xi32>
      %add3A_653 = vector.broadcast %mul3A_101 : i32 to vector<16xi32>
      %add3A_654 = arith.addi %get3A_652, %add3A_653 : vector<16xi32>
      %swap3A_655 = arith.index_cast %add3A_617 : i32 to index
      %swap3A_656 = arith.constant 48 : index
      %swap3A_657 = tpu.vector_load %arg7[%swap3A_655, %swap3A_656] {strides = array<i32>} : memref<40x128xi32, #tpu.memory_space<vmem>>, vector<1x16xi32>,
      %swap3A_658 = vector.shape_cast %swap3A_657 : vector<1x16xi32> to vector<16xi32>
      %swap3A_659 = vector.shape_cast %add3A_654 : vector<16xi32> to vector<1x16xi32>
      tpu.vector_store %arg7[%swap3A_655, %swap3A_656], %swap3A_659 {strides = array<i32>} : memref<40x128xi32, #tpu.memory_space<vmem>>, vector<1x16xi32>,
      %get3A_660 = arith.index_cast %add3A_617 : i32 to index
      %get3A_661 = arith.constant 64 : index
      %get3A_662 = tpu.vector_load %arg7[%get3A_660, %get3A_661] {strides = array<i32>} : memref<40x128xi32, #tpu.memory_space<vmem>>, vector<1x16xi32>,
      %get3A_663 = vector.shape_cast %get3A_662 : vector<1x16xi32> to vector<16xi32>
      %add3A_664 = vector.broadcast %mul3A_101 : i32 to vector<16xi32>
      %add3A_665 = arith.addi %get3A_663, %add3A_664 : vector<16xi32>
      %swap3A_666 = arith.index_cast %add3A_617 : i32 to index
      %swap3A_667 = arith.constant 64 : index
      %swap3A_668 = tpu.vector_load %arg7[%swap3A_666, %swap3A_667] {strides = array<i32>} : memref<40x128xi32, #tpu.memory_space<vmem>>, vector<1x16xi32>,
      %swap3A_669 = vector.shape_cast %swap3A_668 : vector<1x16xi32> to vector<16xi32>
      %swap3A_670 = vector.shape_cast %add3A_665 : vector<16xi32> to vector<1x16xi32>
      tpu.vector_store %arg7[%swap3A_666, %swap3A_667], %swap3A_670 {strides = array<i32>} : memref<40x128xi32, #tpu.memory_space<vmem>>, vector<1x16xi32>,
      %get3A_671 = arith.index_cast %add3A_617 : i32 to index
      %get3A_672 = arith.constant 80 : index
      %get3A_673 = tpu.vector_load %arg7[%get3A_671, %get3A_672] {strides = array<i32>} : memref<40x128xi32, #tpu.memory_space<vmem>>, vector<1x16xi32>,
      %get3A_674 = vector.shape_cast %get3A_673 : vector<1x16xi32> to vector<16xi32>
      %add3A_675 = vector.broadcast %mul3A_101 : i32 to vector<16xi32>
      %add3A_676 = arith.addi %get3A_674, %add3A_675 : vector<16xi32>
      %swap3A_677 = arith.index_cast %add3A_617 : i32 to index
      %swap3A_678 = arith.constant 80 : index
      %swap3A_679 = tpu.vector_load %arg7[%swap3A_677, %swap3A_678] {strides = array<i32>} : memref<40x128xi32, #tpu.memory_space<vmem>>, vector<1x16xi32>,
      %swap3A_680 = vector.shape_cast %swap3A_679 : vector<1x16xi32> to vector<16xi32>
      %swap3A_681 = vector.shape_cast %add3A_676 : vector<16xi32> to vector<1x16xi32>
      tpu.vector_store %arg7[%swap3A_677, %swap3A_678], %swap3A_681 {strides = array<i32>} : memref<40x128xi32, #tpu.memory_space<vmem>>, vector<1x16xi32>,
      %get3A_682 = arith.index_cast %add3A_617 : i32 to index
      %get3A_683 = arith.constant 96 : index
      %get3A_684 = tpu.vector_load %arg7[%get3A_682, %get3A_683] {strides = array<i32>} : memref<40x128xi32, #tpu.memory_space<vmem>>, vector<1x16xi32>,
      %get3A_685 = vector.shape_cast %get3A_684 : vector<1x16xi32> to vector<16xi32>
      %add3A_686 = vector.broadcast %mul3A_101 : i32 to vector<16xi32>
      %add3A_687 = arith.addi %get3A_685, %add3A_686 : vector<16xi32>
      %swap3A_688 = arith.index_cast %add3A_617 : i32 to index
      %swap3A_689 = arith.constant 96 : index
      %swap3A_690 = tpu.vector_load %arg7[%swap3A_688, %swap3A_689] {strides = array<i32>} : memref<40x128xi32, #tpu.memory_space<vmem>>, vector<1x16xi32>,
      %swap3A_691 = vector.shape_cast %swap3A_690 : vector<1x16xi32> to vector<16xi32>
      %swap3A_692 = vector.shape_cast %add3A_687 : vector<16xi32> to vector<1x16xi32>
      tpu.vector_store %arg7[%swap3A_688, %swap3A_689], %swap3A_692 {strides = array<i32>} : memref<40x128xi32, #tpu.memory_space<vmem>>, vector<1x16xi32>,
      %get3A_693 = arith.index_cast %add3A_617 : i32 to index
      %get3A_694 = arith.constant 112 : index
      %get3A_695 = tpu.vector_load %arg7[%get3A_693, %get3A_694] {strides = array<i32>} : memref<40x128xi32, #tpu.memory_space<vmem>>, vector<1x16xi32>,
      %get3A_696 = vector.shape_cast %get3A_695 : vector<1x16xi32> to vector<16xi32>
      %add3A_697 = vector.broadcast %mul3A_101 : i32 to vector<16xi32>
      %add3A_698 = arith.addi %get3A_696, %add3A_697 : vector<16xi32>
      %swap3A_699 = arith.index_cast %add3A_617 : i32 to index
      %swap3A_700 = arith.constant 112 : index
      %swap3A_701 = tpu.vector_load %arg7[%swap3A_699, %swap3A_700] {strides = array<i32>} : memref<40x128xi32, #tpu.memory_space<vmem>>, vector<1x16xi32>,
      %swap3A_702 = vector.shape_cast %swap3A_701 : vector<1x16xi32> to vector<16xi32>
      %swap3A_703 = vector.shape_cast %add3A_698 : vector<16xi32> to vector<1x16xi32>
      tpu.vector_store %arg7[%swap3A_699, %swap3A_700], %swap3A_703 {strides = array<i32>} : memref<40x128xi32, #tpu.memory_space<vmem>>, vector<1x16xi32>,
    }
    %scan3A_150 = arith.constant 40 : i32
    %dma_start3A_151 = arith.constant 0 : i32
    %dma_start3A_152 = arith.constant 0 : i32
    %dma_start3A_153 = tpu.memref_slice %arg7[%dma_start3A_151, %dma_start3A_152] : memref<40x128xi32, #tpu.memory_space<vmem>> -> memref<1x128xi32, #tpu.memory_space<vmem>>
    %dma_start3A_154 = tpu.memref_squeeze %dma_start3A_153 : memref<1x128xi32, #tpu.memory_space<vmem>> -> memref<128xi32, #tpu.memory_space<vmem>>
    %dma_start3A_155 = arith.constant 0 : i32
    %dma_start3A_156 = arith.constant 0 : i32
    %dma_start3A_157 = tpu.memref_slice %arg2[%dma_start3A_155, %dma_start3A_156] : memref<60000x128xf32, #tpu.memory_space<hbm>> -> memref<60000x128xf32, #tpu.memory_space<hbm>>
    tpu.enqueue_indirect_dma source(%dma_start3A_157 : memref<60000x128xf32, #tpu.memory_space<hbm>>) target(%arg9 : memref<128x128xf32, #tpu.memory_space<vmem>>) offsets(%dma_start3A_154 : memref<128xi32, #tpu.memory_space<vmem>>) semaphore(%arg13 : memref<!tpu.dma_semaphore, #tpu.memory_space<semaphore_mem>>)
    %dma_start3A_158 = arith.constant 1 : i32
    %dma_start3A_159 = arith.constant 0 : i32
    %dma_start3A_160 = tpu.memref_slice %arg7[%dma_start3A_158, %dma_start3A_159] : memref<40x128xi32, #tpu.memory_space<vmem>> -> memref<1x128xi32, #tpu.memory_space<vmem>>
    %dma_start3A_161 = tpu.memref_squeeze %dma_start3A_160 : memref<1x128xi32, #tpu.memory_space<vmem>> -> memref<128xi32, #tpu.memory_space<vmem>>
    %dma_start3A_162 = arith.constant 0 : i32
    %dma_start3A_163 = arith.constant 0 : i32
    %dma_start3A_164 = tpu.memref_slice %arg2[%dma_start3A_162, %dma_start3A_163] : memref<60000x128xf32, #tpu.memory_space<hbm>> -> memref<60000x128xf32, #tpu.memory_space<hbm>>
    tpu.enqueue_indirect_dma source(%dma_start3A_164 : memref<60000x128xf32, #tpu.memory_space<hbm>>) target(%arg10 : memref<128x128xf32, #tpu.memory_space<vmem>>) offsets(%dma_start3A_161 : memref<128xi32, #tpu.memory_space<vmem>>) semaphore(%arg14 : memref<!tpu.dma_semaphore, #tpu.memory_space<semaphore_mem>>)
    %scan3A_165 = arith.constant 0 : i32
    %scan3A_166 = arith.constant 19 : i32
    %scan3A_167 = arith.addi %scan3A_165, %scan3A_166 : i32
    %scan3A_168 = arith.constant 1 : i32
    scf.for %scan3A_613 = %scan3A_165 to %scan3A_167 step %scan3A_168  : i32 {
      %mul3A_614 = arith.constant 2 : i32
      %mul3A_615 = arith.muli %scan3A_613, %mul3A_614 : i32
      %add3A_616 = arith.constant 0 : i32
      %add3A_617 = arith.addi %add3A_616, %mul3A_615 : i32
      %dma_wait3A_618 = arith.constant 0 : i32
      %dma_wait3A_619 = arith.constant 0 : i32
      %dma_wait3A_620 = tpu.memref_slice %arg7[%dma_wait3A_618, %dma_wait3A_619] : memref<40x128xi32, #tpu.memory_space<vmem>> -> memref<1x128xi32, #tpu.memory_space<vmem>>
      %dma_wait3A_621 = tpu.memref_squeeze %dma_wait3A_620 : memref<1x128xi32, #tpu.memory_space<vmem>> -> memref<128xi32, #tpu.memory_space<vmem>>
      %dma_wait3A_622 = arith.constant 0 : i32
      %dma_wait3A_623 = arith.constant 0 : i32
      %dma_wait3A_624 = tpu.memref_slice %arg2[%dma_wait3A_622, %dma_wait3A_623] : memref<60000x128xf32, #tpu.memory_space<hbm>> -> memref<60000x128xf32, #tpu.memory_space<hbm>>
      tpu.wait_indirect_dma semaphore(%arg13 : memref<!tpu.dma_semaphore, #tpu.memory_space<semaphore_mem>>) src(%dma_wait3A_624 : memref<60000x128xf32, #tpu.memory_space<hbm>>) dst(%arg9 : memref<128x128xf32, #tpu.memory_space<vmem>>)
      "tpu.region"() ({
        %run_scoped3A_650 = tpu.sem_alloc : memref<!tpu.dma_semaphore, #tpu.memory_space<semaphore_mem>>
        %dma_start3A_651 = arith.constant 0 : i32
        %dma_start3A_652 = tpu.memref_slice %arg8[%add3A_617, %dma_start3A_651] : memref<40x128xi32, #tpu.memory_space<vmem>> -> memref<1x128xi32, #tpu.memory_space<vmem>>
        %dma_start3A_653 = tpu.memref_squeeze %dma_start3A_652 : memref<1x128xi32, #tpu.memory_space<vmem>> -> memref<128xi32, #tpu.memory_space<vmem>>
        %dma_start3A_654 = arith.constant 0 : i32
        %dma_start3A_655 = arith.constant 0 : i32
        %dma_start3A_656 = tpu.memref_slice %arg12[%dma_start3A_654, %dma_start3A_655] : memref<10016x128xf32, #tpu.memory_space<vmem_shared>> -> memref<10016x128xf32, #tpu.memory_space<vmem_shared>>
        tpu.enqueue_indirect_dma source(%arg9 : memref<128x128xf32, #tpu.memory_space<vmem>>) target(%dma_start3A_656 : memref<10016x128xf32, #tpu.memory_space<vmem_shared>>) offsets(%dma_start3A_653 : memref<128xi32, #tpu.memory_space<vmem>>) semaphore(%run_scoped3A_650 : memref<!tpu.dma_semaphore, #tpu.memory_space<semaphore_mem>>) {add = true}
        %dma_wait3A_657 = arith.constant 0 : i32
        %dma_wait3A_658 = tpu.memref_slice %arg8[%add3A_617, %dma_wait3A_657] : memref<40x128xi32, #tpu.memory_space<vmem>> -> memref<1x128xi32, #tpu.memory_space<vmem>>
        %dma_wait3A_659 = tpu.memref_squeeze %dma_wait3A_658 : memref<1x128xi32, #tpu.memory_space<vmem>> -> memref<128xi32, #tpu.memory_space<vmem>>
        %dma_wait3A_660 = arith.constant 0 : i32
        %dma_wait3A_661 = arith.constant 0 : i32
        %dma_wait3A_662 = tpu.memref_slice %arg12[%dma_wait3A_660, %dma_wait3A_661] : memref<10016x128xf32, #tpu.memory_space<vmem_shared>> -> memref<10016x128xf32, #tpu.memory_space<vmem_shared>>
        tpu.wait_indirect_dma semaphore(%run_scoped3A_650 : memref<!tpu.dma_semaphore, #tpu.memory_space<semaphore_mem>>) src(%arg9 : memref<128x128xf32, #tpu.memory_space<vmem>>) dst(%dma_wait3A_662 : memref<10016x128xf32, #tpu.memory_space<vmem_shared>>)
        tpu.yield
      }) : () -> ()
      %add3A_625 = arith.constant 2 : i32
      %add3A_626 = arith.addi %add3A_617, %add3A_625 : i32
      %dma_start3A_627 = arith.constant 0 : i32
      %dma_start3A_628 = tpu.memref_slice %arg7[%add3A_626, %dma_start3A_627] : memref<40x128xi32, #tpu.memory_space<vmem>> -> memref<1x128xi32, #tpu.memory_space<vmem>>
      %dma_start3A_629 = tpu.memref_squeeze %dma_start3A_628 : memref<1x128xi32, #tpu.memory_space<vmem>> -> memref<128xi32, #tpu.memory_space<vmem>>
      %dma_start3A_630 = arith.constant 0 : i32
      %dma_start3A_631 = arith.constant 0 : i32
      %dma_start3A_632 = tpu.memref_slice %arg2[%dma_start3A_630, %dma_start3A_631] : memref<60000x128xf32, #tpu.memory_space<hbm>> -> memref<60000x128xf32, #tpu.memory_space<hbm>>
      tpu.enqueue_indirect_dma source(%dma_start3A_632 : memref<60000x128xf32, #tpu.memory_space<hbm>>) target(%arg9 : memref<128x128xf32, #tpu.memory_space<vmem>>) offsets(%dma_start3A_629 : memref<128xi32, #tpu.memory_space<vmem>>) semaphore(%arg13 : memref<!tpu.dma_semaphore, #tpu.memory_space<semaphore_mem>>)
      %dma_wait3A_633 = arith.constant 0 : i32
      %dma_wait3A_634 = arith.constant 0 : i32
      %dma_wait3A_635 = tpu.memref_slice %arg7[%dma_wait3A_633, %dma_wait3A_634] : memref<40x128xi32, #tpu.memory_space<vmem>> -> memref<1x128xi32, #tpu.memory_space<vmem>>
      %dma_wait3A_636 = tpu.memref_squeeze %dma_wait3A_635 : memref<1x128xi32, #tpu.memory_space<vmem>> -> memref<128xi32, #tpu.memory_space<vmem>>
      %dma_wait3A_637 = arith.constant 0 : i32
      %dma_wait3A_638 = arith.constant 0 : i32
      %dma_wait3A_639 = tpu.memref_slice %arg2[%dma_wait3A_637, %dma_wait3A_638] : memref<60000x128xf32, #tpu.memory_space<hbm>> -> memref<60000x128xf32, #tpu.memory_space<hbm>>
      tpu.wait_indirect_dma semaphore(%arg14 : memref<!tpu.dma_semaphore, #tpu.memory_space<semaphore_mem>>) src(%dma_wait3A_639 : memref<60000x128xf32, #tpu.memory_space<hbm>>) dst(%arg10 : memref<128x128xf32, #tpu.memory_space<vmem>>)
      %add3A_640 = arith.constant 1 : i32
      %add3A_641 = arith.addi %add3A_617, %add3A_640 : i32
      "tpu.region"() ({
        %run_scoped3A_650 = tpu.sem_alloc : memref<!tpu.dma_semaphore, #tpu.memory_space<semaphore_mem>>
        %dma_start3A_651 = arith.constant 0 : i32
        %dma_start3A_652 = tpu.memref_slice %arg8[%add3A_641, %dma_start3A_651] : memref<40x128xi32, #tpu.memory_space<vmem>> -> memref<1x128xi32, #tpu.memory_space<vmem>>
        %dma_start3A_653 = tpu.memref_squeeze %dma_start3A_652 : memref<1x128xi32, #tpu.memory_space<vmem>> -> memref<128xi32, #tpu.memory_space<vmem>>
        %dma_start3A_654 = arith.constant 0 : i32
        %dma_start3A_655 = arith.constant 0 : i32
        %dma_start3A_656 = tpu.memref_slice %arg12[%dma_start3A_654, %dma_start3A_655] : memref<10016x128xf32, #tpu.memory_space<vmem_shared>> -> memref<10016x128xf32, #tpu.memory_space<vmem_shared>>
        tpu.enqueue_indirect_dma source(%arg10 : memref<128x128xf32, #tpu.memory_space<vmem>>) target(%dma_start3A_656 : memref<10016x128xf32, #tpu.memory_space<vmem_shared>>) offsets(%dma_start3A_653 : memref<128xi32, #tpu.memory_space<vmem>>) semaphore(%run_scoped3A_650 : memref<!tpu.dma_semaphore, #tpu.memory_space<semaphore_mem>>) {add = true}
        %dma_wait3A_657 = arith.constant 0 : i32
        %dma_wait3A_658 = tpu.memref_slice %arg8[%add3A_641, %dma_wait3A_657] : memref<40x128xi32, #tpu.memory_space<vmem>> -> memref<1x128xi32, #tpu.memory_space<vmem>>
        %dma_wait3A_659 = tpu.memref_squeeze %dma_wait3A_658 : memref<1x128xi32, #tpu.memory_space<vmem>> -> memref<128xi32, #tpu.memory_space<vmem>>
        %dma_wait3A_660 = arith.constant 0 : i32
        %dma_wait3A_661 = arith.constant 0 : i32
        %dma_wait3A_662 = tpu.memref_slice %arg12[%dma_wait3A_660, %dma_wait3A_661] : memref<10016x128xf32, #tpu.memory_space<vmem_shared>> -> memref<10016x128xf32, #tpu.memory_space<vmem_shared>>
        tpu.wait_indirect_dma semaphore(%run_scoped3A_650 : memref<!tpu.dma_semaphore, #tpu.memory_space<semaphore_mem>>) src(%arg10 : memref<128x128xf32, #tpu.memory_space<vmem>>) dst(%dma_wait3A_662 : memref<10016x128xf32, #tpu.memory_space<vmem_shared>>)
        tpu.yield
      }) : () -> ()
      %add3A_642 = arith.constant 3 : i32
      %add3A_643 = arith.addi %add3A_617, %add3A_642 : i32
      %dma_start3A_644 = arith.constant 0 : i32
      %dma_start3A_645 = tpu.memref_slice %arg7[%add3A_643, %dma_start3A_644] : memref<40x128xi32, #tpu.memory_space<vmem>> -> memref<1x128xi32, #tpu.memory_space<vmem>>
      %dma_start3A_646 = tpu.memref_squeeze %dma_start3A_645 : memref<1x128xi32, #tpu.memory_space<vmem>> -> memref<128xi32, #tpu.memory_space<vmem>>
      %dma_start3A_647 = arith.constant 0 : i32
      %dma_start3A_648 = arith.constant 0 : i32
      %dma_start3A_649 = tpu.memref_slice %arg2[%dma_start3A_647, %dma_start3A_648] : memref<60000x128xf32, #tpu.memory_space<hbm>> -> memref<60000x128xf32, #tpu.memory_space<hbm>>
      tpu.enqueue_indirect_dma source(%dma_start3A_649 : memref<60000x128xf32, #tpu.memory_space<hbm>>) target(%arg10 : memref<128x128xf32, #tpu.memory_space<vmem>>) offsets(%dma_start3A_646 : memref<128xi32, #tpu.memory_space<vmem>>) semaphore(%arg14 : memref<!tpu.dma_semaphore, #tpu.memory_space<semaphore_mem>>)
    }
    %scan3A_169 = arith.constant 19 : i32
    %dma_wait3A_170 = arith.constant 0 : i32
    %dma_wait3A_171 = arith.constant 0 : i32
    %dma_wait3A_172 = tpu.memref_slice %arg7[%dma_wait3A_170, %dma_wait3A_171] : memref<40x128xi32, #tpu.memory_space<vmem>> -> memref<1x128xi32, #tpu.memory_space<vmem>>
    %dma_wait3A_173 = tpu.memref_squeeze %dma_wait3A_172 : memref<1x128xi32, #tpu.memory_space<vmem>> -> memref<128xi32, #tpu.memory_space<vmem>>
    %dma_wait3A_174 = arith.constant 0 : i32
    %dma_wait3A_175 = arith.constant 0 : i32
    %dma_wait3A_176 = tpu.memref_slice %arg2[%dma_wait3A_174, %dma_wait3A_175] : memref<60000x128xf32, #tpu.memory_space<hbm>> -> memref<60000x128xf32, #tpu.memory_space<hbm>>
    tpu.wait_indirect_dma semaphore(%arg13 : memref<!tpu.dma_semaphore, #tpu.memory_space<semaphore_mem>>) src(%dma_wait3A_176 : memref<60000x128xf32, #tpu.memory_space<hbm>>) dst(%arg9 : memref<128x128xf32, #tpu.memory_space<vmem>>)
    %run_scoped3A_177 = arith.constant 38 : i32
    "tpu.region"() ({
      %run_scoped3A_613 = tpu.sem_alloc : memref<!tpu.dma_semaphore, #tpu.memory_space<semaphore_mem>>
      %dma_start3A_614 = arith.constant 0 : i32
      %dma_start3A_615 = tpu.memref_slice %arg8[%run_scoped3A_177, %dma_start3A_614] : memref<40x128xi32, #tpu.memory_space<vmem>> -> memref<1x128xi32, #tpu.memory_space<vmem>>
      %dma_start3A_616 = tpu.memref_squeeze %dma_start3A_615 : memref<1x128xi32, #tpu.memory_space<vmem>> -> memref<128xi32, #tpu.memory_space<vmem>>
      %dma_start3A_617 = arith.constant 0 : i32
      %dma_start3A_618 = arith.constant 0 : i32
      %dma_start3A_619 = tpu.memref_slice %arg12[%dma_start3A_617, %dma_start3A_618] : memref<10016x128xf32, #tpu.memory_space<vmem_shared>> -> memref<10016x128xf32, #tpu.memory_space<vmem_shared>>
      tpu.enqueue_indirect_dma source(%arg9 : memref<128x128xf32, #tpu.memory_space<vmem>>) target(%dma_start3A_619 : memref<10016x128xf32, #tpu.memory_space<vmem_shared>>) offsets(%dma_start3A_616 : memref<128xi32, #tpu.memory_space<vmem>>) semaphore(%run_scoped3A_613 : memref<!tpu.dma_semaphore, #tpu.memory_space<semaphore_mem>>) {add = true}
      %dma_wait3A_620 = arith.constant 0 : i32
      %dma_wait3A_621 = tpu.memref_slice %arg8[%run_scoped3A_177, %dma_wait3A_620] : memref<40x128xi32, #tpu.memory_space<vmem>> -> memref<1x128xi32, #tpu.memory_space<vmem>>
      %dma_wait3A_622 = tpu.memref_squeeze %dma_wait3A_621 : memref<1x128xi32, #tpu.memory_space<vmem>> -> memref<128xi32, #tpu.memory_space<vmem>>
      %dma_wait3A_623 = arith.constant 0 : i32
      %dma_wait3A_624 = arith.constant 0 : i32
      %dma_wait3A_625 = tpu.memref_slice %arg12[%dma_wait3A_623, %dma_wait3A_624] : memref<10016x128xf32, #tpu.memory_space<vmem_shared>> -> memref<10016x128xf32, #tpu.memory_space<vmem_shared>>
      tpu.wait_indirect_dma semaphore(%run_scoped3A_613 : memref<!tpu.dma_semaphore, #tpu.memory_space<semaphore_mem>>) src(%arg9 : memref<128x128xf32, #tpu.memory_space<vmem>>) dst(%dma_wait3A_625 : memref<10016x128xf32, #tpu.memory_space<vmem_shared>>)
      tpu.yield
    }) : () -> ()
    %dma_wait3A_178 = arith.constant 0 : i32
    %dma_wait3A_179 = arith.constant 0 : i32
    %dma_wait3A_180 = tpu.memref_slice %arg7[%dma_wait3A_178, %dma_wait3A_179] : memref<40x128xi32, #tpu.memory_space<vmem>> -> memref<1x128xi32, #tpu.memory_space<vmem>>
    %dma_wait3A_181 = tpu.memref_squeeze %dma_wait3A_180 : memref<1x128xi32, #tpu.memory_space<vmem>> -> memref<128xi32, #tpu.memory_space<vmem>>
    %dma_wait3A_182 = arith.constant 0 : i32
    %dma_wait3A_183 = arith.constant 0 : i32
    %dma_wait3A_184 = tpu.memref_slice %arg2[%dma_wait3A_182, %dma_wait3A_183] : memref<60000x128xf32, #tpu.memory_space<hbm>> -> memref<60000x128xf32, #tpu.memory_space<hbm>>
    tpu.wait_indirect_dma semaphore(%arg14 : memref<!tpu.dma_semaphore, #tpu.memory_space<semaphore_mem>>) src(%dma_wait3A_184 : memref<60000x128xf32, #tpu.memory_space<hbm>>) dst(%arg10 : memref<128x128xf32, #tpu.memory_space<vmem>>)
    %run_scoped3A_185 = arith.constant 39 : i32
    "tpu.region"() ({
      %run_scoped3A_613 = tpu.sem_alloc : memref<!tpu.dma_semaphore, #tpu.memory_space<semaphore_mem>>
      %dma_start3A_614 = arith.constant 0 : i32
      %dma_start3A_615 = tpu.memref_slice %arg8[%run_scoped3A_185, %dma_start3A_614] : memref<40x128xi32, #tpu.memory_space<vmem>> -> memref<1x128xi32, #tpu.memory_space<vmem>>
      %dma_start3A_616 = tpu.memref_squeeze %dma_start3A_615 : memref<1x128xi32, #tpu.memory_space<vmem>> -> memref<128xi32, #tpu.memory_space<vmem>>
      %dma_start3A_617 = arith.constant 0 : i32
      %dma_start3A_618 = arith.constant 0 : i32
      %dma_start3A_619 = tpu.memref_slice %arg12[%dma_start3A_617, %dma_start3A_618] : memref<10016x128xf32, #tpu.memory_space<vmem_shared>> -> memref<10016x128xf32, #tpu.memory_space<vmem_shared>>
      tpu.enqueue_indirect_dma source(%arg10 : memref<128x128xf32, #tpu.memory_space<vmem>>) target(%dma_start3A_619 : memref<10016x128xf32, #tpu.memory_space<vmem_shared>>) offsets(%dma_start3A_616 : memref<128xi32, #tpu.memory_space<vmem>>) semaphore(%run_scoped3A_613 : memref<!tpu.dma_semaphore, #tpu.memory_space<semaphore_mem>>) {add = true}
      %dma_wait3A_620 = arith.constant 0 : i32
      %dma_wait3A_621 = tpu.memref_slice %arg8[%run_scoped3A_185, %dma_wait3A_620] : memref<40x128xi32, #tpu.memory_space<vmem>> -> memref<1x128xi32, #tpu.memory_space<vmem>>
      %dma_wait3A_622 = tpu.memref_squeeze %dma_wait3A_621 : memref<1x128xi32, #tpu.memory_space<vmem>> -> memref<128xi32, #tpu.memory_space<vmem>>
      %dma_wait3A_623 = arith.constant 0 : i32
      %dma_wait3A_624 = arith.constant 0 : i32
      %dma_wait3A_625 = tpu.memref_slice %arg12[%dma_wait3A_623, %dma_wait3A_624] : memref<10016x128xf32, #tpu.memory_space<vmem_shared>> -> memref<10016x128xf32, #tpu.memory_space<vmem_shared>>
      tpu.wait_indirect_dma semaphore(%run_scoped3A_613 : memref<!tpu.dma_semaphore, #tpu.memory_space<semaphore_mem>>) src(%arg10 : memref<128x128xf32, #tpu.memory_space<vmem>>) dst(%dma_wait3A_625 : memref<10016x128xf32, #tpu.memory_space<vmem_shared>>)
      tpu.yield
    }) : () -> ()
    %barrier3A_186 = arith.constant 0 : index
    tpu.barrier barrier_id(%barrier3A_186)
    %add3A_187 = arith.constant 0 : i32
    %add3A_188 = arith.addi %add3A_187, %arg0 : i32
    %mul3A_189 = arith.constant 10000 : i32
    %mul3A_190 = arith.muli %add3A_188, %mul3A_189 : i32
    %lt3A = arith.constant 15 : i32
    %lt3A_191 = arith.cmpi slt, %arg1, %lt3A : i32
    %convert_element_type3A = arith.extui %lt3A_191 : i1 to i32
    %cond3A = arith.constant 0 : i32
    %cond3A_192 = arith.cmpi ne, %convert_element_type3A, %cond3A : i32
    scf.if %cond3A_192 {
      %mul3A_613 = arith.constant 624 : i32
      %mul3A_614 = arith.muli %arg1, %mul3A_613 : i32
      %multiple_of3A = tpu.assume_multiple %mul3A_614, 8 : i32
      %add3A_615 = arith.addi %mul3A_190, %multiple_of3A : i32
      "tpu.region"() ({
        %run_scoped3A_616 = tpu.sem_alloc : memref<!tpu.dma_semaphore, #tpu.memory_space<semaphore_mem>>
        %dma_start3A_617 = arith.constant 0 : i32
        %dma_start3A_618 = tpu.memref_slice %arg6[%add3A_615, %dma_start3A_617] : memref<60000x128xf32, #tpu.memory_space<hbm>> -> memref<624x128xf32, #tpu.memory_space<hbm>>
        %dma_start3A_619 = arith.constant 0 : i32
        %dma_start3A_620 = tpu.memref_slice %arg12[%multiple_of3A, %dma_start3A_619] : memref<10016x128xf32, #tpu.memory_space<vmem_shared>> -> memref<624x128xf32, #tpu.memory_space<vmem_shared>>
        tpu.enqueue_dma source(%dma_start3A_620 : memref<624x128xf32, #tpu.memory_space<vmem_shared>>) target(%dma_start3A_618 : memref<624x128xf32, #tpu.memory_space<hbm>>) target_semaphore(%run_scoped3A_616 : memref<!tpu.dma_semaphore, #tpu.memory_space<semaphore_mem>>)
        %dma_wait3A_621 = arith.constant 0 : i32
        %dma_wait3A_622 = tpu.memref_slice %arg6[%add3A_615, %dma_wait3A_621] : memref<60000x128xf32, #tpu.memory_space<hbm>> -> memref<624x128xf32, #tpu.memory_space<hbm>>
        %dma_wait3A_623 = arith.constant 0 : i32
        %dma_wait3A_624 = tpu.memref_slice %arg12[%multiple_of3A, %dma_wait3A_623] : memref<10016x128xf32, #tpu.memory_space<vmem_shared>> -> memref<624x128xf32, #tpu.memory_space<vmem_shared>>
        tpu.wait_dma2 semaphore(%run_scoped3A_616 : memref<!tpu.dma_semaphore, #tpu.memory_space<semaphore_mem>>) src(%dma_wait3A_624 : memref<624x128xf32, #tpu.memory_space<vmem_shared>>) dst(%dma_wait3A_622 : memref<624x128xf32, #tpu.memory_space<hbm>>)
        tpu.yield
      }) : () -> ()
    } else {
    }
    %eq3A = arith.constant 15 : i32
    %eq3A_193 = arith.cmpi eq, %arg1, %eq3A : i32
    %convert_element_type3A_194 = arith.extui %eq3A_193 : i1 to i32
    %cond3A_195 = arith.constant 0 : i32
    %cond3A_196 = arith.cmpi ne, %convert_element_type3A_194, %cond3A_195 : i32
    scf.if %cond3A_196 {
      %add3A_613 = arith.constant 9360 : i32
      %add3A_614 = arith.addi %mul3A_190, %add3A_613 : i32
      "tpu.region"() ({
        %run_scoped3A_615 = tpu.sem_alloc : memref<!tpu.dma_semaphore, #tpu.memory_space<semaphore_mem>>
        %dma_start3A_616 = arith.constant 0 : i32
        %dma_start3A_617 = tpu.memref_slice %arg6[%add3A_614, %dma_start3A_616] : memref<60000x128xf32, #tpu.memory_space<hbm>> -> memref<640x128xf32, #tpu.memory_space<hbm>>
        %dma_start3A_618 = arith.constant 9360 : i32
        %dma_start3A_619 = arith.constant 0 : i32
        %dma_start3A_620 = tpu.memref_slice %arg12[%dma_start3A_618, %dma_start3A_619] : memref<10016x128xf32, #tpu.memory_space<vmem_shared>> -> memref<640x128xf32, #tpu.memory_space<vmem_shared>>
        tpu.enqueue_dma source(%dma_start3A_620 : memref<640x128xf32, #tpu.memory_space<vmem_shared>>) target(%dma_start3A_617 : memref<640x128xf32, #tpu.memory_space<hbm>>) target_semaphore(%run_scoped3A_615 : memref<!tpu.dma_semaphore, #tpu.memory_space<semaphore_mem>>)
        %dma_wait3A_621 = arith.constant 0 : i32
        %dma_wait3A_622 = tpu.memref_slice %arg6[%add3A_614, %dma_wait3A_621] : memref<60000x128xf32, #tpu.memory_space<hbm>> -> memref<640x128xf32, #tpu.memory_space<hbm>>
        %dma_wait3A_623 = arith.constant 9360 : i32
        %dma_wait3A_624 = arith.constant 0 : i32
        %dma_wait3A_625 = tpu.memref_slice %arg12[%dma_wait3A_623, %dma_wait3A_624] : memref<10016x128xf32, #tpu.memory_space<vmem_shared>> -> memref<640x128xf32, #tpu.memory_space<vmem_shared>>
        tpu.wait_dma2 semaphore(%run_scoped3A_615 : memref<!tpu.dma_semaphore, #tpu.memory_space<semaphore_mem>>) src(%dma_wait3A_625 : memref<640x128xf32, #tpu.memory_space<vmem_shared>>) dst(%dma_wait3A_622 : memref<640x128xf32, #tpu.memory_space<hbm>>)
        tpu.yield
      }) : () -> ()
    } else {
    }
    %mul3A_197 = arith.constant 625 : i32
    %mul3A_198 = arith.muli %arg1, %mul3A_197 : i32
    %add3A_199 = arith.constant 0 : i32
    %add3A_200 = arith.addi %mul3A_198, %add3A_199 : i32
    "tpu.region"() ({
      %run_scoped3A_613 = tpu.sem_alloc : memref<!tpu.dma_semaphore, #tpu.memory_space<semaphore_mem>>
      %dma_start3A_614 = arith.constant 0 : i32
      %dma_start3A_615 = tpu.memref_slice %arg12[%add3A_200, %dma_start3A_614] : memref<10016x128xf32, #tpu.memory_space<vmem_shared>> -> memref<25x128xf32, #tpu.memory_space<vmem_shared>>
      %dma_start3A_616 = arith.constant 0 : i32
      %dma_start3A_617 = tpu.memref_slice %arg12[%add3A_200, %dma_start3A_616] : memref<10016x128xf32, #tpu.memory_space<vmem_shared>> -> memref<25x128xf32, #tpu.memory_space<vmem_shared>>
      tpu.enqueue_dma source(%arg11 : memref<25x128xf32, #tpu.memory_space<vmem>>) target(%dma_start3A_617 : memref<25x128xf32, #tpu.memory_space<vmem_shared>>) target_semaphore(%run_scoped3A_613 : memref<!tpu.dma_semaphore, #tpu.memory_space<semaphore_mem>>)
      %dma_wait3A_618 = arith.constant 0 : i32
      %dma_wait3A_619 = tpu.memref_slice %arg12[%add3A_200, %dma_wait3A_618] : memref<10016x128xf32, #tpu.memory_space<vmem_shared>> -> memref<25x128xf32, #tpu.memory_space<vmem_shared>>
      %dma_wait3A_620 = arith.constant 0 : i32
      %dma_wait3A_621 = tpu.memref_slice %arg12[%add3A_200, %dma_wait3A_620] : memref<10016x128xf32, #tpu.memory_space<vmem_shared>> -> memref<25x128xf32, #tpu.memory_space<vmem_shared>>
      tpu.wait_dma2 semaphore(%run_scoped3A_613 : memref<!tpu.dma_semaphore, #tpu.memory_space<semaphore_mem>>) src(%arg11 : memref<25x128xf32, #tpu.memory_space<vmem>>) dst(%dma_wait3A_621 : memref<25x128xf32, #tpu.memory_space<vmem_shared>>)
      tpu.yield
    }) : () -> ()
    %mul3A_201 = arith.constant 625 : i32
    %mul3A_202 = arith.muli %arg1, %mul3A_201 : i32
    %add3A_203 = arith.constant 25 : i32
    %add3A_204 = arith.addi %mul3A_202, %add3A_203 : i32
    "tpu.region"() ({
      %run_scoped3A_613 = tpu.sem_alloc : memref<!tpu.dma_semaphore, #tpu.memory_space<semaphore_mem>>
      %dma_start3A_614 = arith.constant 0 : i32
      %dma_start3A_615 = tpu.memref_slice %arg12[%add3A_204, %dma_start3A_614] : memref<10016x128xf32, #tpu.memory_space<vmem_shared>> -> memref<25x128xf32, #tpu.memory_space<vmem_shared>>
      %dma_start3A_616 = arith.constant 0 : i32
      %dma_start3A_617 = tpu.memref_slice %arg12[%add3A_204, %dma_start3A_616] : memref<10016x128xf32, #tpu.memory_space<vmem_shared>> -> memref<25x128xf32, #tpu.memory_space<vmem_shared>>
      tpu.enqueue_dma source(%arg11 : memref<25x128xf32, #tpu.memory_space<vmem>>) target(%dma_start3A_617 : memref<25x128xf32, #tpu.memory_space<vmem_shared>>) target_semaphore(%run_scoped3A_613 : memref<!tpu.dma_semaphore, #tpu.memory_space<semaphore_mem>>)
      %dma_wait3A_618 = arith.constant 0 : i32
      %dma_wait3A_619 = tpu.memref_slice %arg12[%add3A_204, %dma_wait3A_618] : memref<10016x128xf32, #tpu.memory_space<vmem_shared>> -> memref<25x128xf32, #tpu.memory_space<vmem_shared>>
      %dma_wait3A_620 = arith.constant 0 : i32
      %dma_wait3A_621 = tpu.memref_slice %arg12[%add3A_204, %dma_wait3A_620] : memref<10016x128xf32, #tpu.memory_space<vmem_shared>> -> memref<25x128xf32, #tpu.memory_space<vmem_shared>>
      tpu.wait_dma2 semaphore(%run_scoped3A_613 : memref<!tpu.dma_semaphore, #tpu.memory_space<semaphore_mem>>) src(%arg11 : memref<25x128xf32, #tpu.memory_space<vmem>>) dst(%dma_wait3A_621 : memref<25x128xf32, #tpu.memory_space<vmem_shared>>)
      tpu.yield
    }) : () -> ()
    %mul3A_205 = arith.constant 625 : i32
    %mul3A_206 = arith.muli %arg1, %mul3A_205 : i32
    %add3A_207 = arith.constant 50 : i32
    %add3A_208 = arith.addi %mul3A_206, %add3A_207 : i32
    "tpu.region"() ({
      %run_scoped3A_613 = tpu.sem_alloc : memref<!tpu.dma_semaphore, #tpu.memory_space<semaphore_mem>>
      %dma_start3A_614 = arith.constant 0 : i32
      %dma_start3A_615 = tpu.memref_slice %arg12[%add3A_208, %dma_start3A_614] : memref<10016x128xf32, #tpu.memory_space<vmem_shared>> -> memref<25x128xf32, #tpu.memory_space<vmem_shared>>
      %dma_start3A_616 = arith.constant 0 : i32
      %dma_start3A_617 = tpu.memref_slice %arg12[%add3A_208, %dma_start3A_616] : memref<10016x128xf32, #tpu.memory_space<vmem_shared>> -> memref<25x128xf32, #tpu.memory_space<vmem_shared>>
      tpu.enqueue_dma source(%arg11 : memref<25x128xf32, #tpu.memory_space<vmem>>) target(%dma_start3A_617 : memref<25x128xf32, #tpu.memory_space<vmem_shared>>) target_semaphore(%run_scoped3A_613 : memref<!tpu.dma_semaphore, #tpu.memory_space<semaphore_mem>>)
      %dma_wait3A_618 = arith.constant 0 : i32
      %dma_wait3A_619 = tpu.memref_slice %arg12[%add3A_208, %dma_wait3A_618] : memref<10016x128xf32, #tpu.memory_space<vmem_shared>> -> memref<25x128xf32, #tpu.memory_space<vmem_shared>>
      %dma_wait3A_620 = arith.constant 0 : i32
      %dma_wait3A_621 = tpu.memref_slice %arg12[%add3A_208, %dma_wait3A_620] : memref<10016x128xf32, #tpu.memory_space<vmem_shared>> -> memref<25x128xf32, #tpu.memory_space<vmem_shared>>
      tpu.wait_dma2 semaphore(%run_scoped3A_613 : memref<!tpu.dma_semaphore, #tpu.memory_space<semaphore_mem>>) src(%arg11 : memref<25x128xf32, #tpu.memory_space<vmem>>) dst(%dma_wait3A_621 : memref<25x128xf32, #tpu.memory_space<vmem_shared>>)
      tpu.yield
    }) : () -> ()
    %mul3A_209 = arith.constant 625 : i32
    %mul3A_210 = arith.muli %arg1, %mul3A_209 : i32
    %add3A_211 = arith.constant 75 : i32
    %add3A_212 = arith.addi %mul3A_210, %add3A_211 : i32
    "tpu.region"() ({
      %run_scoped3A_613 = tpu.sem_alloc : memref<!tpu.dma_semaphore, #tpu.memory_space<semaphore_mem>>
      %dma_start3A_614 = arith.constant 0 : i32
      %dma_start3A_615 = tpu.memref_slice %arg12[%add3A_212, %dma_start3A_614] : memref<10016x128xf32, #tpu.memory_space<vmem_shared>> -> memref<25x128xf32, #tpu.memory_space<vmem_shared>>
      %dma_start3A_616 = arith.constant 0 : i32
      %dma_start3A_617 = tpu.memref_slice %arg12[%add3A_212, %dma_start3A_616] : memref<10016x128xf32, #tpu.memory_space<vmem_shared>> -> memref<25x128xf32, #tpu.memory_space<vmem_shared>>
      tpu.enqueue_dma source(%arg11 : memref<25x128xf32, #tpu.memory_space<vmem>>) target(%dma_start3A_617 : memref<25x128xf32, #tpu.memory_space<vmem_shared>>) target_semaphore(%run_scoped3A_613 : memref<!tpu.dma_semaphore, #tpu.memory_space<semaphore_mem>>)
      %dma_wait3A_618 = arith.constant 0 : i32
      %dma_wait3A_619 = tpu.memref_slice %arg12[%add3A_212, %dma_wait3A_618] : memref<10016x128xf32, #tpu.memory_space<vmem_shared>> -> memref<25x128xf32, #tpu.memory_space<vmem_shared>>
      %dma_wait3A_620 = arith.constant 0 : i32
      %dma_wait3A_621 = tpu.memref_slice %arg12[%add3A_212, %dma_wait3A_620] : memref<10016x128xf32, #tpu.memory_space<vmem_shared>> -> memref<25x128xf32, #tpu.memory_space<vmem_shared>>
      tpu.wait_dma2 semaphore(%run_scoped3A_613 : memref<!tpu.dma_semaphore, #tpu.memory_space<semaphore_mem>>) src(%arg11 : memref<25x128xf32, #tpu.memory_space<vmem>>) dst(%dma_wait3A_621 : memref<25x128xf32, #tpu.memory_space<vmem_shared>>)
      tpu.yield
    }) : () -> ()
    %mul3A_213 = arith.constant 625 : i32
    %mul3A_214 = arith.muli %arg1, %mul3A_213 : i32
    %add3A_215 = arith.constant 100 : i32
    %add3A_216 = arith.addi %mul3A_214, %add3A_215 : i32
    "tpu.region"() ({
      %run_scoped3A_613 = tpu.sem_alloc : memref<!tpu.dma_semaphore, #tpu.memory_space<semaphore_mem>>
      %dma_start3A_614 = arith.constant 0 : i32
      %dma_start3A_615 = tpu.memref_slice %arg12[%add3A_216, %dma_start3A_614] : memref<10016x128xf32, #tpu.memory_space<vmem_shared>> -> memref<25x128xf32, #tpu.memory_space<vmem_shared>>
      %dma_start3A_616 = arith.constant 0 : i32
      %dma_start3A_617 = tpu.memref_slice %arg12[%add3A_216, %dma_start3A_616] : memref<10016x128xf32, #tpu.memory_space<vmem_shared>> -> memref<25x128xf32, #tpu.memory_space<vmem_shared>>
      tpu.enqueue_dma source(%arg11 : memref<25x128xf32, #tpu.memory_space<vmem>>) target(%dma_start3A_617 : memref<25x128xf32, #tpu.memory_space<vmem_shared>>) target_semaphore(%run_scoped3A_613 : memref<!tpu.dma_semaphore, #tpu.memory_space<semaphore_mem>>)
      %dma_wait3A_618 = arith.constant 0 : i32
      %dma_wait3A_619 = tpu.memref_slice %arg12[%add3A_216, %dma_wait3A_618] : memref<10016x128xf32, #tpu.memory_space<vmem_shared>> -> memref<25x128xf32, #tpu.memory_space<vmem_shared>>
      %dma_wait3A_620 = arith.constant 0 : i32
      %dma_wait3A_621 = tpu.memref_slice %arg12[%add3A_216, %dma_wait3A_620] : memref<10016x128xf32, #tpu.memory_space<vmem_shared>> -> memref<25x128xf32, #tpu.memory_space<vmem_shared>>
      tpu.wait_dma2 semaphore(%run_scoped3A_613 : memref<!tpu.dma_semaphore, #tpu.memory_space<semaphore_mem>>) src(%arg11 : memref<25x128xf32, #tpu.memory_space<vmem>>) dst(%dma_wait3A_621 : memref<25x128xf32, #tpu.memory_space<vmem_shared>>)
      tpu.yield
    }) : () -> ()
    %mul3A_217 = arith.constant 625 : i32
    %mul3A_218 = arith.muli %arg1, %mul3A_217 : i32
    %add3A_219 = arith.constant 125 : i32
    %add3A_220 = arith.addi %mul3A_218, %add3A_219 : i32
    "tpu.region"() ({
      %run_scoped3A_613 = tpu.sem_alloc : memref<!tpu.dma_semaphore, #tpu.memory_space<semaphore_mem>>
      %dma_start3A_614 = arith.constant 0 : i32
      %dma_start3A_615 = tpu.memref_slice %arg12[%add3A_220, %dma_start3A_614] : memref<10016x128xf32, #tpu.memory_space<vmem_shared>> -> memref<25x128xf32, #tpu.memory_space<vmem_shared>>
      %dma_start3A_616 = arith.constant 0 : i32
      %dma_start3A_617 = tpu.memref_slice %arg12[%add3A_220, %dma_start3A_616] : memref<10016x128xf32, #tpu.memory_space<vmem_shared>> -> memref<25x128xf32, #tpu.memory_space<vmem_shared>>
      tpu.enqueue_dma source(%arg11 : memref<25x128xf32, #tpu.memory_space<vmem>>) target(%dma_start3A_617 : memref<25x128xf32, #tpu.memory_space<vmem_shared>>) target_semaphore(%run_scoped3A_613 : memref<!tpu.dma_semaphore, #tpu.memory_space<semaphore_mem>>)
      %dma_wait3A_618 = arith.constant 0 : i32
      %dma_wait3A_619 = tpu.memref_slice %arg12[%add3A_220, %dma_wait3A_618] : memref<10016x128xf32, #tpu.memory_space<vmem_shared>> -> memref<25x128xf32, #tpu.memory_space<vmem_shared>>
      %dma_wait3A_620 = arith.constant 0 : i32
      %dma_wait3A_621 = tpu.memref_slice %arg12[%add3A_220, %dma_wait3A_620] : memref<10016x128xf32, #tpu.memory_space<vmem_shared>> -> memref<25x128xf32, #tpu.memory_space<vmem_shared>>
      tpu.wait_dma2 semaphore(%run_scoped3A_613 : memref<!tpu.dma_semaphore, #tpu.memory_space<semaphore_mem>>) src(%arg11 : memref<25x128xf32, #tpu.memory_space<vmem>>) dst(%dma_wait3A_621 : memref<25x128xf32, #tpu.memory_space<vmem_shared>>)
      tpu.yield
    }) : () -> ()
    %mul3A_221 = arith.constant 625 : i32
    %mul3A_222 = arith.muli %arg1, %mul3A_221 : i32
    %add3A_223 = arith.constant 150 : i32
    %add3A_224 = arith.addi %mul3A_222, %add3A_223 : i32
    "tpu.region"() ({
      %run_scoped3A_613 = tpu.sem_alloc : memref<!tpu.dma_semaphore, #tpu.memory_space<semaphore_mem>>
      %dma_start3A_614 = arith.constant 0 : i32
      %dma_start3A_615 = tpu.memref_slice %arg12[%add3A_224, %dma_start3A_614] : memref<10016x128xf32, #tpu.memory_space<vmem_shared>> -> memref<25x128xf32, #tpu.memory_space<vmem_shared>>
      %dma_start3A_616 = arith.constant 0 : i32
      %dma_start3A_617 = tpu.memref_slice %arg12[%add3A_224, %dma_start3A_616] : memref<10016x128xf32, #tpu.memory_space<vmem_shared>> -> memref<25x128xf32, #tpu.memory_space<vmem_shared>>
      tpu.enqueue_dma source(%arg11 : memref<25x128xf32, #tpu.memory_space<vmem>>) target(%dma_start3A_617 : memref<25x128xf32, #tpu.memory_space<vmem_shared>>) target_semaphore(%run_scoped3A_613 : memref<!tpu.dma_semaphore, #tpu.memory_space<semaphore_mem>>)
      %dma_wait3A_618 = arith.constant 0 : i32
      %dma_wait3A_619 = tpu.memref_slice %arg12[%add3A_224, %dma_wait3A_618] : memref<10016x128xf32, #tpu.memory_space<vmem_shared>> -> memref<25x128xf32, #tpu.memory_space<vmem_shared>>
      %dma_wait3A_620 = arith.constant 0 : i32
      %dma_wait3A_621 = tpu.memref_slice %arg12[%add3A_224, %dma_wait3A_620] : memref<10016x128xf32, #tpu.memory_space<vmem_shared>> -> memref<25x128xf32, #tpu.memory_space<vmem_shared>>
      tpu.wait_dma2 semaphore(%run_scoped3A_613 : memref<!tpu.dma_semaphore, #tpu.memory_space<semaphore_mem>>) src(%arg11 : memref<25x128xf32, #tpu.memory_space<vmem>>) dst(%dma_wait3A_621 : memref<25x128xf32, #tpu.memory_space<vmem_shared>>)
      tpu.yield
    }) : () -> ()
    %mul3A_225 = arith.constant 625 : i32
    %mul3A_226 = arith.muli %arg1, %mul3A_225 : i32
    %add3A_227 = arith.constant 175 : i32
    %add3A_228 = arith.addi %mul3A_226, %add3A_227 : i32
    "tpu.region"() ({
      %run_scoped3A_613 = tpu.sem_alloc : memref<!tpu.dma_semaphore, #tpu.memory_space<semaphore_mem>>
      %dma_start3A_614 = arith.constant 0 : i32
      %dma_start3A_615 = tpu.memref_slice %arg12[%add3A_228, %dma_start3A_614] : memref<10016x128xf32, #tpu.memory_space<vmem_shared>> -> memref<25x128xf32, #tpu.memory_space<vmem_shared>>
      %dma_start3A_616 = arith.constant 0 : i32
      %dma_start3A_617 = tpu.memref_slice %arg12[%add3A_228, %dma_start3A_616] : memref<10016x128xf32, #tpu.memory_space<vmem_shared>> -> memref<25x128xf32, #tpu.memory_space<vmem_shared>>
      tpu.enqueue_dma source(%arg11 : memref<25x128xf32, #tpu.memory_space<vmem>>) target(%dma_start3A_617 : memref<25x128xf32, #tpu.memory_space<vmem_shared>>) target_semaphore(%run_scoped3A_613 : memref<!tpu.dma_semaphore, #tpu.memory_space<semaphore_mem>>)
      %dma_wait3A_618 = arith.constant 0 : i32
      %dma_wait3A_619 = tpu.memref_slice %arg12[%add3A_228, %dma_wait3A_618] : memref<10016x128xf32, #tpu.memory_space<vmem_shared>> -> memref<25x128xf32, #tpu.memory_space<vmem_shared>>
      %dma_wait3A_620 = arith.constant 0 : i32
      %dma_wait3A_621 = tpu.memref_slice %arg12[%add3A_228, %dma_wait3A_620] : memref<10016x128xf32, #tpu.memory_space<vmem_shared>> -> memref<25x128xf32, #tpu.memory_space<vmem_shared>>
      tpu.wait_dma2 semaphore(%run_scoped3A_613 : memref<!tpu.dma_semaphore, #tpu.memory_space<semaphore_mem>>) src(%arg11 : memref<25x128xf32, #tpu.memory_space<vmem>>) dst(%dma_wait3A_621 : memref<25x128xf32, #tpu.memory_space<vmem_shared>>)
      tpu.yield
    }) : () -> ()
    %mul3A_229 = arith.constant 625 : i32
    %mul3A_230 = arith.muli %arg1, %mul3A_229 : i32
    %add3A_231 = arith.constant 200 : i32
    %add3A_232 = arith.addi %mul3A_230, %add3A_231 : i32
    "tpu.region"() ({
      %run_scoped3A_613 = tpu.sem_alloc : memref<!tpu.dma_semaphore, #tpu.memory_space<semaphore_mem>>
      %dma_start3A_614 = arith.constant 0 : i32
      %dma_start3A_615 = tpu.memref_slice %arg12[%add3A_232, %dma_start3A_614] : memref<10016x128xf32, #tpu.memory_space<vmem_shared>> -> memref<25x128xf32, #tpu.memory_space<vmem_shared>>
      %dma_start3A_616 = arith.constant 0 : i32
      %dma_start3A_617 = tpu.memref_slice %arg12[%add3A_232, %dma_start3A_616] : memref<10016x128xf32, #tpu.memory_space<vmem_shared>> -> memref<25x128xf32, #tpu.memory_space<vmem_shared>>
      tpu.enqueue_dma source(%arg11 : memref<25x128xf32, #tpu.memory_space<vmem>>) target(%dma_start3A_617 : memref<25x128xf32, #tpu.memory_space<vmem_shared>>) target_semaphore(%run_scoped3A_613 : memref<!tpu.dma_semaphore, #tpu.memory_space<semaphore_mem>>)
      %dma_wait3A_618 = arith.constant 0 : i32
      %dma_wait3A_619 = tpu.memref_slice %arg12[%add3A_232, %dma_wait3A_618] : memref<10016x128xf32, #tpu.memory_space<vmem_shared>> -> memref<25x128xf32, #tpu.memory_space<vmem_shared>>
      %dma_wait3A_620 = arith.constant 0 : i32
      %dma_wait3A_621 = tpu.memref_slice %arg12[%add3A_232, %dma_wait3A_620] : memref<10016x128xf32, #tpu.memory_space<vmem_shared>> -> memref<25x128xf32, #tpu.memory_space<vmem_shared>>
      tpu.wait_dma2 semaphore(%run_scoped3A_613 : memref<!tpu.dma_semaphore, #tpu.memory_space<semaphore_mem>>) src(%arg11 : memref<25x128xf32, #tpu.memory_space<vmem>>) dst(%dma_wait3A_621 : memref<25x128xf32, #tpu.memory_space<vmem_shared>>)
      tpu.yield
    }) : () -> ()
    %mul3A_233 = arith.constant 625 : i32
    %mul3A_234 = arith.muli %arg1, %mul3A_233 : i32
    %add3A_235 = arith.constant 225 : i32
    %add3A_236 = arith.addi %mul3A_234, %add3A_235 : i32
    "tpu.region"() ({
      %run_scoped3A_613 = tpu.sem_alloc : memref<!tpu.dma_semaphore, #tpu.memory_space<semaphore_mem>>
      %dma_start3A_614 = arith.constant 0 : i32
      %dma_start3A_615 = tpu.memref_slice %arg12[%add3A_236, %dma_start3A_614] : memref<10016x128xf32, #tpu.memory_space<vmem_shared>> -> memref<25x128xf32, #tpu.memory_space<vmem_shared>>
      %dma_start3A_616 = arith.constant 0 : i32
      %dma_start3A_617 = tpu.memref_slice %arg12[%add3A_236, %dma_start3A_616] : memref<10016x128xf32, #tpu.memory_space<vmem_shared>> -> memref<25x128xf32, #tpu.memory_space<vmem_shared>>
      tpu.enqueue_dma source(%arg11 : memref<25x128xf32, #tpu.memory_space<vmem>>) target(%dma_start3A_617 : memref<25x128xf32, #tpu.memory_space<vmem_shared>>) target_semaphore(%run_scoped3A_613 : memref<!tpu.dma_semaphore, #tpu.memory_space<semaphore_mem>>)
      %dma_wait3A_618 = arith.constant 0 : i32
      %dma_wait3A_619 = tpu.memref_slice %arg12[%add3A_236, %dma_wait3A_618] : memref<10016x128xf32, #tpu.memory_space<vmem_shared>> -> memref<25x128xf32, #tpu.memory_space<vmem_shared>>
      %dma_wait3A_620 = arith.constant 0 : i32
      %dma_wait3A_621 = tpu.memref_slice %arg12[%add3A_236, %dma_wait3A_620] : memref<10016x128xf32, #tpu.memory_space<vmem_shared>> -> memref<25x128xf32, #tpu.memory_space<vmem_shared>>
      tpu.wait_dma2 semaphore(%run_scoped3A_613 : memref<!tpu.dma_semaphore, #tpu.memory_space<semaphore_mem>>) src(%arg11 : memref<25x128xf32, #tpu.memory_space<vmem>>) dst(%dma_wait3A_621 : memref<25x128xf32, #tpu.memory_space<vmem_shared>>)
      tpu.yield
    }) : () -> ()
    %mul3A_237 = arith.constant 625 : i32
    %mul3A_238 = arith.muli %arg1, %mul3A_237 : i32
    %add3A_239 = arith.constant 250 : i32
    %add3A_240 = arith.addi %mul3A_238, %add3A_239 : i32
    "tpu.region"() ({
      %run_scoped3A_613 = tpu.sem_alloc : memref<!tpu.dma_semaphore, #tpu.memory_space<semaphore_mem>>
      %dma_start3A_614 = arith.constant 0 : i32
      %dma_start3A_615 = tpu.memref_slice %arg12[%add3A_240, %dma_start3A_614] : memref<10016x128xf32, #tpu.memory_space<vmem_shared>> -> memref<25x128xf32, #tpu.memory_space<vmem_shared>>
      %dma_start3A_616 = arith.constant 0 : i32
      %dma_start3A_617 = tpu.memref_slice %arg12[%add3A_240, %dma_start3A_616] : memref<10016x128xf32, #tpu.memory_space<vmem_shared>> -> memref<25x128xf32, #tpu.memory_space<vmem_shared>>
      tpu.enqueue_dma source(%arg11 : memref<25x128xf32, #tpu.memory_space<vmem>>) target(%dma_start3A_617 : memref<25x128xf32, #tpu.memory_space<vmem_shared>>) target_semaphore(%run_scoped3A_613 : memref<!tpu.dma_semaphore, #tpu.memory_space<semaphore_mem>>)
      %dma_wait3A_618 = arith.constant 0 : i32
      %dma_wait3A_619 = tpu.memref_slice %arg12[%add3A_240, %dma_wait3A_618] : memref<10016x128xf32, #tpu.memory_space<vmem_shared>> -> memref<25x128xf32, #tpu.memory_space<vmem_shared>>
      %dma_wait3A_620 = arith.constant 0 : i32
      %dma_wait3A_621 = tpu.memref_slice %arg12[%add3A_240, %dma_wait3A_620] : memref<10016x128xf32, #tpu.memory_space<vmem_shared>> -> memref<25x128xf32, #tpu.memory_space<vmem_shared>>
      tpu.wait_dma2 semaphore(%run_scoped3A_613 : memref<!tpu.dma_semaphore, #tpu.memory_space<semaphore_mem>>) src(%arg11 : memref<25x128xf32, #tpu.memory_space<vmem>>) dst(%dma_wait3A_621 : memref<25x128xf32, #tpu.memory_space<vmem_shared>>)
      tpu.yield
    }) : () -> ()
    %mul3A_241 = arith.constant 625 : i32
    %mul3A_242 = arith.muli %arg1, %mul3A_241 : i32
    %add3A_243 = arith.constant 275 : i32
    %add3A_244 = arith.addi %mul3A_242, %add3A_243 : i32
    "tpu.region"() ({
      %run_scoped3A_613 = tpu.sem_alloc : memref<!tpu.dma_semaphore, #tpu.memory_space<semaphore_mem>>
      %dma_start3A_614 = arith.constant 0 : i32
      %dma_start3A_615 = tpu.memref_slice %arg12[%add3A_244, %dma_start3A_614] : memref<10016x128xf32, #tpu.memory_space<vmem_shared>> -> memref<25x128xf32, #tpu.memory_space<vmem_shared>>
      %dma_start3A_616 = arith.constant 0 : i32
      %dma_start3A_617 = tpu.memref_slice %arg12[%add3A_244, %dma_start3A_616] : memref<10016x128xf32, #tpu.memory_space<vmem_shared>> -> memref<25x128xf32, #tpu.memory_space<vmem_shared>>
      tpu.enqueue_dma source(%arg11 : memref<25x128xf32, #tpu.memory_space<vmem>>) target(%dma_start3A_617 : memref<25x128xf32, #tpu.memory_space<vmem_shared>>) target_semaphore(%run_scoped3A_613 : memref<!tpu.dma_semaphore, #tpu.memory_space<semaphore_mem>>)
      %dma_wait3A_618 = arith.constant 0 : i32
      %dma_wait3A_619 = tpu.memref_slice %arg12[%add3A_244, %dma_wait3A_618] : memref<10016x128xf32, #tpu.memory_space<vmem_shared>> -> memref<25x128xf32, #tpu.memory_space<vmem_shared>>
      %dma_wait3A_620 = arith.constant 0 : i32
      %dma_wait3A_621 = tpu.memref_slice %arg12[%add3A_244, %dma_wait3A_620] : memref<10016x128xf32, #tpu.memory_space<vmem_shared>> -> memref<25x128xf32, #tpu.memory_space<vmem_shared>>
      tpu.wait_dma2 semaphore(%run_scoped3A_613 : memref<!tpu.dma_semaphore, #tpu.memory_space<semaphore_mem>>) src(%arg11 : memref<25x128xf32, #tpu.memory_space<vmem>>) dst(%dma_wait3A_621 : memref<25x128xf32, #tpu.memory_space<vmem_shared>>)
      tpu.yield
    }) : () -> ()
    %mul3A_245 = arith.constant 625 : i32
    %mul3A_246 = arith.muli %arg1, %mul3A_245 : i32
    %add3A_247 = arith.constant 300 : i32
    %add3A_248 = arith.addi %mul3A_246, %add3A_247 : i32
    "tpu.region"() ({
      %run_scoped3A_613 = tpu.sem_alloc : memref<!tpu.dma_semaphore, #tpu.memory_space<semaphore_mem>>
      %dma_start3A_614 = arith.constant 0 : i32
      %dma_start3A_615 = tpu.memref_slice %arg12[%add3A_248, %dma_start3A_614] : memref<10016x128xf32, #tpu.memory_space<vmem_shared>> -> memref<25x128xf32, #tpu.memory_space<vmem_shared>>
      %dma_start3A_616 = arith.constant 0 : i32
      %dma_start3A_617 = tpu.memref_slice %arg12[%add3A_248, %dma_start3A_616] : memref<10016x128xf32, #tpu.memory_space<vmem_shared>> -> memref<25x128xf32, #tpu.memory_space<vmem_shared>>
      tpu.enqueue_dma source(%arg11 : memref<25x128xf32, #tpu.memory_space<vmem>>) target(%dma_start3A_617 : memref<25x128xf32, #tpu.memory_space<vmem_shared>>) target_semaphore(%run_scoped3A_613 : memref<!tpu.dma_semaphore, #tpu.memory_space<semaphore_mem>>)
      %dma_wait3A_618 = arith.constant 0 : i32
      %dma_wait3A_619 = tpu.memref_slice %arg12[%add3A_248, %dma_wait3A_618] : memref<10016x128xf32, #tpu.memory_space<vmem_shared>> -> memref<25x128xf32, #tpu.memory_space<vmem_shared>>
      %dma_wait3A_620 = arith.constant 0 : i32
      %dma_wait3A_621 = tpu.memref_slice %arg12[%add3A_248, %dma_wait3A_620] : memref<10016x128xf32, #tpu.memory_space<vmem_shared>> -> memref<25x128xf32, #tpu.memory_space<vmem_shared>>
      tpu.wait_dma2 semaphore(%run_scoped3A_613 : memref<!tpu.dma_semaphore, #tpu.memory_space<semaphore_mem>>) src(%arg11 : memref<25x128xf32, #tpu.memory_space<vmem>>) dst(%dma_wait3A_621 : memref<25x128xf32, #tpu.memory_space<vmem_shared>>)
      tpu.yield
    }) : () -> ()
    %mul3A_249 = arith.constant 625 : i32
    %mul3A_250 = arith.muli %arg1, %mul3A_249 : i32
    %add3A_251 = arith.constant 325 : i32
    %add3A_252 = arith.addi %mul3A_250, %add3A_251 : i32
    "tpu.region"() ({
      %run_scoped3A_613 = tpu.sem_alloc : memref<!tpu.dma_semaphore, #tpu.memory_space<semaphore_mem>>
      %dma_start3A_614 = arith.constant 0 : i32
      %dma_start3A_615 = tpu.memref_slice %arg12[%add3A_252, %dma_start3A_614] : memref<10016x128xf32, #tpu.memory_space<vmem_shared>> -> memref<25x128xf32, #tpu.memory_space<vmem_shared>>
      %dma_start3A_616 = arith.constant 0 : i32
      %dma_start3A_617 = tpu.memref_slice %arg12[%add3A_252, %dma_start3A_616] : memref<10016x128xf32, #tpu.memory_space<vmem_shared>> -> memref<25x128xf32, #tpu.memory_space<vmem_shared>>
      tpu.enqueue_dma source(%arg11 : memref<25x128xf32, #tpu.memory_space<vmem>>) target(%dma_start3A_617 : memref<25x128xf32, #tpu.memory_space<vmem_shared>>) target_semaphore(%run_scoped3A_613 : memref<!tpu.dma_semaphore, #tpu.memory_space<semaphore_mem>>)
      %dma_wait3A_618 = arith.constant 0 : i32
      %dma_wait3A_619 = tpu.memref_slice %arg12[%add3A_252, %dma_wait3A_618] : memref<10016x128xf32, #tpu.memory_space<vmem_shared>> -> memref<25x128xf32, #tpu.memory_space<vmem_shared>>
      %dma_wait3A_620 = arith.constant 0 : i32
      %dma_wait3A_621 = tpu.memref_slice %arg12[%add3A_252, %dma_wait3A_620] : memref<10016x128xf32, #tpu.memory_space<vmem_shared>> -> memref<25x128xf32, #tpu.memory_space<vmem_shared>>
      tpu.wait_dma2 semaphore(%run_scoped3A_613 : memref<!tpu.dma_semaphore, #tpu.memory_space<semaphore_mem>>) src(%arg11 : memref<25x128xf32, #tpu.memory_space<vmem>>) dst(%dma_wait3A_621 : memref<25x128xf32, #tpu.memory_space<vmem_shared>>)
      tpu.yield
    }) : () -> ()
    %mul3A_253 = arith.constant 625 : i32
    %mul3A_254 = arith.muli %arg1, %mul3A_253 : i32
    %add3A_255 = arith.constant 350 : i32
    %add3A_256 = arith.addi %mul3A_254, %add3A_255 : i32
    "tpu.region"() ({
      %run_scoped3A_613 = tpu.sem_alloc : memref<!tpu.dma_semaphore, #tpu.memory_space<semaphore_mem>>
      %dma_start3A_614 = arith.constant 0 : i32
      %dma_start3A_615 = tpu.memref_slice %arg12[%add3A_256, %dma_start3A_614] : memref<10016x128xf32, #tpu.memory_space<vmem_shared>> -> memref<25x128xf32, #tpu.memory_space<vmem_shared>>
      %dma_start3A_616 = arith.constant 0 : i32
      %dma_start3A_617 = tpu.memref_slice %arg12[%add3A_256, %dma_start3A_616] : memref<10016x128xf32, #tpu.memory_space<vmem_shared>> -> memref<25x128xf32, #tpu.memory_space<vmem_shared>>
      tpu.enqueue_dma source(%arg11 : memref<25x128xf32, #tpu.memory_space<vmem>>) target(%dma_start3A_617 : memref<25x128xf32, #tpu.memory_space<vmem_shared>>) target_semaphore(%run_scoped3A_613 : memref<!tpu.dma_semaphore, #tpu.memory_space<semaphore_mem>>)
      %dma_wait3A_618 = arith.constant 0 : i32
      %dma_wait3A_619 = tpu.memref_slice %arg12[%add3A_256, %dma_wait3A_618] : memref<10016x128xf32, #tpu.memory_space<vmem_shared>> -> memref<25x128xf32, #tpu.memory_space<vmem_shared>>
      %dma_wait3A_620 = arith.constant 0 : i32
      %dma_wait3A_621 = tpu.memref_slice %arg12[%add3A_256, %dma_wait3A_620] : memref<10016x128xf32, #tpu.memory_space<vmem_shared>> -> memref<25x128xf32, #tpu.memory_space<vmem_shared>>
      tpu.wait_dma2 semaphore(%run_scoped3A_613 : memref<!tpu.dma_semaphore, #tpu.memory_space<semaphore_mem>>) src(%arg11 : memref<25x128xf32, #tpu.memory_space<vmem>>) dst(%dma_wait3A_621 : memref<25x128xf32, #tpu.memory_space<vmem_shared>>)
      tpu.yield
    }) : () -> ()
    %mul3A_257 = arith.constant 625 : i32
    %mul3A_258 = arith.muli %arg1, %mul3A_257 : i32
    %add3A_259 = arith.constant 375 : i32
    %add3A_260 = arith.addi %mul3A_258, %add3A_259 : i32
    "tpu.region"() ({
      %run_scoped3A_613 = tpu.sem_alloc : memref<!tpu.dma_semaphore, #tpu.memory_space<semaphore_mem>>
      %dma_start3A_614 = arith.constant 0 : i32
      %dma_start3A_615 = tpu.memref_slice %arg12[%add3A_260, %dma_start3A_614] : memref<10016x128xf32, #tpu.memory_space<vmem_shared>> -> memref<25x128xf32, #tpu.memory_space<vmem_shared>>
      %dma_start3A_616 = arith.constant 0 : i32
      %dma_start3A_617 = tpu.memref_slice %arg12[%add3A_260, %dma_start3A_616] : memref<10016x128xf32, #tpu.memory_space<vmem_shared>> -> memref<25x128xf32, #tpu.memory_space<vmem_shared>>
      tpu.enqueue_dma source(%arg11 : memref<25x128xf32, #tpu.memory_space<vmem>>) target(%dma_start3A_617 : memref<25x128xf32, #tpu.memory_space<vmem_shared>>) target_semaphore(%run_scoped3A_613 : memref<!tpu.dma_semaphore, #tpu.memory_space<semaphore_mem>>)
      %dma_wait3A_618 = arith.constant 0 : i32
      %dma_wait3A_619 = tpu.memref_slice %arg12[%add3A_260, %dma_wait3A_618] : memref<10016x128xf32, #tpu.memory_space<vmem_shared>> -> memref<25x128xf32, #tpu.memory_space<vmem_shared>>
      %dma_wait3A_620 = arith.constant 0 : i32
      %dma_wait3A_621 = tpu.memref_slice %arg12[%add3A_260, %dma_wait3A_620] : memref<10016x128xf32, #tpu.memory_space<vmem_shared>> -> memref<25x128xf32, #tpu.memory_space<vmem_shared>>
      tpu.wait_dma2 semaphore(%run_scoped3A_613 : memref<!tpu.dma_semaphore, #tpu.memory_space<semaphore_mem>>) src(%arg11 : memref<25x128xf32, #tpu.memory_space<vmem>>) dst(%dma_wait3A_621 : memref<25x128xf32, #tpu.memory_space<vmem_shared>>)
      tpu.yield
    }) : () -> ()
    %mul3A_261 = arith.constant 625 : i32
    %mul3A_262 = arith.muli %arg1, %mul3A_261 : i32
    %add3A_263 = arith.constant 400 : i32
    %add3A_264 = arith.addi %mul3A_262, %add3A_263 : i32
    "tpu.region"() ({
      %run_scoped3A_613 = tpu.sem_alloc : memref<!tpu.dma_semaphore, #tpu.memory_space<semaphore_mem>>
      %dma_start3A_614 = arith.constant 0 : i32
      %dma_start3A_615 = tpu.memref_slice %arg12[%add3A_264, %dma_start3A_614] : memref<10016x128xf32, #tpu.memory_space<vmem_shared>> -> memref<25x128xf32, #tpu.memory_space<vmem_shared>>
      %dma_start3A_616 = arith.constant 0 : i32
      %dma_start3A_617 = tpu.memref_slice %arg12[%add3A_264, %dma_start3A_616] : memref<10016x128xf32, #tpu.memory_space<vmem_shared>> -> memref<25x128xf32, #tpu.memory_space<vmem_shared>>
      tpu.enqueue_dma source(%arg11 : memref<25x128xf32, #tpu.memory_space<vmem>>) target(%dma_start3A_617 : memref<25x128xf32, #tpu.memory_space<vmem_shared>>) target_semaphore(%run_scoped3A_613 : memref<!tpu.dma_semaphore, #tpu.memory_space<semaphore_mem>>)
      %dma_wait3A_618 = arith.constant 0 : i32
      %dma_wait3A_619 = tpu.memref_slice %arg12[%add3A_264, %dma_wait3A_618] : memref<10016x128xf32, #tpu.memory_space<vmem_shared>> -> memref<25x128xf32, #tpu.memory_space<vmem_shared>>
      %dma_wait3A_620 = arith.constant 0 : i32
      %dma_wait3A_621 = tpu.memref_slice %arg12[%add3A_264, %dma_wait3A_620] : memref<10016x128xf32, #tpu.memory_space<vmem_shared>> -> memref<25x128xf32, #tpu.memory_space<vmem_shared>>
      tpu.wait_dma2 semaphore(%run_scoped3A_613 : memref<!tpu.dma_semaphore, #tpu.memory_space<semaphore_mem>>) src(%arg11 : memref<25x128xf32, #tpu.memory_space<vmem>>) dst(%dma_wait3A_621 : memref<25x128xf32, #tpu.memory_space<vmem_shared>>)
      tpu.yield
    }) : () -> ()
    %mul3A_265 = arith.constant 625 : i32
    %mul3A_266 = arith.muli %arg1, %mul3A_265 : i32
    %add3A_267 = arith.constant 425 : i32
    %add3A_268 = arith.addi %mul3A_266, %add3A_267 : i32
    "tpu.region"() ({
      %run_scoped3A_613 = tpu.sem_alloc : memref<!tpu.dma_semaphore, #tpu.memory_space<semaphore_mem>>
      %dma_start3A_614 = arith.constant 0 : i32
      %dma_start3A_615 = tpu.memref_slice %arg12[%add3A_268, %dma_start3A_614] : memref<10016x128xf32, #tpu.memory_space<vmem_shared>> -> memref<25x128xf32, #tpu.memory_space<vmem_shared>>
      %dma_start3A_616 = arith.constant 0 : i32
      %dma_start3A_617 = tpu.memref_slice %arg12[%add3A_268, %dma_start3A_616] : memref<10016x128xf32, #tpu.memory_space<vmem_shared>> -> memref<25x128xf32, #tpu.memory_space<vmem_shared>>
      tpu.enqueue_dma source(%arg11 : memref<25x128xf32, #tpu.memory_space<vmem>>) target(%dma_start3A_617 : memref<25x128xf32, #tpu.memory_space<vmem_shared>>) target_semaphore(%run_scoped3A_613 : memref<!tpu.dma_semaphore, #tpu.memory_space<semaphore_mem>>)
      %dma_wait3A_618 = arith.constant 0 : i32
      %dma_wait3A_619 = tpu.memref_slice %arg12[%add3A_268, %dma_wait3A_618] : memref<10016x128xf32, #tpu.memory_space<vmem_shared>> -> memref<25x128xf32, #tpu.memory_space<vmem_shared>>
      %dma_wait3A_620 = arith.constant 0 : i32
      %dma_wait3A_621 = tpu.memref_slice %arg12[%add3A_268, %dma_wait3A_620] : memref<10016x128xf32, #tpu.memory_space<vmem_shared>> -> memref<25x128xf32, #tpu.memory_space<vmem_shared>>
      tpu.wait_dma2 semaphore(%run_scoped3A_613 : memref<!tpu.dma_semaphore, #tpu.memory_space<semaphore_mem>>) src(%arg11 : memref<25x128xf32, #tpu.memory_space<vmem>>) dst(%dma_wait3A_621 : memref<25x128xf32, #tpu.memory_space<vmem_shared>>)
      tpu.yield
    }) : () -> ()
    %mul3A_269 = arith.constant 625 : i32
    %mul3A_270 = arith.muli %arg1, %mul3A_269 : i32
    %add3A_271 = arith.constant 450 : i32
    %add3A_272 = arith.addi %mul3A_270, %add3A_271 : i32
    "tpu.region"() ({
      %run_scoped3A_613 = tpu.sem_alloc : memref<!tpu.dma_semaphore, #tpu.memory_space<semaphore_mem>>
      %dma_start3A_614 = arith.constant 0 : i32
      %dma_start3A_615 = tpu.memref_slice %arg12[%add3A_272, %dma_start3A_614] : memref<10016x128xf32, #tpu.memory_space<vmem_shared>> -> memref<25x128xf32, #tpu.memory_space<vmem_shared>>
      %dma_start3A_616 = arith.constant 0 : i32
      %dma_start3A_617 = tpu.memref_slice %arg12[%add3A_272, %dma_start3A_616] : memref<10016x128xf32, #tpu.memory_space<vmem_shared>> -> memref<25x128xf32, #tpu.memory_space<vmem_shared>>
      tpu.enqueue_dma source(%arg11 : memref<25x128xf32, #tpu.memory_space<vmem>>) target(%dma_start3A_617 : memref<25x128xf32, #tpu.memory_space<vmem_shared>>) target_semaphore(%run_scoped3A_613 : memref<!tpu.dma_semaphore, #tpu.memory_space<semaphore_mem>>)
      %dma_wait3A_618 = arith.constant 0 : i32
      %dma_wait3A_619 = tpu.memref_slice %arg12[%add3A_272, %dma_wait3A_618] : memref<10016x128xf32, #tpu.memory_space<vmem_shared>> -> memref<25x128xf32, #tpu.memory_space<vmem_shared>>
      %dma_wait3A_620 = arith.constant 0 : i32
      %dma_wait3A_621 = tpu.memref_slice %arg12[%add3A_272, %dma_wait3A_620] : memref<10016x128xf32, #tpu.memory_space<vmem_shared>> -> memref<25x128xf32, #tpu.memory_space<vmem_shared>>
      tpu.wait_dma2 semaphore(%run_scoped3A_613 : memref<!tpu.dma_semaphore, #tpu.memory_space<semaphore_mem>>) src(%arg11 : memref<25x128xf32, #tpu.memory_space<vmem>>) dst(%dma_wait3A_621 : memref<25x128xf32, #tpu.memory_space<vmem_shared>>)
      tpu.yield
    }) : () -> ()
    %mul3A_273 = arith.constant 625 : i32
    %mul3A_274 = arith.muli %arg1, %mul3A_273 : i32
    %add3A_275 = arith.constant 475 : i32
    %add3A_276 = arith.addi %mul3A_274, %add3A_275 : i32
    "tpu.region"() ({
      %run_scoped3A_613 = tpu.sem_alloc : memref<!tpu.dma_semaphore, #tpu.memory_space<semaphore_mem>>
      %dma_start3A_614 = arith.constant 0 : i32
      %dma_start3A_615 = tpu.memref_slice %arg12[%add3A_276, %dma_start3A_614] : memref<10016x128xf32, #tpu.memory_space<vmem_shared>> -> memref<25x128xf32, #tpu.memory_space<vmem_shared>>
      %dma_start3A_616 = arith.constant 0 : i32
      %dma_start3A_617 = tpu.memref_slice %arg12[%add3A_276, %dma_start3A_616] : memref<10016x128xf32, #tpu.memory_space<vmem_shared>> -> memref<25x128xf32, #tpu.memory_space<vmem_shared>>
      tpu.enqueue_dma source(%arg11 : memref<25x128xf32, #tpu.memory_space<vmem>>) target(%dma_start3A_617 : memref<25x128xf32, #tpu.memory_space<vmem_shared>>) target_semaphore(%run_scoped3A_613 : memref<!tpu.dma_semaphore, #tpu.memory_space<semaphore_mem>>)
      %dma_wait3A_618 = arith.constant 0 : i32
      %dma_wait3A_619 = tpu.memref_slice %arg12[%add3A_276, %dma_wait3A_618] : memref<10016x128xf32, #tpu.memory_space<vmem_shared>> -> memref<25x128xf32, #tpu.memory_space<vmem_shared>>
      %dma_wait3A_620 = arith.constant 0 : i32
      %dma_wait3A_621 = tpu.memref_slice %arg12[%add3A_276, %dma_wait3A_620] : memref<10016x128xf32, #tpu.memory_space<vmem_shared>> -> memref<25x128xf32, #tpu.memory_space<vmem_shared>>
      tpu.wait_dma2 semaphore(%run_scoped3A_613 : memref<!tpu.dma_semaphore, #tpu.memory_space<semaphore_mem>>) src(%arg11 : memref<25x128xf32, #tpu.memory_space<vmem>>) dst(%dma_wait3A_621 : memref<25x128xf32, #tpu.memory_space<vmem_shared>>)
      tpu.yield
    }) : () -> ()
    %mul3A_277 = arith.constant 625 : i32
    %mul3A_278 = arith.muli %arg1, %mul3A_277 : i32
    %add3A_279 = arith.constant 500 : i32
    %add3A_280 = arith.addi %mul3A_278, %add3A_279 : i32
    "tpu.region"() ({
      %run_scoped3A_613 = tpu.sem_alloc : memref<!tpu.dma_semaphore, #tpu.memory_space<semaphore_mem>>
      %dma_start3A_614 = arith.constant 0 : i32
      %dma_start3A_615 = tpu.memref_slice %arg12[%add3A_280, %dma_start3A_614] : memref<10016x128xf32, #tpu.memory_space<vmem_shared>> -> memref<25x128xf32, #tpu.memory_space<vmem_shared>>
      %dma_start3A_616 = arith.constant 0 : i32
      %dma_start3A_617 = tpu.memref_slice %arg12[%add3A_280, %dma_start3A_616] : memref<10016x128xf32, #tpu.memory_space<vmem_shared>> -> memref<25x128xf32, #tpu.memory_space<vmem_shared>>
      tpu.enqueue_dma source(%arg11 : memref<25x128xf32, #tpu.memory_space<vmem>>) target(%dma_start3A_617 : memref<25x128xf32, #tpu.memory_space<vmem_shared>>) target_semaphore(%run_scoped3A_613 : memref<!tpu.dma_semaphore, #tpu.memory_space<semaphore_mem>>)
      %dma_wait3A_618 = arith.constant 0 : i32
      %dma_wait3A_619 = tpu.memref_slice %arg12[%add3A_280, %dma_wait3A_618] : memref<10016x128xf32, #tpu.memory_space<vmem_shared>> -> memref<25x128xf32, #tpu.memory_space<vmem_shared>>
      %dma_wait3A_620 = arith.constant 0 : i32
      %dma_wait3A_621 = tpu.memref_slice %arg12[%add3A_280, %dma_wait3A_620] : memref<10016x128xf32, #tpu.memory_space<vmem_shared>> -> memref<25x128xf32, #tpu.memory_space<vmem_shared>>
      tpu.wait_dma2 semaphore(%run_scoped3A_613 : memref<!tpu.dma_semaphore, #tpu.memory_space<semaphore_mem>>) src(%arg11 : memref<25x128xf32, #tpu.memory_space<vmem>>) dst(%dma_wait3A_621 : memref<25x128xf32, #tpu.memory_space<vmem_shared>>)
      tpu.yield
    }) : () -> ()
    %mul3A_281 = arith.constant 625 : i32
    %mul3A_282 = arith.muli %arg1, %mul3A_281 : i32
    %add3A_283 = arith.constant 525 : i32
    %add3A_284 = arith.addi %mul3A_282, %add3A_283 : i32
    "tpu.region"() ({
      %run_scoped3A_613 = tpu.sem_alloc : memref<!tpu.dma_semaphore, #tpu.memory_space<semaphore_mem>>
      %dma_start3A_614 = arith.constant 0 : i32
      %dma_start3A_615 = tpu.memref_slice %arg12[%add3A_284, %dma_start3A_614] : memref<10016x128xf32, #tpu.memory_space<vmem_shared>> -> memref<25x128xf32, #tpu.memory_space<vmem_shared>>
      %dma_start3A_616 = arith.constant 0 : i32
      %dma_start3A_617 = tpu.memref_slice %arg12[%add3A_284, %dma_start3A_616] : memref<10016x128xf32, #tpu.memory_space<vmem_shared>> -> memref<25x128xf32, #tpu.memory_space<vmem_shared>>
      tpu.enqueue_dma source(%arg11 : memref<25x128xf32, #tpu.memory_space<vmem>>) target(%dma_start3A_617 : memref<25x128xf32, #tpu.memory_space<vmem_shared>>) target_semaphore(%run_scoped3A_613 : memref<!tpu.dma_semaphore, #tpu.memory_space<semaphore_mem>>)
      %dma_wait3A_618 = arith.constant 0 : i32
      %dma_wait3A_619 = tpu.memref_slice %arg12[%add3A_284, %dma_wait3A_618] : memref<10016x128xf32, #tpu.memory_space<vmem_shared>> -> memref<25x128xf32, #tpu.memory_space<vmem_shared>>
      %dma_wait3A_620 = arith.constant 0 : i32
      %dma_wait3A_621 = tpu.memref_slice %arg12[%add3A_284, %dma_wait3A_620] : memref<10016x128xf32, #tpu.memory_space<vmem_shared>> -> memref<25x128xf32, #tpu.memory_space<vmem_shared>>
      tpu.wait_dma2 semaphore(%run_scoped3A_613 : memref<!tpu.dma_semaphore, #tpu.memory_space<semaphore_mem>>) src(%arg11 : memref<25x128xf32, #tpu.memory_space<vmem>>) dst(%dma_wait3A_621 : memref<25x128xf32, #tpu.memory_space<vmem_shared>>)
      tpu.yield
    }) : () -> ()
    %mul3A_285 = arith.constant 625 : i32
    %mul3A_286 = arith.muli %arg1, %mul3A_285 : i32
    %add3A_287 = arith.constant 550 : i32
    %add3A_288 = arith.addi %mul3A_286, %add3A_287 : i32
    "tpu.region"() ({
      %run_scoped3A_613 = tpu.sem_alloc : memref<!tpu.dma_semaphore, #tpu.memory_space<semaphore_mem>>
      %dma_start3A_614 = arith.constant 0 : i32
      %dma_start3A_615 = tpu.memref_slice %arg12[%add3A_288, %dma_start3A_614] : memref<10016x128xf32, #tpu.memory_space<vmem_shared>> -> memref<25x128xf32, #tpu.memory_space<vmem_shared>>
      %dma_start3A_616 = arith.constant 0 : i32
      %dma_start3A_617 = tpu.memref_slice %arg12[%add3A_288, %dma_start3A_616] : memref<10016x128xf32, #tpu.memory_space<vmem_shared>> -> memref<25x128xf32, #tpu.memory_space<vmem_shared>>
      tpu.enqueue_dma source(%arg11 : memref<25x128xf32, #tpu.memory_space<vmem>>) target(%dma_start3A_617 : memref<25x128xf32, #tpu.memory_space<vmem_shared>>) target_semaphore(%run_scoped3A_613 : memref<!tpu.dma_semaphore, #tpu.memory_space<semaphore_mem>>)
      %dma_wait3A_618 = arith.constant 0 : i32
      %dma_wait3A_619 = tpu.memref_slice %arg12[%add3A_288, %dma_wait3A_618] : memref<10016x128xf32, #tpu.memory_space<vmem_shared>> -> memref<25x128xf32, #tpu.memory_space<vmem_shared>>
      %dma_wait3A_620 = arith.constant 0 : i32
      %dma_wait3A_621 = tpu.memref_slice %arg12[%add3A_288, %dma_wait3A_620] : memref<10016x128xf32, #tpu.memory_space<vmem_shared>> -> memref<25x128xf32, #tpu.memory_space<vmem_shared>>
      tpu.wait_dma2 semaphore(%run_scoped3A_613 : memref<!tpu.dma_semaphore, #tpu.memory_space<semaphore_mem>>) src(%arg11 : memref<25x128xf32, #tpu.memory_space<vmem>>) dst(%dma_wait3A_621 : memref<25x128xf32, #tpu.memory_space<vmem_shared>>)
      tpu.yield
    }) : () -> ()
    %mul3A_289 = arith.constant 625 : i32
    %mul3A_290 = arith.muli %arg1, %mul3A_289 : i32
    %add3A_291 = arith.constant 575 : i32
    %add3A_292 = arith.addi %mul3A_290, %add3A_291 : i32
    "tpu.region"() ({
      %run_scoped3A_613 = tpu.sem_alloc : memref<!tpu.dma_semaphore, #tpu.memory_space<semaphore_mem>>
      %dma_start3A_614 = arith.constant 0 : i32
      %dma_start3A_615 = tpu.memref_slice %arg12[%add3A_292, %dma_start3A_614] : memref<10016x128xf32, #tpu.memory_space<vmem_shared>> -> memref<25x128xf32, #tpu.memory_space<vmem_shared>>
      %dma_start3A_616 = arith.constant 0 : i32
      %dma_start3A_617 = tpu.memref_slice %arg12[%add3A_292, %dma_start3A_616] : memref<10016x128xf32, #tpu.memory_space<vmem_shared>> -> memref<25x128xf32, #tpu.memory_space<vmem_shared>>
      tpu.enqueue_dma source(%arg11 : memref<25x128xf32, #tpu.memory_space<vmem>>) target(%dma_start3A_617 : memref<25x128xf32, #tpu.memory_space<vmem_shared>>) target_semaphore(%run_scoped3A_613 : memref<!tpu.dma_semaphore, #tpu.memory_space<semaphore_mem>>)
      %dma_wait3A_618 = arith.constant 0 : i32
      %dma_wait3A_619 = tpu.memref_slice %arg12[%add3A_292, %dma_wait3A_618] : memref<10016x128xf32, #tpu.memory_space<vmem_shared>> -> memref<25x128xf32, #tpu.memory_space<vmem_shared>>
      %dma_wait3A_620 = arith.constant 0 : i32
      %dma_wait3A_621 = tpu.memref_slice %arg12[%add3A_292, %dma_wait3A_620] : memref<10016x128xf32, #tpu.memory_space<vmem_shared>> -> memref<25x128xf32, #tpu.memory_space<vmem_shared>>
      tpu.wait_dma2 semaphore(%run_scoped3A_613 : memref<!tpu.dma_semaphore, #tpu.memory_space<semaphore_mem>>) src(%arg11 : memref<25x128xf32, #tpu.memory_space<vmem>>) dst(%dma_wait3A_621 : memref<25x128xf32, #tpu.memory_space<vmem_shared>>)
      tpu.yield
    }) : () -> ()
    %mul3A_293 = arith.constant 625 : i32
    %mul3A_294 = arith.muli %arg1, %mul3A_293 : i32
    %add3A_295 = arith.constant 600 : i32
    %add3A_296 = arith.addi %mul3A_294, %add3A_295 : i32
    "tpu.region"() ({
      %run_scoped3A_613 = tpu.sem_alloc : memref<!tpu.dma_semaphore, #tpu.memory_space<semaphore_mem>>
      %dma_start3A_614 = arith.constant 0 : i32
      %dma_start3A_615 = tpu.memref_slice %arg12[%add3A_296, %dma_start3A_614] : memref<10016x128xf32, #tpu.memory_space<vmem_shared>> -> memref<25x128xf32, #tpu.memory_space<vmem_shared>>
      %dma_start3A_616 = arith.constant 0 : i32
      %dma_start3A_617 = tpu.memref_slice %arg12[%add3A_296, %dma_start3A_616] : memref<10016x128xf32, #tpu.memory_space<vmem_shared>> -> memref<25x128xf32, #tpu.memory_space<vmem_shared>>
      tpu.enqueue_dma source(%arg11 : memref<25x128xf32, #tpu.memory_space<vmem>>) target(%dma_start3A_617 : memref<25x128xf32, #tpu.memory_space<vmem_shared>>) target_semaphore(%run_scoped3A_613 : memref<!tpu.dma_semaphore, #tpu.memory_space<semaphore_mem>>)
      %dma_wait3A_618 = arith.constant 0 : i32
      %dma_wait3A_619 = tpu.memref_slice %arg12[%add3A_296, %dma_wait3A_618] : memref<10016x128xf32, #tpu.memory_space<vmem_shared>> -> memref<25x128xf32, #tpu.memory_space<vmem_shared>>
      %dma_wait3A_620 = arith.constant 0 : i32
      %dma_wait3A_621 = tpu.memref_slice %arg12[%add3A_296, %dma_wait3A_620] : memref<10016x128xf32, #tpu.memory_space<vmem_shared>> -> memref<25x128xf32, #tpu.memory_space<vmem_shared>>
      tpu.wait_dma2 semaphore(%run_scoped3A_613 : memref<!tpu.dma_semaphore, #tpu.memory_space<semaphore_mem>>) src(%arg11 : memref<25x128xf32, #tpu.memory_space<vmem>>) dst(%dma_wait3A_621 : memref<25x128xf32, #tpu.memory_space<vmem_shared>>)
      tpu.yield
    }) : () -> ()
    %barrier3A_297 = arith.constant 0 : index
    tpu.barrier barrier_id(%barrier3A_297)
    %add3A_298 = arith.constant 2 : i32
    %add3A_299 = arith.addi %add3A_298, %arg0 : i32
    %mul3A_300 = arith.constant 10000 : i32
    %mul3A_301 = arith.muli %add3A_299, %mul3A_300 : i32
    %run_scoped3A_302 = arith.constant 1 : i32
    %run_scoped3A_303 = arith.constant 0 : i32
    "tpu.region"() ({
      %run_scoped3A_613 = tpu.sem_alloc : memref<!tpu.dma_semaphore, #tpu.memory_space<semaphore_mem>>
      %dma_start3A_614 = arith.constant 0 : i32
      %dma_start3A_615 = arith.constant 0 : i32
      %dma_start3A_616 = tpu.memref_slice %arg3[%run_scoped3A_302, %arg1, %run_scoped3A_303, %dma_start3A_614, %dma_start3A_615] : memref<3x16x2x40x128xi32, #tpu.memory_space<hbm>> -> memref<1x1x1x40x128xi32, #tpu.memory_space<hbm>>
      %dma_start3A_617 = tpu.memref_squeeze %dma_start3A_616 : memref<1x1x1x40x128xi32, #tpu.memory_space<hbm>> -> memref<40x128xi32, #tpu.memory_space<hbm>>
      %dma_start3A_618 = arith.constant 0 : i32
      %dma_start3A_619 = arith.constant 0 : i32
      %dma_start3A_620 = tpu.memref_slice %arg3[%run_scoped3A_302, %arg1, %run_scoped3A_303, %dma_start3A_618, %dma_start3A_619] : memref<3x16x2x40x128xi32, #tpu.memory_space<hbm>> -> memref<1x1x1x40x128xi32, #tpu.memory_space<hbm>>
      %dma_start3A_621 = tpu.memref_squeeze %dma_start3A_620 : memref<1x1x1x40x128xi32, #tpu.memory_space<hbm>> -> memref<40x128xi32, #tpu.memory_space<hbm>>
      tpu.enqueue_dma source(%dma_start3A_621 : memref<40x128xi32, #tpu.memory_space<hbm>>) target(%arg7 : memref<40x128xi32, #tpu.memory_space<vmem>>) target_semaphore(%run_scoped3A_613 : memref<!tpu.dma_semaphore, #tpu.memory_space<semaphore_mem>>)
      %dma_wait3A_622 = arith.constant 0 : i32
      %dma_wait3A_623 = arith.constant 0 : i32
      %dma_wait3A_624 = tpu.memref_slice %arg3[%run_scoped3A_302, %arg1, %run_scoped3A_303, %dma_wait3A_622, %dma_wait3A_623] : memref<3x16x2x40x128xi32, #tpu.memory_space<hbm>> -> memref<1x1x1x40x128xi32, #tpu.memory_space<hbm>>
      %dma_wait3A_625 = tpu.memref_squeeze %dma_wait3A_624 : memref<1x1x1x40x128xi32, #tpu.memory_space<hbm>> -> memref<40x128xi32, #tpu.memory_space<hbm>>
      %dma_wait3A_626 = arith.constant 0 : i32
      %dma_wait3A_627 = arith.constant 0 : i32
      %dma_wait3A_628 = tpu.memref_slice %arg3[%run_scoped3A_302, %arg1, %run_scoped3A_303, %dma_wait3A_626, %dma_wait3A_627] : memref<3x16x2x40x128xi32, #tpu.memory_space<hbm>> -> memref<1x1x1x40x128xi32, #tpu.memory_space<hbm>>
      %dma_wait3A_629 = tpu.memref_squeeze %dma_wait3A_628 : memref<1x1x1x40x128xi32, #tpu.memory_space<hbm>> -> memref<40x128xi32, #tpu.memory_space<hbm>>
      tpu.wait_dma2 semaphore(%run_scoped3A_613 : memref<!tpu.dma_semaphore, #tpu.memory_space<semaphore_mem>>) src(%dma_wait3A_629 : memref<40x128xi32, #tpu.memory_space<hbm>>) dst(%arg7 : memref<40x128xi32, #tpu.memory_space<vmem>>)
      tpu.yield
    }) : () -> ()
    %run_scoped3A_304 = arith.constant 1 : i32
    %run_scoped3A_305 = arith.constant 0 : i32
    "tpu.region"() ({
      %run_scoped3A_613 = tpu.sem_alloc : memref<!tpu.dma_semaphore, #tpu.memory_space<semaphore_mem>>
      %dma_start3A_614 = arith.constant 0 : i32
      %dma_start3A_615 = arith.constant 0 : i32
      %dma_start3A_616 = tpu.memref_slice %arg4[%run_scoped3A_304, %arg1, %run_scoped3A_305, %dma_start3A_614, %dma_start3A_615] : memref<3x16x2x40x128xi32, #tpu.memory_space<hbm>> -> memref<1x1x1x40x128xi32, #tpu.memory_space<hbm>>
      %dma_start3A_617 = tpu.memref_squeeze %dma_start3A_616 : memref<1x1x1x40x128xi32, #tpu.memory_space<hbm>> -> memref<40x128xi32, #tpu.memory_space<hbm>>
      %dma_start3A_618 = arith.constant 0 : i32
      %dma_start3A_619 = arith.constant 0 : i32
      %dma_start3A_620 = tpu.memref_slice %arg4[%run_scoped3A_304, %arg1, %run_scoped3A_305, %dma_start3A_618, %dma_start3A_619] : memref<3x16x2x40x128xi32, #tpu.memory_space<hbm>> -> memref<1x1x1x40x128xi32, #tpu.memory_space<hbm>>
      %dma_start3A_621 = tpu.memref_squeeze %dma_start3A_620 : memref<1x1x1x40x128xi32, #tpu.memory_space<hbm>> -> memref<40x128xi32, #tpu.memory_space<hbm>>
      tpu.enqueue_dma source(%dma_start3A_621 : memref<40x128xi32, #tpu.memory_space<hbm>>) target(%arg8 : memref<40x128xi32, #tpu.memory_space<vmem>>) target_semaphore(%run_scoped3A_613 : memref<!tpu.dma_semaphore, #tpu.memory_space<semaphore_mem>>)
      %dma_wait3A_622 = arith.constant 0 : i32
      %dma_wait3A_623 = arith.constant 0 : i32
      %dma_wait3A_624 = tpu.memref_slice %arg4[%run_scoped3A_304, %arg1, %run_scoped3A_305, %dma_wait3A_622, %dma_wait3A_623] : memref<3x16x2x40x128xi32, #tpu.memory_space<hbm>> -> memref<1x1x1x40x128xi32, #tpu.memory_space<hbm>>
      %dma_wait3A_625 = tpu.memref_squeeze %dma_wait3A_624 : memref<1x1x1x40x128xi32, #tpu.memory_space<hbm>> -> memref<40x128xi32, #tpu.memory_space<hbm>>
      %dma_wait3A_626 = arith.constant 0 : i32
      %dma_wait3A_627 = arith.constant 0 : i32
      %dma_wait3A_628 = tpu.memref_slice %arg4[%run_scoped3A_304, %arg1, %run_scoped3A_305, %dma_wait3A_626, %dma_wait3A_627] : memref<3x16x2x40x128xi32, #tpu.memory_space<hbm>> -> memref<1x1x1x40x128xi32, #tpu.memory_space<hbm>>
      %dma_wait3A_629 = tpu.memref_squeeze %dma_wait3A_628 : memref<1x1x1x40x128xi32, #tpu.memory_space<hbm>> -> memref<40x128xi32, #tpu.memory_space<hbm>>
      tpu.wait_dma2 semaphore(%run_scoped3A_613 : memref<!tpu.dma_semaphore, #tpu.memory_space<semaphore_mem>>) src(%dma_wait3A_629 : memref<40x128xi32, #tpu.memory_space<hbm>>) dst(%arg8 : memref<40x128xi32, #tpu.memory_space<vmem>>)
      tpu.yield
    }) : () -> ()
    %scan3A_306 = arith.constant 0 : i32
    %scan3A_307 = arith.constant 40 : i32
    %scan3A_308 = arith.addi %scan3A_306, %scan3A_307 : i32
    %scan3A_309 = arith.constant 1 : i32
    scf.for %scan3A_613 = %scan3A_306 to %scan3A_308 step %scan3A_309  : i32 {
      %mul3A_614 = arith.constant 1 : i32
      %mul3A_615 = arith.muli %scan3A_613, %mul3A_614 : i32
      %add3A_616 = arith.constant 0 : i32
      %add3A_617 = arith.addi %add3A_616, %mul3A_615 : i32
      %get3A = arith.index_cast %add3A_617 : i32 to index
      %get3A_618 = arith.constant 0 : index
      %get3A_619 = tpu.vector_load %arg7[%get3A, %get3A_618] {strides = array<i32>} : memref<40x128xi32, #tpu.memory_space<vmem>>, vector<1x16xi32>,
      %get3A_620 = vector.shape_cast %get3A_619 : vector<1x16xi32> to vector<16xi32>
      %add3A_621 = vector.broadcast %mul3A_301 : i32 to vector<16xi32>
      %add3A_622 = arith.addi %get3A_620, %add3A_621 : vector<16xi32>
      %swap3A = arith.index_cast %add3A_617 : i32 to index
      %swap3A_623 = arith.constant 0 : index
      %swap3A_624 = tpu.vector_load %arg7[%swap3A, %swap3A_623] {strides = array<i32>} : memref<40x128xi32, #tpu.memory_space<vmem>>, vector<1x16xi32>,
      %swap3A_625 = vector.shape_cast %swap3A_624 : vector<1x16xi32> to vector<16xi32>
      %swap3A_626 = vector.shape_cast %add3A_622 : vector<16xi32> to vector<1x16xi32>
      tpu.vector_store %arg7[%swap3A, %swap3A_623], %swap3A_626 {strides = array<i32>} : memref<40x128xi32, #tpu.memory_space<vmem>>, vector<1x16xi32>,
      %get3A_627 = arith.index_cast %add3A_617 : i32 to index
      %get3A_628 = arith.constant 16 : index
      %get3A_629 = tpu.vector_load %arg7[%get3A_627, %get3A_628] {strides = array<i32>} : memref<40x128xi32, #tpu.memory_space<vmem>>, vector<1x16xi32>,
      %get3A_630 = vector.shape_cast %get3A_629 : vector<1x16xi32> to vector<16xi32>
      %add3A_631 = vector.broadcast %mul3A_301 : i32 to vector<16xi32>
      %add3A_632 = arith.addi %get3A_630, %add3A_631 : vector<16xi32>
      %swap3A_633 = arith.index_cast %add3A_617 : i32 to index
      %swap3A_634 = arith.constant 16 : index
      %swap3A_635 = tpu.vector_load %arg7[%swap3A_633, %swap3A_634] {strides = array<i32>} : memref<40x128xi32, #tpu.memory_space<vmem>>, vector<1x16xi32>,
      %swap3A_636 = vector.shape_cast %swap3A_635 : vector<1x16xi32> to vector<16xi32>
      %swap3A_637 = vector.shape_cast %add3A_632 : vector<16xi32> to vector<1x16xi32>
      tpu.vector_store %arg7[%swap3A_633, %swap3A_634], %swap3A_637 {strides = array<i32>} : memref<40x128xi32, #tpu.memory_space<vmem>>, vector<1x16xi32>,
      %get3A_638 = arith.index_cast %add3A_617 : i32 to index
      %get3A_639 = arith.constant 32 : index
      %get3A_640 = tpu.vector_load %arg7[%get3A_638, %get3A_639] {strides = array<i32>} : memref<40x128xi32, #tpu.memory_space<vmem>>, vector<1x16xi32>,
      %get3A_641 = vector.shape_cast %get3A_640 : vector<1x16xi32> to vector<16xi32>
      %add3A_642 = vector.broadcast %mul3A_301 : i32 to vector<16xi32>
      %add3A_643 = arith.addi %get3A_641, %add3A_642 : vector<16xi32>
      %swap3A_644 = arith.index_cast %add3A_617 : i32 to index
      %swap3A_645 = arith.constant 32 : index
      %swap3A_646 = tpu.vector_load %arg7[%swap3A_644, %swap3A_645] {strides = array<i32>} : memref<40x128xi32, #tpu.memory_space<vmem>>, vector<1x16xi32>,
      %swap3A_647 = vector.shape_cast %swap3A_646 : vector<1x16xi32> to vector<16xi32>
      %swap3A_648 = vector.shape_cast %add3A_643 : vector<16xi32> to vector<1x16xi32>
      tpu.vector_store %arg7[%swap3A_644, %swap3A_645], %swap3A_648 {strides = array<i32>} : memref<40x128xi32, #tpu.memory_space<vmem>>, vector<1x16xi32>,
      %get3A_649 = arith.index_cast %add3A_617 : i32 to index
      %get3A_650 = arith.constant 48 : index
      %get3A_651 = tpu.vector_load %arg7[%get3A_649, %get3A_650] {strides = array<i32>} : memref<40x128xi32, #tpu.memory_space<vmem>>, vector<1x16xi32>,
      %get3A_652 = vector.shape_cast %get3A_651 : vector<1x16xi32> to vector<16xi32>
      %add3A_653 = vector.broadcast %mul3A_301 : i32 to vector<16xi32>
      %add3A_654 = arith.addi %get3A_652, %add3A_653 : vector<16xi32>
      %swap3A_655 = arith.index_cast %add3A_617 : i32 to index
      %swap3A_656 = arith.constant 48 : index
      %swap3A_657 = tpu.vector_load %arg7[%swap3A_655, %swap3A_656] {strides = array<i32>} : memref<40x128xi32, #tpu.memory_space<vmem>>, vector<1x16xi32>,
      %swap3A_658 = vector.shape_cast %swap3A_657 : vector<1x16xi32> to vector<16xi32>
      %swap3A_659 = vector.shape_cast %add3A_654 : vector<16xi32> to vector<1x16xi32>
      tpu.vector_store %arg7[%swap3A_655, %swap3A_656], %swap3A_659 {strides = array<i32>} : memref<40x128xi32, #tpu.memory_space<vmem>>, vector<1x16xi32>,
      %get3A_660 = arith.index_cast %add3A_617 : i32 to index
      %get3A_661 = arith.constant 64 : index
      %get3A_662 = tpu.vector_load %arg7[%get3A_660, %get3A_661] {strides = array<i32>} : memref<40x128xi32, #tpu.memory_space<vmem>>, vector<1x16xi32>,
      %get3A_663 = vector.shape_cast %get3A_662 : vector<1x16xi32> to vector<16xi32>
      %add3A_664 = vector.broadcast %mul3A_301 : i32 to vector<16xi32>
      %add3A_665 = arith.addi %get3A_663, %add3A_664 : vector<16xi32>
      %swap3A_666 = arith.index_cast %add3A_617 : i32 to index
      %swap3A_667 = arith.constant 64 : index
      %swap3A_668 = tpu.vector_load %arg7[%swap3A_666, %swap3A_667] {strides = array<i32>} : memref<40x128xi32, #tpu.memory_space<vmem>>, vector<1x16xi32>,
      %swap3A_669 = vector.shape_cast %swap3A_668 : vector<1x16xi32> to vector<16xi32>
      %swap3A_670 = vector.shape_cast %add3A_665 : vector<16xi32> to vector<1x16xi32>
      tpu.vector_store %arg7[%swap3A_666, %swap3A_667], %swap3A_670 {strides = array<i32>} : memref<40x128xi32, #tpu.memory_space<vmem>>, vector<1x16xi32>,
      %get3A_671 = arith.index_cast %add3A_617 : i32 to index
      %get3A_672 = arith.constant 80 : index
      %get3A_673 = tpu.vector_load %arg7[%get3A_671, %get3A_672] {strides = array<i32>} : memref<40x128xi32, #tpu.memory_space<vmem>>, vector<1x16xi32>,
      %get3A_674 = vector.shape_cast %get3A_673 : vector<1x16xi32> to vector<16xi32>
      %add3A_675 = vector.broadcast %mul3A_301 : i32 to vector<16xi32>
      %add3A_676 = arith.addi %get3A_674, %add3A_675 : vector<16xi32>
      %swap3A_677 = arith.index_cast %add3A_617 : i32 to index
      %swap3A_678 = arith.constant 80 : index
      %swap3A_679 = tpu.vector_load %arg7[%swap3A_677, %swap3A_678] {strides = array<i32>} : memref<40x128xi32, #tpu.memory_space<vmem>>, vector<1x16xi32>,
      %swap3A_680 = vector.shape_cast %swap3A_679 : vector<1x16xi32> to vector<16xi32>
      %swap3A_681 = vector.shape_cast %add3A_676 : vector<16xi32> to vector<1x16xi32>
      tpu.vector_store %arg7[%swap3A_677, %swap3A_678], %swap3A_681 {strides = array<i32>} : memref<40x128xi32, #tpu.memory_space<vmem>>, vector<1x16xi32>,
      %get3A_682 = arith.index_cast %add3A_617 : i32 to index
      %get3A_683 = arith.constant 96 : index
      %get3A_684 = tpu.vector_load %arg7[%get3A_682, %get3A_683] {strides = array<i32>} : memref<40x128xi32, #tpu.memory_space<vmem>>, vector<1x16xi32>,
      %get3A_685 = vector.shape_cast %get3A_684 : vector<1x16xi32> to vector<16xi32>
      %add3A_686 = vector.broadcast %mul3A_301 : i32 to vector<16xi32>
      %add3A_687 = arith.addi %get3A_685, %add3A_686 : vector<16xi32>
      %swap3A_688 = arith.index_cast %add3A_617 : i32 to index
      %swap3A_689 = arith.constant 96 : index
      %swap3A_690 = tpu.vector_load %arg7[%swap3A_688, %swap3A_689] {strides = array<i32>} : memref<40x128xi32, #tpu.memory_space<vmem>>, vector<1x16xi32>,
      %swap3A_691 = vector.shape_cast %swap3A_690 : vector<1x16xi32> to vector<16xi32>
      %swap3A_692 = vector.shape_cast %add3A_687 : vector<16xi32> to vector<1x16xi32>
      tpu.vector_store %arg7[%swap3A_688, %swap3A_689], %swap3A_692 {strides = array<i32>} : memref<40x128xi32, #tpu.memory_space<vmem>>, vector<1x16xi32>,
      %get3A_693 = arith.index_cast %add3A_617 : i32 to index
      %get3A_694 = arith.constant 112 : index
      %get3A_695 = tpu.vector_load %arg7[%get3A_693, %get3A_694] {strides = array<i32>} : memref<40x128xi32, #tpu.memory_space<vmem>>, vector<1x16xi32>,
      %get3A_696 = vector.shape_cast %get3A_695 : vector<1x16xi32> to vector<16xi32>
      %add3A_697 = vector.broadcast %mul3A_301 : i32 to vector<16xi32>
      %add3A_698 = arith.addi %get3A_696, %add3A_697 : vector<16xi32>
      %swap3A_699 = arith.index_cast %add3A_617 : i32 to index
      %swap3A_700 = arith.constant 112 : index
      %swap3A_701 = tpu.vector_load %arg7[%swap3A_699, %swap3A_700] {strides = array<i32>} : memref<40x128xi32, #tpu.memory_space<vmem>>, vector<1x16xi32>,
      %swap3A_702 = vector.shape_cast %swap3A_701 : vector<1x16xi32> to vector<16xi32>
      %swap3A_703 = vector.shape_cast %add3A_698 : vector<16xi32> to vector<1x16xi32>
      tpu.vector_store %arg7[%swap3A_699, %swap3A_700], %swap3A_703 {strides = array<i32>} : memref<40x128xi32, #tpu.memory_space<vmem>>, vector<1x16xi32>,
    }
    %scan3A_310 = arith.constant 40 : i32
    %dma_start3A_311 = arith.constant 0 : i32
    %dma_start3A_312 = arith.constant 0 : i32
    %dma_start3A_313 = tpu.memref_slice %arg7[%dma_start3A_311, %dma_start3A_312] : memref<40x128xi32, #tpu.memory_space<vmem>> -> memref<1x128xi32, #tpu.memory_space<vmem>>
    %dma_start3A_314 = tpu.memref_squeeze %dma_start3A_313 : memref<1x128xi32, #tpu.memory_space<vmem>> -> memref<128xi32, #tpu.memory_space<vmem>>
    %dma_start3A_315 = arith.constant 0 : i32
    %dma_start3A_316 = arith.constant 0 : i32
    %dma_start3A_317 = tpu.memref_slice %arg2[%dma_start3A_315, %dma_start3A_316] : memref<60000x128xf32, #tpu.memory_space<hbm>> -> memref<60000x128xf32, #tpu.memory_space<hbm>>
    tpu.enqueue_indirect_dma source(%dma_start3A_317 : memref<60000x128xf32, #tpu.memory_space<hbm>>) target(%arg9 : memref<128x128xf32, #tpu.memory_space<vmem>>) offsets(%dma_start3A_314 : memref<128xi32, #tpu.memory_space<vmem>>) semaphore(%arg13 : memref<!tpu.dma_semaphore, #tpu.memory_space<semaphore_mem>>)
    %dma_start3A_318 = arith.constant 1 : i32
    %dma_start3A_319 = arith.constant 0 : i32
    %dma_start3A_320 = tpu.memref_slice %arg7[%dma_start3A_318, %dma_start3A_319] : memref<40x128xi32, #tpu.memory_space<vmem>> -> memref<1x128xi32, #tpu.memory_space<vmem>>
    %dma_start3A_321 = tpu.memref_squeeze %dma_start3A_320 : memref<1x128xi32, #tpu.memory_space<vmem>> -> memref<128xi32, #tpu.memory_space<vmem>>
    %dma_start3A_322 = arith.constant 0 : i32
    %dma_start3A_323 = arith.constant 0 : i32
    %dma_start3A_324 = tpu.memref_slice %arg2[%dma_start3A_322, %dma_start3A_323] : memref<60000x128xf32, #tpu.memory_space<hbm>> -> memref<60000x128xf32, #tpu.memory_space<hbm>>
    tpu.enqueue_indirect_dma source(%dma_start3A_324 : memref<60000x128xf32, #tpu.memory_space<hbm>>) target(%arg10 : memref<128x128xf32, #tpu.memory_space<vmem>>) offsets(%dma_start3A_321 : memref<128xi32, #tpu.memory_space<vmem>>) semaphore(%arg14 : memref<!tpu.dma_semaphore, #tpu.memory_space<semaphore_mem>>)
    %scan3A_325 = arith.constant 0 : i32
    %scan3A_326 = arith.constant 19 : i32
    %scan3A_327 = arith.addi %scan3A_325, %scan3A_326 : i32
    %scan3A_328 = arith.constant 1 : i32
    scf.for %scan3A_613 = %scan3A_325 to %scan3A_327 step %scan3A_328  : i32 {
      %mul3A_614 = arith.constant 2 : i32
      %mul3A_615 = arith.muli %scan3A_613, %mul3A_614 : i32
      %add3A_616 = arith.constant 0 : i32
      %add3A_617 = arith.addi %add3A_616, %mul3A_615 : i32
      %dma_wait3A_618 = arith.constant 0 : i32
      %dma_wait3A_619 = arith.constant 0 : i32
      %dma_wait3A_620 = tpu.memref_slice %arg7[%dma_wait3A_618, %dma_wait3A_619] : memref<40x128xi32, #tpu.memory_space<vmem>> -> memref<1x128xi32, #tpu.memory_space<vmem>>
      %dma_wait3A_621 = tpu.memref_squeeze %dma_wait3A_620 : memref<1x128xi32, #tpu.memory_space<vmem>> -> memref<128xi32, #tpu.memory_space<vmem>>
      %dma_wait3A_622 = arith.constant 0 : i32
      %dma_wait3A_623 = arith.constant 0 : i32
      %dma_wait3A_624 = tpu.memref_slice %arg2[%dma_wait3A_622, %dma_wait3A_623] : memref<60000x128xf32, #tpu.memory_space<hbm>> -> memref<60000x128xf32, #tpu.memory_space<hbm>>
      tpu.wait_indirect_dma semaphore(%arg13 : memref<!tpu.dma_semaphore, #tpu.memory_space<semaphore_mem>>) src(%dma_wait3A_624 : memref<60000x128xf32, #tpu.memory_space<hbm>>) dst(%arg9 : memref<128x128xf32, #tpu.memory_space<vmem>>)
      "tpu.region"() ({
        %run_scoped3A_650 = tpu.sem_alloc : memref<!tpu.dma_semaphore, #tpu.memory_space<semaphore_mem>>
        %dma_start3A_651 = arith.constant 0 : i32
        %dma_start3A_652 = tpu.memref_slice %arg8[%add3A_617, %dma_start3A_651] : memref<40x128xi32, #tpu.memory_space<vmem>> -> memref<1x128xi32, #tpu.memory_space<vmem>>
        %dma_start3A_653 = tpu.memref_squeeze %dma_start3A_652 : memref<1x128xi32, #tpu.memory_space<vmem>> -> memref<128xi32, #tpu.memory_space<vmem>>
        %dma_start3A_654 = arith.constant 0 : i32
        %dma_start3A_655 = arith.constant 0 : i32
        %dma_start3A_656 = tpu.memref_slice %arg12[%dma_start3A_654, %dma_start3A_655] : memref<10016x128xf32, #tpu.memory_space<vmem_shared>> -> memref<10016x128xf32, #tpu.memory_space<vmem_shared>>
        tpu.enqueue_indirect_dma source(%arg9 : memref<128x128xf32, #tpu.memory_space<vmem>>) target(%dma_start3A_656 : memref<10016x128xf32, #tpu.memory_space<vmem_shared>>) offsets(%dma_start3A_653 : memref<128xi32, #tpu.memory_space<vmem>>) semaphore(%run_scoped3A_650 : memref<!tpu.dma_semaphore, #tpu.memory_space<semaphore_mem>>) {add = true}
        %dma_wait3A_657 = arith.constant 0 : i32
        %dma_wait3A_658 = tpu.memref_slice %arg8[%add3A_617, %dma_wait3A_657] : memref<40x128xi32, #tpu.memory_space<vmem>> -> memref<1x128xi32, #tpu.memory_space<vmem>>
        %dma_wait3A_659 = tpu.memref_squeeze %dma_wait3A_658 : memref<1x128xi32, #tpu.memory_space<vmem>> -> memref<128xi32, #tpu.memory_space<vmem>>
        %dma_wait3A_660 = arith.constant 0 : i32
        %dma_wait3A_661 = arith.constant 0 : i32
        %dma_wait3A_662 = tpu.memref_slice %arg12[%dma_wait3A_660, %dma_wait3A_661] : memref<10016x128xf32, #tpu.memory_space<vmem_shared>> -> memref<10016x128xf32, #tpu.memory_space<vmem_shared>>
        tpu.wait_indirect_dma semaphore(%run_scoped3A_650 : memref<!tpu.dma_semaphore, #tpu.memory_space<semaphore_mem>>) src(%arg9 : memref<128x128xf32, #tpu.memory_space<vmem>>) dst(%dma_wait3A_662 : memref<10016x128xf32, #tpu.memory_space<vmem_shared>>)
        tpu.yield
      }) : () -> ()
      %add3A_625 = arith.constant 2 : i32
      %add3A_626 = arith.addi %add3A_617, %add3A_625 : i32
      %dma_start3A_627 = arith.constant 0 : i32
      %dma_start3A_628 = tpu.memref_slice %arg7[%add3A_626, %dma_start3A_627] : memref<40x128xi32, #tpu.memory_space<vmem>> -> memref<1x128xi32, #tpu.memory_space<vmem>>
      %dma_start3A_629 = tpu.memref_squeeze %dma_start3A_628 : memref<1x128xi32, #tpu.memory_space<vmem>> -> memref<128xi32, #tpu.memory_space<vmem>>
      %dma_start3A_630 = arith.constant 0 : i32
      %dma_start3A_631 = arith.constant 0 : i32
      %dma_start3A_632 = tpu.memref_slice %arg2[%dma_start3A_630, %dma_start3A_631] : memref<60000x128xf32, #tpu.memory_space<hbm>> -> memref<60000x128xf32, #tpu.memory_space<hbm>>
      tpu.enqueue_indirect_dma source(%dma_start3A_632 : memref<60000x128xf32, #tpu.memory_space<hbm>>) target(%arg9 : memref<128x128xf32, #tpu.memory_space<vmem>>) offsets(%dma_start3A_629 : memref<128xi32, #tpu.memory_space<vmem>>) semaphore(%arg13 : memref<!tpu.dma_semaphore, #tpu.memory_space<semaphore_mem>>)
      %dma_wait3A_633 = arith.constant 0 : i32
      %dma_wait3A_634 = arith.constant 0 : i32
      %dma_wait3A_635 = tpu.memref_slice %arg7[%dma_wait3A_633, %dma_wait3A_634] : memref<40x128xi32, #tpu.memory_space<vmem>> -> memref<1x128xi32, #tpu.memory_space<vmem>>
      %dma_wait3A_636 = tpu.memref_squeeze %dma_wait3A_635 : memref<1x128xi32, #tpu.memory_space<vmem>> -> memref<128xi32, #tpu.memory_space<vmem>>
      %dma_wait3A_637 = arith.constant 0 : i32
      %dma_wait3A_638 = arith.constant 0 : i32
      %dma_wait3A_639 = tpu.memref_slice %arg2[%dma_wait3A_637, %dma_wait3A_638] : memref<60000x128xf32, #tpu.memory_space<hbm>> -> memref<60000x128xf32, #tpu.memory_space<hbm>>
      tpu.wait_indirect_dma semaphore(%arg14 : memref<!tpu.dma_semaphore, #tpu.memory_space<semaphore_mem>>) src(%dma_wait3A_639 : memref<60000x128xf32, #tpu.memory_space<hbm>>) dst(%arg10 : memref<128x128xf32, #tpu.memory_space<vmem>>)
      %add3A_640 = arith.constant 1 : i32
      %add3A_641 = arith.addi %add3A_617, %add3A_640 : i32
      "tpu.region"() ({
        %run_scoped3A_650 = tpu.sem_alloc : memref<!tpu.dma_semaphore, #tpu.memory_space<semaphore_mem>>
        %dma_start3A_651 = arith.constant 0 : i32
        %dma_start3A_652 = tpu.memref_slice %arg8[%add3A_641, %dma_start3A_651] : memref<40x128xi32, #tpu.memory_space<vmem>> -> memref<1x128xi32, #tpu.memory_space<vmem>>
        %dma_start3A_653 = tpu.memref_squeeze %dma_start3A_652 : memref<1x128xi32, #tpu.memory_space<vmem>> -> memref<128xi32, #tpu.memory_space<vmem>>
        %dma_start3A_654 = arith.constant 0 : i32
        %dma_start3A_655 = arith.constant 0 : i32
        %dma_start3A_656 = tpu.memref_slice %arg12[%dma_start3A_654, %dma_start3A_655] : memref<10016x128xf32, #tpu.memory_space<vmem_shared>> -> memref<10016x128xf32, #tpu.memory_space<vmem_shared>>
        tpu.enqueue_indirect_dma source(%arg10 : memref<128x128xf32, #tpu.memory_space<vmem>>) target(%dma_start3A_656 : memref<10016x128xf32, #tpu.memory_space<vmem_shared>>) offsets(%dma_start3A_653 : memref<128xi32, #tpu.memory_space<vmem>>) semaphore(%run_scoped3A_650 : memref<!tpu.dma_semaphore, #tpu.memory_space<semaphore_mem>>) {add = true}
        %dma_wait3A_657 = arith.constant 0 : i32
        %dma_wait3A_658 = tpu.memref_slice %arg8[%add3A_641, %dma_wait3A_657] : memref<40x128xi32, #tpu.memory_space<vmem>> -> memref<1x128xi32, #tpu.memory_space<vmem>>
        %dma_wait3A_659 = tpu.memref_squeeze %dma_wait3A_658 : memref<1x128xi32, #tpu.memory_space<vmem>> -> memref<128xi32, #tpu.memory_space<vmem>>
        %dma_wait3A_660 = arith.constant 0 : i32
        %dma_wait3A_661 = arith.constant 0 : i32
        %dma_wait3A_662 = tpu.memref_slice %arg12[%dma_wait3A_660, %dma_wait3A_661] : memref<10016x128xf32, #tpu.memory_space<vmem_shared>> -> memref<10016x128xf32, #tpu.memory_space<vmem_shared>>
        tpu.wait_indirect_dma semaphore(%run_scoped3A_650 : memref<!tpu.dma_semaphore, #tpu.memory_space<semaphore_mem>>) src(%arg10 : memref<128x128xf32, #tpu.memory_space<vmem>>) dst(%dma_wait3A_662 : memref<10016x128xf32, #tpu.memory_space<vmem_shared>>)
        tpu.yield
      }) : () -> ()
      %add3A_642 = arith.constant 3 : i32
      %add3A_643 = arith.addi %add3A_617, %add3A_642 : i32
      %dma_start3A_644 = arith.constant 0 : i32
      %dma_start3A_645 = tpu.memref_slice %arg7[%add3A_643, %dma_start3A_644] : memref<40x128xi32, #tpu.memory_space<vmem>> -> memref<1x128xi32, #tpu.memory_space<vmem>>
      %dma_start3A_646 = tpu.memref_squeeze %dma_start3A_645 : memref<1x128xi32, #tpu.memory_space<vmem>> -> memref<128xi32, #tpu.memory_space<vmem>>
      %dma_start3A_647 = arith.constant 0 : i32
      %dma_start3A_648 = arith.constant 0 : i32
      %dma_start3A_649 = tpu.memref_slice %arg2[%dma_start3A_647, %dma_start3A_648] : memref<60000x128xf32, #tpu.memory_space<hbm>> -> memref<60000x128xf32, #tpu.memory_space<hbm>>
      tpu.enqueue_indirect_dma source(%dma_start3A_649 : memref<60000x128xf32, #tpu.memory_space<hbm>>) target(%arg10 : memref<128x128xf32, #tpu.memory_space<vmem>>) offsets(%dma_start3A_646 : memref<128xi32, #tpu.memory_space<vmem>>) semaphore(%arg14 : memref<!tpu.dma_semaphore, #tpu.memory_space<semaphore_mem>>)
    }
    %scan3A_329 = arith.constant 19 : i32
    %dma_wait3A_330 = arith.constant 0 : i32
    %dma_wait3A_331 = arith.constant 0 : i32
    %dma_wait3A_332 = tpu.memref_slice %arg7[%dma_wait3A_330, %dma_wait3A_331] : memref<40x128xi32, #tpu.memory_space<vmem>> -> memref<1x128xi32, #tpu.memory_space<vmem>>
    %dma_wait3A_333 = tpu.memref_squeeze %dma_wait3A_332 : memref<1x128xi32, #tpu.memory_space<vmem>> -> memref<128xi32, #tpu.memory_space<vmem>>
    %dma_wait3A_334 = arith.constant 0 : i32
    %dma_wait3A_335 = arith.constant 0 : i32
    %dma_wait3A_336 = tpu.memref_slice %arg2[%dma_wait3A_334, %dma_wait3A_335] : memref<60000x128xf32, #tpu.memory_space<hbm>> -> memref<60000x128xf32, #tpu.memory_space<hbm>>
    tpu.wait_indirect_dma semaphore(%arg13 : memref<!tpu.dma_semaphore, #tpu.memory_space<semaphore_mem>>) src(%dma_wait3A_336 : memref<60000x128xf32, #tpu.memory_space<hbm>>) dst(%arg9 : memref<128x128xf32, #tpu.memory_space<vmem>>)
    %run_scoped3A_337 = arith.constant 38 : i32
    "tpu.region"() ({
      %run_scoped3A_613 = tpu.sem_alloc : memref<!tpu.dma_semaphore, #tpu.memory_space<semaphore_mem>>
      %dma_start3A_614 = arith.constant 0 : i32
      %dma_start3A_615 = tpu.memref_slice %arg8[%run_scoped3A_337, %dma_start3A_614] : memref<40x128xi32, #tpu.memory_space<vmem>> -> memref<1x128xi32, #tpu.memory_space<vmem>>
      %dma_start3A_616 = tpu.memref_squeeze %dma_start3A_615 : memref<1x128xi32, #tpu.memory_space<vmem>> -> memref<128xi32, #tpu.memory_space<vmem>>
      %dma_start3A_617 = arith.constant 0 : i32
      %dma_start3A_618 = arith.constant 0 : i32
      %dma_start3A_619 = tpu.memref_slice %arg12[%dma_start3A_617, %dma_start3A_618] : memref<10016x128xf32, #tpu.memory_space<vmem_shared>> -> memref<10016x128xf32, #tpu.memory_space<vmem_shared>>
      tpu.enqueue_indirect_dma source(%arg9 : memref<128x128xf32, #tpu.memory_space<vmem>>) target(%dma_start3A_619 : memref<10016x128xf32, #tpu.memory_space<vmem_shared>>) offsets(%dma_start3A_616 : memref<128xi32, #tpu.memory_space<vmem>>) semaphore(%run_scoped3A_613 : memref<!tpu.dma_semaphore, #tpu.memory_space<semaphore_mem>>) {add = true}
      %dma_wait3A_620 = arith.constant 0 : i32
      %dma_wait3A_621 = tpu.memref_slice %arg8[%run_scoped3A_337, %dma_wait3A_620] : memref<40x128xi32, #tpu.memory_space<vmem>> -> memref<1x128xi32, #tpu.memory_space<vmem>>
      %dma_wait3A_622 = tpu.memref_squeeze %dma_wait3A_621 : memref<1x128xi32, #tpu.memory_space<vmem>> -> memref<128xi32, #tpu.memory_space<vmem>>
      %dma_wait3A_623 = arith.constant 0 : i32
      %dma_wait3A_624 = arith.constant 0 : i32
      %dma_wait3A_625 = tpu.memref_slice %arg12[%dma_wait3A_623, %dma_wait3A_624] : memref<10016x128xf32, #tpu.memory_space<vmem_shared>> -> memref<10016x128xf32, #tpu.memory_space<vmem_shared>>
      tpu.wait_indirect_dma semaphore(%run_scoped3A_613 : memref<!tpu.dma_semaphore, #tpu.memory_space<semaphore_mem>>) src(%arg9 : memref<128x128xf32, #tpu.memory_space<vmem>>) dst(%dma_wait3A_625 : memref<10016x128xf32, #tpu.memory_space<vmem_shared>>)
      tpu.yield
    }) : () -> ()
    %dma_wait3A_338 = arith.constant 0 : i32
    %dma_wait3A_339 = arith.constant 0 : i32
    %dma_wait3A_340 = tpu.memref_slice %arg7[%dma_wait3A_338, %dma_wait3A_339] : memref<40x128xi32, #tpu.memory_space<vmem>> -> memref<1x128xi32, #tpu.memory_space<vmem>>
    %dma_wait3A_341 = tpu.memref_squeeze %dma_wait3A_340 : memref<1x128xi32, #tpu.memory_space<vmem>> -> memref<128xi32, #tpu.memory_space<vmem>>
    %dma_wait3A_342 = arith.constant 0 : i32
    %dma_wait3A_343 = arith.constant 0 : i32
    %dma_wait3A_344 = tpu.memref_slice %arg2[%dma_wait3A_342, %dma_wait3A_343] : memref<60000x128xf32, #tpu.memory_space<hbm>> -> memref<60000x128xf32, #tpu.memory_space<hbm>>
    tpu.wait_indirect_dma semaphore(%arg14 : memref<!tpu.dma_semaphore, #tpu.memory_space<semaphore_mem>>) src(%dma_wait3A_344 : memref<60000x128xf32, #tpu.memory_space<hbm>>) dst(%arg10 : memref<128x128xf32, #tpu.memory_space<vmem>>)
    %run_scoped3A_345 = arith.constant 39 : i32
    "tpu.region"() ({
      %run_scoped3A_613 = tpu.sem_alloc : memref<!tpu.dma_semaphore, #tpu.memory_space<semaphore_mem>>
      %dma_start3A_614 = arith.constant 0 : i32
      %dma_start3A_615 = tpu.memref_slice %arg8[%run_scoped3A_345, %dma_start3A_614] : memref<40x128xi32, #tpu.memory_space<vmem>> -> memref<1x128xi32, #tpu.memory_space<vmem>>
      %dma_start3A_616 = tpu.memref_squeeze %dma_start3A_615 : memref<1x128xi32, #tpu.memory_space<vmem>> -> memref<128xi32, #tpu.memory_space<vmem>>
      %dma_start3A_617 = arith.constant 0 : i32
      %dma_start3A_618 = arith.constant 0 : i32
      %dma_start3A_619 = tpu.memref_slice %arg12[%dma_start3A_617, %dma_start3A_618] : memref<10016x128xf32, #tpu.memory_space<vmem_shared>> -> memref<10016x128xf32, #tpu.memory_space<vmem_shared>>
      tpu.enqueue_indirect_dma source(%arg10 : memref<128x128xf32, #tpu.memory_space<vmem>>) target(%dma_start3A_619 : memref<10016x128xf32, #tpu.memory_space<vmem_shared>>) offsets(%dma_start3A_616 : memref<128xi32, #tpu.memory_space<vmem>>) semaphore(%run_scoped3A_613 : memref<!tpu.dma_semaphore, #tpu.memory_space<semaphore_mem>>) {add = true}
      %dma_wait3A_620 = arith.constant 0 : i32
      %dma_wait3A_621 = tpu.memref_slice %arg8[%run_scoped3A_345, %dma_wait3A_620] : memref<40x128xi32, #tpu.memory_space<vmem>> -> memref<1x128xi32, #tpu.memory_space<vmem>>
      %dma_wait3A_622 = tpu.memref_squeeze %dma_wait3A_621 : memref<1x128xi32, #tpu.memory_space<vmem>> -> memref<128xi32, #tpu.memory_space<vmem>>
      %dma_wait3A_623 = arith.constant 0 : i32
      %dma_wait3A_624 = arith.constant 0 : i32
      %dma_wait3A_625 = tpu.memref_slice %arg12[%dma_wait3A_623, %dma_wait3A_624] : memref<10016x128xf32, #tpu.memory_space<vmem_shared>> -> memref<10016x128xf32, #tpu.memory_space<vmem_shared>>
      tpu.wait_indirect_dma semaphore(%run_scoped3A_613 : memref<!tpu.dma_semaphore, #tpu.memory_space<semaphore_mem>>) src(%arg10 : memref<128x128xf32, #tpu.memory_space<vmem>>) dst(%dma_wait3A_625 : memref<10016x128xf32, #tpu.memory_space<vmem_shared>>)
      tpu.yield
    }) : () -> ()
    %run_scoped3A_346 = arith.constant 1 : i32
    %run_scoped3A_347 = arith.constant 1 : i32
    "tpu.region"() ({
      %run_scoped3A_613 = tpu.sem_alloc : memref<!tpu.dma_semaphore, #tpu.memory_space<semaphore_mem>>
      %dma_start3A_614 = arith.constant 0 : i32
      %dma_start3A_615 = arith.constant 0 : i32
      %dma_start3A_616 = tpu.memref_slice %arg3[%run_scoped3A_346, %arg1, %run_scoped3A_347, %dma_start3A_614, %dma_start3A_615] : memref<3x16x2x40x128xi32, #tpu.memory_space<hbm>> -> memref<1x1x1x40x128xi32, #tpu.memory_space<hbm>>
      %dma_start3A_617 = tpu.memref_squeeze %dma_start3A_616 : memref<1x1x1x40x128xi32, #tpu.memory_space<hbm>> -> memref<40x128xi32, #tpu.memory_space<hbm>>
      %dma_start3A_618 = arith.constant 0 : i32
      %dma_start3A_619 = arith.constant 0 : i32
      %dma_start3A_620 = tpu.memref_slice %arg3[%run_scoped3A_346, %arg1, %run_scoped3A_347, %dma_start3A_618, %dma_start3A_619] : memref<3x16x2x40x128xi32, #tpu.memory_space<hbm>> -> memref<1x1x1x40x128xi32, #tpu.memory_space<hbm>>
      %dma_start3A_621 = tpu.memref_squeeze %dma_start3A_620 : memref<1x1x1x40x128xi32, #tpu.memory_space<hbm>> -> memref<40x128xi32, #tpu.memory_space<hbm>>
      tpu.enqueue_dma source(%dma_start3A_621 : memref<40x128xi32, #tpu.memory_space<hbm>>) target(%arg7 : memref<40x128xi32, #tpu.memory_space<vmem>>) target_semaphore(%run_scoped3A_613 : memref<!tpu.dma_semaphore, #tpu.memory_space<semaphore_mem>>)
      %dma_wait3A_622 = arith.constant 0 : i32
      %dma_wait3A_623 = arith.constant 0 : i32
      %dma_wait3A_624 = tpu.memref_slice %arg3[%run_scoped3A_346, %arg1, %run_scoped3A_347, %dma_wait3A_622, %dma_wait3A_623] : memref<3x16x2x40x128xi32, #tpu.memory_space<hbm>> -> memref<1x1x1x40x128xi32, #tpu.memory_space<hbm>>
      %dma_wait3A_625 = tpu.memref_squeeze %dma_wait3A_624 : memref<1x1x1x40x128xi32, #tpu.memory_space<hbm>> -> memref<40x128xi32, #tpu.memory_space<hbm>>
      %dma_wait3A_626 = arith.constant 0 : i32
      %dma_wait3A_627 = arith.constant 0 : i32
      %dma_wait3A_628 = tpu.memref_slice %arg3[%run_scoped3A_346, %arg1, %run_scoped3A_347, %dma_wait3A_626, %dma_wait3A_627] : memref<3x16x2x40x128xi32, #tpu.memory_space<hbm>> -> memref<1x1x1x40x128xi32, #tpu.memory_space<hbm>>
      %dma_wait3A_629 = tpu.memref_squeeze %dma_wait3A_628 : memref<1x1x1x40x128xi32, #tpu.memory_space<hbm>> -> memref<40x128xi32, #tpu.memory_space<hbm>>
      tpu.wait_dma2 semaphore(%run_scoped3A_613 : memref<!tpu.dma_semaphore, #tpu.memory_space<semaphore_mem>>) src(%dma_wait3A_629 : memref<40x128xi32, #tpu.memory_space<hbm>>) dst(%arg7 : memref<40x128xi32, #tpu.memory_space<vmem>>)
      tpu.yield
    }) : () -> ()
    %run_scoped3A_348 = arith.constant 1 : i32
    %run_scoped3A_349 = arith.constant 1 : i32
    "tpu.region"() ({
      %run_scoped3A_613 = tpu.sem_alloc : memref<!tpu.dma_semaphore, #tpu.memory_space<semaphore_mem>>
      %dma_start3A_614 = arith.constant 0 : i32
      %dma_start3A_615 = arith.constant 0 : i32
      %dma_start3A_616 = tpu.memref_slice %arg4[%run_scoped3A_348, %arg1, %run_scoped3A_349, %dma_start3A_614, %dma_start3A_615] : memref<3x16x2x40x128xi32, #tpu.memory_space<hbm>> -> memref<1x1x1x40x128xi32, #tpu.memory_space<hbm>>
      %dma_start3A_617 = tpu.memref_squeeze %dma_start3A_616 : memref<1x1x1x40x128xi32, #tpu.memory_space<hbm>> -> memref<40x128xi32, #tpu.memory_space<hbm>>
      %dma_start3A_618 = arith.constant 0 : i32
      %dma_start3A_619 = arith.constant 0 : i32
      %dma_start3A_620 = tpu.memref_slice %arg4[%run_scoped3A_348, %arg1, %run_scoped3A_349, %dma_start3A_618, %dma_start3A_619] : memref<3x16x2x40x128xi32, #tpu.memory_space<hbm>> -> memref<1x1x1x40x128xi32, #tpu.memory_space<hbm>>
      %dma_start3A_621 = tpu.memref_squeeze %dma_start3A_620 : memref<1x1x1x40x128xi32, #tpu.memory_space<hbm>> -> memref<40x128xi32, #tpu.memory_space<hbm>>
      tpu.enqueue_dma source(%dma_start3A_621 : memref<40x128xi32, #tpu.memory_space<hbm>>) target(%arg8 : memref<40x128xi32, #tpu.memory_space<vmem>>) target_semaphore(%run_scoped3A_613 : memref<!tpu.dma_semaphore, #tpu.memory_space<semaphore_mem>>)
      %dma_wait3A_622 = arith.constant 0 : i32
      %dma_wait3A_623 = arith.constant 0 : i32
      %dma_wait3A_624 = tpu.memref_slice %arg4[%run_scoped3A_348, %arg1, %run_scoped3A_349, %dma_wait3A_622, %dma_wait3A_623] : memref<3x16x2x40x128xi32, #tpu.memory_space<hbm>> -> memref<1x1x1x40x128xi32, #tpu.memory_space<hbm>>
      %dma_wait3A_625 = tpu.memref_squeeze %dma_wait3A_624 : memref<1x1x1x40x128xi32, #tpu.memory_space<hbm>> -> memref<40x128xi32, #tpu.memory_space<hbm>>
      %dma_wait3A_626 = arith.constant 0 : i32
      %dma_wait3A_627 = arith.constant 0 : i32
      %dma_wait3A_628 = tpu.memref_slice %arg4[%run_scoped3A_348, %arg1, %run_scoped3A_349, %dma_wait3A_626, %dma_wait3A_627] : memref<3x16x2x40x128xi32, #tpu.memory_space<hbm>> -> memref<1x1x1x40x128xi32, #tpu.memory_space<hbm>>
      %dma_wait3A_629 = tpu.memref_squeeze %dma_wait3A_628 : memref<1x1x1x40x128xi32, #tpu.memory_space<hbm>> -> memref<40x128xi32, #tpu.memory_space<hbm>>
      tpu.wait_dma2 semaphore(%run_scoped3A_613 : memref<!tpu.dma_semaphore, #tpu.memory_space<semaphore_mem>>) src(%dma_wait3A_629 : memref<40x128xi32, #tpu.memory_space<hbm>>) dst(%arg8 : memref<40x128xi32, #tpu.memory_space<vmem>>)
      tpu.yield
    }) : () -> ()
    %scan3A_350 = arith.constant 0 : i32
    %scan3A_351 = arith.constant 40 : i32
    %scan3A_352 = arith.addi %scan3A_350, %scan3A_351 : i32
    %scan3A_353 = arith.constant 1 : i32
    scf.for %scan3A_613 = %scan3A_350 to %scan3A_352 step %scan3A_353  : i32 {
      %mul3A_614 = arith.constant 1 : i32
      %mul3A_615 = arith.muli %scan3A_613, %mul3A_614 : i32
      %add3A_616 = arith.constant 0 : i32
      %add3A_617 = arith.addi %add3A_616, %mul3A_615 : i32
      %get3A = arith.index_cast %add3A_617 : i32 to index
      %get3A_618 = arith.constant 0 : index
      %get3A_619 = tpu.vector_load %arg7[%get3A, %get3A_618] {strides = array<i32>} : memref<40x128xi32, #tpu.memory_space<vmem>>, vector<1x16xi32>,
      %get3A_620 = vector.shape_cast %get3A_619 : vector<1x16xi32> to vector<16xi32>
      %add3A_621 = vector.broadcast %mul3A_301 : i32 to vector<16xi32>
      %add3A_622 = arith.addi %get3A_620, %add3A_621 : vector<16xi32>
      %swap3A = arith.index_cast %add3A_617 : i32 to index
      %swap3A_623 = arith.constant 0 : index
      %swap3A_624 = tpu.vector_load %arg7[%swap3A, %swap3A_623] {strides = array<i32>} : memref<40x128xi32, #tpu.memory_space<vmem>>, vector<1x16xi32>,
      %swap3A_625 = vector.shape_cast %swap3A_624 : vector<1x16xi32> to vector<16xi32>
      %swap3A_626 = vector.shape_cast %add3A_622 : vector<16xi32> to vector<1x16xi32>
      tpu.vector_store %arg7[%swap3A, %swap3A_623], %swap3A_626 {strides = array<i32>} : memref<40x128xi32, #tpu.memory_space<vmem>>, vector<1x16xi32>,
      %get3A_627 = arith.index_cast %add3A_617 : i32 to index
      %get3A_628 = arith.constant 16 : index
      %get3A_629 = tpu.vector_load %arg7[%get3A_627, %get3A_628] {strides = array<i32>} : memref<40x128xi32, #tpu.memory_space<vmem>>, vector<1x16xi32>,
      %get3A_630 = vector.shape_cast %get3A_629 : vector<1x16xi32> to vector<16xi32>
      %add3A_631 = vector.broadcast %mul3A_301 : i32 to vector<16xi32>
      %add3A_632 = arith.addi %get3A_630, %add3A_631 : vector<16xi32>
      %swap3A_633 = arith.index_cast %add3A_617 : i32 to index
      %swap3A_634 = arith.constant 16 : index
      %swap3A_635 = tpu.vector_load %arg7[%swap3A_633, %swap3A_634] {strides = array<i32>} : memref<40x128xi32, #tpu.memory_space<vmem>>, vector<1x16xi32>,
      %swap3A_636 = vector.shape_cast %swap3A_635 : vector<1x16xi32> to vector<16xi32>
      %swap3A_637 = vector.shape_cast %add3A_632 : vector<16xi32> to vector<1x16xi32>
      tpu.vector_store %arg7[%swap3A_633, %swap3A_634], %swap3A_637 {strides = array<i32>} : memref<40x128xi32, #tpu.memory_space<vmem>>, vector<1x16xi32>,
      %get3A_638 = arith.index_cast %add3A_617 : i32 to index
      %get3A_639 = arith.constant 32 : index
      %get3A_640 = tpu.vector_load %arg7[%get3A_638, %get3A_639] {strides = array<i32>} : memref<40x128xi32, #tpu.memory_space<vmem>>, vector<1x16xi32>,
      %get3A_641 = vector.shape_cast %get3A_640 : vector<1x16xi32> to vector<16xi32>
      %add3A_642 = vector.broadcast %mul3A_301 : i32 to vector<16xi32>
      %add3A_643 = arith.addi %get3A_641, %add3A_642 : vector<16xi32>
      %swap3A_644 = arith.index_cast %add3A_617 : i32 to index
      %swap3A_645 = arith.constant 32 : index
      %swap3A_646 = tpu.vector_load %arg7[%swap3A_644, %swap3A_645] {strides = array<i32>} : memref<40x128xi32, #tpu.memory_space<vmem>>, vector<1x16xi32>,
      %swap3A_647 = vector.shape_cast %swap3A_646 : vector<1x16xi32> to vector<16xi32>
      %swap3A_648 = vector.shape_cast %add3A_643 : vector<16xi32> to vector<1x16xi32>
      tpu.vector_store %arg7[%swap3A_644, %swap3A_645], %swap3A_648 {strides = array<i32>} : memref<40x128xi32, #tpu.memory_space<vmem>>, vector<1x16xi32>,
      %get3A_649 = arith.index_cast %add3A_617 : i32 to index
      %get3A_650 = arith.constant 48 : index
      %get3A_651 = tpu.vector_load %arg7[%get3A_649, %get3A_650] {strides = array<i32>} : memref<40x128xi32, #tpu.memory_space<vmem>>, vector<1x16xi32>,
      %get3A_652 = vector.shape_cast %get3A_651 : vector<1x16xi32> to vector<16xi32>
      %add3A_653 = vector.broadcast %mul3A_301 : i32 to vector<16xi32>
      %add3A_654 = arith.addi %get3A_652, %add3A_653 : vector<16xi32>
      %swap3A_655 = arith.index_cast %add3A_617 : i32 to index
      %swap3A_656 = arith.constant 48 : index
      %swap3A_657 = tpu.vector_load %arg7[%swap3A_655, %swap3A_656] {strides = array<i32>} : memref<40x128xi32, #tpu.memory_space<vmem>>, vector<1x16xi32>,
      %swap3A_658 = vector.shape_cast %swap3A_657 : vector<1x16xi32> to vector<16xi32>
      %swap3A_659 = vector.shape_cast %add3A_654 : vector<16xi32> to vector<1x16xi32>
      tpu.vector_store %arg7[%swap3A_655, %swap3A_656], %swap3A_659 {strides = array<i32>} : memref<40x128xi32, #tpu.memory_space<vmem>>, vector<1x16xi32>,
      %get3A_660 = arith.index_cast %add3A_617 : i32 to index
      %get3A_661 = arith.constant 64 : index
      %get3A_662 = tpu.vector_load %arg7[%get3A_660, %get3A_661] {strides = array<i32>} : memref<40x128xi32, #tpu.memory_space<vmem>>, vector<1x16xi32>,
      %get3A_663 = vector.shape_cast %get3A_662 : vector<1x16xi32> to vector<16xi32>
      %add3A_664 = vector.broadcast %mul3A_301 : i32 to vector<16xi32>
      %add3A_665 = arith.addi %get3A_663, %add3A_664 : vector<16xi32>
      %swap3A_666 = arith.index_cast %add3A_617 : i32 to index
      %swap3A_667 = arith.constant 64 : index
      %swap3A_668 = tpu.vector_load %arg7[%swap3A_666, %swap3A_667] {strides = array<i32>} : memref<40x128xi32, #tpu.memory_space<vmem>>, vector<1x16xi32>,
      %swap3A_669 = vector.shape_cast %swap3A_668 : vector<1x16xi32> to vector<16xi32>
      %swap3A_670 = vector.shape_cast %add3A_665 : vector<16xi32> to vector<1x16xi32>
      tpu.vector_store %arg7[%swap3A_666, %swap3A_667], %swap3A_670 {strides = array<i32>} : memref<40x128xi32, #tpu.memory_space<vmem>>, vector<1x16xi32>,
      %get3A_671 = arith.index_cast %add3A_617 : i32 to index
      %get3A_672 = arith.constant 80 : index
      %get3A_673 = tpu.vector_load %arg7[%get3A_671, %get3A_672] {strides = array<i32>} : memref<40x128xi32, #tpu.memory_space<vmem>>, vector<1x16xi32>,
      %get3A_674 = vector.shape_cast %get3A_673 : vector<1x16xi32> to vector<16xi32>
      %add3A_675 = vector.broadcast %mul3A_301 : i32 to vector<16xi32>
      %add3A_676 = arith.addi %get3A_674, %add3A_675 : vector<16xi32>
      %swap3A_677 = arith.index_cast %add3A_617 : i32 to index
      %swap3A_678 = arith.constant 80 : index
      %swap3A_679 = tpu.vector_load %arg7[%swap3A_677, %swap3A_678] {strides = array<i32>} : memref<40x128xi32, #tpu.memory_space<vmem>>, vector<1x16xi32>,
      %swap3A_680 = vector.shape_cast %swap3A_679 : vector<1x16xi32> to vector<16xi32>
      %swap3A_681 = vector.shape_cast %add3A_676 : vector<16xi32> to vector<1x16xi32>
      tpu.vector_store %arg7[%swap3A_677, %swap3A_678], %swap3A_681 {strides = array<i32>} : memref<40x128xi32, #tpu.memory_space<vmem>>, vector<1x16xi32>,
      %get3A_682 = arith.index_cast %add3A_617 : i32 to index
      %get3A_683 = arith.constant 96 : index
      %get3A_684 = tpu.vector_load %arg7[%get3A_682, %get3A_683] {strides = array<i32>} : memref<40x128xi32, #tpu.memory_space<vmem>>, vector<1x16xi32>,
      %get3A_685 = vector.shape_cast %get3A_684 : vector<1x16xi32> to vector<16xi32>
      %add3A_686 = vector.broadcast %mul3A_301 : i32 to vector<16xi32>
      %add3A_687 = arith.addi %get3A_685, %add3A_686 : vector<16xi32>
      %swap3A_688 = arith.index_cast %add3A_617 : i32 to index
      %swap3A_689 = arith.constant 96 : index
      %swap3A_690 = tpu.vector_load %arg7[%swap3A_688, %swap3A_689] {strides = array<i32>} : memref<40x128xi32, #tpu.memory_space<vmem>>, vector<1x16xi32>,
      %swap3A_691 = vector.shape_cast %swap3A_690 : vector<1x16xi32> to vector<16xi32>
      %swap3A_692 = vector.shape_cast %add3A_687 : vector<16xi32> to vector<1x16xi32>
      tpu.vector_store %arg7[%swap3A_688, %swap3A_689], %swap3A_692 {strides = array<i32>} : memref<40x128xi32, #tpu.memory_space<vmem>>, vector<1x16xi32>,
      %get3A_693 = arith.index_cast %add3A_617 : i32 to index
      %get3A_694 = arith.constant 112 : index
      %get3A_695 = tpu.vector_load %arg7[%get3A_693, %get3A_694] {strides = array<i32>} : memref<40x128xi32, #tpu.memory_space<vmem>>, vector<1x16xi32>,
      %get3A_696 = vector.shape_cast %get3A_695 : vector<1x16xi32> to vector<16xi32>
      %add3A_697 = vector.broadcast %mul3A_301 : i32 to vector<16xi32>
      %add3A_698 = arith.addi %get3A_696, %add3A_697 : vector<16xi32>
      %swap3A_699 = arith.index_cast %add3A_617 : i32 to index
      %swap3A_700 = arith.constant 112 : index
      %swap3A_701 = tpu.vector_load %arg7[%swap3A_699, %swap3A_700] {strides = array<i32>} : memref<40x128xi32, #tpu.memory_space<vmem>>, vector<1x16xi32>,
      %swap3A_702 = vector.shape_cast %swap3A_701 : vector<1x16xi32> to vector<16xi32>
      %swap3A_703 = vector.shape_cast %add3A_698 : vector<16xi32> to vector<1x16xi32>
      tpu.vector_store %arg7[%swap3A_699, %swap3A_700], %swap3A_703 {strides = array<i32>} : memref<40x128xi32, #tpu.memory_space<vmem>>, vector<1x16xi32>,
    }
    %scan3A_354 = arith.constant 40 : i32
    %dma_start3A_355 = arith.constant 0 : i32
    %dma_start3A_356 = arith.constant 0 : i32
    %dma_start3A_357 = tpu.memref_slice %arg7[%dma_start3A_355, %dma_start3A_356] : memref<40x128xi32, #tpu.memory_space<vmem>> -> memref<1x128xi32, #tpu.memory_space<vmem>>
    %dma_start3A_358 = tpu.memref_squeeze %dma_start3A_357 : memref<1x128xi32, #tpu.memory_space<vmem>> -> memref<128xi32, #tpu.memory_space<vmem>>
    %dma_start3A_359 = arith.constant 0 : i32
    %dma_start3A_360 = arith.constant 0 : i32
    %dma_start3A_361 = tpu.memref_slice %arg2[%dma_start3A_359, %dma_start3A_360] : memref<60000x128xf32, #tpu.memory_space<hbm>> -> memref<60000x128xf32, #tpu.memory_space<hbm>>
    tpu.enqueue_indirect_dma source(%dma_start3A_361 : memref<60000x128xf32, #tpu.memory_space<hbm>>) target(%arg9 : memref<128x128xf32, #tpu.memory_space<vmem>>) offsets(%dma_start3A_358 : memref<128xi32, #tpu.memory_space<vmem>>) semaphore(%arg13 : memref<!tpu.dma_semaphore, #tpu.memory_space<semaphore_mem>>)
    %dma_start3A_362 = arith.constant 1 : i32
    %dma_start3A_363 = arith.constant 0 : i32
    %dma_start3A_364 = tpu.memref_slice %arg7[%dma_start3A_362, %dma_start3A_363] : memref<40x128xi32, #tpu.memory_space<vmem>> -> memref<1x128xi32, #tpu.memory_space<vmem>>
    %dma_start3A_365 = tpu.memref_squeeze %dma_start3A_364 : memref<1x128xi32, #tpu.memory_space<vmem>> -> memref<128xi32, #tpu.memory_space<vmem>>
    %dma_start3A_366 = arith.constant 0 : i32
    %dma_start3A_367 = arith.constant 0 : i32
    %dma_start3A_368 = tpu.memref_slice %arg2[%dma_start3A_366, %dma_start3A_367] : memref<60000x128xf32, #tpu.memory_space<hbm>> -> memref<60000x128xf32, #tpu.memory_space<hbm>>
    tpu.enqueue_indirect_dma source(%dma_start3A_368 : memref<60000x128xf32, #tpu.memory_space<hbm>>) target(%arg10 : memref<128x128xf32, #tpu.memory_space<vmem>>) offsets(%dma_start3A_365 : memref<128xi32, #tpu.memory_space<vmem>>) semaphore(%arg14 : memref<!tpu.dma_semaphore, #tpu.memory_space<semaphore_mem>>)
    %scan3A_369 = arith.constant 0 : i32
    %scan3A_370 = arith.constant 19 : i32
    %scan3A_371 = arith.addi %scan3A_369, %scan3A_370 : i32
    %scan3A_372 = arith.constant 1 : i32
    scf.for %scan3A_613 = %scan3A_369 to %scan3A_371 step %scan3A_372  : i32 {
      %mul3A_614 = arith.constant 2 : i32
      %mul3A_615 = arith.muli %scan3A_613, %mul3A_614 : i32
      %add3A_616 = arith.constant 0 : i32
      %add3A_617 = arith.addi %add3A_616, %mul3A_615 : i32
      %dma_wait3A_618 = arith.constant 0 : i32
      %dma_wait3A_619 = arith.constant 0 : i32
      %dma_wait3A_620 = tpu.memref_slice %arg7[%dma_wait3A_618, %dma_wait3A_619] : memref<40x128xi32, #tpu.memory_space<vmem>> -> memref<1x128xi32, #tpu.memory_space<vmem>>
      %dma_wait3A_621 = tpu.memref_squeeze %dma_wait3A_620 : memref<1x128xi32, #tpu.memory_space<vmem>> -> memref<128xi32, #tpu.memory_space<vmem>>
      %dma_wait3A_622 = arith.constant 0 : i32
      %dma_wait3A_623 = arith.constant 0 : i32
      %dma_wait3A_624 = tpu.memref_slice %arg2[%dma_wait3A_622, %dma_wait3A_623] : memref<60000x128xf32, #tpu.memory_space<hbm>> -> memref<60000x128xf32, #tpu.memory_space<hbm>>
      tpu.wait_indirect_dma semaphore(%arg13 : memref<!tpu.dma_semaphore, #tpu.memory_space<semaphore_mem>>) src(%dma_wait3A_624 : memref<60000x128xf32, #tpu.memory_space<hbm>>) dst(%arg9 : memref<128x128xf32, #tpu.memory_space<vmem>>)
      "tpu.region"() ({
        %run_scoped3A_650 = tpu.sem_alloc : memref<!tpu.dma_semaphore, #tpu.memory_space<semaphore_mem>>
        %dma_start3A_651 = arith.constant 0 : i32
        %dma_start3A_652 = tpu.memref_slice %arg8[%add3A_617, %dma_start3A_651] : memref<40x128xi32, #tpu.memory_space<vmem>> -> memref<1x128xi32, #tpu.memory_space<vmem>>
        %dma_start3A_653 = tpu.memref_squeeze %dma_start3A_652 : memref<1x128xi32, #tpu.memory_space<vmem>> -> memref<128xi32, #tpu.memory_space<vmem>>
        %dma_start3A_654 = arith.constant 0 : i32
        %dma_start3A_655 = arith.constant 0 : i32
        %dma_start3A_656 = tpu.memref_slice %arg12[%dma_start3A_654, %dma_start3A_655] : memref<10016x128xf32, #tpu.memory_space<vmem_shared>> -> memref<10016x128xf32, #tpu.memory_space<vmem_shared>>
        tpu.enqueue_indirect_dma source(%arg9 : memref<128x128xf32, #tpu.memory_space<vmem>>) target(%dma_start3A_656 : memref<10016x128xf32, #tpu.memory_space<vmem_shared>>) offsets(%dma_start3A_653 : memref<128xi32, #tpu.memory_space<vmem>>) semaphore(%run_scoped3A_650 : memref<!tpu.dma_semaphore, #tpu.memory_space<semaphore_mem>>) {add = true}
        %dma_wait3A_657 = arith.constant 0 : i32
        %dma_wait3A_658 = tpu.memref_slice %arg8[%add3A_617, %dma_wait3A_657] : memref<40x128xi32, #tpu.memory_space<vmem>> -> memref<1x128xi32, #tpu.memory_space<vmem>>
        %dma_wait3A_659 = tpu.memref_squeeze %dma_wait3A_658 : memref<1x128xi32, #tpu.memory_space<vmem>> -> memref<128xi32, #tpu.memory_space<vmem>>
        %dma_wait3A_660 = arith.constant 0 : i32
        %dma_wait3A_661 = arith.constant 0 : i32
        %dma_wait3A_662 = tpu.memref_slice %arg12[%dma_wait3A_660, %dma_wait3A_661] : memref<10016x128xf32, #tpu.memory_space<vmem_shared>> -> memref<10016x128xf32, #tpu.memory_space<vmem_shared>>
        tpu.wait_indirect_dma semaphore(%run_scoped3A_650 : memref<!tpu.dma_semaphore, #tpu.memory_space<semaphore_mem>>) src(%arg9 : memref<128x128xf32, #tpu.memory_space<vmem>>) dst(%dma_wait3A_662 : memref<10016x128xf32, #tpu.memory_space<vmem_shared>>)
        tpu.yield
      }) : () -> ()
      %add3A_625 = arith.constant 2 : i32
      %add3A_626 = arith.addi %add3A_617, %add3A_625 : i32
      %dma_start3A_627 = arith.constant 0 : i32
      %dma_start3A_628 = tpu.memref_slice %arg7[%add3A_626, %dma_start3A_627] : memref<40x128xi32, #tpu.memory_space<vmem>> -> memref<1x128xi32, #tpu.memory_space<vmem>>
      %dma_start3A_629 = tpu.memref_squeeze %dma_start3A_628 : memref<1x128xi32, #tpu.memory_space<vmem>> -> memref<128xi32, #tpu.memory_space<vmem>>
      %dma_start3A_630 = arith.constant 0 : i32
      %dma_start3A_631 = arith.constant 0 : i32
      %dma_start3A_632 = tpu.memref_slice %arg2[%dma_start3A_630, %dma_start3A_631] : memref<60000x128xf32, #tpu.memory_space<hbm>> -> memref<60000x128xf32, #tpu.memory_space<hbm>>
      tpu.enqueue_indirect_dma source(%dma_start3A_632 : memref<60000x128xf32, #tpu.memory_space<hbm>>) target(%arg9 : memref<128x128xf32, #tpu.memory_space<vmem>>) offsets(%dma_start3A_629 : memref<128xi32, #tpu.memory_space<vmem>>) semaphore(%arg13 : memref<!tpu.dma_semaphore, #tpu.memory_space<semaphore_mem>>)
      %dma_wait3A_633 = arith.constant 0 : i32
      %dma_wait3A_634 = arith.constant 0 : i32
      %dma_wait3A_635 = tpu.memref_slice %arg7[%dma_wait3A_633, %dma_wait3A_634] : memref<40x128xi32, #tpu.memory_space<vmem>> -> memref<1x128xi32, #tpu.memory_space<vmem>>
      %dma_wait3A_636 = tpu.memref_squeeze %dma_wait3A_635 : memref<1x128xi32, #tpu.memory_space<vmem>> -> memref<128xi32, #tpu.memory_space<vmem>>
      %dma_wait3A_637 = arith.constant 0 : i32
      %dma_wait3A_638 = arith.constant 0 : i32
      %dma_wait3A_639 = tpu.memref_slice %arg2[%dma_wait3A_637, %dma_wait3A_638] : memref<60000x128xf32, #tpu.memory_space<hbm>> -> memref<60000x128xf32, #tpu.memory_space<hbm>>
      tpu.wait_indirect_dma semaphore(%arg14 : memref<!tpu.dma_semaphore, #tpu.memory_space<semaphore_mem>>) src(%dma_wait3A_639 : memref<60000x128xf32, #tpu.memory_space<hbm>>) dst(%arg10 : memref<128x128xf32, #tpu.memory_space<vmem>>)
      %add3A_640 = arith.constant 1 : i32
      %add3A_641 = arith.addi %add3A_617, %add3A_640 : i32
      "tpu.region"() ({
        %run_scoped3A_650 = tpu.sem_alloc : memref<!tpu.dma_semaphore, #tpu.memory_space<semaphore_mem>>
        %dma_start3A_651 = arith.constant 0 : i32
        %dma_start3A_652 = tpu.memref_slice %arg8[%add3A_641, %dma_start3A_651] : memref<40x128xi32, #tpu.memory_space<vmem>> -> memref<1x128xi32, #tpu.memory_space<vmem>>
        %dma_start3A_653 = tpu.memref_squeeze %dma_start3A_652 : memref<1x128xi32, #tpu.memory_space<vmem>> -> memref<128xi32, #tpu.memory_space<vmem>>
        %dma_start3A_654 = arith.constant 0 : i32
        %dma_start3A_655 = arith.constant 0 : i32
        %dma_start3A_656 = tpu.memref_slice %arg12[%dma_start3A_654, %dma_start3A_655] : memref<10016x128xf32, #tpu.memory_space<vmem_shared>> -> memref<10016x128xf32, #tpu.memory_space<vmem_shared>>
        tpu.enqueue_indirect_dma source(%arg10 : memref<128x128xf32, #tpu.memory_space<vmem>>) target(%dma_start3A_656 : memref<10016x128xf32, #tpu.memory_space<vmem_shared>>) offsets(%dma_start3A_653 : memref<128xi32, #tpu.memory_space<vmem>>) semaphore(%run_scoped3A_650 : memref<!tpu.dma_semaphore, #tpu.memory_space<semaphore_mem>>) {add = true}
        %dma_wait3A_657 = arith.constant 0 : i32
        %dma_wait3A_658 = tpu.memref_slice %arg8[%add3A_641, %dma_wait3A_657] : memref<40x128xi32, #tpu.memory_space<vmem>> -> memref<1x128xi32, #tpu.memory_space<vmem>>
        %dma_wait3A_659 = tpu.memref_squeeze %dma_wait3A_658 : memref<1x128xi32, #tpu.memory_space<vmem>> -> memref<128xi32, #tpu.memory_space<vmem>>
        %dma_wait3A_660 = arith.constant 0 : i32
        %dma_wait3A_661 = arith.constant 0 : i32
        %dma_wait3A_662 = tpu.memref_slice %arg12[%dma_wait3A_660, %dma_wait3A_661] : memref<10016x128xf32, #tpu.memory_space<vmem_shared>> -> memref<10016x128xf32, #tpu.memory_space<vmem_shared>>
        tpu.wait_indirect_dma semaphore(%run_scoped3A_650 : memref<!tpu.dma_semaphore, #tpu.memory_space<semaphore_mem>>) src(%arg10 : memref<128x128xf32, #tpu.memory_space<vmem>>) dst(%dma_wait3A_662 : memref<10016x128xf32, #tpu.memory_space<vmem_shared>>)
        tpu.yield
      }) : () -> ()
      %add3A_642 = arith.constant 3 : i32
      %add3A_643 = arith.addi %add3A_617, %add3A_642 : i32
      %dma_start3A_644 = arith.constant 0 : i32
      %dma_start3A_645 = tpu.memref_slice %arg7[%add3A_643, %dma_start3A_644] : memref<40x128xi32, #tpu.memory_space<vmem>> -> memref<1x128xi32, #tpu.memory_space<vmem>>
      %dma_start3A_646 = tpu.memref_squeeze %dma_start3A_645 : memref<1x128xi32, #tpu.memory_space<vmem>> -> memref<128xi32, #tpu.memory_space<vmem>>
      %dma_start3A_647 = arith.constant 0 : i32
      %dma_start3A_648 = arith.constant 0 : i32
      %dma_start3A_649 = tpu.memref_slice %arg2[%dma_start3A_647, %dma_start3A_648] : memref<60000x128xf32, #tpu.memory_space<hbm>> -> memref<60000x128xf32, #tpu.memory_space<hbm>>
      tpu.enqueue_indirect_dma source(%dma_start3A_649 : memref<60000x128xf32, #tpu.memory_space<hbm>>) target(%arg10 : memref<128x128xf32, #tpu.memory_space<vmem>>) offsets(%dma_start3A_646 : memref<128xi32, #tpu.memory_space<vmem>>) semaphore(%arg14 : memref<!tpu.dma_semaphore, #tpu.memory_space<semaphore_mem>>)
    }
    %scan3A_373 = arith.constant 19 : i32
    %dma_wait3A_374 = arith.constant 0 : i32
    %dma_wait3A_375 = arith.constant 0 : i32
    %dma_wait3A_376 = tpu.memref_slice %arg7[%dma_wait3A_374, %dma_wait3A_375] : memref<40x128xi32, #tpu.memory_space<vmem>> -> memref<1x128xi32, #tpu.memory_space<vmem>>
    %dma_wait3A_377 = tpu.memref_squeeze %dma_wait3A_376 : memref<1x128xi32, #tpu.memory_space<vmem>> -> memref<128xi32, #tpu.memory_space<vmem>>
    %dma_wait3A_378 = arith.constant 0 : i32
    %dma_wait3A_379 = arith.constant 0 : i32
    %dma_wait3A_380 = tpu.memref_slice %arg2[%dma_wait3A_378, %dma_wait3A_379] : memref<60000x128xf32, #tpu.memory_space<hbm>> -> memref<60000x128xf32, #tpu.memory_space<hbm>>
    tpu.wait_indirect_dma semaphore(%arg13 : memref<!tpu.dma_semaphore, #tpu.memory_space<semaphore_mem>>) src(%dma_wait3A_380 : memref<60000x128xf32, #tpu.memory_space<hbm>>) dst(%arg9 : memref<128x128xf32, #tpu.memory_space<vmem>>)
    %run_scoped3A_381 = arith.constant 38 : i32
    "tpu.region"() ({
      %run_scoped3A_613 = tpu.sem_alloc : memref<!tpu.dma_semaphore, #tpu.memory_space<semaphore_mem>>
      %dma_start3A_614 = arith.constant 0 : i32
      %dma_start3A_615 = tpu.memref_slice %arg8[%run_scoped3A_381, %dma_start3A_614] : memref<40x128xi32, #tpu.memory_space<vmem>> -> memref<1x128xi32, #tpu.memory_space<vmem>>
      %dma_start3A_616 = tpu.memref_squeeze %dma_start3A_615 : memref<1x128xi32, #tpu.memory_space<vmem>> -> memref<128xi32, #tpu.memory_space<vmem>>
      %dma_start3A_617 = arith.constant 0 : i32
      %dma_start3A_618 = arith.constant 0 : i32
      %dma_start3A_619 = tpu.memref_slice %arg12[%dma_start3A_617, %dma_start3A_618] : memref<10016x128xf32, #tpu.memory_space<vmem_shared>> -> memref<10016x128xf32, #tpu.memory_space<vmem_shared>>
      tpu.enqueue_indirect_dma source(%arg9 : memref<128x128xf32, #tpu.memory_space<vmem>>) target(%dma_start3A_619 : memref<10016x128xf32, #tpu.memory_space<vmem_shared>>) offsets(%dma_start3A_616 : memref<128xi32, #tpu.memory_space<vmem>>) semaphore(%run_scoped3A_613 : memref<!tpu.dma_semaphore, #tpu.memory_space<semaphore_mem>>) {add = true}
      %dma_wait3A_620 = arith.constant 0 : i32
      %dma_wait3A_621 = tpu.memref_slice %arg8[%run_scoped3A_381, %dma_wait3A_620] : memref<40x128xi32, #tpu.memory_space<vmem>> -> memref<1x128xi32, #tpu.memory_space<vmem>>
      %dma_wait3A_622 = tpu.memref_squeeze %dma_wait3A_621 : memref<1x128xi32, #tpu.memory_space<vmem>> -> memref<128xi32, #tpu.memory_space<vmem>>
      %dma_wait3A_623 = arith.constant 0 : i32
      %dma_wait3A_624 = arith.constant 0 : i32
      %dma_wait3A_625 = tpu.memref_slice %arg12[%dma_wait3A_623, %dma_wait3A_624] : memref<10016x128xf32, #tpu.memory_space<vmem_shared>> -> memref<10016x128xf32, #tpu.memory_space<vmem_shared>>
      tpu.wait_indirect_dma semaphore(%run_scoped3A_613 : memref<!tpu.dma_semaphore, #tpu.memory_space<semaphore_mem>>) src(%arg9 : memref<128x128xf32, #tpu.memory_space<vmem>>) dst(%dma_wait3A_625 : memref<10016x128xf32, #tpu.memory_space<vmem_shared>>)
      tpu.yield
    }) : () -> ()
    %dma_wait3A_382 = arith.constant 0 : i32
    %dma_wait3A_383 = arith.constant 0 : i32
    %dma_wait3A_384 = tpu.memref_slice %arg7[%dma_wait3A_382, %dma_wait3A_383] : memref<40x128xi32, #tpu.memory_space<vmem>> -> memref<1x128xi32, #tpu.memory_space<vmem>>
    %dma_wait3A_385 = tpu.memref_squeeze %dma_wait3A_384 : memref<1x128xi32, #tpu.memory_space<vmem>> -> memref<128xi32, #tpu.memory_space<vmem>>
    %dma_wait3A_386 = arith.constant 0 : i32
    %dma_wait3A_387 = arith.constant 0 : i32
    %dma_wait3A_388 = tpu.memref_slice %arg2[%dma_wait3A_386, %dma_wait3A_387] : memref<60000x128xf32, #tpu.memory_space<hbm>> -> memref<60000x128xf32, #tpu.memory_space<hbm>>
    tpu.wait_indirect_dma semaphore(%arg14 : memref<!tpu.dma_semaphore, #tpu.memory_space<semaphore_mem>>) src(%dma_wait3A_388 : memref<60000x128xf32, #tpu.memory_space<hbm>>) dst(%arg10 : memref<128x128xf32, #tpu.memory_space<vmem>>)
    %run_scoped3A_389 = arith.constant 39 : i32
    "tpu.region"() ({
      %run_scoped3A_613 = tpu.sem_alloc : memref<!tpu.dma_semaphore, #tpu.memory_space<semaphore_mem>>
      %dma_start3A_614 = arith.constant 0 : i32
      %dma_start3A_615 = tpu.memref_slice %arg8[%run_scoped3A_389, %dma_start3A_614] : memref<40x128xi32, #tpu.memory_space<vmem>> -> memref<1x128xi32, #tpu.memory_space<vmem>>
      %dma_start3A_616 = tpu.memref_squeeze %dma_start3A_615 : memref<1x128xi32, #tpu.memory_space<vmem>> -> memref<128xi32, #tpu.memory_space<vmem>>
      %dma_start3A_617 = arith.constant 0 : i32
      %dma_start3A_618 = arith.constant 0 : i32
      %dma_start3A_619 = tpu.memref_slice %arg12[%dma_start3A_617, %dma_start3A_618] : memref<10016x128xf32, #tpu.memory_space<vmem_shared>> -> memref<10016x128xf32, #tpu.memory_space<vmem_shared>>
      tpu.enqueue_indirect_dma source(%arg10 : memref<128x128xf32, #tpu.memory_space<vmem>>) target(%dma_start3A_619 : memref<10016x128xf32, #tpu.memory_space<vmem_shared>>) offsets(%dma_start3A_616 : memref<128xi32, #tpu.memory_space<vmem>>) semaphore(%run_scoped3A_613 : memref<!tpu.dma_semaphore, #tpu.memory_space<semaphore_mem>>) {add = true}
      %dma_wait3A_620 = arith.constant 0 : i32
      %dma_wait3A_621 = tpu.memref_slice %arg8[%run_scoped3A_389, %dma_wait3A_620] : memref<40x128xi32, #tpu.memory_space<vmem>> -> memref<1x128xi32, #tpu.memory_space<vmem>>
      %dma_wait3A_622 = tpu.memref_squeeze %dma_wait3A_621 : memref<1x128xi32, #tpu.memory_space<vmem>> -> memref<128xi32, #tpu.memory_space<vmem>>
      %dma_wait3A_623 = arith.constant 0 : i32
      %dma_wait3A_624 = arith.constant 0 : i32
      %dma_wait3A_625 = tpu.memref_slice %arg12[%dma_wait3A_623, %dma_wait3A_624] : memref<10016x128xf32, #tpu.memory_space<vmem_shared>> -> memref<10016x128xf32, #tpu.memory_space<vmem_shared>>
      tpu.wait_indirect_dma semaphore(%run_scoped3A_613 : memref<!tpu.dma_semaphore, #tpu.memory_space<semaphore_mem>>) src(%arg10 : memref<128x128xf32, #tpu.memory_space<vmem>>) dst(%dma_wait3A_625 : memref<10016x128xf32, #tpu.memory_space<vmem_shared>>)
      tpu.yield
    }) : () -> ()
    %barrier3A_390 = arith.constant 0 : index
    tpu.barrier barrier_id(%barrier3A_390)
    %add3A_391 = arith.constant 2 : i32
    %add3A_392 = arith.addi %add3A_391, %arg0 : i32
    %mul3A_393 = arith.constant 10000 : i32
    %mul3A_394 = arith.muli %add3A_392, %mul3A_393 : i32
    %lt3A_395 = arith.constant 15 : i32
    %lt3A_396 = arith.cmpi slt, %arg1, %lt3A_395 : i32
    %convert_element_type3A_397 = arith.extui %lt3A_396 : i1 to i32
    %cond3A_398 = arith.constant 0 : i32
    %cond3A_399 = arith.cmpi ne, %convert_element_type3A_397, %cond3A_398 : i32
    scf.if %cond3A_399 {
      %mul3A_613 = arith.constant 624 : i32
      %mul3A_614 = arith.muli %arg1, %mul3A_613 : i32
      %multiple_of3A = tpu.assume_multiple %mul3A_614, 8 : i32
      %add3A_615 = arith.addi %mul3A_394, %multiple_of3A : i32
      "tpu.region"() ({
        %run_scoped3A_616 = tpu.sem_alloc : memref<!tpu.dma_semaphore, #tpu.memory_space<semaphore_mem>>
        %dma_start3A_617 = arith.constant 0 : i32
        %dma_start3A_618 = tpu.memref_slice %arg6[%add3A_615, %dma_start3A_617] : memref<60000x128xf32, #tpu.memory_space<hbm>> -> memref<624x128xf32, #tpu.memory_space<hbm>>
        %dma_start3A_619 = arith.constant 0 : i32
        %dma_start3A_620 = tpu.memref_slice %arg12[%multiple_of3A, %dma_start3A_619] : memref<10016x128xf32, #tpu.memory_space<vmem_shared>> -> memref<624x128xf32, #tpu.memory_space<vmem_shared>>
        tpu.enqueue_dma source(%dma_start3A_620 : memref<624x128xf32, #tpu.memory_space<vmem_shared>>) target(%dma_start3A_618 : memref<624x128xf32, #tpu.memory_space<hbm>>) target_semaphore(%run_scoped3A_616 : memref<!tpu.dma_semaphore, #tpu.memory_space<semaphore_mem>>)
        %dma_wait3A_621 = arith.constant 0 : i32
        %dma_wait3A_622 = tpu.memref_slice %arg6[%add3A_615, %dma_wait3A_621] : memref<60000x128xf32, #tpu.memory_space<hbm>> -> memref<624x128xf32, #tpu.memory_space<hbm>>
        %dma_wait3A_623 = arith.constant 0 : i32
        %dma_wait3A_624 = tpu.memref_slice %arg12[%multiple_of3A, %dma_wait3A_623] : memref<10016x128xf32, #tpu.memory_space<vmem_shared>> -> memref<624x128xf32, #tpu.memory_space<vmem_shared>>
        tpu.wait_dma2 semaphore(%run_scoped3A_616 : memref<!tpu.dma_semaphore, #tpu.memory_space<semaphore_mem>>) src(%dma_wait3A_624 : memref<624x128xf32, #tpu.memory_space<vmem_shared>>) dst(%dma_wait3A_622 : memref<624x128xf32, #tpu.memory_space<hbm>>)
        tpu.yield
      }) : () -> ()
    } else {
    }
    %eq3A_400 = arith.constant 15 : i32
    %eq3A_401 = arith.cmpi eq, %arg1, %eq3A_400 : i32
    %convert_element_type3A_402 = arith.extui %eq3A_401 : i1 to i32
    %cond3A_403 = arith.constant 0 : i32
    %cond3A_404 = arith.cmpi ne, %convert_element_type3A_402, %cond3A_403 : i32
    scf.if %cond3A_404 {
      %add3A_613 = arith.constant 9360 : i32
      %add3A_614 = arith.addi %mul3A_394, %add3A_613 : i32
      "tpu.region"() ({
        %run_scoped3A_615 = tpu.sem_alloc : memref<!tpu.dma_semaphore, #tpu.memory_space<semaphore_mem>>
        %dma_start3A_616 = arith.constant 0 : i32
        %dma_start3A_617 = tpu.memref_slice %arg6[%add3A_614, %dma_start3A_616] : memref<60000x128xf32, #tpu.memory_space<hbm>> -> memref<640x128xf32, #tpu.memory_space<hbm>>
        %dma_start3A_618 = arith.constant 9360 : i32
        %dma_start3A_619 = arith.constant 0 : i32
        %dma_start3A_620 = tpu.memref_slice %arg12[%dma_start3A_618, %dma_start3A_619] : memref<10016x128xf32, #tpu.memory_space<vmem_shared>> -> memref<640x128xf32, #tpu.memory_space<vmem_shared>>
        tpu.enqueue_dma source(%dma_start3A_620 : memref<640x128xf32, #tpu.memory_space<vmem_shared>>) target(%dma_start3A_617 : memref<640x128xf32, #tpu.memory_space<hbm>>) target_semaphore(%run_scoped3A_615 : memref<!tpu.dma_semaphore, #tpu.memory_space<semaphore_mem>>)
        %dma_wait3A_621 = arith.constant 0 : i32
        %dma_wait3A_622 = tpu.memref_slice %arg6[%add3A_614, %dma_wait3A_621] : memref<60000x128xf32, #tpu.memory_space<hbm>> -> memref<640x128xf32, #tpu.memory_space<hbm>>
        %dma_wait3A_623 = arith.constant 9360 : i32
        %dma_wait3A_624 = arith.constant 0 : i32
        %dma_wait3A_625 = tpu.memref_slice %arg12[%dma_wait3A_623, %dma_wait3A_624] : memref<10016x128xf32, #tpu.memory_space<vmem_shared>> -> memref<640x128xf32, #tpu.memory_space<vmem_shared>>
        tpu.wait_dma2 semaphore(%run_scoped3A_615 : memref<!tpu.dma_semaphore, #tpu.memory_space<semaphore_mem>>) src(%dma_wait3A_625 : memref<640x128xf32, #tpu.memory_space<vmem_shared>>) dst(%dma_wait3A_622 : memref<640x128xf32, #tpu.memory_space<hbm>>)
        tpu.yield
      }) : () -> ()
    } else {
    }
    %mul3A_405 = arith.constant 625 : i32
    %mul3A_406 = arith.muli %arg1, %mul3A_405 : i32
    %add3A_407 = arith.constant 0 : i32
    %add3A_408 = arith.addi %mul3A_406, %add3A_407 : i32
    "tpu.region"() ({
      %run_scoped3A_613 = tpu.sem_alloc : memref<!tpu.dma_semaphore, #tpu.memory_space<semaphore_mem>>
      %dma_start3A_614 = arith.constant 0 : i32
      %dma_start3A_615 = tpu.memref_slice %arg12[%add3A_408, %dma_start3A_614] : memref<10016x128xf32, #tpu.memory_space<vmem_shared>> -> memref<25x128xf32, #tpu.memory_space<vmem_shared>>
      %dma_start3A_616 = arith.constant 0 : i32
      %dma_start3A_617 = tpu.memref_slice %arg12[%add3A_408, %dma_start3A_616] : memref<10016x128xf32, #tpu.memory_space<vmem_shared>> -> memref<25x128xf32, #tpu.memory_space<vmem_shared>>
      tpu.enqueue_dma source(%arg11 : memref<25x128xf32, #tpu.memory_space<vmem>>) target(%dma_start3A_617 : memref<25x128xf32, #tpu.memory_space<vmem_shared>>) target_semaphore(%run_scoped3A_613 : memref<!tpu.dma_semaphore, #tpu.memory_space<semaphore_mem>>)
      %dma_wait3A_618 = arith.constant 0 : i32
      %dma_wait3A_619 = tpu.memref_slice %arg12[%add3A_408, %dma_wait3A_618] : memref<10016x128xf32, #tpu.memory_space<vmem_shared>> -> memref<25x128xf32, #tpu.memory_space<vmem_shared>>
      %dma_wait3A_620 = arith.constant 0 : i32
      %dma_wait3A_621 = tpu.memref_slice %arg12[%add3A_408, %dma_wait3A_620] : memref<10016x128xf32, #tpu.memory_space<vmem_shared>> -> memref<25x128xf32, #tpu.memory_space<vmem_shared>>
      tpu.wait_dma2 semaphore(%run_scoped3A_613 : memref<!tpu.dma_semaphore, #tpu.memory_space<semaphore_mem>>) src(%arg11 : memref<25x128xf32, #tpu.memory_space<vmem>>) dst(%dma_wait3A_621 : memref<25x128xf32, #tpu.memory_space<vmem_shared>>)
      tpu.yield
    }) : () -> ()
    %mul3A_409 = arith.constant 625 : i32
    %mul3A_410 = arith.muli %arg1, %mul3A_409 : i32
    %add3A_411 = arith.constant 25 : i32
    %add3A_412 = arith.addi %mul3A_410, %add3A_411 : i32
    "tpu.region"() ({
      %run_scoped3A_613 = tpu.sem_alloc : memref<!tpu.dma_semaphore, #tpu.memory_space<semaphore_mem>>
      %dma_start3A_614 = arith.constant 0 : i32
      %dma_start3A_615 = tpu.memref_slice %arg12[%add3A_412, %dma_start3A_614] : memref<10016x128xf32, #tpu.memory_space<vmem_shared>> -> memref<25x128xf32, #tpu.memory_space<vmem_shared>>
      %dma_start3A_616 = arith.constant 0 : i32
      %dma_start3A_617 = tpu.memref_slice %arg12[%add3A_412, %dma_start3A_616] : memref<10016x128xf32, #tpu.memory_space<vmem_shared>> -> memref<25x128xf32, #tpu.memory_space<vmem_shared>>
      tpu.enqueue_dma source(%arg11 : memref<25x128xf32, #tpu.memory_space<vmem>>) target(%dma_start3A_617 : memref<25x128xf32, #tpu.memory_space<vmem_shared>>) target_semaphore(%run_scoped3A_613 : memref<!tpu.dma_semaphore, #tpu.memory_space<semaphore_mem>>)
      %dma_wait3A_618 = arith.constant 0 : i32
      %dma_wait3A_619 = tpu.memref_slice %arg12[%add3A_412, %dma_wait3A_618] : memref<10016x128xf32, #tpu.memory_space<vmem_shared>> -> memref<25x128xf32, #tpu.memory_space<vmem_shared>>
      %dma_wait3A_620 = arith.constant 0 : i32
      %dma_wait3A_621 = tpu.memref_slice %arg12[%add3A_412, %dma_wait3A_620] : memref<10016x128xf32, #tpu.memory_space<vmem_shared>> -> memref<25x128xf32, #tpu.memory_space<vmem_shared>>
      tpu.wait_dma2 semaphore(%run_scoped3A_613 : memref<!tpu.dma_semaphore, #tpu.memory_space<semaphore_mem>>) src(%arg11 : memref<25x128xf32, #tpu.memory_space<vmem>>) dst(%dma_wait3A_621 : memref<25x128xf32, #tpu.memory_space<vmem_shared>>)
      tpu.yield
    }) : () -> ()
    %mul3A_413 = arith.constant 625 : i32
    %mul3A_414 = arith.muli %arg1, %mul3A_413 : i32
    %add3A_415 = arith.constant 50 : i32
    %add3A_416 = arith.addi %mul3A_414, %add3A_415 : i32
    "tpu.region"() ({
      %run_scoped3A_613 = tpu.sem_alloc : memref<!tpu.dma_semaphore, #tpu.memory_space<semaphore_mem>>
      %dma_start3A_614 = arith.constant 0 : i32
      %dma_start3A_615 = tpu.memref_slice %arg12[%add3A_416, %dma_start3A_614] : memref<10016x128xf32, #tpu.memory_space<vmem_shared>> -> memref<25x128xf32, #tpu.memory_space<vmem_shared>>
      %dma_start3A_616 = arith.constant 0 : i32
      %dma_start3A_617 = tpu.memref_slice %arg12[%add3A_416, %dma_start3A_616] : memref<10016x128xf32, #tpu.memory_space<vmem_shared>> -> memref<25x128xf32, #tpu.memory_space<vmem_shared>>
      tpu.enqueue_dma source(%arg11 : memref<25x128xf32, #tpu.memory_space<vmem>>) target(%dma_start3A_617 : memref<25x128xf32, #tpu.memory_space<vmem_shared>>) target_semaphore(%run_scoped3A_613 : memref<!tpu.dma_semaphore, #tpu.memory_space<semaphore_mem>>)
      %dma_wait3A_618 = arith.constant 0 : i32
      %dma_wait3A_619 = tpu.memref_slice %arg12[%add3A_416, %dma_wait3A_618] : memref<10016x128xf32, #tpu.memory_space<vmem_shared>> -> memref<25x128xf32, #tpu.memory_space<vmem_shared>>
      %dma_wait3A_620 = arith.constant 0 : i32
      %dma_wait3A_621 = tpu.memref_slice %arg12[%add3A_416, %dma_wait3A_620] : memref<10016x128xf32, #tpu.memory_space<vmem_shared>> -> memref<25x128xf32, #tpu.memory_space<vmem_shared>>
      tpu.wait_dma2 semaphore(%run_scoped3A_613 : memref<!tpu.dma_semaphore, #tpu.memory_space<semaphore_mem>>) src(%arg11 : memref<25x128xf32, #tpu.memory_space<vmem>>) dst(%dma_wait3A_621 : memref<25x128xf32, #tpu.memory_space<vmem_shared>>)
      tpu.yield
    }) : () -> ()
    %mul3A_417 = arith.constant 625 : i32
    %mul3A_418 = arith.muli %arg1, %mul3A_417 : i32
    %add3A_419 = arith.constant 75 : i32
    %add3A_420 = arith.addi %mul3A_418, %add3A_419 : i32
    "tpu.region"() ({
      %run_scoped3A_613 = tpu.sem_alloc : memref<!tpu.dma_semaphore, #tpu.memory_space<semaphore_mem>>
      %dma_start3A_614 = arith.constant 0 : i32
      %dma_start3A_615 = tpu.memref_slice %arg12[%add3A_420, %dma_start3A_614] : memref<10016x128xf32, #tpu.memory_space<vmem_shared>> -> memref<25x128xf32, #tpu.memory_space<vmem_shared>>
      %dma_start3A_616 = arith.constant 0 : i32
      %dma_start3A_617 = tpu.memref_slice %arg12[%add3A_420, %dma_start3A_616] : memref<10016x128xf32, #tpu.memory_space<vmem_shared>> -> memref<25x128xf32, #tpu.memory_space<vmem_shared>>
      tpu.enqueue_dma source(%arg11 : memref<25x128xf32, #tpu.memory_space<vmem>>) target(%dma_start3A_617 : memref<25x128xf32, #tpu.memory_space<vmem_shared>>) target_semaphore(%run_scoped3A_613 : memref<!tpu.dma_semaphore, #tpu.memory_space<semaphore_mem>>)
      %dma_wait3A_618 = arith.constant 0 : i32
      %dma_wait3A_619 = tpu.memref_slice %arg12[%add3A_420, %dma_wait3A_618] : memref<10016x128xf32, #tpu.memory_space<vmem_shared>> -> memref<25x128xf32, #tpu.memory_space<vmem_shared>>
      %dma_wait3A_620 = arith.constant 0 : i32
      %dma_wait3A_621 = tpu.memref_slice %arg12[%add3A_420, %dma_wait3A_620] : memref<10016x128xf32, #tpu.memory_space<vmem_shared>> -> memref<25x128xf32, #tpu.memory_space<vmem_shared>>
      tpu.wait_dma2 semaphore(%run_scoped3A_613 : memref<!tpu.dma_semaphore, #tpu.memory_space<semaphore_mem>>) src(%arg11 : memref<25x128xf32, #tpu.memory_space<vmem>>) dst(%dma_wait3A_621 : memref<25x128xf32, #tpu.memory_space<vmem_shared>>)
      tpu.yield
    }) : () -> ()
    %mul3A_421 = arith.constant 625 : i32
    %mul3A_422 = arith.muli %arg1, %mul3A_421 : i32
    %add3A_423 = arith.constant 100 : i32
    %add3A_424 = arith.addi %mul3A_422, %add3A_423 : i32
    "tpu.region"() ({
      %run_scoped3A_613 = tpu.sem_alloc : memref<!tpu.dma_semaphore, #tpu.memory_space<semaphore_mem>>
      %dma_start3A_614 = arith.constant 0 : i32
      %dma_start3A_615 = tpu.memref_slice %arg12[%add3A_424, %dma_start3A_614] : memref<10016x128xf32, #tpu.memory_space<vmem_shared>> -> memref<25x128xf32, #tpu.memory_space<vmem_shared>>
      %dma_start3A_616 = arith.constant 0 : i32
      %dma_start3A_617 = tpu.memref_slice %arg12[%add3A_424, %dma_start3A_616] : memref<10016x128xf32, #tpu.memory_space<vmem_shared>> -> memref<25x128xf32, #tpu.memory_space<vmem_shared>>
      tpu.enqueue_dma source(%arg11 : memref<25x128xf32, #tpu.memory_space<vmem>>) target(%dma_start3A_617 : memref<25x128xf32, #tpu.memory_space<vmem_shared>>) target_semaphore(%run_scoped3A_613 : memref<!tpu.dma_semaphore, #tpu.memory_space<semaphore_mem>>)
      %dma_wait3A_618 = arith.constant 0 : i32
      %dma_wait3A_619 = tpu.memref_slice %arg12[%add3A_424, %dma_wait3A_618] : memref<10016x128xf32, #tpu.memory_space<vmem_shared>> -> memref<25x128xf32, #tpu.memory_space<vmem_shared>>
      %dma_wait3A_620 = arith.constant 0 : i32
      %dma_wait3A_621 = tpu.memref_slice %arg12[%add3A_424, %dma_wait3A_620] : memref<10016x128xf32, #tpu.memory_space<vmem_shared>> -> memref<25x128xf32, #tpu.memory_space<vmem_shared>>
      tpu.wait_dma2 semaphore(%run_scoped3A_613 : memref<!tpu.dma_semaphore, #tpu.memory_space<semaphore_mem>>) src(%arg11 : memref<25x128xf32, #tpu.memory_space<vmem>>) dst(%dma_wait3A_621 : memref<25x128xf32, #tpu.memory_space<vmem_shared>>)
      tpu.yield
    }) : () -> ()
    %mul3A_425 = arith.constant 625 : i32
    %mul3A_426 = arith.muli %arg1, %mul3A_425 : i32
    %add3A_427 = arith.constant 125 : i32
    %add3A_428 = arith.addi %mul3A_426, %add3A_427 : i32
    "tpu.region"() ({
      %run_scoped3A_613 = tpu.sem_alloc : memref<!tpu.dma_semaphore, #tpu.memory_space<semaphore_mem>>
      %dma_start3A_614 = arith.constant 0 : i32
      %dma_start3A_615 = tpu.memref_slice %arg12[%add3A_428, %dma_start3A_614] : memref<10016x128xf32, #tpu.memory_space<vmem_shared>> -> memref<25x128xf32, #tpu.memory_space<vmem_shared>>
      %dma_start3A_616 = arith.constant 0 : i32
      %dma_start3A_617 = tpu.memref_slice %arg12[%add3A_428, %dma_start3A_616] : memref<10016x128xf32, #tpu.memory_space<vmem_shared>> -> memref<25x128xf32, #tpu.memory_space<vmem_shared>>
      tpu.enqueue_dma source(%arg11 : memref<25x128xf32, #tpu.memory_space<vmem>>) target(%dma_start3A_617 : memref<25x128xf32, #tpu.memory_space<vmem_shared>>) target_semaphore(%run_scoped3A_613 : memref<!tpu.dma_semaphore, #tpu.memory_space<semaphore_mem>>)
      %dma_wait3A_618 = arith.constant 0 : i32
      %dma_wait3A_619 = tpu.memref_slice %arg12[%add3A_428, %dma_wait3A_618] : memref<10016x128xf32, #tpu.memory_space<vmem_shared>> -> memref<25x128xf32, #tpu.memory_space<vmem_shared>>
      %dma_wait3A_620 = arith.constant 0 : i32
      %dma_wait3A_621 = tpu.memref_slice %arg12[%add3A_428, %dma_wait3A_620] : memref<10016x128xf32, #tpu.memory_space<vmem_shared>> -> memref<25x128xf32, #tpu.memory_space<vmem_shared>>
      tpu.wait_dma2 semaphore(%run_scoped3A_613 : memref<!tpu.dma_semaphore, #tpu.memory_space<semaphore_mem>>) src(%arg11 : memref<25x128xf32, #tpu.memory_space<vmem>>) dst(%dma_wait3A_621 : memref<25x128xf32, #tpu.memory_space<vmem_shared>>)
      tpu.yield
    }) : () -> ()
    %mul3A_429 = arith.constant 625 : i32
    %mul3A_430 = arith.muli %arg1, %mul3A_429 : i32
    %add3A_431 = arith.constant 150 : i32
    %add3A_432 = arith.addi %mul3A_430, %add3A_431 : i32
    "tpu.region"() ({
      %run_scoped3A_613 = tpu.sem_alloc : memref<!tpu.dma_semaphore, #tpu.memory_space<semaphore_mem>>
      %dma_start3A_614 = arith.constant 0 : i32
      %dma_start3A_615 = tpu.memref_slice %arg12[%add3A_432, %dma_start3A_614] : memref<10016x128xf32, #tpu.memory_space<vmem_shared>> -> memref<25x128xf32, #tpu.memory_space<vmem_shared>>
      %dma_start3A_616 = arith.constant 0 : i32
      %dma_start3A_617 = tpu.memref_slice %arg12[%add3A_432, %dma_start3A_616] : memref<10016x128xf32, #tpu.memory_space<vmem_shared>> -> memref<25x128xf32, #tpu.memory_space<vmem_shared>>
      tpu.enqueue_dma source(%arg11 : memref<25x128xf32, #tpu.memory_space<vmem>>) target(%dma_start3A_617 : memref<25x128xf32, #tpu.memory_space<vmem_shared>>) target_semaphore(%run_scoped3A_613 : memref<!tpu.dma_semaphore, #tpu.memory_space<semaphore_mem>>)
      %dma_wait3A_618 = arith.constant 0 : i32
      %dma_wait3A_619 = tpu.memref_slice %arg12[%add3A_432, %dma_wait3A_618] : memref<10016x128xf32, #tpu.memory_space<vmem_shared>> -> memref<25x128xf32, #tpu.memory_space<vmem_shared>>
      %dma_wait3A_620 = arith.constant 0 : i32
      %dma_wait3A_621 = tpu.memref_slice %arg12[%add3A_432, %dma_wait3A_620] : memref<10016x128xf32, #tpu.memory_space<vmem_shared>> -> memref<25x128xf32, #tpu.memory_space<vmem_shared>>
      tpu.wait_dma2 semaphore(%run_scoped3A_613 : memref<!tpu.dma_semaphore, #tpu.memory_space<semaphore_mem>>) src(%arg11 : memref<25x128xf32, #tpu.memory_space<vmem>>) dst(%dma_wait3A_621 : memref<25x128xf32, #tpu.memory_space<vmem_shared>>)
      tpu.yield
    }) : () -> ()
    %mul3A_433 = arith.constant 625 : i32
    %mul3A_434 = arith.muli %arg1, %mul3A_433 : i32
    %add3A_435 = arith.constant 175 : i32
    %add3A_436 = arith.addi %mul3A_434, %add3A_435 : i32
    "tpu.region"() ({
      %run_scoped3A_613 = tpu.sem_alloc : memref<!tpu.dma_semaphore, #tpu.memory_space<semaphore_mem>>
      %dma_start3A_614 = arith.constant 0 : i32
      %dma_start3A_615 = tpu.memref_slice %arg12[%add3A_436, %dma_start3A_614] : memref<10016x128xf32, #tpu.memory_space<vmem_shared>> -> memref<25x128xf32, #tpu.memory_space<vmem_shared>>
      %dma_start3A_616 = arith.constant 0 : i32
      %dma_start3A_617 = tpu.memref_slice %arg12[%add3A_436, %dma_start3A_616] : memref<10016x128xf32, #tpu.memory_space<vmem_shared>> -> memref<25x128xf32, #tpu.memory_space<vmem_shared>>
      tpu.enqueue_dma source(%arg11 : memref<25x128xf32, #tpu.memory_space<vmem>>) target(%dma_start3A_617 : memref<25x128xf32, #tpu.memory_space<vmem_shared>>) target_semaphore(%run_scoped3A_613 : memref<!tpu.dma_semaphore, #tpu.memory_space<semaphore_mem>>)
      %dma_wait3A_618 = arith.constant 0 : i32
      %dma_wait3A_619 = tpu.memref_slice %arg12[%add3A_436, %dma_wait3A_618] : memref<10016x128xf32, #tpu.memory_space<vmem_shared>> -> memref<25x128xf32, #tpu.memory_space<vmem_shared>>
      %dma_wait3A_620 = arith.constant 0 : i32
      %dma_wait3A_621 = tpu.memref_slice %arg12[%add3A_436, %dma_wait3A_620] : memref<10016x128xf32, #tpu.memory_space<vmem_shared>> -> memref<25x128xf32, #tpu.memory_space<vmem_shared>>
      tpu.wait_dma2 semaphore(%run_scoped3A_613 : memref<!tpu.dma_semaphore, #tpu.memory_space<semaphore_mem>>) src(%arg11 : memref<25x128xf32, #tpu.memory_space<vmem>>) dst(%dma_wait3A_621 : memref<25x128xf32, #tpu.memory_space<vmem_shared>>)
      tpu.yield
    }) : () -> ()
    %mul3A_437 = arith.constant 625 : i32
    %mul3A_438 = arith.muli %arg1, %mul3A_437 : i32
    %add3A_439 = arith.constant 200 : i32
    %add3A_440 = arith.addi %mul3A_438, %add3A_439 : i32
    "tpu.region"() ({
      %run_scoped3A_613 = tpu.sem_alloc : memref<!tpu.dma_semaphore, #tpu.memory_space<semaphore_mem>>
      %dma_start3A_614 = arith.constant 0 : i32
      %dma_start3A_615 = tpu.memref_slice %arg12[%add3A_440, %dma_start3A_614] : memref<10016x128xf32, #tpu.memory_space<vmem_shared>> -> memref<25x128xf32, #tpu.memory_space<vmem_shared>>
      %dma_start3A_616 = arith.constant 0 : i32
      %dma_start3A_617 = tpu.memref_slice %arg12[%add3A_440, %dma_start3A_616] : memref<10016x128xf32, #tpu.memory_space<vmem_shared>> -> memref<25x128xf32, #tpu.memory_space<vmem_shared>>
      tpu.enqueue_dma source(%arg11 : memref<25x128xf32, #tpu.memory_space<vmem>>) target(%dma_start3A_617 : memref<25x128xf32, #tpu.memory_space<vmem_shared>>) target_semaphore(%run_scoped3A_613 : memref<!tpu.dma_semaphore, #tpu.memory_space<semaphore_mem>>)
      %dma_wait3A_618 = arith.constant 0 : i32
      %dma_wait3A_619 = tpu.memref_slice %arg12[%add3A_440, %dma_wait3A_618] : memref<10016x128xf32, #tpu.memory_space<vmem_shared>> -> memref<25x128xf32, #tpu.memory_space<vmem_shared>>
      %dma_wait3A_620 = arith.constant 0 : i32
      %dma_wait3A_621 = tpu.memref_slice %arg12[%add3A_440, %dma_wait3A_620] : memref<10016x128xf32, #tpu.memory_space<vmem_shared>> -> memref<25x128xf32, #tpu.memory_space<vmem_shared>>
      tpu.wait_dma2 semaphore(%run_scoped3A_613 : memref<!tpu.dma_semaphore, #tpu.memory_space<semaphore_mem>>) src(%arg11 : memref<25x128xf32, #tpu.memory_space<vmem>>) dst(%dma_wait3A_621 : memref<25x128xf32, #tpu.memory_space<vmem_shared>>)
      tpu.yield
    }) : () -> ()
    %mul3A_441 = arith.constant 625 : i32
    %mul3A_442 = arith.muli %arg1, %mul3A_441 : i32
    %add3A_443 = arith.constant 225 : i32
    %add3A_444 = arith.addi %mul3A_442, %add3A_443 : i32
    "tpu.region"() ({
      %run_scoped3A_613 = tpu.sem_alloc : memref<!tpu.dma_semaphore, #tpu.memory_space<semaphore_mem>>
      %dma_start3A_614 = arith.constant 0 : i32
      %dma_start3A_615 = tpu.memref_slice %arg12[%add3A_444, %dma_start3A_614] : memref<10016x128xf32, #tpu.memory_space<vmem_shared>> -> memref<25x128xf32, #tpu.memory_space<vmem_shared>>
      %dma_start3A_616 = arith.constant 0 : i32
      %dma_start3A_617 = tpu.memref_slice %arg12[%add3A_444, %dma_start3A_616] : memref<10016x128xf32, #tpu.memory_space<vmem_shared>> -> memref<25x128xf32, #tpu.memory_space<vmem_shared>>
      tpu.enqueue_dma source(%arg11 : memref<25x128xf32, #tpu.memory_space<vmem>>) target(%dma_start3A_617 : memref<25x128xf32, #tpu.memory_space<vmem_shared>>) target_semaphore(%run_scoped3A_613 : memref<!tpu.dma_semaphore, #tpu.memory_space<semaphore_mem>>)
      %dma_wait3A_618 = arith.constant 0 : i32
      %dma_wait3A_619 = tpu.memref_slice %arg12[%add3A_444, %dma_wait3A_618] : memref<10016x128xf32, #tpu.memory_space<vmem_shared>> -> memref<25x128xf32, #tpu.memory_space<vmem_shared>>
      %dma_wait3A_620 = arith.constant 0 : i32
      %dma_wait3A_621 = tpu.memref_slice %arg12[%add3A_444, %dma_wait3A_620] : memref<10016x128xf32, #tpu.memory_space<vmem_shared>> -> memref<25x128xf32, #tpu.memory_space<vmem_shared>>
      tpu.wait_dma2 semaphore(%run_scoped3A_613 : memref<!tpu.dma_semaphore, #tpu.memory_space<semaphore_mem>>) src(%arg11 : memref<25x128xf32, #tpu.memory_space<vmem>>) dst(%dma_wait3A_621 : memref<25x128xf32, #tpu.memory_space<vmem_shared>>)
      tpu.yield
    }) : () -> ()
    %mul3A_445 = arith.constant 625 : i32
    %mul3A_446 = arith.muli %arg1, %mul3A_445 : i32
    %add3A_447 = arith.constant 250 : i32
    %add3A_448 = arith.addi %mul3A_446, %add3A_447 : i32
    "tpu.region"() ({
      %run_scoped3A_613 = tpu.sem_alloc : memref<!tpu.dma_semaphore, #tpu.memory_space<semaphore_mem>>
      %dma_start3A_614 = arith.constant 0 : i32
      %dma_start3A_615 = tpu.memref_slice %arg12[%add3A_448, %dma_start3A_614] : memref<10016x128xf32, #tpu.memory_space<vmem_shared>> -> memref<25x128xf32, #tpu.memory_space<vmem_shared>>
      %dma_start3A_616 = arith.constant 0 : i32
      %dma_start3A_617 = tpu.memref_slice %arg12[%add3A_448, %dma_start3A_616] : memref<10016x128xf32, #tpu.memory_space<vmem_shared>> -> memref<25x128xf32, #tpu.memory_space<vmem_shared>>
      tpu.enqueue_dma source(%arg11 : memref<25x128xf32, #tpu.memory_space<vmem>>) target(%dma_start3A_617 : memref<25x128xf32, #tpu.memory_space<vmem_shared>>) target_semaphore(%run_scoped3A_613 : memref<!tpu.dma_semaphore, #tpu.memory_space<semaphore_mem>>)
      %dma_wait3A_618 = arith.constant 0 : i32
      %dma_wait3A_619 = tpu.memref_slice %arg12[%add3A_448, %dma_wait3A_618] : memref<10016x128xf32, #tpu.memory_space<vmem_shared>> -> memref<25x128xf32, #tpu.memory_space<vmem_shared>>
      %dma_wait3A_620 = arith.constant 0 : i32
      %dma_wait3A_621 = tpu.memref_slice %arg12[%add3A_448, %dma_wait3A_620] : memref<10016x128xf32, #tpu.memory_space<vmem_shared>> -> memref<25x128xf32, #tpu.memory_space<vmem_shared>>
      tpu.wait_dma2 semaphore(%run_scoped3A_613 : memref<!tpu.dma_semaphore, #tpu.memory_space<semaphore_mem>>) src(%arg11 : memref<25x128xf32, #tpu.memory_space<vmem>>) dst(%dma_wait3A_621 : memref<25x128xf32, #tpu.memory_space<vmem_shared>>)
      tpu.yield
    }) : () -> ()
    %mul3A_449 = arith.constant 625 : i32
    %mul3A_450 = arith.muli %arg1, %mul3A_449 : i32
    %add3A_451 = arith.constant 275 : i32
    %add3A_452 = arith.addi %mul3A_450, %add3A_451 : i32
    "tpu.region"() ({
      %run_scoped3A_613 = tpu.sem_alloc : memref<!tpu.dma_semaphore, #tpu.memory_space<semaphore_mem>>
      %dma_start3A_614 = arith.constant 0 : i32
      %dma_start3A_615 = tpu.memref_slice %arg12[%add3A_452, %dma_start3A_614] : memref<10016x128xf32, #tpu.memory_space<vmem_shared>> -> memref<25x128xf32, #tpu.memory_space<vmem_shared>>
      %dma_start3A_616 = arith.constant 0 : i32
      %dma_start3A_617 = tpu.memref_slice %arg12[%add3A_452, %dma_start3A_616] : memref<10016x128xf32, #tpu.memory_space<vmem_shared>> -> memref<25x128xf32, #tpu.memory_space<vmem_shared>>
      tpu.enqueue_dma source(%arg11 : memref<25x128xf32, #tpu.memory_space<vmem>>) target(%dma_start3A_617 : memref<25x128xf32, #tpu.memory_space<vmem_shared>>) target_semaphore(%run_scoped3A_613 : memref<!tpu.dma_semaphore, #tpu.memory_space<semaphore_mem>>)
      %dma_wait3A_618 = arith.constant 0 : i32
      %dma_wait3A_619 = tpu.memref_slice %arg12[%add3A_452, %dma_wait3A_618] : memref<10016x128xf32, #tpu.memory_space<vmem_shared>> -> memref<25x128xf32, #tpu.memory_space<vmem_shared>>
      %dma_wait3A_620 = arith.constant 0 : i32
      %dma_wait3A_621 = tpu.memref_slice %arg12[%add3A_452, %dma_wait3A_620] : memref<10016x128xf32, #tpu.memory_space<vmem_shared>> -> memref<25x128xf32, #tpu.memory_space<vmem_shared>>
      tpu.wait_dma2 semaphore(%run_scoped3A_613 : memref<!tpu.dma_semaphore, #tpu.memory_space<semaphore_mem>>) src(%arg11 : memref<25x128xf32, #tpu.memory_space<vmem>>) dst(%dma_wait3A_621 : memref<25x128xf32, #tpu.memory_space<vmem_shared>>)
      tpu.yield
    }) : () -> ()
    %mul3A_453 = arith.constant 625 : i32
    %mul3A_454 = arith.muli %arg1, %mul3A_453 : i32
    %add3A_455 = arith.constant 300 : i32
    %add3A_456 = arith.addi %mul3A_454, %add3A_455 : i32
    "tpu.region"() ({
      %run_scoped3A_613 = tpu.sem_alloc : memref<!tpu.dma_semaphore, #tpu.memory_space<semaphore_mem>>
      %dma_start3A_614 = arith.constant 0 : i32
      %dma_start3A_615 = tpu.memref_slice %arg12[%add3A_456, %dma_start3A_614] : memref<10016x128xf32, #tpu.memory_space<vmem_shared>> -> memref<25x128xf32, #tpu.memory_space<vmem_shared>>
      %dma_start3A_616 = arith.constant 0 : i32
      %dma_start3A_617 = tpu.memref_slice %arg12[%add3A_456, %dma_start3A_616] : memref<10016x128xf32, #tpu.memory_space<vmem_shared>> -> memref<25x128xf32, #tpu.memory_space<vmem_shared>>
      tpu.enqueue_dma source(%arg11 : memref<25x128xf32, #tpu.memory_space<vmem>>) target(%dma_start3A_617 : memref<25x128xf32, #tpu.memory_space<vmem_shared>>) target_semaphore(%run_scoped3A_613 : memref<!tpu.dma_semaphore, #tpu.memory_space<semaphore_mem>>)
      %dma_wait3A_618 = arith.constant 0 : i32
      %dma_wait3A_619 = tpu.memref_slice %arg12[%add3A_456, %dma_wait3A_618] : memref<10016x128xf32, #tpu.memory_space<vmem_shared>> -> memref<25x128xf32, #tpu.memory_space<vmem_shared>>
      %dma_wait3A_620 = arith.constant 0 : i32
      %dma_wait3A_621 = tpu.memref_slice %arg12[%add3A_456, %dma_wait3A_620] : memref<10016x128xf32, #tpu.memory_space<vmem_shared>> -> memref<25x128xf32, #tpu.memory_space<vmem_shared>>
      tpu.wait_dma2 semaphore(%run_scoped3A_613 : memref<!tpu.dma_semaphore, #tpu.memory_space<semaphore_mem>>) src(%arg11 : memref<25x128xf32, #tpu.memory_space<vmem>>) dst(%dma_wait3A_621 : memref<25x128xf32, #tpu.memory_space<vmem_shared>>)
      tpu.yield
    }) : () -> ()
    %mul3A_457 = arith.constant 625 : i32
    %mul3A_458 = arith.muli %arg1, %mul3A_457 : i32
    %add3A_459 = arith.constant 325 : i32
    %add3A_460 = arith.addi %mul3A_458, %add3A_459 : i32
    "tpu.region"() ({
      %run_scoped3A_613 = tpu.sem_alloc : memref<!tpu.dma_semaphore, #tpu.memory_space<semaphore_mem>>
      %dma_start3A_614 = arith.constant 0 : i32
      %dma_start3A_615 = tpu.memref_slice %arg12[%add3A_460, %dma_start3A_614] : memref<10016x128xf32, #tpu.memory_space<vmem_shared>> -> memref<25x128xf32, #tpu.memory_space<vmem_shared>>
      %dma_start3A_616 = arith.constant 0 : i32
      %dma_start3A_617 = tpu.memref_slice %arg12[%add3A_460, %dma_start3A_616] : memref<10016x128xf32, #tpu.memory_space<vmem_shared>> -> memref<25x128xf32, #tpu.memory_space<vmem_shared>>
      tpu.enqueue_dma source(%arg11 : memref<25x128xf32, #tpu.memory_space<vmem>>) target(%dma_start3A_617 : memref<25x128xf32, #tpu.memory_space<vmem_shared>>) target_semaphore(%run_scoped3A_613 : memref<!tpu.dma_semaphore, #tpu.memory_space<semaphore_mem>>)
      %dma_wait3A_618 = arith.constant 0 : i32
      %dma_wait3A_619 = tpu.memref_slice %arg12[%add3A_460, %dma_wait3A_618] : memref<10016x128xf32, #tpu.memory_space<vmem_shared>> -> memref<25x128xf32, #tpu.memory_space<vmem_shared>>
      %dma_wait3A_620 = arith.constant 0 : i32
      %dma_wait3A_621 = tpu.memref_slice %arg12[%add3A_460, %dma_wait3A_620] : memref<10016x128xf32, #tpu.memory_space<vmem_shared>> -> memref<25x128xf32, #tpu.memory_space<vmem_shared>>
      tpu.wait_dma2 semaphore(%run_scoped3A_613 : memref<!tpu.dma_semaphore, #tpu.memory_space<semaphore_mem>>) src(%arg11 : memref<25x128xf32, #tpu.memory_space<vmem>>) dst(%dma_wait3A_621 : memref<25x128xf32, #tpu.memory_space<vmem_shared>>)
      tpu.yield
    }) : () -> ()
    %mul3A_461 = arith.constant 625 : i32
    %mul3A_462 = arith.muli %arg1, %mul3A_461 : i32
    %add3A_463 = arith.constant 350 : i32
    %add3A_464 = arith.addi %mul3A_462, %add3A_463 : i32
    "tpu.region"() ({
      %run_scoped3A_613 = tpu.sem_alloc : memref<!tpu.dma_semaphore, #tpu.memory_space<semaphore_mem>>
      %dma_start3A_614 = arith.constant 0 : i32
      %dma_start3A_615 = tpu.memref_slice %arg12[%add3A_464, %dma_start3A_614] : memref<10016x128xf32, #tpu.memory_space<vmem_shared>> -> memref<25x128xf32, #tpu.memory_space<vmem_shared>>
      %dma_start3A_616 = arith.constant 0 : i32
      %dma_start3A_617 = tpu.memref_slice %arg12[%add3A_464, %dma_start3A_616] : memref<10016x128xf32, #tpu.memory_space<vmem_shared>> -> memref<25x128xf32, #tpu.memory_space<vmem_shared>>
      tpu.enqueue_dma source(%arg11 : memref<25x128xf32, #tpu.memory_space<vmem>>) target(%dma_start3A_617 : memref<25x128xf32, #tpu.memory_space<vmem_shared>>) target_semaphore(%run_scoped3A_613 : memref<!tpu.dma_semaphore, #tpu.memory_space<semaphore_mem>>)
      %dma_wait3A_618 = arith.constant 0 : i32
      %dma_wait3A_619 = tpu.memref_slice %arg12[%add3A_464, %dma_wait3A_618] : memref<10016x128xf32, #tpu.memory_space<vmem_shared>> -> memref<25x128xf32, #tpu.memory_space<vmem_shared>>
      %dma_wait3A_620 = arith.constant 0 : i32
      %dma_wait3A_621 = tpu.memref_slice %arg12[%add3A_464, %dma_wait3A_620] : memref<10016x128xf32, #tpu.memory_space<vmem_shared>> -> memref<25x128xf32, #tpu.memory_space<vmem_shared>>
      tpu.wait_dma2 semaphore(%run_scoped3A_613 : memref<!tpu.dma_semaphore, #tpu.memory_space<semaphore_mem>>) src(%arg11 : memref<25x128xf32, #tpu.memory_space<vmem>>) dst(%dma_wait3A_621 : memref<25x128xf32, #tpu.memory_space<vmem_shared>>)
      tpu.yield
    }) : () -> ()
    %mul3A_465 = arith.constant 625 : i32
    %mul3A_466 = arith.muli %arg1, %mul3A_465 : i32
    %add3A_467 = arith.constant 375 : i32
    %add3A_468 = arith.addi %mul3A_466, %add3A_467 : i32
    "tpu.region"() ({
      %run_scoped3A_613 = tpu.sem_alloc : memref<!tpu.dma_semaphore, #tpu.memory_space<semaphore_mem>>
      %dma_start3A_614 = arith.constant 0 : i32
      %dma_start3A_615 = tpu.memref_slice %arg12[%add3A_468, %dma_start3A_614] : memref<10016x128xf32, #tpu.memory_space<vmem_shared>> -> memref<25x128xf32, #tpu.memory_space<vmem_shared>>
      %dma_start3A_616 = arith.constant 0 : i32
      %dma_start3A_617 = tpu.memref_slice %arg12[%add3A_468, %dma_start3A_616] : memref<10016x128xf32, #tpu.memory_space<vmem_shared>> -> memref<25x128xf32, #tpu.memory_space<vmem_shared>>
      tpu.enqueue_dma source(%arg11 : memref<25x128xf32, #tpu.memory_space<vmem>>) target(%dma_start3A_617 : memref<25x128xf32, #tpu.memory_space<vmem_shared>>) target_semaphore(%run_scoped3A_613 : memref<!tpu.dma_semaphore, #tpu.memory_space<semaphore_mem>>)
      %dma_wait3A_618 = arith.constant 0 : i32
      %dma_wait3A_619 = tpu.memref_slice %arg12[%add3A_468, %dma_wait3A_618] : memref<10016x128xf32, #tpu.memory_space<vmem_shared>> -> memref<25x128xf32, #tpu.memory_space<vmem_shared>>
      %dma_wait3A_620 = arith.constant 0 : i32
      %dma_wait3A_621 = tpu.memref_slice %arg12[%add3A_468, %dma_wait3A_620] : memref<10016x128xf32, #tpu.memory_space<vmem_shared>> -> memref<25x128xf32, #tpu.memory_space<vmem_shared>>
      tpu.wait_dma2 semaphore(%run_scoped3A_613 : memref<!tpu.dma_semaphore, #tpu.memory_space<semaphore_mem>>) src(%arg11 : memref<25x128xf32, #tpu.memory_space<vmem>>) dst(%dma_wait3A_621 : memref<25x128xf32, #tpu.memory_space<vmem_shared>>)
      tpu.yield
    }) : () -> ()
    %mul3A_469 = arith.constant 625 : i32
    %mul3A_470 = arith.muli %arg1, %mul3A_469 : i32
    %add3A_471 = arith.constant 400 : i32
    %add3A_472 = arith.addi %mul3A_470, %add3A_471 : i32
    "tpu.region"() ({
      %run_scoped3A_613 = tpu.sem_alloc : memref<!tpu.dma_semaphore, #tpu.memory_space<semaphore_mem>>
      %dma_start3A_614 = arith.constant 0 : i32
      %dma_start3A_615 = tpu.memref_slice %arg12[%add3A_472, %dma_start3A_614] : memref<10016x128xf32, #tpu.memory_space<vmem_shared>> -> memref<25x128xf32, #tpu.memory_space<vmem_shared>>
      %dma_start3A_616 = arith.constant 0 : i32
      %dma_start3A_617 = tpu.memref_slice %arg12[%add3A_472, %dma_start3A_616] : memref<10016x128xf32, #tpu.memory_space<vmem_shared>> -> memref<25x128xf32, #tpu.memory_space<vmem_shared>>
      tpu.enqueue_dma source(%arg11 : memref<25x128xf32, #tpu.memory_space<vmem>>) target(%dma_start3A_617 : memref<25x128xf32, #tpu.memory_space<vmem_shared>>) target_semaphore(%run_scoped3A_613 : memref<!tpu.dma_semaphore, #tpu.memory_space<semaphore_mem>>)
      %dma_wait3A_618 = arith.constant 0 : i32
      %dma_wait3A_619 = tpu.memref_slice %arg12[%add3A_472, %dma_wait3A_618] : memref<10016x128xf32, #tpu.memory_space<vmem_shared>> -> memref<25x128xf32, #tpu.memory_space<vmem_shared>>
      %dma_wait3A_620 = arith.constant 0 : i32
      %dma_wait3A_621 = tpu.memref_slice %arg12[%add3A_472, %dma_wait3A_620] : memref<10016x128xf32, #tpu.memory_space<vmem_shared>> -> memref<25x128xf32, #tpu.memory_space<vmem_shared>>
      tpu.wait_dma2 semaphore(%run_scoped3A_613 : memref<!tpu.dma_semaphore, #tpu.memory_space<semaphore_mem>>) src(%arg11 : memref<25x128xf32, #tpu.memory_space<vmem>>) dst(%dma_wait3A_621 : memref<25x128xf32, #tpu.memory_space<vmem_shared>>)
      tpu.yield
    }) : () -> ()
    %mul3A_473 = arith.constant 625 : i32
    %mul3A_474 = arith.muli %arg1, %mul3A_473 : i32
    %add3A_475 = arith.constant 425 : i32
    %add3A_476 = arith.addi %mul3A_474, %add3A_475 : i32
    "tpu.region"() ({
      %run_scoped3A_613 = tpu.sem_alloc : memref<!tpu.dma_semaphore, #tpu.memory_space<semaphore_mem>>
      %dma_start3A_614 = arith.constant 0 : i32
      %dma_start3A_615 = tpu.memref_slice %arg12[%add3A_476, %dma_start3A_614] : memref<10016x128xf32, #tpu.memory_space<vmem_shared>> -> memref<25x128xf32, #tpu.memory_space<vmem_shared>>
      %dma_start3A_616 = arith.constant 0 : i32
      %dma_start3A_617 = tpu.memref_slice %arg12[%add3A_476, %dma_start3A_616] : memref<10016x128xf32, #tpu.memory_space<vmem_shared>> -> memref<25x128xf32, #tpu.memory_space<vmem_shared>>
      tpu.enqueue_dma source(%arg11 : memref<25x128xf32, #tpu.memory_space<vmem>>) target(%dma_start3A_617 : memref<25x128xf32, #tpu.memory_space<vmem_shared>>) target_semaphore(%run_scoped3A_613 : memref<!tpu.dma_semaphore, #tpu.memory_space<semaphore_mem>>)
      %dma_wait3A_618 = arith.constant 0 : i32
      %dma_wait3A_619 = tpu.memref_slice %arg12[%add3A_476, %dma_wait3A_618] : memref<10016x128xf32, #tpu.memory_space<vmem_shared>> -> memref<25x128xf32, #tpu.memory_space<vmem_shared>>
      %dma_wait3A_620 = arith.constant 0 : i32
      %dma_wait3A_621 = tpu.memref_slice %arg12[%add3A_476, %dma_wait3A_620] : memref<10016x128xf32, #tpu.memory_space<vmem_shared>> -> memref<25x128xf32, #tpu.memory_space<vmem_shared>>
      tpu.wait_dma2 semaphore(%run_scoped3A_613 : memref<!tpu.dma_semaphore, #tpu.memory_space<semaphore_mem>>) src(%arg11 : memref<25x128xf32, #tpu.memory_space<vmem>>) dst(%dma_wait3A_621 : memref<25x128xf32, #tpu.memory_space<vmem_shared>>)
      tpu.yield
    }) : () -> ()
    %mul3A_477 = arith.constant 625 : i32
    %mul3A_478 = arith.muli %arg1, %mul3A_477 : i32
    %add3A_479 = arith.constant 450 : i32
    %add3A_480 = arith.addi %mul3A_478, %add3A_479 : i32
    "tpu.region"() ({
      %run_scoped3A_613 = tpu.sem_alloc : memref<!tpu.dma_semaphore, #tpu.memory_space<semaphore_mem>>
      %dma_start3A_614 = arith.constant 0 : i32
      %dma_start3A_615 = tpu.memref_slice %arg12[%add3A_480, %dma_start3A_614] : memref<10016x128xf32, #tpu.memory_space<vmem_shared>> -> memref<25x128xf32, #tpu.memory_space<vmem_shared>>
      %dma_start3A_616 = arith.constant 0 : i32
      %dma_start3A_617 = tpu.memref_slice %arg12[%add3A_480, %dma_start3A_616] : memref<10016x128xf32, #tpu.memory_space<vmem_shared>> -> memref<25x128xf32, #tpu.memory_space<vmem_shared>>
      tpu.enqueue_dma source(%arg11 : memref<25x128xf32, #tpu.memory_space<vmem>>) target(%dma_start3A_617 : memref<25x128xf32, #tpu.memory_space<vmem_shared>>) target_semaphore(%run_scoped3A_613 : memref<!tpu.dma_semaphore, #tpu.memory_space<semaphore_mem>>)
      %dma_wait3A_618 = arith.constant 0 : i32
      %dma_wait3A_619 = tpu.memref_slice %arg12[%add3A_480, %dma_wait3A_618] : memref<10016x128xf32, #tpu.memory_space<vmem_shared>> -> memref<25x128xf32, #tpu.memory_space<vmem_shared>>
      %dma_wait3A_620 = arith.constant 0 : i32
      %dma_wait3A_621 = tpu.memref_slice %arg12[%add3A_480, %dma_wait3A_620] : memref<10016x128xf32, #tpu.memory_space<vmem_shared>> -> memref<25x128xf32, #tpu.memory_space<vmem_shared>>
      tpu.wait_dma2 semaphore(%run_scoped3A_613 : memref<!tpu.dma_semaphore, #tpu.memory_space<semaphore_mem>>) src(%arg11 : memref<25x128xf32, #tpu.memory_space<vmem>>) dst(%dma_wait3A_621 : memref<25x128xf32, #tpu.memory_space<vmem_shared>>)
      tpu.yield
    }) : () -> ()
    %mul3A_481 = arith.constant 625 : i32
    %mul3A_482 = arith.muli %arg1, %mul3A_481 : i32
    %add3A_483 = arith.constant 475 : i32
    %add3A_484 = arith.addi %mul3A_482, %add3A_483 : i32
    "tpu.region"() ({
      %run_scoped3A_613 = tpu.sem_alloc : memref<!tpu.dma_semaphore, #tpu.memory_space<semaphore_mem>>
      %dma_start3A_614 = arith.constant 0 : i32
      %dma_start3A_615 = tpu.memref_slice %arg12[%add3A_484, %dma_start3A_614] : memref<10016x128xf32, #tpu.memory_space<vmem_shared>> -> memref<25x128xf32, #tpu.memory_space<vmem_shared>>
      %dma_start3A_616 = arith.constant 0 : i32
      %dma_start3A_617 = tpu.memref_slice %arg12[%add3A_484, %dma_start3A_616] : memref<10016x128xf32, #tpu.memory_space<vmem_shared>> -> memref<25x128xf32, #tpu.memory_space<vmem_shared>>
      tpu.enqueue_dma source(%arg11 : memref<25x128xf32, #tpu.memory_space<vmem>>) target(%dma_start3A_617 : memref<25x128xf32, #tpu.memory_space<vmem_shared>>) target_semaphore(%run_scoped3A_613 : memref<!tpu.dma_semaphore, #tpu.memory_space<semaphore_mem>>)
      %dma_wait3A_618 = arith.constant 0 : i32
      %dma_wait3A_619 = tpu.memref_slice %arg12[%add3A_484, %dma_wait3A_618] : memref<10016x128xf32, #tpu.memory_space<vmem_shared>> -> memref<25x128xf32, #tpu.memory_space<vmem_shared>>
      %dma_wait3A_620 = arith.constant 0 : i32
      %dma_wait3A_621 = tpu.memref_slice %arg12[%add3A_484, %dma_wait3A_620] : memref<10016x128xf32, #tpu.memory_space<vmem_shared>> -> memref<25x128xf32, #tpu.memory_space<vmem_shared>>
      tpu.wait_dma2 semaphore(%run_scoped3A_613 : memref<!tpu.dma_semaphore, #tpu.memory_space<semaphore_mem>>) src(%arg11 : memref<25x128xf32, #tpu.memory_space<vmem>>) dst(%dma_wait3A_621 : memref<25x128xf32, #tpu.memory_space<vmem_shared>>)
      tpu.yield
    }) : () -> ()
    %mul3A_485 = arith.constant 625 : i32
    %mul3A_486 = arith.muli %arg1, %mul3A_485 : i32
    %add3A_487 = arith.constant 500 : i32
    %add3A_488 = arith.addi %mul3A_486, %add3A_487 : i32
    "tpu.region"() ({
      %run_scoped3A_613 = tpu.sem_alloc : memref<!tpu.dma_semaphore, #tpu.memory_space<semaphore_mem>>
      %dma_start3A_614 = arith.constant 0 : i32
      %dma_start3A_615 = tpu.memref_slice %arg12[%add3A_488, %dma_start3A_614] : memref<10016x128xf32, #tpu.memory_space<vmem_shared>> -> memref<25x128xf32, #tpu.memory_space<vmem_shared>>
      %dma_start3A_616 = arith.constant 0 : i32
      %dma_start3A_617 = tpu.memref_slice %arg12[%add3A_488, %dma_start3A_616] : memref<10016x128xf32, #tpu.memory_space<vmem_shared>> -> memref<25x128xf32, #tpu.memory_space<vmem_shared>>
      tpu.enqueue_dma source(%arg11 : memref<25x128xf32, #tpu.memory_space<vmem>>) target(%dma_start3A_617 : memref<25x128xf32, #tpu.memory_space<vmem_shared>>) target_semaphore(%run_scoped3A_613 : memref<!tpu.dma_semaphore, #tpu.memory_space<semaphore_mem>>)
      %dma_wait3A_618 = arith.constant 0 : i32
      %dma_wait3A_619 = tpu.memref_slice %arg12[%add3A_488, %dma_wait3A_618] : memref<10016x128xf32, #tpu.memory_space<vmem_shared>> -> memref<25x128xf32, #tpu.memory_space<vmem_shared>>
      %dma_wait3A_620 = arith.constant 0 : i32
      %dma_wait3A_621 = tpu.memref_slice %arg12[%add3A_488, %dma_wait3A_620] : memref<10016x128xf32, #tpu.memory_space<vmem_shared>> -> memref<25x128xf32, #tpu.memory_space<vmem_shared>>
      tpu.wait_dma2 semaphore(%run_scoped3A_613 : memref<!tpu.dma_semaphore, #tpu.memory_space<semaphore_mem>>) src(%arg11 : memref<25x128xf32, #tpu.memory_space<vmem>>) dst(%dma_wait3A_621 : memref<25x128xf32, #tpu.memory_space<vmem_shared>>)
      tpu.yield
    }) : () -> ()
    %mul3A_489 = arith.constant 625 : i32
    %mul3A_490 = arith.muli %arg1, %mul3A_489 : i32
    %add3A_491 = arith.constant 525 : i32
    %add3A_492 = arith.addi %mul3A_490, %add3A_491 : i32
    "tpu.region"() ({
      %run_scoped3A_613 = tpu.sem_alloc : memref<!tpu.dma_semaphore, #tpu.memory_space<semaphore_mem>>
      %dma_start3A_614 = arith.constant 0 : i32
      %dma_start3A_615 = tpu.memref_slice %arg12[%add3A_492, %dma_start3A_614] : memref<10016x128xf32, #tpu.memory_space<vmem_shared>> -> memref<25x128xf32, #tpu.memory_space<vmem_shared>>
      %dma_start3A_616 = arith.constant 0 : i32
      %dma_start3A_617 = tpu.memref_slice %arg12[%add3A_492, %dma_start3A_616] : memref<10016x128xf32, #tpu.memory_space<vmem_shared>> -> memref<25x128xf32, #tpu.memory_space<vmem_shared>>
      tpu.enqueue_dma source(%arg11 : memref<25x128xf32, #tpu.memory_space<vmem>>) target(%dma_start3A_617 : memref<25x128xf32, #tpu.memory_space<vmem_shared>>) target_semaphore(%run_scoped3A_613 : memref<!tpu.dma_semaphore, #tpu.memory_space<semaphore_mem>>)
      %dma_wait3A_618 = arith.constant 0 : i32
      %dma_wait3A_619 = tpu.memref_slice %arg12[%add3A_492, %dma_wait3A_618] : memref<10016x128xf32, #tpu.memory_space<vmem_shared>> -> memref<25x128xf32, #tpu.memory_space<vmem_shared>>
      %dma_wait3A_620 = arith.constant 0 : i32
      %dma_wait3A_621 = tpu.memref_slice %arg12[%add3A_492, %dma_wait3A_620] : memref<10016x128xf32, #tpu.memory_space<vmem_shared>> -> memref<25x128xf32, #tpu.memory_space<vmem_shared>>
      tpu.wait_dma2 semaphore(%run_scoped3A_613 : memref<!tpu.dma_semaphore, #tpu.memory_space<semaphore_mem>>) src(%arg11 : memref<25x128xf32, #tpu.memory_space<vmem>>) dst(%dma_wait3A_621 : memref<25x128xf32, #tpu.memory_space<vmem_shared>>)
      tpu.yield
    }) : () -> ()
    %mul3A_493 = arith.constant 625 : i32
    %mul3A_494 = arith.muli %arg1, %mul3A_493 : i32
    %add3A_495 = arith.constant 550 : i32
    %add3A_496 = arith.addi %mul3A_494, %add3A_495 : i32
    "tpu.region"() ({
      %run_scoped3A_613 = tpu.sem_alloc : memref<!tpu.dma_semaphore, #tpu.memory_space<semaphore_mem>>
      %dma_start3A_614 = arith.constant 0 : i32
      %dma_start3A_615 = tpu.memref_slice %arg12[%add3A_496, %dma_start3A_614] : memref<10016x128xf32, #tpu.memory_space<vmem_shared>> -> memref<25x128xf32, #tpu.memory_space<vmem_shared>>
      %dma_start3A_616 = arith.constant 0 : i32
      %dma_start3A_617 = tpu.memref_slice %arg12[%add3A_496, %dma_start3A_616] : memref<10016x128xf32, #tpu.memory_space<vmem_shared>> -> memref<25x128xf32, #tpu.memory_space<vmem_shared>>
      tpu.enqueue_dma source(%arg11 : memref<25x128xf32, #tpu.memory_space<vmem>>) target(%dma_start3A_617 : memref<25x128xf32, #tpu.memory_space<vmem_shared>>) target_semaphore(%run_scoped3A_613 : memref<!tpu.dma_semaphore, #tpu.memory_space<semaphore_mem>>)
      %dma_wait3A_618 = arith.constant 0 : i32
      %dma_wait3A_619 = tpu.memref_slice %arg12[%add3A_496, %dma_wait3A_618] : memref<10016x128xf32, #tpu.memory_space<vmem_shared>> -> memref<25x128xf32, #tpu.memory_space<vmem_shared>>
      %dma_wait3A_620 = arith.constant 0 : i32
      %dma_wait3A_621 = tpu.memref_slice %arg12[%add3A_496, %dma_wait3A_620] : memref<10016x128xf32, #tpu.memory_space<vmem_shared>> -> memref<25x128xf32, #tpu.memory_space<vmem_shared>>
      tpu.wait_dma2 semaphore(%run_scoped3A_613 : memref<!tpu.dma_semaphore, #tpu.memory_space<semaphore_mem>>) src(%arg11 : memref<25x128xf32, #tpu.memory_space<vmem>>) dst(%dma_wait3A_621 : memref<25x128xf32, #tpu.memory_space<vmem_shared>>)
      tpu.yield
    }) : () -> ()
    %mul3A_497 = arith.constant 625 : i32
    %mul3A_498 = arith.muli %arg1, %mul3A_497 : i32
    %add3A_499 = arith.constant 575 : i32
    %add3A_500 = arith.addi %mul3A_498, %add3A_499 : i32
    "tpu.region"() ({
      %run_scoped3A_613 = tpu.sem_alloc : memref<!tpu.dma_semaphore, #tpu.memory_space<semaphore_mem>>
      %dma_start3A_614 = arith.constant 0 : i32
      %dma_start3A_615 = tpu.memref_slice %arg12[%add3A_500, %dma_start3A_614] : memref<10016x128xf32, #tpu.memory_space<vmem_shared>> -> memref<25x128xf32, #tpu.memory_space<vmem_shared>>
      %dma_start3A_616 = arith.constant 0 : i32
      %dma_start3A_617 = tpu.memref_slice %arg12[%add3A_500, %dma_start3A_616] : memref<10016x128xf32, #tpu.memory_space<vmem_shared>> -> memref<25x128xf32, #tpu.memory_space<vmem_shared>>
      tpu.enqueue_dma source(%arg11 : memref<25x128xf32, #tpu.memory_space<vmem>>) target(%dma_start3A_617 : memref<25x128xf32, #tpu.memory_space<vmem_shared>>) target_semaphore(%run_scoped3A_613 : memref<!tpu.dma_semaphore, #tpu.memory_space<semaphore_mem>>)
      %dma_wait3A_618 = arith.constant 0 : i32
      %dma_wait3A_619 = tpu.memref_slice %arg12[%add3A_500, %dma_wait3A_618] : memref<10016x128xf32, #tpu.memory_space<vmem_shared>> -> memref<25x128xf32, #tpu.memory_space<vmem_shared>>
      %dma_wait3A_620 = arith.constant 0 : i32
      %dma_wait3A_621 = tpu.memref_slice %arg12[%add3A_500, %dma_wait3A_620] : memref<10016x128xf32, #tpu.memory_space<vmem_shared>> -> memref<25x128xf32, #tpu.memory_space<vmem_shared>>
      tpu.wait_dma2 semaphore(%run_scoped3A_613 : memref<!tpu.dma_semaphore, #tpu.memory_space<semaphore_mem>>) src(%arg11 : memref<25x128xf32, #tpu.memory_space<vmem>>) dst(%dma_wait3A_621 : memref<25x128xf32, #tpu.memory_space<vmem_shared>>)
      tpu.yield
    }) : () -> ()
    %mul3A_501 = arith.constant 625 : i32
    %mul3A_502 = arith.muli %arg1, %mul3A_501 : i32
    %add3A_503 = arith.constant 600 : i32
    %add3A_504 = arith.addi %mul3A_502, %add3A_503 : i32
    "tpu.region"() ({
      %run_scoped3A_613 = tpu.sem_alloc : memref<!tpu.dma_semaphore, #tpu.memory_space<semaphore_mem>>
      %dma_start3A_614 = arith.constant 0 : i32
      %dma_start3A_615 = tpu.memref_slice %arg12[%add3A_504, %dma_start3A_614] : memref<10016x128xf32, #tpu.memory_space<vmem_shared>> -> memref<25x128xf32, #tpu.memory_space<vmem_shared>>
      %dma_start3A_616 = arith.constant 0 : i32
      %dma_start3A_617 = tpu.memref_slice %arg12[%add3A_504, %dma_start3A_616] : memref<10016x128xf32, #tpu.memory_space<vmem_shared>> -> memref<25x128xf32, #tpu.memory_space<vmem_shared>>
      tpu.enqueue_dma source(%arg11 : memref<25x128xf32, #tpu.memory_space<vmem>>) target(%dma_start3A_617 : memref<25x128xf32, #tpu.memory_space<vmem_shared>>) target_semaphore(%run_scoped3A_613 : memref<!tpu.dma_semaphore, #tpu.memory_space<semaphore_mem>>)
      %dma_wait3A_618 = arith.constant 0 : i32
      %dma_wait3A_619 = tpu.memref_slice %arg12[%add3A_504, %dma_wait3A_618] : memref<10016x128xf32, #tpu.memory_space<vmem_shared>> -> memref<25x128xf32, #tpu.memory_space<vmem_shared>>
      %dma_wait3A_620 = arith.constant 0 : i32
      %dma_wait3A_621 = tpu.memref_slice %arg12[%add3A_504, %dma_wait3A_620] : memref<10016x128xf32, #tpu.memory_space<vmem_shared>> -> memref<25x128xf32, #tpu.memory_space<vmem_shared>>
      tpu.wait_dma2 semaphore(%run_scoped3A_613 : memref<!tpu.dma_semaphore, #tpu.memory_space<semaphore_mem>>) src(%arg11 : memref<25x128xf32, #tpu.memory_space<vmem>>) dst(%dma_wait3A_621 : memref<25x128xf32, #tpu.memory_space<vmem_shared>>)
      tpu.yield
    }) : () -> ()
    %barrier3A_505 = arith.constant 0 : index
    tpu.barrier barrier_id(%barrier3A_505)
    %add3A_506 = arith.constant 4 : i32
    %add3A_507 = arith.addi %add3A_506, %arg0 : i32
    %mul3A_508 = arith.constant 10000 : i32
    %mul3A_509 = arith.muli %add3A_507, %mul3A_508 : i32
    %run_scoped3A_510 = arith.constant 2 : i32
    %run_scoped3A_511 = arith.constant 0 : i32
    "tpu.region"() ({
      %run_scoped3A_613 = tpu.sem_alloc : memref<!tpu.dma_semaphore, #tpu.memory_space<semaphore_mem>>
      %dma_start3A_614 = arith.constant 0 : i32
      %dma_start3A_615 = arith.constant 0 : i32
      %dma_start3A_616 = tpu.memref_slice %arg3[%run_scoped3A_510, %arg1, %run_scoped3A_511, %dma_start3A_614, %dma_start3A_615] : memref<3x16x2x40x128xi32, #tpu.memory_space<hbm>> -> memref<1x1x1x40x128xi32, #tpu.memory_space<hbm>>
      %dma_start3A_617 = tpu.memref_squeeze %dma_start3A_616 : memref<1x1x1x40x128xi32, #tpu.memory_space<hbm>> -> memref<40x128xi32, #tpu.memory_space<hbm>>
      %dma_start3A_618 = arith.constant 0 : i32
      %dma_start3A_619 = arith.constant 0 : i32
      %dma_start3A_620 = tpu.memref_slice %arg3[%run_scoped3A_510, %arg1, %run_scoped3A_511, %dma_start3A_618, %dma_start3A_619] : memref<3x16x2x40x128xi32, #tpu.memory_space<hbm>> -> memref<1x1x1x40x128xi32, #tpu.memory_space<hbm>>
      %dma_start3A_621 = tpu.memref_squeeze %dma_start3A_620 : memref<1x1x1x40x128xi32, #tpu.memory_space<hbm>> -> memref<40x128xi32, #tpu.memory_space<hbm>>
      tpu.enqueue_dma source(%dma_start3A_621 : memref<40x128xi32, #tpu.memory_space<hbm>>) target(%arg7 : memref<40x128xi32, #tpu.memory_space<vmem>>) target_semaphore(%run_scoped3A_613 : memref<!tpu.dma_semaphore, #tpu.memory_space<semaphore_mem>>)
      %dma_wait3A_622 = arith.constant 0 : i32
      %dma_wait3A_623 = arith.constant 0 : i32
      %dma_wait3A_624 = tpu.memref_slice %arg3[%run_scoped3A_510, %arg1, %run_scoped3A_511, %dma_wait3A_622, %dma_wait3A_623] : memref<3x16x2x40x128xi32, #tpu.memory_space<hbm>> -> memref<1x1x1x40x128xi32, #tpu.memory_space<hbm>>
      %dma_wait3A_625 = tpu.memref_squeeze %dma_wait3A_624 : memref<1x1x1x40x128xi32, #tpu.memory_space<hbm>> -> memref<40x128xi32, #tpu.memory_space<hbm>>
      %dma_wait3A_626 = arith.constant 0 : i32
      %dma_wait3A_627 = arith.constant 0 : i32
      %dma_wait3A_628 = tpu.memref_slice %arg3[%run_scoped3A_510, %arg1, %run_scoped3A_511, %dma_wait3A_626, %dma_wait3A_627] : memref<3x16x2x40x128xi32, #tpu.memory_space<hbm>> -> memref<1x1x1x40x128xi32, #tpu.memory_space<hbm>>
      %dma_wait3A_629 = tpu.memref_squeeze %dma_wait3A_628 : memref<1x1x1x40x128xi32, #tpu.memory_space<hbm>> -> memref<40x128xi32, #tpu.memory_space<hbm>>
      tpu.wait_dma2 semaphore(%run_scoped3A_613 : memref<!tpu.dma_semaphore, #tpu.memory_space<semaphore_mem>>) src(%dma_wait3A_629 : memref<40x128xi32, #tpu.memory_space<hbm>>) dst(%arg7 : memref<40x128xi32, #tpu.memory_space<vmem>>)
      tpu.yield
    }) : () -> ()
    %run_scoped3A_512 = arith.constant 2 : i32
    %run_scoped3A_513 = arith.constant 0 : i32
    "tpu.region"() ({
      %run_scoped3A_613 = tpu.sem_alloc : memref<!tpu.dma_semaphore, #tpu.memory_space<semaphore_mem>>
      %dma_start3A_614 = arith.constant 0 : i32
      %dma_start3A_615 = arith.constant 0 : i32
      %dma_start3A_616 = tpu.memref_slice %arg4[%run_scoped3A_512, %arg1, %run_scoped3A_513, %dma_start3A_614, %dma_start3A_615] : memref<3x16x2x40x128xi32, #tpu.memory_space<hbm>> -> memref<1x1x1x40x128xi32, #tpu.memory_space<hbm>>
      %dma_start3A_617 = tpu.memref_squeeze %dma_start3A_616 : memref<1x1x1x40x128xi32, #tpu.memory_space<hbm>> -> memref<40x128xi32, #tpu.memory_space<hbm>>
      %dma_start3A_618 = arith.constant 0 : i32
      %dma_start3A_619 = arith.constant 0 : i32
      %dma_start3A_620 = tpu.memref_slice %arg4[%run_scoped3A_512, %arg1, %run_scoped3A_513, %dma_start3A_618, %dma_start3A_619] : memref<3x16x2x40x128xi32, #tpu.memory_space<hbm>> -> memref<1x1x1x40x128xi32, #tpu.memory_space<hbm>>
      %dma_start3A_621 = tpu.memref_squeeze %dma_start3A_620 : memref<1x1x1x40x128xi32, #tpu.memory_space<hbm>> -> memref<40x128xi32, #tpu.memory_space<hbm>>
      tpu.enqueue_dma source(%dma_start3A_621 : memref<40x128xi32, #tpu.memory_space<hbm>>) target(%arg8 : memref<40x128xi32, #tpu.memory_space<vmem>>) target_semaphore(%run_scoped3A_613 : memref<!tpu.dma_semaphore, #tpu.memory_space<semaphore_mem>>)
      %dma_wait3A_622 = arith.constant 0 : i32
      %dma_wait3A_623 = arith.constant 0 : i32
      %dma_wait3A_624 = tpu.memref_slice %arg4[%run_scoped3A_512, %arg1, %run_scoped3A_513, %dma_wait3A_622, %dma_wait3A_623] : memref<3x16x2x40x128xi32, #tpu.memory_space<hbm>> -> memref<1x1x1x40x128xi32, #tpu.memory_space<hbm>>
      %dma_wait3A_625 = tpu.memref_squeeze %dma_wait3A_624 : memref<1x1x1x40x128xi32, #tpu.memory_space<hbm>> -> memref<40x128xi32, #tpu.memory_space<hbm>>
      %dma_wait3A_626 = arith.constant 0 : i32
      %dma_wait3A_627 = arith.constant 0 : i32
      %dma_wait3A_628 = tpu.memref_slice %arg4[%run_scoped3A_512, %arg1, %run_scoped3A_513, %dma_wait3A_626, %dma_wait3A_627] : memref<3x16x2x40x128xi32, #tpu.memory_space<hbm>> -> memref<1x1x1x40x128xi32, #tpu.memory_space<hbm>>
      %dma_wait3A_629 = tpu.memref_squeeze %dma_wait3A_628 : memref<1x1x1x40x128xi32, #tpu.memory_space<hbm>> -> memref<40x128xi32, #tpu.memory_space<hbm>>
      tpu.wait_dma2 semaphore(%run_scoped3A_613 : memref<!tpu.dma_semaphore, #tpu.memory_space<semaphore_mem>>) src(%dma_wait3A_629 : memref<40x128xi32, #tpu.memory_space<hbm>>) dst(%arg8 : memref<40x128xi32, #tpu.memory_space<vmem>>)
      tpu.yield
    }) : () -> ()
    %scan3A_514 = arith.constant 0 : i32
    %scan3A_515 = arith.constant 40 : i32
    %scan3A_516 = arith.addi %scan3A_514, %scan3A_515 : i32
    %scan3A_517 = arith.constant 1 : i32
    scf.for %scan3A_613 = %scan3A_514 to %scan3A_516 step %scan3A_517  : i32 {
      %mul3A_614 = arith.constant 1 : i32
      %mul3A_615 = arith.muli %scan3A_613, %mul3A_614 : i32
      %add3A_616 = arith.constant 0 : i32
      %add3A_617 = arith.addi %add3A_616, %mul3A_615 : i32
      %get3A = arith.index_cast %add3A_617 : i32 to index
      %get3A_618 = arith.constant 0 : index
      %get3A_619 = tpu.vector_load %arg7[%get3A, %get3A_618] {strides = array<i32>} : memref<40x128xi32, #tpu.memory_space<vmem>>, vector<1x16xi32>,
      %get3A_620 = vector.shape_cast %get3A_619 : vector<1x16xi32> to vector<16xi32>
      %add3A_621 = vector.broadcast %mul3A_509 : i32 to vector<16xi32>
      %add3A_622 = arith.addi %get3A_620, %add3A_621 : vector<16xi32>
      %swap3A = arith.index_cast %add3A_617 : i32 to index
      %swap3A_623 = arith.constant 0 : index
      %swap3A_624 = tpu.vector_load %arg7[%swap3A, %swap3A_623] {strides = array<i32>} : memref<40x128xi32, #tpu.memory_space<vmem>>, vector<1x16xi32>,
      %swap3A_625 = vector.shape_cast %swap3A_624 : vector<1x16xi32> to vector<16xi32>
      %swap3A_626 = vector.shape_cast %add3A_622 : vector<16xi32> to vector<1x16xi32>
      tpu.vector_store %arg7[%swap3A, %swap3A_623], %swap3A_626 {strides = array<i32>} : memref<40x128xi32, #tpu.memory_space<vmem>>, vector<1x16xi32>,
      %get3A_627 = arith.index_cast %add3A_617 : i32 to index
      %get3A_628 = arith.constant 16 : index
      %get3A_629 = tpu.vector_load %arg7[%get3A_627, %get3A_628] {strides = array<i32>} : memref<40x128xi32, #tpu.memory_space<vmem>>, vector<1x16xi32>,
      %get3A_630 = vector.shape_cast %get3A_629 : vector<1x16xi32> to vector<16xi32>
      %add3A_631 = vector.broadcast %mul3A_509 : i32 to vector<16xi32>
      %add3A_632 = arith.addi %get3A_630, %add3A_631 : vector<16xi32>
      %swap3A_633 = arith.index_cast %add3A_617 : i32 to index
      %swap3A_634 = arith.constant 16 : index
      %swap3A_635 = tpu.vector_load %arg7[%swap3A_633, %swap3A_634] {strides = array<i32>} : memref<40x128xi32, #tpu.memory_space<vmem>>, vector<1x16xi32>,
      %swap3A_636 = vector.shape_cast %swap3A_635 : vector<1x16xi32> to vector<16xi32>
      %swap3A_637 = vector.shape_cast %add3A_632 : vector<16xi32> to vector<1x16xi32>
      tpu.vector_store %arg7[%swap3A_633, %swap3A_634], %swap3A_637 {strides = array<i32>} : memref<40x128xi32, #tpu.memory_space<vmem>>, vector<1x16xi32>,
      %get3A_638 = arith.index_cast %add3A_617 : i32 to index
      %get3A_639 = arith.constant 32 : index
      %get3A_640 = tpu.vector_load %arg7[%get3A_638, %get3A_639] {strides = array<i32>} : memref<40x128xi32, #tpu.memory_space<vmem>>, vector<1x16xi32>,
      %get3A_641 = vector.shape_cast %get3A_640 : vector<1x16xi32> to vector<16xi32>
      %add3A_642 = vector.broadcast %mul3A_509 : i32 to vector<16xi32>
      %add3A_643 = arith.addi %get3A_641, %add3A_642 : vector<16xi32>
      %swap3A_644 = arith.index_cast %add3A_617 : i32 to index
      %swap3A_645 = arith.constant 32 : index
      %swap3A_646 = tpu.vector_load %arg7[%swap3A_644, %swap3A_645] {strides = array<i32>} : memref<40x128xi32, #tpu.memory_space<vmem>>, vector<1x16xi32>,
      %swap3A_647 = vector.shape_cast %swap3A_646 : vector<1x16xi32> to vector<16xi32>
      %swap3A_648 = vector.shape_cast %add3A_643 : vector<16xi32> to vector<1x16xi32>
      tpu.vector_store %arg7[%swap3A_644, %swap3A_645], %swap3A_648 {strides = array<i32>} : memref<40x128xi32, #tpu.memory_space<vmem>>, vector<1x16xi32>,
      %get3A_649 = arith.index_cast %add3A_617 : i32 to index
      %get3A_650 = arith.constant 48 : index
      %get3A_651 = tpu.vector_load %arg7[%get3A_649, %get3A_650] {strides = array<i32>} : memref<40x128xi32, #tpu.memory_space<vmem>>, vector<1x16xi32>,
      %get3A_652 = vector.shape_cast %get3A_651 : vector<1x16xi32> to vector<16xi32>
      %add3A_653 = vector.broadcast %mul3A_509 : i32 to vector<16xi32>
      %add3A_654 = arith.addi %get3A_652, %add3A_653 : vector<16xi32>
      %swap3A_655 = arith.index_cast %add3A_617 : i32 to index
      %swap3A_656 = arith.constant 48 : index
      %swap3A_657 = tpu.vector_load %arg7[%swap3A_655, %swap3A_656] {strides = array<i32>} : memref<40x128xi32, #tpu.memory_space<vmem>>, vector<1x16xi32>,
      %swap3A_658 = vector.shape_cast %swap3A_657 : vector<1x16xi32> to vector<16xi32>
      %swap3A_659 = vector.shape_cast %add3A_654 : vector<16xi32> to vector<1x16xi32>
      tpu.vector_store %arg7[%swap3A_655, %swap3A_656], %swap3A_659 {strides = array<i32>} : memref<40x128xi32, #tpu.memory_space<vmem>>, vector<1x16xi32>,
      %get3A_660 = arith.index_cast %add3A_617 : i32 to index
      %get3A_661 = arith.constant 64 : index
      %get3A_662 = tpu.vector_load %arg7[%get3A_660, %get3A_661] {strides = array<i32>} : memref<40x128xi32, #tpu.memory_space<vmem>>, vector<1x16xi32>,
      %get3A_663 = vector.shape_cast %get3A_662 : vector<1x16xi32> to vector<16xi32>
      %add3A_664 = vector.broadcast %mul3A_509 : i32 to vector<16xi32>
      %add3A_665 = arith.addi %get3A_663, %add3A_664 : vector<16xi32>
      %swap3A_666 = arith.index_cast %add3A_617 : i32 to index
      %swap3A_667 = arith.constant 64 : index
      %swap3A_668 = tpu.vector_load %arg7[%swap3A_666, %swap3A_667] {strides = array<i32>} : memref<40x128xi32, #tpu.memory_space<vmem>>, vector<1x16xi32>,
      %swap3A_669 = vector.shape_cast %swap3A_668 : vector<1x16xi32> to vector<16xi32>
      %swap3A_670 = vector.shape_cast %add3A_665 : vector<16xi32> to vector<1x16xi32>
      tpu.vector_store %arg7[%swap3A_666, %swap3A_667], %swap3A_670 {strides = array<i32>} : memref<40x128xi32, #tpu.memory_space<vmem>>, vector<1x16xi32>,
      %get3A_671 = arith.index_cast %add3A_617 : i32 to index
      %get3A_672 = arith.constant 80 : index
      %get3A_673 = tpu.vector_load %arg7[%get3A_671, %get3A_672] {strides = array<i32>} : memref<40x128xi32, #tpu.memory_space<vmem>>, vector<1x16xi32>,
      %get3A_674 = vector.shape_cast %get3A_673 : vector<1x16xi32> to vector<16xi32>
      %add3A_675 = vector.broadcast %mul3A_509 : i32 to vector<16xi32>
      %add3A_676 = arith.addi %get3A_674, %add3A_675 : vector<16xi32>
      %swap3A_677 = arith.index_cast %add3A_617 : i32 to index
      %swap3A_678 = arith.constant 80 : index
      %swap3A_679 = tpu.vector_load %arg7[%swap3A_677, %swap3A_678] {strides = array<i32>} : memref<40x128xi32, #tpu.memory_space<vmem>>, vector<1x16xi32>,
      %swap3A_680 = vector.shape_cast %swap3A_679 : vector<1x16xi32> to vector<16xi32>
      %swap3A_681 = vector.shape_cast %add3A_676 : vector<16xi32> to vector<1x16xi32>
      tpu.vector_store %arg7[%swap3A_677, %swap3A_678], %swap3A_681 {strides = array<i32>} : memref<40x128xi32, #tpu.memory_space<vmem>>, vector<1x16xi32>,
      %get3A_682 = arith.index_cast %add3A_617 : i32 to index
      %get3A_683 = arith.constant 96 : index
      %get3A_684 = tpu.vector_load %arg7[%get3A_682, %get3A_683] {strides = array<i32>} : memref<40x128xi32, #tpu.memory_space<vmem>>, vector<1x16xi32>,
      %get3A_685 = vector.shape_cast %get3A_684 : vector<1x16xi32> to vector<16xi32>
      %add3A_686 = vector.broadcast %mul3A_509 : i32 to vector<16xi32>
      %add3A_687 = arith.addi %get3A_685, %add3A_686 : vector<16xi32>
      %swap3A_688 = arith.index_cast %add3A_617 : i32 to index
      %swap3A_689 = arith.constant 96 : index
      %swap3A_690 = tpu.vector_load %arg7[%swap3A_688, %swap3A_689] {strides = array<i32>} : memref<40x128xi32, #tpu.memory_space<vmem>>, vector<1x16xi32>,
      %swap3A_691 = vector.shape_cast %swap3A_690 : vector<1x16xi32> to vector<16xi32>
      %swap3A_692 = vector.shape_cast %add3A_687 : vector<16xi32> to vector<1x16xi32>
      tpu.vector_store %arg7[%swap3A_688, %swap3A_689], %swap3A_692 {strides = array<i32>} : memref<40x128xi32, #tpu.memory_space<vmem>>, vector<1x16xi32>,
      %get3A_693 = arith.index_cast %add3A_617 : i32 to index
      %get3A_694 = arith.constant 112 : index
      %get3A_695 = tpu.vector_load %arg7[%get3A_693, %get3A_694] {strides = array<i32>} : memref<40x128xi32, #tpu.memory_space<vmem>>, vector<1x16xi32>,
      %get3A_696 = vector.shape_cast %get3A_695 : vector<1x16xi32> to vector<16xi32>
      %add3A_697 = vector.broadcast %mul3A_509 : i32 to vector<16xi32>
      %add3A_698 = arith.addi %get3A_696, %add3A_697 : vector<16xi32>
      %swap3A_699 = arith.index_cast %add3A_617 : i32 to index
      %swap3A_700 = arith.constant 112 : index
      %swap3A_701 = tpu.vector_load %arg7[%swap3A_699, %swap3A_700] {strides = array<i32>} : memref<40x128xi32, #tpu.memory_space<vmem>>, vector<1x16xi32>,
      %swap3A_702 = vector.shape_cast %swap3A_701 : vector<1x16xi32> to vector<16xi32>
      %swap3A_703 = vector.shape_cast %add3A_698 : vector<16xi32> to vector<1x16xi32>
      tpu.vector_store %arg7[%swap3A_699, %swap3A_700], %swap3A_703 {strides = array<i32>} : memref<40x128xi32, #tpu.memory_space<vmem>>, vector<1x16xi32>,
    }
    %scan3A_518 = arith.constant 40 : i32
    %dma_start3A_519 = arith.constant 0 : i32
    %dma_start3A_520 = arith.constant 0 : i32
    %dma_start3A_521 = tpu.memref_slice %arg7[%dma_start3A_519, %dma_start3A_520] : memref<40x128xi32, #tpu.memory_space<vmem>> -> memref<1x128xi32, #tpu.memory_space<vmem>>
    %dma_start3A_522 = tpu.memref_squeeze %dma_start3A_521 : memref<1x128xi32, #tpu.memory_space<vmem>> -> memref<128xi32, #tpu.memory_space<vmem>>
    %dma_start3A_523 = arith.constant 0 : i32
    %dma_start3A_524 = arith.constant 0 : i32
    %dma_start3A_525 = tpu.memref_slice %arg2[%dma_start3A_523, %dma_start3A_524] : memref<60000x128xf32, #tpu.memory_space<hbm>> -> memref<60000x128xf32, #tpu.memory_space<hbm>>
    tpu.enqueue_indirect_dma source(%dma_start3A_525 : memref<60000x128xf32, #tpu.memory_space<hbm>>) target(%arg9 : memref<128x128xf32, #tpu.memory_space<vmem>>) offsets(%dma_start3A_522 : memref<128xi32, #tpu.memory_space<vmem>>) semaphore(%arg13 : memref<!tpu.dma_semaphore, #tpu.memory_space<semaphore_mem>>)
    %dma_start3A_526 = arith.constant 1 : i32
    %dma_start3A_527 = arith.constant 0 : i32
    %dma_start3A_528 = tpu.memref_slice %arg7[%dma_start3A_526, %dma_start3A_527] : memref<40x128xi32, #tpu.memory_space<vmem>> -> memref<1x128xi32, #tpu.memory_space<vmem>>
    %dma_start3A_529 = tpu.memref_squeeze %dma_start3A_528 : memref<1x128xi32, #tpu.memory_space<vmem>> -> memref<128xi32, #tpu.memory_space<vmem>>
    %dma_start3A_530 = arith.constant 0 : i32
    %dma_start3A_531 = arith.constant 0 : i32
    %dma_start3A_532 = tpu.memref_slice %arg2[%dma_start3A_530, %dma_start3A_531] : memref<60000x128xf32, #tpu.memory_space<hbm>> -> memref<60000x128xf32, #tpu.memory_space<hbm>>
    tpu.enqueue_indirect_dma source(%dma_start3A_532 : memref<60000x128xf32, #tpu.memory_space<hbm>>) target(%arg10 : memref<128x128xf32, #tpu.memory_space<vmem>>) offsets(%dma_start3A_529 : memref<128xi32, #tpu.memory_space<vmem>>) semaphore(%arg14 : memref<!tpu.dma_semaphore, #tpu.memory_space<semaphore_mem>>)
    %scan3A_533 = arith.constant 0 : i32
    %scan3A_534 = arith.constant 19 : i32
    %scan3A_535 = arith.addi %scan3A_533, %scan3A_534 : i32
    %scan3A_536 = arith.constant 1 : i32
    scf.for %scan3A_613 = %scan3A_533 to %scan3A_535 step %scan3A_536  : i32 {
      %mul3A_614 = arith.constant 2 : i32
      %mul3A_615 = arith.muli %scan3A_613, %mul3A_614 : i32
      %add3A_616 = arith.constant 0 : i32
      %add3A_617 = arith.addi %add3A_616, %mul3A_615 : i32
      %dma_wait3A_618 = arith.constant 0 : i32
      %dma_wait3A_619 = arith.constant 0 : i32
      %dma_wait3A_620 = tpu.memref_slice %arg7[%dma_wait3A_618, %dma_wait3A_619] : memref<40x128xi32, #tpu.memory_space<vmem>> -> memref<1x128xi32, #tpu.memory_space<vmem>>
      %dma_wait3A_621 = tpu.memref_squeeze %dma_wait3A_620 : memref<1x128xi32, #tpu.memory_space<vmem>> -> memref<128xi32, #tpu.memory_space<vmem>>
      %dma_wait3A_622 = arith.constant 0 : i32
      %dma_wait3A_623 = arith.constant 0 : i32
      %dma_wait3A_624 = tpu.memref_slice %arg2[%dma_wait3A_622, %dma_wait3A_623] : memref<60000x128xf32, #tpu.memory_space<hbm>> -> memref<60000x128xf32, #tpu.memory_space<hbm>>
      tpu.wait_indirect_dma semaphore(%arg13 : memref<!tpu.dma_semaphore, #tpu.memory_space<semaphore_mem>>) src(%dma_wait3A_624 : memref<60000x128xf32, #tpu.memory_space<hbm>>) dst(%arg9 : memref<128x128xf32, #tpu.memory_space<vmem>>)
      "tpu.region"() ({
        %run_scoped3A_650 = tpu.sem_alloc : memref<!tpu.dma_semaphore, #tpu.memory_space<semaphore_mem>>
        %dma_start3A_651 = arith.constant 0 : i32
        %dma_start3A_652 = tpu.memref_slice %arg8[%add3A_617, %dma_start3A_651] : memref<40x128xi32, #tpu.memory_space<vmem>> -> memref<1x128xi32, #tpu.memory_space<vmem>>
        %dma_start3A_653 = tpu.memref_squeeze %dma_start3A_652 : memref<1x128xi32, #tpu.memory_space<vmem>> -> memref<128xi32, #tpu.memory_space<vmem>>
        %dma_start3A_654 = arith.constant 0 : i32
        %dma_start3A_655 = arith.constant 0 : i32
        %dma_start3A_656 = tpu.memref_slice %arg12[%dma_start3A_654, %dma_start3A_655] : memref<10016x128xf32, #tpu.memory_space<vmem_shared>> -> memref<10016x128xf32, #tpu.memory_space<vmem_shared>>
        tpu.enqueue_indirect_dma source(%arg9 : memref<128x128xf32, #tpu.memory_space<vmem>>) target(%dma_start3A_656 : memref<10016x128xf32, #tpu.memory_space<vmem_shared>>) offsets(%dma_start3A_653 : memref<128xi32, #tpu.memory_space<vmem>>) semaphore(%run_scoped3A_650 : memref<!tpu.dma_semaphore, #tpu.memory_space<semaphore_mem>>) {add = true}
        %dma_wait3A_657 = arith.constant 0 : i32
        %dma_wait3A_658 = tpu.memref_slice %arg8[%add3A_617, %dma_wait3A_657] : memref<40x128xi32, #tpu.memory_space<vmem>> -> memref<1x128xi32, #tpu.memory_space<vmem>>
        %dma_wait3A_659 = tpu.memref_squeeze %dma_wait3A_658 : memref<1x128xi32, #tpu.memory_space<vmem>> -> memref<128xi32, #tpu.memory_space<vmem>>
        %dma_wait3A_660 = arith.constant 0 : i32
        %dma_wait3A_661 = arith.constant 0 : i32
        %dma_wait3A_662 = tpu.memref_slice %arg12[%dma_wait3A_660, %dma_wait3A_661] : memref<10016x128xf32, #tpu.memory_space<vmem_shared>> -> memref<10016x128xf32, #tpu.memory_space<vmem_shared>>
        tpu.wait_indirect_dma semaphore(%run_scoped3A_650 : memref<!tpu.dma_semaphore, #tpu.memory_space<semaphore_mem>>) src(%arg9 : memref<128x128xf32, #tpu.memory_space<vmem>>) dst(%dma_wait3A_662 : memref<10016x128xf32, #tpu.memory_space<vmem_shared>>)
        tpu.yield
      }) : () -> ()
      %add3A_625 = arith.constant 2 : i32
      %add3A_626 = arith.addi %add3A_617, %add3A_625 : i32
      %dma_start3A_627 = arith.constant 0 : i32
      %dma_start3A_628 = tpu.memref_slice %arg7[%add3A_626, %dma_start3A_627] : memref<40x128xi32, #tpu.memory_space<vmem>> -> memref<1x128xi32, #tpu.memory_space<vmem>>
      %dma_start3A_629 = tpu.memref_squeeze %dma_start3A_628 : memref<1x128xi32, #tpu.memory_space<vmem>> -> memref<128xi32, #tpu.memory_space<vmem>>
      %dma_start3A_630 = arith.constant 0 : i32
      %dma_start3A_631 = arith.constant 0 : i32
      %dma_start3A_632 = tpu.memref_slice %arg2[%dma_start3A_630, %dma_start3A_631] : memref<60000x128xf32, #tpu.memory_space<hbm>> -> memref<60000x128xf32, #tpu.memory_space<hbm>>
      tpu.enqueue_indirect_dma source(%dma_start3A_632 : memref<60000x128xf32, #tpu.memory_space<hbm>>) target(%arg9 : memref<128x128xf32, #tpu.memory_space<vmem>>) offsets(%dma_start3A_629 : memref<128xi32, #tpu.memory_space<vmem>>) semaphore(%arg13 : memref<!tpu.dma_semaphore, #tpu.memory_space<semaphore_mem>>)
      %dma_wait3A_633 = arith.constant 0 : i32
      %dma_wait3A_634 = arith.constant 0 : i32
      %dma_wait3A_635 = tpu.memref_slice %arg7[%dma_wait3A_633, %dma_wait3A_634] : memref<40x128xi32, #tpu.memory_space<vmem>> -> memref<1x128xi32, #tpu.memory_space<vmem>>
      %dma_wait3A_636 = tpu.memref_squeeze %dma_wait3A_635 : memref<1x128xi32, #tpu.memory_space<vmem>> -> memref<128xi32, #tpu.memory_space<vmem>>
      %dma_wait3A_637 = arith.constant 0 : i32
      %dma_wait3A_638 = arith.constant 0 : i32
      %dma_wait3A_639 = tpu.memref_slice %arg2[%dma_wait3A_637, %dma_wait3A_638] : memref<60000x128xf32, #tpu.memory_space<hbm>> -> memref<60000x128xf32, #tpu.memory_space<hbm>>
      tpu.wait_indirect_dma semaphore(%arg14 : memref<!tpu.dma_semaphore, #tpu.memory_space<semaphore_mem>>) src(%dma_wait3A_639 : memref<60000x128xf32, #tpu.memory_space<hbm>>) dst(%arg10 : memref<128x128xf32, #tpu.memory_space<vmem>>)
      %add3A_640 = arith.constant 1 : i32
      %add3A_641 = arith.addi %add3A_617, %add3A_640 : i32
      "tpu.region"() ({
        %run_scoped3A_650 = tpu.sem_alloc : memref<!tpu.dma_semaphore, #tpu.memory_space<semaphore_mem>>
        %dma_start3A_651 = arith.constant 0 : i32
        %dma_start3A_652 = tpu.memref_slice %arg8[%add3A_641, %dma_start3A_651] : memref<40x128xi32, #tpu.memory_space<vmem>> -> memref<1x128xi32, #tpu.memory_space<vmem>>
        %dma_start3A_653 = tpu.memref_squeeze %dma_start3A_652 : memref<1x128xi32, #tpu.memory_space<vmem>> -> memref<128xi32, #tpu.memory_space<vmem>>
        %dma_start3A_654 = arith.constant 0 : i32
        %dma_start3A_655 = arith.constant 0 : i32
        %dma_start3A_656 = tpu.memref_slice %arg12[%dma_start3A_654, %dma_start3A_655] : memref<10016x128xf32, #tpu.memory_space<vmem_shared>> -> memref<10016x128xf32, #tpu.memory_space<vmem_shared>>
        tpu.enqueue_indirect_dma source(%arg10 : memref<128x128xf32, #tpu.memory_space<vmem>>) target(%dma_start3A_656 : memref<10016x128xf32, #tpu.memory_space<vmem_shared>>) offsets(%dma_start3A_653 : memref<128xi32, #tpu.memory_space<vmem>>) semaphore(%run_scoped3A_650 : memref<!tpu.dma_semaphore, #tpu.memory_space<semaphore_mem>>) {add = true}
        %dma_wait3A_657 = arith.constant 0 : i32
        %dma_wait3A_658 = tpu.memref_slice %arg8[%add3A_641, %dma_wait3A_657] : memref<40x128xi32, #tpu.memory_space<vmem>> -> memref<1x128xi32, #tpu.memory_space<vmem>>
        %dma_wait3A_659 = tpu.memref_squeeze %dma_wait3A_658 : memref<1x128xi32, #tpu.memory_space<vmem>> -> memref<128xi32, #tpu.memory_space<vmem>>
        %dma_wait3A_660 = arith.constant 0 : i32
        %dma_wait3A_661 = arith.constant 0 : i32
        %dma_wait3A_662 = tpu.memref_slice %arg12[%dma_wait3A_660, %dma_wait3A_661] : memref<10016x128xf32, #tpu.memory_space<vmem_shared>> -> memref<10016x128xf32, #tpu.memory_space<vmem_shared>>
        tpu.wait_indirect_dma semaphore(%run_scoped3A_650 : memref<!tpu.dma_semaphore, #tpu.memory_space<semaphore_mem>>) src(%arg10 : memref<128x128xf32, #tpu.memory_space<vmem>>) dst(%dma_wait3A_662 : memref<10016x128xf32, #tpu.memory_space<vmem_shared>>)
        tpu.yield
      }) : () -> ()
      %add3A_642 = arith.constant 3 : i32
      %add3A_643 = arith.addi %add3A_617, %add3A_642 : i32
      %dma_start3A_644 = arith.constant 0 : i32
      %dma_start3A_645 = tpu.memref_slice %arg7[%add3A_643, %dma_start3A_644] : memref<40x128xi32, #tpu.memory_space<vmem>> -> memref<1x128xi32, #tpu.memory_space<vmem>>
      %dma_start3A_646 = tpu.memref_squeeze %dma_start3A_645 : memref<1x128xi32, #tpu.memory_space<vmem>> -> memref<128xi32, #tpu.memory_space<vmem>>
      %dma_start3A_647 = arith.constant 0 : i32
      %dma_start3A_648 = arith.constant 0 : i32
      %dma_start3A_649 = tpu.memref_slice %arg2[%dma_start3A_647, %dma_start3A_648] : memref<60000x128xf32, #tpu.memory_space<hbm>> -> memref<60000x128xf32, #tpu.memory_space<hbm>>
      tpu.enqueue_indirect_dma source(%dma_start3A_649 : memref<60000x128xf32, #tpu.memory_space<hbm>>) target(%arg10 : memref<128x128xf32, #tpu.memory_space<vmem>>) offsets(%dma_start3A_646 : memref<128xi32, #tpu.memory_space<vmem>>) semaphore(%arg14 : memref<!tpu.dma_semaphore, #tpu.memory_space<semaphore_mem>>)
    }
    %scan3A_537 = arith.constant 19 : i32
    %dma_wait3A_538 = arith.constant 0 : i32
    %dma_wait3A_539 = arith.constant 0 : i32
    %dma_wait3A_540 = tpu.memref_slice %arg7[%dma_wait3A_538, %dma_wait3A_539] : memref<40x128xi32, #tpu.memory_space<vmem>> -> memref<1x128xi32, #tpu.memory_space<vmem>>
    %dma_wait3A_541 = tpu.memref_squeeze %dma_wait3A_540 : memref<1x128xi32, #tpu.memory_space<vmem>> -> memref<128xi32, #tpu.memory_space<vmem>>
    %dma_wait3A_542 = arith.constant 0 : i32
    %dma_wait3A_543 = arith.constant 0 : i32
    %dma_wait3A_544 = tpu.memref_slice %arg2[%dma_wait3A_542, %dma_wait3A_543] : memref<60000x128xf32, #tpu.memory_space<hbm>> -> memref<60000x128xf32, #tpu.memory_space<hbm>>
    tpu.wait_indirect_dma semaphore(%arg13 : memref<!tpu.dma_semaphore, #tpu.memory_space<semaphore_mem>>) src(%dma_wait3A_544 : memref<60000x128xf32, #tpu.memory_space<hbm>>) dst(%arg9 : memref<128x128xf32, #tpu.memory_space<vmem>>)
    %run_scoped3A_545 = arith.constant 38 : i32
    "tpu.region"() ({
      %run_scoped3A_613 = tpu.sem_alloc : memref<!tpu.dma_semaphore, #tpu.memory_space<semaphore_mem>>
      %dma_start3A_614 = arith.constant 0 : i32
      %dma_start3A_615 = tpu.memref_slice %arg8[%run_scoped3A_545, %dma_start3A_614] : memref<40x128xi32, #tpu.memory_space<vmem>> -> memref<1x128xi32, #tpu.memory_space<vmem>>
      %dma_start3A_616 = tpu.memref_squeeze %dma_start3A_615 : memref<1x128xi32, #tpu.memory_space<vmem>> -> memref<128xi32, #tpu.memory_space<vmem>>
      %dma_start3A_617 = arith.constant 0 : i32
      %dma_start3A_618 = arith.constant 0 : i32
      %dma_start3A_619 = tpu.memref_slice %arg12[%dma_start3A_617, %dma_start3A_618] : memref<10016x128xf32, #tpu.memory_space<vmem_shared>> -> memref<10016x128xf32, #tpu.memory_space<vmem_shared>>
      tpu.enqueue_indirect_dma source(%arg9 : memref<128x128xf32, #tpu.memory_space<vmem>>) target(%dma_start3A_619 : memref<10016x128xf32, #tpu.memory_space<vmem_shared>>) offsets(%dma_start3A_616 : memref<128xi32, #tpu.memory_space<vmem>>) semaphore(%run_scoped3A_613 : memref<!tpu.dma_semaphore, #tpu.memory_space<semaphore_mem>>) {add = true}
      %dma_wait3A_620 = arith.constant 0 : i32
      %dma_wait3A_621 = tpu.memref_slice %arg8[%run_scoped3A_545, %dma_wait3A_620] : memref<40x128xi32, #tpu.memory_space<vmem>> -> memref<1x128xi32, #tpu.memory_space<vmem>>
      %dma_wait3A_622 = tpu.memref_squeeze %dma_wait3A_621 : memref<1x128xi32, #tpu.memory_space<vmem>> -> memref<128xi32, #tpu.memory_space<vmem>>
      %dma_wait3A_623 = arith.constant 0 : i32
      %dma_wait3A_624 = arith.constant 0 : i32
      %dma_wait3A_625 = tpu.memref_slice %arg12[%dma_wait3A_623, %dma_wait3A_624] : memref<10016x128xf32, #tpu.memory_space<vmem_shared>> -> memref<10016x128xf32, #tpu.memory_space<vmem_shared>>
      tpu.wait_indirect_dma semaphore(%run_scoped3A_613 : memref<!tpu.dma_semaphore, #tpu.memory_space<semaphore_mem>>) src(%arg9 : memref<128x128xf32, #tpu.memory_space<vmem>>) dst(%dma_wait3A_625 : memref<10016x128xf32, #tpu.memory_space<vmem_shared>>)
      tpu.yield
    }) : () -> ()
    %dma_wait3A_546 = arith.constant 0 : i32
    %dma_wait3A_547 = arith.constant 0 : i32
    %dma_wait3A_548 = tpu.memref_slice %arg7[%dma_wait3A_546, %dma_wait3A_547] : memref<40x128xi32, #tpu.memory_space<vmem>> -> memref<1x128xi32, #tpu.memory_space<vmem>>
    %dma_wait3A_549 = tpu.memref_squeeze %dma_wait3A_548 : memref<1x128xi32, #tpu.memory_space<vmem>> -> memref<128xi32, #tpu.memory_space<vmem>>
    %dma_wait3A_550 = arith.constant 0 : i32
    %dma_wait3A_551 = arith.constant 0 : i32
    %dma_wait3A_552 = tpu.memref_slice %arg2[%dma_wait3A_550, %dma_wait3A_551] : memref<60000x128xf32, #tpu.memory_space<hbm>> -> memref<60000x128xf32, #tpu.memory_space<hbm>>
    tpu.wait_indirect_dma semaphore(%arg14 : memref<!tpu.dma_semaphore, #tpu.memory_space<semaphore_mem>>) src(%dma_wait3A_552 : memref<60000x128xf32, #tpu.memory_space<hbm>>) dst(%arg10 : memref<128x128xf32, #tpu.memory_space<vmem>>)
    %run_scoped3A_553 = arith.constant 39 : i32
    "tpu.region"() ({
      %run_scoped3A_613 = tpu.sem_alloc : memref<!tpu.dma_semaphore, #tpu.memory_space<semaphore_mem>>
      %dma_start3A_614 = arith.constant 0 : i32
      %dma_start3A_615 = tpu.memref_slice %arg8[%run_scoped3A_553, %dma_start3A_614] : memref<40x128xi32, #tpu.memory_space<vmem>> -> memref<1x128xi32, #tpu.memory_space<vmem>>
      %dma_start3A_616 = tpu.memref_squeeze %dma_start3A_615 : memref<1x128xi32, #tpu.memory_space<vmem>> -> memref<128xi32, #tpu.memory_space<vmem>>
      %dma_start3A_617 = arith.constant 0 : i32
      %dma_start3A_618 = arith.constant 0 : i32
      %dma_start3A_619 = tpu.memref_slice %arg12[%dma_start3A_617, %dma_start3A_618] : memref<10016x128xf32, #tpu.memory_space<vmem_shared>> -> memref<10016x128xf32, #tpu.memory_space<vmem_shared>>
      tpu.enqueue_indirect_dma source(%arg10 : memref<128x128xf32, #tpu.memory_space<vmem>>) target(%dma_start3A_619 : memref<10016x128xf32, #tpu.memory_space<vmem_shared>>) offsets(%dma_start3A_616 : memref<128xi32, #tpu.memory_space<vmem>>) semaphore(%run_scoped3A_613 : memref<!tpu.dma_semaphore, #tpu.memory_space<semaphore_mem>>) {add = true}
      %dma_wait3A_620 = arith.constant 0 : i32
      %dma_wait3A_621 = tpu.memref_slice %arg8[%run_scoped3A_553, %dma_wait3A_620] : memref<40x128xi32, #tpu.memory_space<vmem>> -> memref<1x128xi32, #tpu.memory_space<vmem>>
      %dma_wait3A_622 = tpu.memref_squeeze %dma_wait3A_621 : memref<1x128xi32, #tpu.memory_space<vmem>> -> memref<128xi32, #tpu.memory_space<vmem>>
      %dma_wait3A_623 = arith.constant 0 : i32
      %dma_wait3A_624 = arith.constant 0 : i32
      %dma_wait3A_625 = tpu.memref_slice %arg12[%dma_wait3A_623, %dma_wait3A_624] : memref<10016x128xf32, #tpu.memory_space<vmem_shared>> -> memref<10016x128xf32, #tpu.memory_space<vmem_shared>>
      tpu.wait_indirect_dma semaphore(%run_scoped3A_613 : memref<!tpu.dma_semaphore, #tpu.memory_space<semaphore_mem>>) src(%arg10 : memref<128x128xf32, #tpu.memory_space<vmem>>) dst(%dma_wait3A_625 : memref<10016x128xf32, #tpu.memory_space<vmem_shared>>)
      tpu.yield
    }) : () -> ()
    %run_scoped3A_554 = arith.constant 2 : i32
    %run_scoped3A_555 = arith.constant 1 : i32
    "tpu.region"() ({
      %run_scoped3A_613 = tpu.sem_alloc : memref<!tpu.dma_semaphore, #tpu.memory_space<semaphore_mem>>
      %dma_start3A_614 = arith.constant 0 : i32
      %dma_start3A_615 = arith.constant 0 : i32
      %dma_start3A_616 = tpu.memref_slice %arg3[%run_scoped3A_554, %arg1, %run_scoped3A_555, %dma_start3A_614, %dma_start3A_615] : memref<3x16x2x40x128xi32, #tpu.memory_space<hbm>> -> memref<1x1x1x40x128xi32, #tpu.memory_space<hbm>>
      %dma_start3A_617 = tpu.memref_squeeze %dma_start3A_616 : memref<1x1x1x40x128xi32, #tpu.memory_space<hbm>> -> memref<40x128xi32, #tpu.memory_space<hbm>>
      %dma_start3A_618 = arith.constant 0 : i32
      %dma_start3A_619 = arith.constant 0 : i32
      %dma_start3A_620 = tpu.memref_slice %arg3[%run_scoped3A_554, %arg1, %run_scoped3A_555, %dma_start3A_618, %dma_start3A_619] : memref<3x16x2x40x128xi32, #tpu.memory_space<hbm>> -> memref<1x1x1x40x128xi32, #tpu.memory_space<hbm>>
      %dma_start3A_621 = tpu.memref_squeeze %dma_start3A_620 : memref<1x1x1x40x128xi32, #tpu.memory_space<hbm>> -> memref<40x128xi32, #tpu.memory_space<hbm>>
      tpu.enqueue_dma source(%dma_start3A_621 : memref<40x128xi32, #tpu.memory_space<hbm>>) target(%arg7 : memref<40x128xi32, #tpu.memory_space<vmem>>) target_semaphore(%run_scoped3A_613 : memref<!tpu.dma_semaphore, #tpu.memory_space<semaphore_mem>>)
      %dma_wait3A_622 = arith.constant 0 : i32
      %dma_wait3A_623 = arith.constant 0 : i32
      %dma_wait3A_624 = tpu.memref_slice %arg3[%run_scoped3A_554, %arg1, %run_scoped3A_555, %dma_wait3A_622, %dma_wait3A_623] : memref<3x16x2x40x128xi32, #tpu.memory_space<hbm>> -> memref<1x1x1x40x128xi32, #tpu.memory_space<hbm>>
      %dma_wait3A_625 = tpu.memref_squeeze %dma_wait3A_624 : memref<1x1x1x40x128xi32, #tpu.memory_space<hbm>> -> memref<40x128xi32, #tpu.memory_space<hbm>>
      %dma_wait3A_626 = arith.constant 0 : i32
      %dma_wait3A_627 = arith.constant 0 : i32
      %dma_wait3A_628 = tpu.memref_slice %arg3[%run_scoped3A_554, %arg1, %run_scoped3A_555, %dma_wait3A_626, %dma_wait3A_627] : memref<3x16x2x40x128xi32, #tpu.memory_space<hbm>> -> memref<1x1x1x40x128xi32, #tpu.memory_space<hbm>>
      %dma_wait3A_629 = tpu.memref_squeeze %dma_wait3A_628 : memref<1x1x1x40x128xi32, #tpu.memory_space<hbm>> -> memref<40x128xi32, #tpu.memory_space<hbm>>
      tpu.wait_dma2 semaphore(%run_scoped3A_613 : memref<!tpu.dma_semaphore, #tpu.memory_space<semaphore_mem>>) src(%dma_wait3A_629 : memref<40x128xi32, #tpu.memory_space<hbm>>) dst(%arg7 : memref<40x128xi32, #tpu.memory_space<vmem>>)
      tpu.yield
    }) : () -> ()
    %run_scoped3A_556 = arith.constant 2 : i32
    %run_scoped3A_557 = arith.constant 1 : i32
    "tpu.region"() ({
      %run_scoped3A_613 = tpu.sem_alloc : memref<!tpu.dma_semaphore, #tpu.memory_space<semaphore_mem>>
      %dma_start3A_614 = arith.constant 0 : i32
      %dma_start3A_615 = arith.constant 0 : i32
      %dma_start3A_616 = tpu.memref_slice %arg4[%run_scoped3A_556, %arg1, %run_scoped3A_557, %dma_start3A_614, %dma_start3A_615] : memref<3x16x2x40x128xi32, #tpu.memory_space<hbm>> -> memref<1x1x1x40x128xi32, #tpu.memory_space<hbm>>
      %dma_start3A_617 = tpu.memref_squeeze %dma_start3A_616 : memref<1x1x1x40x128xi32, #tpu.memory_space<hbm>> -> memref<40x128xi32, #tpu.memory_space<hbm>>
      %dma_start3A_618 = arith.constant 0 : i32
      %dma_start3A_619 = arith.constant 0 : i32
      %dma_start3A_620 = tpu.memref_slice %arg4[%run_scoped3A_556, %arg1, %run_scoped3A_557, %dma_start3A_618, %dma_start3A_619] : memref<3x16x2x40x128xi32, #tpu.memory_space<hbm>> -> memref<1x1x1x40x128xi32, #tpu.memory_space<hbm>>
      %dma_start3A_621 = tpu.memref_squeeze %dma_start3A_620 : memref<1x1x1x40x128xi32, #tpu.memory_space<hbm>> -> memref<40x128xi32, #tpu.memory_space<hbm>>
      tpu.enqueue_dma source(%dma_start3A_621 : memref<40x128xi32, #tpu.memory_space<hbm>>) target(%arg8 : memref<40x128xi32, #tpu.memory_space<vmem>>) target_semaphore(%run_scoped3A_613 : memref<!tpu.dma_semaphore, #tpu.memory_space<semaphore_mem>>)
      %dma_wait3A_622 = arith.constant 0 : i32
      %dma_wait3A_623 = arith.constant 0 : i32
      %dma_wait3A_624 = tpu.memref_slice %arg4[%run_scoped3A_556, %arg1, %run_scoped3A_557, %dma_wait3A_622, %dma_wait3A_623] : memref<3x16x2x40x128xi32, #tpu.memory_space<hbm>> -> memref<1x1x1x40x128xi32, #tpu.memory_space<hbm>>
      %dma_wait3A_625 = tpu.memref_squeeze %dma_wait3A_624 : memref<1x1x1x40x128xi32, #tpu.memory_space<hbm>> -> memref<40x128xi32, #tpu.memory_space<hbm>>
      %dma_wait3A_626 = arith.constant 0 : i32
      %dma_wait3A_627 = arith.constant 0 : i32
      %dma_wait3A_628 = tpu.memref_slice %arg4[%run_scoped3A_556, %arg1, %run_scoped3A_557, %dma_wait3A_626, %dma_wait3A_627] : memref<3x16x2x40x128xi32, #tpu.memory_space<hbm>> -> memref<1x1x1x40x128xi32, #tpu.memory_space<hbm>>
      %dma_wait3A_629 = tpu.memref_squeeze %dma_wait3A_628 : memref<1x1x1x40x128xi32, #tpu.memory_space<hbm>> -> memref<40x128xi32, #tpu.memory_space<hbm>>
      tpu.wait_dma2 semaphore(%run_scoped3A_613 : memref<!tpu.dma_semaphore, #tpu.memory_space<semaphore_mem>>) src(%dma_wait3A_629 : memref<40x128xi32, #tpu.memory_space<hbm>>) dst(%arg8 : memref<40x128xi32, #tpu.memory_space<vmem>>)
      tpu.yield
    }) : () -> ()
    %scan3A_558 = arith.constant 0 : i32
    %scan3A_559 = arith.constant 40 : i32
    %scan3A_560 = arith.addi %scan3A_558, %scan3A_559 : i32
    %scan3A_561 = arith.constant 1 : i32
    scf.for %scan3A_613 = %scan3A_558 to %scan3A_560 step %scan3A_561  : i32 {
      %mul3A_614 = arith.constant 1 : i32
      %mul3A_615 = arith.muli %scan3A_613, %mul3A_614 : i32
      %add3A_616 = arith.constant 0 : i32
      %add3A_617 = arith.addi %add3A_616, %mul3A_615 : i32
      %get3A = arith.index_cast %add3A_617 : i32 to index
      %get3A_618 = arith.constant 0 : index
      %get3A_619 = tpu.vector_load %arg7[%get3A, %get3A_618] {strides = array<i32>} : memref<40x128xi32, #tpu.memory_space<vmem>>, vector<1x16xi32>,
      %get3A_620 = vector.shape_cast %get3A_619 : vector<1x16xi32> to vector<16xi32>
      %add3A_621 = vector.broadcast %mul3A_509 : i32 to vector<16xi32>
      %add3A_622 = arith.addi %get3A_620, %add3A_621 : vector<16xi32>
      %swap3A = arith.index_cast %add3A_617 : i32 to index
      %swap3A_623 = arith.constant 0 : index
      %swap3A_624 = tpu.vector_load %arg7[%swap3A, %swap3A_623] {strides = array<i32>} : memref<40x128xi32, #tpu.memory_space<vmem>>, vector<1x16xi32>,
      %swap3A_625 = vector.shape_cast %swap3A_624 : vector<1x16xi32> to vector<16xi32>
      %swap3A_626 = vector.shape_cast %add3A_622 : vector<16xi32> to vector<1x16xi32>
      tpu.vector_store %arg7[%swap3A, %swap3A_623], %swap3A_626 {strides = array<i32>} : memref<40x128xi32, #tpu.memory_space<vmem>>, vector<1x16xi32>,
      %get3A_627 = arith.index_cast %add3A_617 : i32 to index
      %get3A_628 = arith.constant 16 : index
      %get3A_629 = tpu.vector_load %arg7[%get3A_627, %get3A_628] {strides = array<i32>} : memref<40x128xi32, #tpu.memory_space<vmem>>, vector<1x16xi32>,
      %get3A_630 = vector.shape_cast %get3A_629 : vector<1x16xi32> to vector<16xi32>
      %add3A_631 = vector.broadcast %mul3A_509 : i32 to vector<16xi32>
      %add3A_632 = arith.addi %get3A_630, %add3A_631 : vector<16xi32>
      %swap3A_633 = arith.index_cast %add3A_617 : i32 to index
      %swap3A_634 = arith.constant 16 : index
      %swap3A_635 = tpu.vector_load %arg7[%swap3A_633, %swap3A_634] {strides = array<i32>} : memref<40x128xi32, #tpu.memory_space<vmem>>, vector<1x16xi32>,
      %swap3A_636 = vector.shape_cast %swap3A_635 : vector<1x16xi32> to vector<16xi32>
      %swap3A_637 = vector.shape_cast %add3A_632 : vector<16xi32> to vector<1x16xi32>
      tpu.vector_store %arg7[%swap3A_633, %swap3A_634], %swap3A_637 {strides = array<i32>} : memref<40x128xi32, #tpu.memory_space<vmem>>, vector<1x16xi32>,
      %get3A_638 = arith.index_cast %add3A_617 : i32 to index
      %get3A_639 = arith.constant 32 : index
      %get3A_640 = tpu.vector_load %arg7[%get3A_638, %get3A_639] {strides = array<i32>} : memref<40x128xi32, #tpu.memory_space<vmem>>, vector<1x16xi32>,
      %get3A_641 = vector.shape_cast %get3A_640 : vector<1x16xi32> to vector<16xi32>
      %add3A_642 = vector.broadcast %mul3A_509 : i32 to vector<16xi32>
      %add3A_643 = arith.addi %get3A_641, %add3A_642 : vector<16xi32>
      %swap3A_644 = arith.index_cast %add3A_617 : i32 to index
      %swap3A_645 = arith.constant 32 : index
      %swap3A_646 = tpu.vector_load %arg7[%swap3A_644, %swap3A_645] {strides = array<i32>} : memref<40x128xi32, #tpu.memory_space<vmem>>, vector<1x16xi32>,
      %swap3A_647 = vector.shape_cast %swap3A_646 : vector<1x16xi32> to vector<16xi32>
      %swap3A_648 = vector.shape_cast %add3A_643 : vector<16xi32> to vector<1x16xi32>
      tpu.vector_store %arg7[%swap3A_644, %swap3A_645], %swap3A_648 {strides = array<i32>} : memref<40x128xi32, #tpu.memory_space<vmem>>, vector<1x16xi32>,
      %get3A_649 = arith.index_cast %add3A_617 : i32 to index
      %get3A_650 = arith.constant 48 : index
      %get3A_651 = tpu.vector_load %arg7[%get3A_649, %get3A_650] {strides = array<i32>} : memref<40x128xi32, #tpu.memory_space<vmem>>, vector<1x16xi32>,
      %get3A_652 = vector.shape_cast %get3A_651 : vector<1x16xi32> to vector<16xi32>
      %add3A_653 = vector.broadcast %mul3A_509 : i32 to vector<16xi32>
      %add3A_654 = arith.addi %get3A_652, %add3A_653 : vector<16xi32>
      %swap3A_655 = arith.index_cast %add3A_617 : i32 to index
      %swap3A_656 = arith.constant 48 : index
      %swap3A_657 = tpu.vector_load %arg7[%swap3A_655, %swap3A_656] {strides = array<i32>} : memref<40x128xi32, #tpu.memory_space<vmem>>, vector<1x16xi32>,
      %swap3A_658 = vector.shape_cast %swap3A_657 : vector<1x16xi32> to vector<16xi32>
      %swap3A_659 = vector.shape_cast %add3A_654 : vector<16xi32> to vector<1x16xi32>
      tpu.vector_store %arg7[%swap3A_655, %swap3A_656], %swap3A_659 {strides = array<i32>} : memref<40x128xi32, #tpu.memory_space<vmem>>, vector<1x16xi32>,
      %get3A_660 = arith.index_cast %add3A_617 : i32 to index
      %get3A_661 = arith.constant 64 : index
      %get3A_662 = tpu.vector_load %arg7[%get3A_660, %get3A_661] {strides = array<i32>} : memref<40x128xi32, #tpu.memory_space<vmem>>, vector<1x16xi32>,
      %get3A_663 = vector.shape_cast %get3A_662 : vector<1x16xi32> to vector<16xi32>
      %add3A_664 = vector.broadcast %mul3A_509 : i32 to vector<16xi32>
      %add3A_665 = arith.addi %get3A_663, %add3A_664 : vector<16xi32>
      %swap3A_666 = arith.index_cast %add3A_617 : i32 to index
      %swap3A_667 = arith.constant 64 : index
      %swap3A_668 = tpu.vector_load %arg7[%swap3A_666, %swap3A_667] {strides = array<i32>} : memref<40x128xi32, #tpu.memory_space<vmem>>, vector<1x16xi32>,
      %swap3A_669 = vector.shape_cast %swap3A_668 : vector<1x16xi32> to vector<16xi32>
      %swap3A_670 = vector.shape_cast %add3A_665 : vector<16xi32> to vector<1x16xi32>
      tpu.vector_store %arg7[%swap3A_666, %swap3A_667], %swap3A_670 {strides = array<i32>} : memref<40x128xi32, #tpu.memory_space<vmem>>, vector<1x16xi32>,
      %get3A_671 = arith.index_cast %add3A_617 : i32 to index
      %get3A_672 = arith.constant 80 : index
      %get3A_673 = tpu.vector_load %arg7[%get3A_671, %get3A_672] {strides = array<i32>} : memref<40x128xi32, #tpu.memory_space<vmem>>, vector<1x16xi32>,
      %get3A_674 = vector.shape_cast %get3A_673 : vector<1x16xi32> to vector<16xi32>
      %add3A_675 = vector.broadcast %mul3A_509 : i32 to vector<16xi32>
      %add3A_676 = arith.addi %get3A_674, %add3A_675 : vector<16xi32>
      %swap3A_677 = arith.index_cast %add3A_617 : i32 to index
      %swap3A_678 = arith.constant 80 : index
      %swap3A_679 = tpu.vector_load %arg7[%swap3A_677, %swap3A_678] {strides = array<i32>} : memref<40x128xi32, #tpu.memory_space<vmem>>, vector<1x16xi32>,
      %swap3A_680 = vector.shape_cast %swap3A_679 : vector<1x16xi32> to vector<16xi32>
      %swap3A_681 = vector.shape_cast %add3A_676 : vector<16xi32> to vector<1x16xi32>
      tpu.vector_store %arg7[%swap3A_677, %swap3A_678], %swap3A_681 {strides = array<i32>} : memref<40x128xi32, #tpu.memory_space<vmem>>, vector<1x16xi32>,
      %get3A_682 = arith.index_cast %add3A_617 : i32 to index
      %get3A_683 = arith.constant 96 : index
      %get3A_684 = tpu.vector_load %arg7[%get3A_682, %get3A_683] {strides = array<i32>} : memref<40x128xi32, #tpu.memory_space<vmem>>, vector<1x16xi32>,
      %get3A_685 = vector.shape_cast %get3A_684 : vector<1x16xi32> to vector<16xi32>
      %add3A_686 = vector.broadcast %mul3A_509 : i32 to vector<16xi32>
      %add3A_687 = arith.addi %get3A_685, %add3A_686 : vector<16xi32>
      %swap3A_688 = arith.index_cast %add3A_617 : i32 to index
      %swap3A_689 = arith.constant 96 : index
      %swap3A_690 = tpu.vector_load %arg7[%swap3A_688, %swap3A_689] {strides = array<i32>} : memref<40x128xi32, #tpu.memory_space<vmem>>, vector<1x16xi32>,
      %swap3A_691 = vector.shape_cast %swap3A_690 : vector<1x16xi32> to vector<16xi32>
      %swap3A_692 = vector.shape_cast %add3A_687 : vector<16xi32> to vector<1x16xi32>
      tpu.vector_store %arg7[%swap3A_688, %swap3A_689], %swap3A_692 {strides = array<i32>} : memref<40x128xi32, #tpu.memory_space<vmem>>, vector<1x16xi32>,
      %get3A_693 = arith.index_cast %add3A_617 : i32 to index
      %get3A_694 = arith.constant 112 : index
      %get3A_695 = tpu.vector_load %arg7[%get3A_693, %get3A_694] {strides = array<i32>} : memref<40x128xi32, #tpu.memory_space<vmem>>, vector<1x16xi32>,
      %get3A_696 = vector.shape_cast %get3A_695 : vector<1x16xi32> to vector<16xi32>
      %add3A_697 = vector.broadcast %mul3A_509 : i32 to vector<16xi32>
      %add3A_698 = arith.addi %get3A_696, %add3A_697 : vector<16xi32>
      %swap3A_699 = arith.index_cast %add3A_617 : i32 to index
      %swap3A_700 = arith.constant 112 : index
      %swap3A_701 = tpu.vector_load %arg7[%swap3A_699, %swap3A_700] {strides = array<i32>} : memref<40x128xi32, #tpu.memory_space<vmem>>, vector<1x16xi32>,
      %swap3A_702 = vector.shape_cast %swap3A_701 : vector<1x16xi32> to vector<16xi32>
      %swap3A_703 = vector.shape_cast %add3A_698 : vector<16xi32> to vector<1x16xi32>
      tpu.vector_store %arg7[%swap3A_699, %swap3A_700], %swap3A_703 {strides = array<i32>} : memref<40x128xi32, #tpu.memory_space<vmem>>, vector<1x16xi32>,
    }
    %scan3A_562 = arith.constant 40 : i32
    %dma_start3A_563 = arith.constant 0 : i32
    %dma_start3A_564 = arith.constant 0 : i32
    %dma_start3A_565 = tpu.memref_slice %arg7[%dma_start3A_563, %dma_start3A_564] : memref<40x128xi32, #tpu.memory_space<vmem>> -> memref<1x128xi32, #tpu.memory_space<vmem>>
    %dma_start3A_566 = tpu.memref_squeeze %dma_start3A_565 : memref<1x128xi32, #tpu.memory_space<vmem>> -> memref<128xi32, #tpu.memory_space<vmem>>
    %dma_start3A_567 = arith.constant 0 : i32
    %dma_start3A_568 = arith.constant 0 : i32
    %dma_start3A_569 = tpu.memref_slice %arg2[%dma_start3A_567, %dma_start3A_568] : memref<60000x128xf32, #tpu.memory_space<hbm>> -> memref<60000x128xf32, #tpu.memory_space<hbm>>
    tpu.enqueue_indirect_dma source(%dma_start3A_569 : memref<60000x128xf32, #tpu.memory_space<hbm>>) target(%arg9 : memref<128x128xf32, #tpu.memory_space<vmem>>) offsets(%dma_start3A_566 : memref<128xi32, #tpu.memory_space<vmem>>) semaphore(%arg13 : memref<!tpu.dma_semaphore, #tpu.memory_space<semaphore_mem>>)
    %dma_start3A_570 = arith.constant 1 : i32
    %dma_start3A_571 = arith.constant 0 : i32
    %dma_start3A_572 = tpu.memref_slice %arg7[%dma_start3A_570, %dma_start3A_571] : memref<40x128xi32, #tpu.memory_space<vmem>> -> memref<1x128xi32, #tpu.memory_space<vmem>>
    %dma_start3A_573 = tpu.memref_squeeze %dma_start3A_572 : memref<1x128xi32, #tpu.memory_space<vmem>> -> memref<128xi32, #tpu.memory_space<vmem>>
    %dma_start3A_574 = arith.constant 0 : i32
    %dma_start3A_575 = arith.constant 0 : i32
    %dma_start3A_576 = tpu.memref_slice %arg2[%dma_start3A_574, %dma_start3A_575] : memref<60000x128xf32, #tpu.memory_space<hbm>> -> memref<60000x128xf32, #tpu.memory_space<hbm>>
    tpu.enqueue_indirect_dma source(%dma_start3A_576 : memref<60000x128xf32, #tpu.memory_space<hbm>>) target(%arg10 : memref<128x128xf32, #tpu.memory_space<vmem>>) offsets(%dma_start3A_573 : memref<128xi32, #tpu.memory_space<vmem>>) semaphore(%arg14 : memref<!tpu.dma_semaphore, #tpu.memory_space<semaphore_mem>>)
    %scan3A_577 = arith.constant 0 : i32
    %scan3A_578 = arith.constant 19 : i32
    %scan3A_579 = arith.addi %scan3A_577, %scan3A_578 : i32
    %scan3A_580 = arith.constant 1 : i32
    scf.for %scan3A_613 = %scan3A_577 to %scan3A_579 step %scan3A_580  : i32 {
      %mul3A_614 = arith.constant 2 : i32
      %mul3A_615 = arith.muli %scan3A_613, %mul3A_614 : i32
      %add3A_616 = arith.constant 0 : i32
      %add3A_617 = arith.addi %add3A_616, %mul3A_615 : i32
      %dma_wait3A_618 = arith.constant 0 : i32
      %dma_wait3A_619 = arith.constant 0 : i32
      %dma_wait3A_620 = tpu.memref_slice %arg7[%dma_wait3A_618, %dma_wait3A_619] : memref<40x128xi32, #tpu.memory_space<vmem>> -> memref<1x128xi32, #tpu.memory_space<vmem>>
      %dma_wait3A_621 = tpu.memref_squeeze %dma_wait3A_620 : memref<1x128xi32, #tpu.memory_space<vmem>> -> memref<128xi32, #tpu.memory_space<vmem>>
      %dma_wait3A_622 = arith.constant 0 : i32
      %dma_wait3A_623 = arith.constant 0 : i32
      %dma_wait3A_624 = tpu.memref_slice %arg2[%dma_wait3A_622, %dma_wait3A_623] : memref<60000x128xf32, #tpu.memory_space<hbm>> -> memref<60000x128xf32, #tpu.memory_space<hbm>>
      tpu.wait_indirect_dma semaphore(%arg13 : memref<!tpu.dma_semaphore, #tpu.memory_space<semaphore_mem>>) src(%dma_wait3A_624 : memref<60000x128xf32, #tpu.memory_space<hbm>>) dst(%arg9 : memref<128x128xf32, #tpu.memory_space<vmem>>)
      "tpu.region"() ({
        %run_scoped3A_650 = tpu.sem_alloc : memref<!tpu.dma_semaphore, #tpu.memory_space<semaphore_mem>>
        %dma_start3A_651 = arith.constant 0 : i32
        %dma_start3A_652 = tpu.memref_slice %arg8[%add3A_617, %dma_start3A_651] : memref<40x128xi32, #tpu.memory_space<vmem>> -> memref<1x128xi32, #tpu.memory_space<vmem>>
        %dma_start3A_653 = tpu.memref_squeeze %dma_start3A_652 : memref<1x128xi32, #tpu.memory_space<vmem>> -> memref<128xi32, #tpu.memory_space<vmem>>
        %dma_start3A_654 = arith.constant 0 : i32
        %dma_start3A_655 = arith.constant 0 : i32
        %dma_start3A_656 = tpu.memref_slice %arg12[%dma_start3A_654, %dma_start3A_655] : memref<10016x128xf32, #tpu.memory_space<vmem_shared>> -> memref<10016x128xf32, #tpu.memory_space<vmem_shared>>
        tpu.enqueue_indirect_dma source(%arg9 : memref<128x128xf32, #tpu.memory_space<vmem>>) target(%dma_start3A_656 : memref<10016x128xf32, #tpu.memory_space<vmem_shared>>) offsets(%dma_start3A_653 : memref<128xi32, #tpu.memory_space<vmem>>) semaphore(%run_scoped3A_650 : memref<!tpu.dma_semaphore, #tpu.memory_space<semaphore_mem>>) {add = true}
        %dma_wait3A_657 = arith.constant 0 : i32
        %dma_wait3A_658 = tpu.memref_slice %arg8[%add3A_617, %dma_wait3A_657] : memref<40x128xi32, #tpu.memory_space<vmem>> -> memref<1x128xi32, #tpu.memory_space<vmem>>
        %dma_wait3A_659 = tpu.memref_squeeze %dma_wait3A_658 : memref<1x128xi32, #tpu.memory_space<vmem>> -> memref<128xi32, #tpu.memory_space<vmem>>
        %dma_wait3A_660 = arith.constant 0 : i32
        %dma_wait3A_661 = arith.constant 0 : i32
        %dma_wait3A_662 = tpu.memref_slice %arg12[%dma_wait3A_660, %dma_wait3A_661] : memref<10016x128xf32, #tpu.memory_space<vmem_shared>> -> memref<10016x128xf32, #tpu.memory_space<vmem_shared>>
        tpu.wait_indirect_dma semaphore(%run_scoped3A_650 : memref<!tpu.dma_semaphore, #tpu.memory_space<semaphore_mem>>) src(%arg9 : memref<128x128xf32, #tpu.memory_space<vmem>>) dst(%dma_wait3A_662 : memref<10016x128xf32, #tpu.memory_space<vmem_shared>>)
        tpu.yield
      }) : () -> ()
      %add3A_625 = arith.constant 2 : i32
      %add3A_626 = arith.addi %add3A_617, %add3A_625 : i32
      %dma_start3A_627 = arith.constant 0 : i32
      %dma_start3A_628 = tpu.memref_slice %arg7[%add3A_626, %dma_start3A_627] : memref<40x128xi32, #tpu.memory_space<vmem>> -> memref<1x128xi32, #tpu.memory_space<vmem>>
      %dma_start3A_629 = tpu.memref_squeeze %dma_start3A_628 : memref<1x128xi32, #tpu.memory_space<vmem>> -> memref<128xi32, #tpu.memory_space<vmem>>
      %dma_start3A_630 = arith.constant 0 : i32
      %dma_start3A_631 = arith.constant 0 : i32
      %dma_start3A_632 = tpu.memref_slice %arg2[%dma_start3A_630, %dma_start3A_631] : memref<60000x128xf32, #tpu.memory_space<hbm>> -> memref<60000x128xf32, #tpu.memory_space<hbm>>
      tpu.enqueue_indirect_dma source(%dma_start3A_632 : memref<60000x128xf32, #tpu.memory_space<hbm>>) target(%arg9 : memref<128x128xf32, #tpu.memory_space<vmem>>) offsets(%dma_start3A_629 : memref<128xi32, #tpu.memory_space<vmem>>) semaphore(%arg13 : memref<!tpu.dma_semaphore, #tpu.memory_space<semaphore_mem>>)
      %dma_wait3A_633 = arith.constant 0 : i32
      %dma_wait3A_634 = arith.constant 0 : i32
      %dma_wait3A_635 = tpu.memref_slice %arg7[%dma_wait3A_633, %dma_wait3A_634] : memref<40x128xi32, #tpu.memory_space<vmem>> -> memref<1x128xi32, #tpu.memory_space<vmem>>
      %dma_wait3A_636 = tpu.memref_squeeze %dma_wait3A_635 : memref<1x128xi32, #tpu.memory_space<vmem>> -> memref<128xi32, #tpu.memory_space<vmem>>
      %dma_wait3A_637 = arith.constant 0 : i32
      %dma_wait3A_638 = arith.constant 0 : i32
      %dma_wait3A_639 = tpu.memref_slice %arg2[%dma_wait3A_637, %dma_wait3A_638] : memref<60000x128xf32, #tpu.memory_space<hbm>> -> memref<60000x128xf32, #tpu.memory_space<hbm>>
      tpu.wait_indirect_dma semaphore(%arg14 : memref<!tpu.dma_semaphore, #tpu.memory_space<semaphore_mem>>) src(%dma_wait3A_639 : memref<60000x128xf32, #tpu.memory_space<hbm>>) dst(%arg10 : memref<128x128xf32, #tpu.memory_space<vmem>>)
      %add3A_640 = arith.constant 1 : i32
      %add3A_641 = arith.addi %add3A_617, %add3A_640 : i32
      "tpu.region"() ({
        %run_scoped3A_650 = tpu.sem_alloc : memref<!tpu.dma_semaphore, #tpu.memory_space<semaphore_mem>>
        %dma_start3A_651 = arith.constant 0 : i32
        %dma_start3A_652 = tpu.memref_slice %arg8[%add3A_641, %dma_start3A_651] : memref<40x128xi32, #tpu.memory_space<vmem>> -> memref<1x128xi32, #tpu.memory_space<vmem>>
        %dma_start3A_653 = tpu.memref_squeeze %dma_start3A_652 : memref<1x128xi32, #tpu.memory_space<vmem>> -> memref<128xi32, #tpu.memory_space<vmem>>
        %dma_start3A_654 = arith.constant 0 : i32
        %dma_start3A_655 = arith.constant 0 : i32
        %dma_start3A_656 = tpu.memref_slice %arg12[%dma_start3A_654, %dma_start3A_655] : memref<10016x128xf32, #tpu.memory_space<vmem_shared>> -> memref<10016x128xf32, #tpu.memory_space<vmem_shared>>
        tpu.enqueue_indirect_dma source(%arg10 : memref<128x128xf32, #tpu.memory_space<vmem>>) target(%dma_start3A_656 : memref<10016x128xf32, #tpu.memory_space<vmem_shared>>) offsets(%dma_start3A_653 : memref<128xi32, #tpu.memory_space<vmem>>) semaphore(%run_scoped3A_650 : memref<!tpu.dma_semaphore, #tpu.memory_space<semaphore_mem>>) {add = true}
        %dma_wait3A_657 = arith.constant 0 : i32
        %dma_wait3A_658 = tpu.memref_slice %arg8[%add3A_641, %dma_wait3A_657] : memref<40x128xi32, #tpu.memory_space<vmem>> -> memref<1x128xi32, #tpu.memory_space<vmem>>
        %dma_wait3A_659 = tpu.memref_squeeze %dma_wait3A_658 : memref<1x128xi32, #tpu.memory_space<vmem>> -> memref<128xi32, #tpu.memory_space<vmem>>
        %dma_wait3A_660 = arith.constant 0 : i32
        %dma_wait3A_661 = arith.constant 0 : i32
        %dma_wait3A_662 = tpu.memref_slice %arg12[%dma_wait3A_660, %dma_wait3A_661] : memref<10016x128xf32, #tpu.memory_space<vmem_shared>> -> memref<10016x128xf32, #tpu.memory_space<vmem_shared>>
        tpu.wait_indirect_dma semaphore(%run_scoped3A_650 : memref<!tpu.dma_semaphore, #tpu.memory_space<semaphore_mem>>) src(%arg10 : memref<128x128xf32, #tpu.memory_space<vmem>>) dst(%dma_wait3A_662 : memref<10016x128xf32, #tpu.memory_space<vmem_shared>>)
        tpu.yield
      }) : () -> ()
      %add3A_642 = arith.constant 3 : i32
      %add3A_643 = arith.addi %add3A_617, %add3A_642 : i32
      %dma_start3A_644 = arith.constant 0 : i32
      %dma_start3A_645 = tpu.memref_slice %arg7[%add3A_643, %dma_start3A_644] : memref<40x128xi32, #tpu.memory_space<vmem>> -> memref<1x128xi32, #tpu.memory_space<vmem>>
      %dma_start3A_646 = tpu.memref_squeeze %dma_start3A_645 : memref<1x128xi32, #tpu.memory_space<vmem>> -> memref<128xi32, #tpu.memory_space<vmem>>
      %dma_start3A_647 = arith.constant 0 : i32
      %dma_start3A_648 = arith.constant 0 : i32
      %dma_start3A_649 = tpu.memref_slice %arg2[%dma_start3A_647, %dma_start3A_648] : memref<60000x128xf32, #tpu.memory_space<hbm>> -> memref<60000x128xf32, #tpu.memory_space<hbm>>
      tpu.enqueue_indirect_dma source(%dma_start3A_649 : memref<60000x128xf32, #tpu.memory_space<hbm>>) target(%arg10 : memref<128x128xf32, #tpu.memory_space<vmem>>) offsets(%dma_start3A_646 : memref<128xi32, #tpu.memory_space<vmem>>) semaphore(%arg14 : memref<!tpu.dma_semaphore, #tpu.memory_space<semaphore_mem>>)
    }
    %scan3A_581 = arith.constant 19 : i32
    %dma_wait3A_582 = arith.constant 0 : i32
    %dma_wait3A_583 = arith.constant 0 : i32
    %dma_wait3A_584 = tpu.memref_slice %arg7[%dma_wait3A_582, %dma_wait3A_583] : memref<40x128xi32, #tpu.memory_space<vmem>> -> memref<1x128xi32, #tpu.memory_space<vmem>>
    %dma_wait3A_585 = tpu.memref_squeeze %dma_wait3A_584 : memref<1x128xi32, #tpu.memory_space<vmem>> -> memref<128xi32, #tpu.memory_space<vmem>>
    %dma_wait3A_586 = arith.constant 0 : i32
    %dma_wait3A_587 = arith.constant 0 : i32
    %dma_wait3A_588 = tpu.memref_slice %arg2[%dma_wait3A_586, %dma_wait3A_587] : memref<60000x128xf32, #tpu.memory_space<hbm>> -> memref<60000x128xf32, #tpu.memory_space<hbm>>
    tpu.wait_indirect_dma semaphore(%arg13 : memref<!tpu.dma_semaphore, #tpu.memory_space<semaphore_mem>>) src(%dma_wait3A_588 : memref<60000x128xf32, #tpu.memory_space<hbm>>) dst(%arg9 : memref<128x128xf32, #tpu.memory_space<vmem>>)
    %run_scoped3A_589 = arith.constant 38 : i32
    "tpu.region"() ({
      %run_scoped3A_613 = tpu.sem_alloc : memref<!tpu.dma_semaphore, #tpu.memory_space<semaphore_mem>>
      %dma_start3A_614 = arith.constant 0 : i32
      %dma_start3A_615 = tpu.memref_slice %arg8[%run_scoped3A_589, %dma_start3A_614] : memref<40x128xi32, #tpu.memory_space<vmem>> -> memref<1x128xi32, #tpu.memory_space<vmem>>
      %dma_start3A_616 = tpu.memref_squeeze %dma_start3A_615 : memref<1x128xi32, #tpu.memory_space<vmem>> -> memref<128xi32, #tpu.memory_space<vmem>>
      %dma_start3A_617 = arith.constant 0 : i32
      %dma_start3A_618 = arith.constant 0 : i32
      %dma_start3A_619 = tpu.memref_slice %arg12[%dma_start3A_617, %dma_start3A_618] : memref<10016x128xf32, #tpu.memory_space<vmem_shared>> -> memref<10016x128xf32, #tpu.memory_space<vmem_shared>>
      tpu.enqueue_indirect_dma source(%arg9 : memref<128x128xf32, #tpu.memory_space<vmem>>) target(%dma_start3A_619 : memref<10016x128xf32, #tpu.memory_space<vmem_shared>>) offsets(%dma_start3A_616 : memref<128xi32, #tpu.memory_space<vmem>>) semaphore(%run_scoped3A_613 : memref<!tpu.dma_semaphore, #tpu.memory_space<semaphore_mem>>) {add = true}
      %dma_wait3A_620 = arith.constant 0 : i32
      %dma_wait3A_621 = tpu.memref_slice %arg8[%run_scoped3A_589, %dma_wait3A_620] : memref<40x128xi32, #tpu.memory_space<vmem>> -> memref<1x128xi32, #tpu.memory_space<vmem>>
      %dma_wait3A_622 = tpu.memref_squeeze %dma_wait3A_621 : memref<1x128xi32, #tpu.memory_space<vmem>> -> memref<128xi32, #tpu.memory_space<vmem>>
      %dma_wait3A_623 = arith.constant 0 : i32
      %dma_wait3A_624 = arith.constant 0 : i32
      %dma_wait3A_625 = tpu.memref_slice %arg12[%dma_wait3A_623, %dma_wait3A_624] : memref<10016x128xf32, #tpu.memory_space<vmem_shared>> -> memref<10016x128xf32, #tpu.memory_space<vmem_shared>>
      tpu.wait_indirect_dma semaphore(%run_scoped3A_613 : memref<!tpu.dma_semaphore, #tpu.memory_space<semaphore_mem>>) src(%arg9 : memref<128x128xf32, #tpu.memory_space<vmem>>) dst(%dma_wait3A_625 : memref<10016x128xf32, #tpu.memory_space<vmem_shared>>)
      tpu.yield
    }) : () -> ()
    %dma_wait3A_590 = arith.constant 0 : i32
    %dma_wait3A_591 = arith.constant 0 : i32
    %dma_wait3A_592 = tpu.memref_slice %arg7[%dma_wait3A_590, %dma_wait3A_591] : memref<40x128xi32, #tpu.memory_space<vmem>> -> memref<1x128xi32, #tpu.memory_space<vmem>>
    %dma_wait3A_593 = tpu.memref_squeeze %dma_wait3A_592 : memref<1x128xi32, #tpu.memory_space<vmem>> -> memref<128xi32, #tpu.memory_space<vmem>>
    %dma_wait3A_594 = arith.constant 0 : i32
    %dma_wait3A_595 = arith.constant 0 : i32
    %dma_wait3A_596 = tpu.memref_slice %arg2[%dma_wait3A_594, %dma_wait3A_595] : memref<60000x128xf32, #tpu.memory_space<hbm>> -> memref<60000x128xf32, #tpu.memory_space<hbm>>
    tpu.wait_indirect_dma semaphore(%arg14 : memref<!tpu.dma_semaphore, #tpu.memory_space<semaphore_mem>>) src(%dma_wait3A_596 : memref<60000x128xf32, #tpu.memory_space<hbm>>) dst(%arg10 : memref<128x128xf32, #tpu.memory_space<vmem>>)
    %run_scoped3A_597 = arith.constant 39 : i32
    "tpu.region"() ({
      %run_scoped3A_613 = tpu.sem_alloc : memref<!tpu.dma_semaphore, #tpu.memory_space<semaphore_mem>>
      %dma_start3A_614 = arith.constant 0 : i32
      %dma_start3A_615 = tpu.memref_slice %arg8[%run_scoped3A_597, %dma_start3A_614] : memref<40x128xi32, #tpu.memory_space<vmem>> -> memref<1x128xi32, #tpu.memory_space<vmem>>
      %dma_start3A_616 = tpu.memref_squeeze %dma_start3A_615 : memref<1x128xi32, #tpu.memory_space<vmem>> -> memref<128xi32, #tpu.memory_space<vmem>>
      %dma_start3A_617 = arith.constant 0 : i32
      %dma_start3A_618 = arith.constant 0 : i32
      %dma_start3A_619 = tpu.memref_slice %arg12[%dma_start3A_617, %dma_start3A_618] : memref<10016x128xf32, #tpu.memory_space<vmem_shared>> -> memref<10016x128xf32, #tpu.memory_space<vmem_shared>>
      tpu.enqueue_indirect_dma source(%arg10 : memref<128x128xf32, #tpu.memory_space<vmem>>) target(%dma_start3A_619 : memref<10016x128xf32, #tpu.memory_space<vmem_shared>>) offsets(%dma_start3A_616 : memref<128xi32, #tpu.memory_space<vmem>>) semaphore(%run_scoped3A_613 : memref<!tpu.dma_semaphore, #tpu.memory_space<semaphore_mem>>) {add = true}
      %dma_wait3A_620 = arith.constant 0 : i32
      %dma_wait3A_621 = tpu.memref_slice %arg8[%run_scoped3A_597, %dma_wait3A_620] : memref<40x128xi32, #tpu.memory_space<vmem>> -> memref<1x128xi32, #tpu.memory_space<vmem>>
      %dma_wait3A_622 = tpu.memref_squeeze %dma_wait3A_621 : memref<1x128xi32, #tpu.memory_space<vmem>> -> memref<128xi32, #tpu.memory_space<vmem>>
      %dma_wait3A_623 = arith.constant 0 : i32
      %dma_wait3A_624 = arith.constant 0 : i32
      %dma_wait3A_625 = tpu.memref_slice %arg12[%dma_wait3A_623, %dma_wait3A_624] : memref<10016x128xf32, #tpu.memory_space<vmem_shared>> -> memref<10016x128xf32, #tpu.memory_space<vmem_shared>>
      tpu.wait_indirect_dma semaphore(%run_scoped3A_613 : memref<!tpu.dma_semaphore, #tpu.memory_space<semaphore_mem>>) src(%arg10 : memref<128x128xf32, #tpu.memory_space<vmem>>) dst(%dma_wait3A_625 : memref<10016x128xf32, #tpu.memory_space<vmem_shared>>)
      tpu.yield
    }) : () -> ()
    %barrier3A_598 = arith.constant 0 : index
    tpu.barrier barrier_id(%barrier3A_598)
    %add3A_599 = arith.constant 4 : i32
    %add3A_600 = arith.addi %add3A_599, %arg0 : i32
    %mul3A_601 = arith.constant 10000 : i32
    %mul3A_602 = arith.muli %add3A_600, %mul3A_601 : i32
    %lt3A_603 = arith.constant 15 : i32
    %lt3A_604 = arith.cmpi slt, %arg1, %lt3A_603 : i32
    %convert_element_type3A_605 = arith.extui %lt3A_604 : i1 to i32
    %cond3A_606 = arith.constant 0 : i32
    %cond3A_607 = arith.cmpi ne, %convert_element_type3A_605, %cond3A_606 : i32
    scf.if %cond3A_607 {
      %mul3A_613 = arith.constant 624 : i32
      %mul3A_614 = arith.muli %arg1, %mul3A_613 : i32
      %multiple_of3A = tpu.assume_multiple %mul3A_614, 8 : i32
      %add3A_615 = arith.addi %mul3A_602, %multiple_of3A : i32
      "tpu.region"() ({
        %run_scoped3A_616 = tpu.sem_alloc : memref<!tpu.dma_semaphore, #tpu.memory_space<semaphore_mem>>
        %dma_start3A_617 = arith.constant 0 : i32
        %dma_start3A_618 = tpu.memref_slice %arg6[%add3A_615, %dma_start3A_617] : memref<60000x128xf32, #tpu.memory_space<hbm>> -> memref<624x128xf32, #tpu.memory_space<hbm>>
        %dma_start3A_619 = arith.constant 0 : i32
        %dma_start3A_620 = tpu.memref_slice %arg12[%multiple_of3A, %dma_start3A_619] : memref<10016x128xf32, #tpu.memory_space<vmem_shared>> -> memref<624x128xf32, #tpu.memory_space<vmem_shared>>
        tpu.enqueue_dma source(%dma_start3A_620 : memref<624x128xf32, #tpu.memory_space<vmem_shared>>) target(%dma_start3A_618 : memref<624x128xf32, #tpu.memory_space<hbm>>) target_semaphore(%run_scoped3A_616 : memref<!tpu.dma_semaphore, #tpu.memory_space<semaphore_mem>>)
        %dma_wait3A_621 = arith.constant 0 : i32
        %dma_wait3A_622 = tpu.memref_slice %arg6[%add3A_615, %dma_wait3A_621] : memref<60000x128xf32, #tpu.memory_space<hbm>> -> memref<624x128xf32, #tpu.memory_space<hbm>>
        %dma_wait3A_623 = arith.constant 0 : i32
        %dma_wait3A_624 = tpu.memref_slice %arg12[%multiple_of3A, %dma_wait3A_623] : memref<10016x128xf32, #tpu.memory_space<vmem_shared>> -> memref<624x128xf32, #tpu.memory_space<vmem_shared>>
        tpu.wait_dma2 semaphore(%run_scoped3A_616 : memref<!tpu.dma_semaphore, #tpu.memory_space<semaphore_mem>>) src(%dma_wait3A_624 : memref<624x128xf32, #tpu.memory_space<vmem_shared>>) dst(%dma_wait3A_622 : memref<624x128xf32, #tpu.memory_space<hbm>>)
        tpu.yield
      }) : () -> ()
    } else {
    }
    %eq3A_608 = arith.constant 15 : i32
    %eq3A_609 = arith.cmpi eq, %arg1, %eq3A_608 : i32
    %convert_element_type3A_610 = arith.extui %eq3A_609 : i1 to i32
    %cond3A_611 = arith.constant 0 : i32
    %cond3A_612 = arith.cmpi ne, %convert_element_type3A_610, %cond3A_611 : i32
    scf.if %cond3A_612 {
      %add3A_613 = arith.constant 9360 : i32
      %add3A_614 = arith.addi %mul3A_602, %add3A_613 : i32
      "tpu.region"() ({
        %run_scoped3A_615 = tpu.sem_alloc : memref<!tpu.dma_semaphore, #tpu.memory_space<semaphore_mem>>
        %dma_start3A_616 = arith.constant 0 : i32
        %dma_start3A_617 = tpu.memref_slice %arg6[%add3A_614, %dma_start3A_616] : memref<60000x128xf32, #tpu.memory_space<hbm>> -> memref<640x128xf32, #tpu.memory_space<hbm>>
        %dma_start3A_618 = arith.constant 9360 : i32
        %dma_start3A_619 = arith.constant 0 : i32
        %dma_start3A_620 = tpu.memref_slice %arg12[%dma_start3A_618, %dma_start3A_619] : memref<10016x128xf32, #tpu.memory_space<vmem_shared>> -> memref<640x128xf32, #tpu.memory_space<vmem_shared>>
        tpu.enqueue_dma source(%dma_start3A_620 : memref<640x128xf32, #tpu.memory_space<vmem_shared>>) target(%dma_start3A_617 : memref<640x128xf32, #tpu.memory_space<hbm>>) target_semaphore(%run_scoped3A_615 : memref<!tpu.dma_semaphore, #tpu.memory_space<semaphore_mem>>)
        %dma_wait3A_621 = arith.constant 0 : i32
        %dma_wait3A_622 = tpu.memref_slice %arg6[%add3A_614, %dma_wait3A_621] : memref<60000x128xf32, #tpu.memory_space<hbm>> -> memref<640x128xf32, #tpu.memory_space<hbm>>
        %dma_wait3A_623 = arith.constant 9360 : i32
        %dma_wait3A_624 = arith.constant 0 : i32
        %dma_wait3A_625 = tpu.memref_slice %arg12[%dma_wait3A_623, %dma_wait3A_624] : memref<10016x128xf32, #tpu.memory_space<vmem_shared>> -> memref<640x128xf32, #tpu.memory_space<vmem_shared>>
        tpu.wait_dma2 semaphore(%run_scoped3A_615 : memref<!tpu.dma_semaphore, #tpu.memory_space<semaphore_mem>>) src(%dma_wait3A_625 : memref<640x128xf32, #tpu.memory_space<vmem_shared>>) dst(%dma_wait3A_622 : memref<640x128xf32, #tpu.memory_space<hbm>>)
        tpu.yield
      }) : () -> ()
    } else {
    }
    return
  }
}

module attributes {stable_mosaic.version = 14 : i64} {
  func.func @_mm_body(%arg0: i32, %arg1: i32, %arg2: i32, %arg3: memref<1000x256xf32, #tpu.memory_space<vmem>>, %arg4: memref<1x256x128xf32, #tpu.memory_space<vmem>>, %arg5: memref<1x1000x1xf32, #tpu.memory_space<vmem>>, %arg6: memref<1000x128xf32, #tpu.memory_space<vmem>>) attributes {dimension_semantics = [#tpu.dimension_semantics<arbitrary>, #tpu.dimension_semantics<arbitrary>, #tpu.dimension_semantics<arbitrary>], iteration_bounds = array<i64: 3, 2, 10>, scalar_prefetch = 0 : i64, scratch_operands = 0 : i64, tpu.core_type = #tpu.core_type<tc>, window_params = [{transform_indices = @transform_0, window_bounds = array<i64: 1000, 256>}, {transform_indices = @transform_1, window_bounds = array<i64: 1, 256, 128>}, {transform_indices = @transform_2, window_bounds = array<i64: 1, 1000, 1>}, {transform_indices = @transform_3, window_bounds = array<i64: 1000, 128>}]} {
    %get3A = arith.constant 0 : index
    %get3A_0 = arith.constant 0 : index
    %get3A_1 = vector.load %arg3[%get3A, %get3A_0] : memref<1000x256xf32, #tpu.memory_space<vmem>>, vector<1000x256xf32>
    %get3A_2 = arith.constant 0 : index
    %get3A_3 = arith.constant 0 : index
    %get3A_4 = arith.constant 0 : index
    %get3A_5 = vector.load %arg4[%get3A_2, %get3A_3, %get3A_4] : memref<1x256x128xf32, #tpu.memory_space<vmem>>, vector<1x256x128xf32>
    %get3A_6 = vector.shape_cast %get3A_5 : vector<1x256x128xf32> to vector<256x128xf32>
    %dot_general3A = arith.constant dense<0.000000e+00> : vector<1000x128xf32>
    %dot_general3A_7 = tpu.matmul %get3A_1, %get3A_6, %dot_general3A {dimension_numbers = #tpu.dot_dimension_numbers<[1], [0], [0], [1], [0, 0, 1, 1], [], []>, transpose_lhs_hint = false} : vector<1000x256xf32>, vector<256x128xf32>, vector<1000x128xf32> -> vector<1000x128xf32>
    %get3A_8 = arith.constant 0 : index
    %get3A_9 = arith.constant 0 : index
    %get3A_10 = arith.constant 0 : index
    %get3A_11 = vector.load %arg5[%get3A_8, %get3A_9, %get3A_10] : memref<1x1000x1xf32, #tpu.memory_space<vmem>>, vector<1x1000x1xf32>
    %get3A_12 = vector.shape_cast %get3A_11 : vector<1x1000x1xf32> to vector<1000x1xf32>
    %mul3A = vector.broadcast %get3A_12 : vector<1000x1xf32> to vector<1000x128xf32>
    %mul3A_13 = arith.mulf %dot_general3A_7, %mul3A : vector<1000x128xf32>
    %swap3A = arith.constant 0 : index
    %swap3A_14 = arith.constant 0 : index
    %swap3A_15 = vector.load %arg6[%swap3A, %swap3A_14] : memref<1000x128xf32, #tpu.memory_space<vmem>>, vector<1000x128xf32>
    tpu.vector_store %arg6[%swap3A, %swap3A_14], %mul3A_13 {strides = array<i32>} : memref<1000x128xf32, #tpu.memory_space<vmem>>, vector<1000x128xf32>,
    return
  }
  func.func @transform_0(%arg0: i32, %arg1: i32, %arg2: i32) -> (i32, i32) {
    %c0_i32 = arith.constant 0 : i32
    %c0_i32_0 = arith.constant 0 : i32
    return %arg2, %c0_i32 : i32, i32
  }
  func.func @transform_1(%arg0: i32, %arg1: i32, %arg2: i32) -> (i32, i32, i32) {
    %c0_i32 = arith.constant 0 : i32
    %c0_i32_0 = arith.constant 0 : i32
    return %arg0, %c0_i32, %arg1 : i32, i32, i32
  }
  func.func @transform_2(%arg0: i32, %arg1: i32, %arg2: i32) -> (i32, i32, i32) {
    %c0_i32 = arith.constant 0 : i32
    %c0_i32_0 = arith.constant 0 : i32
    return %arg0, %arg2, %c0_i32 : i32, i32, i32
  }
  func.func @transform_3(%arg0: i32, %arg1: i32, %arg2: i32) -> (i32, i32) {
    %mul3A = arith.constant 2 : i32
    %mul3A_0 = arith.muli %arg0, %mul3A : i32
    %add3A = arith.addi %mul3A_0, %arg1 : i32
    %mul3A_1 = arith.constant 10 : i32
    %mul3A_2 = arith.muli %add3A, %mul3A_1 : i32
    %add3A_3 = arith.addi %mul3A_2, %arg2 : i32
    %c0_i32 = arith.constant 0 : i32
    %c0_i32_4 = arith.constant 0 : i32
    return %add3A_3, %c0_i32 : i32, i32
  }
}

module attributes {stable_mosaic.version = 14 : i64} {
  func.func @_fuse_body(%arg0: i32, %arg1: memref<3x2x1000x128xf32, #tpu.memory_space<vmem>>, %arg2: memref<3x2x1000x128xf32, #tpu.memory_space<vmem>>, %arg3: memref<3x1000x1xf32, #tpu.memory_space<vmem>>, %arg4: memref<3x256xf32, #tpu.memory_space<vmem>>, %arg5: memref<256x256xf32, #tpu.memory_space<vmem>>, %arg6: memref<1x256xf32, #tpu.memory_space<vmem>>, %arg7: memref<256x1xf32, #tpu.memory_space<vmem>>, %arg8: memref<1000x256xf32, #tpu.memory_space<vmem>>, %arg9: memref<1000x256xf32, #tpu.memory_space<vmem>>) attributes {dimension_semantics = [#tpu.dimension_semantics<arbitrary>], iteration_bounds = array<i64: 10>, scalar_prefetch = 0 : i64, scratch_operands = 0 : i64, tpu.core_type = #tpu.core_type<tc>, window_params = [{transform_indices = @transform_0, window_bounds = array<i64: 3, 2, 1000, 128>}, {transform_indices = @transform_1, window_bounds = array<i64: 3, 2, 1000, 128>}, {transform_indices = @transform_2, window_bounds = array<i64: 3, 1000, 1>}, {pipeline_mode = #tpu.pipeline_mode<synchronous>, transform_indices = @transform_3, window_bounds = array<i64: 3, 256>}, {pipeline_mode = #tpu.pipeline_mode<synchronous>, transform_indices = @transform_4, window_bounds = array<i64: 256, 256>}, {pipeline_mode = #tpu.pipeline_mode<synchronous>, transform_indices = @transform_5, window_bounds = array<i64: 1, 256>}, {pipeline_mode = #tpu.pipeline_mode<synchronous>, transform_indices = @transform_6, window_bounds = array<i64: 256, 1>}, {transform_indices = @transform_7, window_bounds = array<i64: 1000, 256>}, {transform_indices = @transform_8, window_bounds = array<i64: 1000, 256>}]} {
    %get3A = arith.constant 0 : index
    %get3A_0 = arith.constant 0 : index
    %get3A_1 = arith.constant 0 : index
    %get3A_2 = arith.constant 0 : index
    %get3A_3 = vector.load %arg1[%get3A, %get3A_0, %get3A_1, %get3A_2] : memref<3x2x1000x128xf32, #tpu.memory_space<vmem>>, vector<1x1x1000x128xf32>
    %get3A_4 = vector.shape_cast %get3A_3 : vector<1x1x1000x128xf32> to vector<1000x128xf32>
    %get3A_5 = arith.constant 0 : index
    %get3A_6 = arith.constant 1 : index
    %get3A_7 = arith.constant 0 : index
    %get3A_8 = arith.constant 0 : index
    %get3A_9 = vector.load %arg1[%get3A_5, %get3A_6, %get3A_7, %get3A_8] : memref<3x2x1000x128xf32, #tpu.memory_space<vmem>>, vector<1x1x1000x128xf32>
    %get3A_10 = vector.shape_cast %get3A_9 : vector<1x1x1000x128xf32> to vector<1000x128xf32>
    %concatenate3A = tpu.concatenate %get3A_4, %get3A_10 in 1 : vector<1000x128xf32>, vector<1000x128xf32> -> vector<1000x256xf32>
    %get3A_11 = arith.constant 0 : index
    %get3A_12 = arith.constant 0 : index
    %get3A_13 = arith.constant 0 : index
    %get3A_14 = arith.constant 0 : index
    %get3A_15 = vector.load %arg2[%get3A_11, %get3A_12, %get3A_13, %get3A_14] : memref<3x2x1000x128xf32, #tpu.memory_space<vmem>>, vector<1x1x1000x128xf32>
    %get3A_16 = vector.shape_cast %get3A_15 : vector<1x1x1000x128xf32> to vector<1000x128xf32>
    %get3A_17 = arith.constant 0 : index
    %get3A_18 = arith.constant 1 : index
    %get3A_19 = arith.constant 0 : index
    %get3A_20 = arith.constant 0 : index
    %get3A_21 = vector.load %arg2[%get3A_17, %get3A_18, %get3A_19, %get3A_20] : memref<3x2x1000x128xf32, #tpu.memory_space<vmem>>, vector<1x1x1000x128xf32>
    %get3A_22 = vector.shape_cast %get3A_21 : vector<1x1x1000x128xf32> to vector<1000x128xf32>
    %concatenate3A_23 = tpu.concatenate %get3A_16, %get3A_22 in 1 : vector<1000x128xf32>, vector<1000x128xf32> -> vector<1000x256xf32>
    %get3A_24 = arith.constant 0 : index
    %get3A_25 = arith.constant 0 : index
    %get3A_26 = arith.constant 0 : index
    %get3A_27 = vector.load %arg3[%get3A_24, %get3A_25, %get3A_26] : memref<3x1000x1xf32, #tpu.memory_space<vmem>>, vector<1x1000x1xf32>
    %get3A_28 = vector.shape_cast %get3A_27 : vector<1x1000x1xf32> to vector<1000x1xf32>
    %add3A = arith.addf %concatenate3A, %concatenate3A_23 : vector<1000x256xf32>
    %mul3A = vector.broadcast %get3A_28 : vector<1000x1xf32> to vector<1000x256xf32>
    %mul3A_29 = arith.mulf %mul3A, %add3A : vector<1000x256xf32>
    %get3A_30 = arith.constant 0 : index
    %get3A_31 = arith.constant 0 : index
    %get3A_32 = vector.load %arg4[%get3A_30, %get3A_31] : memref<3x256xf32, #tpu.memory_space<vmem>>, vector<1x256xf32>
    %get3A_33 = vector.shape_cast %get3A_32 : vector<1x256xf32> to vector<256xf32>
    %broadcast_in_dim3A = vector.shape_cast %get3A_33 : vector<256xf32> to vector<1x256xf32>
    %add3A_34 = vector.broadcast %broadcast_in_dim3A : vector<1x256xf32> to vector<1000x256xf32>
    %add3A_35 = arith.addf %mul3A_29, %add3A_34 : vector<1000x256xf32>
    %max3A = arith.constant 0.000000e+00 : f32
    %max3A_36 = vector.broadcast %max3A : f32 to vector<1000x256xf32>
    %max3A_37 = arith.maximumf %add3A_35, %max3A_36 : vector<1000x256xf32>
    %get3A_38 = arith.constant 1 : index
    %get3A_39 = arith.constant 0 : index
    %get3A_40 = arith.constant 0 : index
    %get3A_41 = arith.constant 0 : index
    %get3A_42 = vector.load %arg1[%get3A_38, %get3A_39, %get3A_40, %get3A_41] : memref<3x2x1000x128xf32, #tpu.memory_space<vmem>>, vector<1x1x1000x128xf32>
    %get3A_43 = vector.shape_cast %get3A_42 : vector<1x1x1000x128xf32> to vector<1000x128xf32>
    %get3A_44 = arith.constant 1 : index
    %get3A_45 = arith.constant 1 : index
    %get3A_46 = arith.constant 0 : index
    %get3A_47 = arith.constant 0 : index
    %get3A_48 = vector.load %arg1[%get3A_44, %get3A_45, %get3A_46, %get3A_47] : memref<3x2x1000x128xf32, #tpu.memory_space<vmem>>, vector<1x1x1000x128xf32>
    %get3A_49 = vector.shape_cast %get3A_48 : vector<1x1x1000x128xf32> to vector<1000x128xf32>
    %concatenate3A_50 = tpu.concatenate %get3A_43, %get3A_49 in 1 : vector<1000x128xf32>, vector<1000x128xf32> -> vector<1000x256xf32>
    %get3A_51 = arith.constant 1 : index
    %get3A_52 = arith.constant 0 : index
    %get3A_53 = arith.constant 0 : index
    %get3A_54 = arith.constant 0 : index
    %get3A_55 = vector.load %arg2[%get3A_51, %get3A_52, %get3A_53, %get3A_54] : memref<3x2x1000x128xf32, #tpu.memory_space<vmem>>, vector<1x1x1000x128xf32>
    %get3A_56 = vector.shape_cast %get3A_55 : vector<1x1x1000x128xf32> to vector<1000x128xf32>
    %get3A_57 = arith.constant 1 : index
    %get3A_58 = arith.constant 1 : index
    %get3A_59 = arith.constant 0 : index
    %get3A_60 = arith.constant 0 : index
    %get3A_61 = vector.load %arg2[%get3A_57, %get3A_58, %get3A_59, %get3A_60] : memref<3x2x1000x128xf32, #tpu.memory_space<vmem>>, vector<1x1x1000x128xf32>
    %get3A_62 = vector.shape_cast %get3A_61 : vector<1x1x1000x128xf32> to vector<1000x128xf32>
    %concatenate3A_63 = tpu.concatenate %get3A_56, %get3A_62 in 1 : vector<1000x128xf32>, vector<1000x128xf32> -> vector<1000x256xf32>
    %get3A_64 = arith.constant 1 : index
    %get3A_65 = arith.constant 0 : index
    %get3A_66 = arith.constant 0 : index
    %get3A_67 = vector.load %arg3[%get3A_64, %get3A_65, %get3A_66] : memref<3x1000x1xf32, #tpu.memory_space<vmem>>, vector<1x1000x1xf32>
    %get3A_68 = vector.shape_cast %get3A_67 : vector<1x1000x1xf32> to vector<1000x1xf32>
    %add3A_69 = arith.addf %concatenate3A_50, %concatenate3A_63 : vector<1000x256xf32>
    %mul3A_70 = vector.broadcast %get3A_68 : vector<1000x1xf32> to vector<1000x256xf32>
    %mul3A_71 = arith.mulf %mul3A_70, %add3A_69 : vector<1000x256xf32>
    %get3A_72 = arith.constant 1 : index
    %get3A_73 = arith.constant 0 : index
    %get3A_74 = vector.load %arg4[%get3A_72, %get3A_73] : memref<3x256xf32, #tpu.memory_space<vmem>>, vector<1x256xf32>
    %get3A_75 = vector.shape_cast %get3A_74 : vector<1x256xf32> to vector<256xf32>
    %broadcast_in_dim3A_76 = vector.shape_cast %get3A_75 : vector<256xf32> to vector<1x256xf32>
    %add3A_77 = vector.broadcast %broadcast_in_dim3A_76 : vector<1x256xf32> to vector<1000x256xf32>
    %add3A_78 = arith.addf %mul3A_71, %add3A_77 : vector<1000x256xf32>
    %max3A_79 = arith.constant 0.000000e+00 : f32
    %max3A_80 = vector.broadcast %max3A_79 : f32 to vector<1000x256xf32>
    %max3A_81 = arith.maximumf %add3A_78, %max3A_80 : vector<1000x256xf32>
    %get3A_82 = arith.constant 2 : index
    %get3A_83 = arith.constant 0 : index
    %get3A_84 = arith.constant 0 : index
    %get3A_85 = arith.constant 0 : index
    %get3A_86 = vector.load %arg1[%get3A_82, %get3A_83, %get3A_84, %get3A_85] : memref<3x2x1000x128xf32, #tpu.memory_space<vmem>>, vector<1x1x1000x128xf32>
    %get3A_87 = vector.shape_cast %get3A_86 : vector<1x1x1000x128xf32> to vector<1000x128xf32>
    %get3A_88 = arith.constant 2 : index
    %get3A_89 = arith.constant 1 : index
    %get3A_90 = arith.constant 0 : index
    %get3A_91 = arith.constant 0 : index
    %get3A_92 = vector.load %arg1[%get3A_88, %get3A_89, %get3A_90, %get3A_91] : memref<3x2x1000x128xf32, #tpu.memory_space<vmem>>, vector<1x1x1000x128xf32>
    %get3A_93 = vector.shape_cast %get3A_92 : vector<1x1x1000x128xf32> to vector<1000x128xf32>
    %concatenate3A_94 = tpu.concatenate %get3A_87, %get3A_93 in 1 : vector<1000x128xf32>, vector<1000x128xf32> -> vector<1000x256xf32>
    %get3A_95 = arith.constant 2 : index
    %get3A_96 = arith.constant 0 : index
    %get3A_97 = arith.constant 0 : index
    %get3A_98 = arith.constant 0 : index
    %get3A_99 = vector.load %arg2[%get3A_95, %get3A_96, %get3A_97, %get3A_98] : memref<3x2x1000x128xf32, #tpu.memory_space<vmem>>, vector<1x1x1000x128xf32>
    %get3A_100 = vector.shape_cast %get3A_99 : vector<1x1x1000x128xf32> to vector<1000x128xf32>
    %get3A_101 = arith.constant 2 : index
    %get3A_102 = arith.constant 1 : index
    %get3A_103 = arith.constant 0 : index
    %get3A_104 = arith.constant 0 : index
    %get3A_105 = vector.load %arg2[%get3A_101, %get3A_102, %get3A_103, %get3A_104] : memref<3x2x1000x128xf32, #tpu.memory_space<vmem>>, vector<1x1x1000x128xf32>
    %get3A_106 = vector.shape_cast %get3A_105 : vector<1x1x1000x128xf32> to vector<1000x128xf32>
    %concatenate3A_107 = tpu.concatenate %get3A_100, %get3A_106 in 1 : vector<1000x128xf32>, vector<1000x128xf32> -> vector<1000x256xf32>
    %get3A_108 = arith.constant 2 : index
    %get3A_109 = arith.constant 0 : index
    %get3A_110 = arith.constant 0 : index
    %get3A_111 = vector.load %arg3[%get3A_108, %get3A_109, %get3A_110] : memref<3x1000x1xf32, #tpu.memory_space<vmem>>, vector<1x1000x1xf32>
    %get3A_112 = vector.shape_cast %get3A_111 : vector<1x1000x1xf32> to vector<1000x1xf32>
    %add3A_113 = arith.addf %concatenate3A_94, %concatenate3A_107 : vector<1000x256xf32>
    %mul3A_114 = vector.broadcast %get3A_112 : vector<1000x1xf32> to vector<1000x256xf32>
    %mul3A_115 = arith.mulf %mul3A_114, %add3A_113 : vector<1000x256xf32>
    %get3A_116 = arith.constant 2 : index
    %get3A_117 = arith.constant 0 : index
    %get3A_118 = vector.load %arg4[%get3A_116, %get3A_117] : memref<3x256xf32, #tpu.memory_space<vmem>>, vector<1x256xf32>
    %get3A_119 = vector.shape_cast %get3A_118 : vector<1x256xf32> to vector<256xf32>
    %broadcast_in_dim3A_120 = vector.shape_cast %get3A_119 : vector<256xf32> to vector<1x256xf32>
    %add3A_121 = vector.broadcast %broadcast_in_dim3A_120 : vector<1x256xf32> to vector<1000x256xf32>
    %add3A_122 = arith.addf %mul3A_115, %add3A_121 : vector<1000x256xf32>
    %max3A_123 = arith.constant 0.000000e+00 : f32
    %max3A_124 = vector.broadcast %max3A_123 : f32 to vector<1000x256xf32>
    %max3A_125 = arith.maximumf %add3A_122, %max3A_124 : vector<1000x256xf32>
    %get3A_126 = arith.constant 0 : index
    %get3A_127 = arith.constant 0 : index
    %get3A_128 = vector.load %arg5[%get3A_126, %get3A_127] : memref<256x256xf32, #tpu.memory_space<vmem>>, vector<256x256xf32>
    %dot_general3A = arith.constant dense<0.000000e+00> : vector<1000x256xf32>
    %dot_general3A_129 = tpu.matmul %max3A_37, %get3A_128, %dot_general3A {dimension_numbers = #tpu.dot_dimension_numbers<[1], [0], [0], [1], [0, 0, 1, 1], [], []>, transpose_lhs_hint = false} : vector<1000x256xf32>, vector<256x256xf32>, vector<1000x256xf32> -> vector<1000x256xf32>
    %get3A_130 = arith.constant 0 : index
    %get3A_131 = arith.constant 0 : index
    %get3A_132 = vector.load %arg6[%get3A_130, %get3A_131] : memref<1x256xf32, #tpu.memory_space<vmem>>, vector<1x256xf32>
    %add3A_133 = vector.broadcast %get3A_132 : vector<1x256xf32> to vector<1000x256xf32>
    %add3A_134 = arith.addf %dot_general3A_129, %add3A_133 : vector<1000x256xf32>
    %tanh3A = math.tanh %add3A_134 : vector<1000x256xf32>
    %get3A_135 = arith.constant 0 : index
    %get3A_136 = arith.constant 0 : index
    %get3A_137 = vector.load %arg7[%get3A_135, %get3A_136] : memref<256x1xf32, #tpu.memory_space<vmem>>, vector<256x1xf32>
    %dot_general3A_138 = arith.constant dense<0.000000e+00> : vector<1000x1xf32>
    %dot_general3A_139 = tpu.matmul %tanh3A, %get3A_137, %dot_general3A_138 {dimension_numbers = #tpu.dot_dimension_numbers<[1], [0], [0], [1], [0, 0, 1, 1], [], []>, transpose_lhs_hint = false} : vector<1000x256xf32>, vector<256x1xf32>, vector<1000x1xf32> -> vector<1000x1xf32>
    %get3A_140 = arith.constant 0 : index
    %get3A_141 = arith.constant 0 : index
    %get3A_142 = vector.load %arg5[%get3A_140, %get3A_141] : memref<256x256xf32, #tpu.memory_space<vmem>>, vector<256x256xf32>
    %dot_general3A_143 = arith.constant dense<0.000000e+00> : vector<1000x256xf32>
    %dot_general3A_144 = tpu.matmul %max3A_81, %get3A_142, %dot_general3A_143 {dimension_numbers = #tpu.dot_dimension_numbers<[1], [0], [0], [1], [0, 0, 1, 1], [], []>, transpose_lhs_hint = false} : vector<1000x256xf32>, vector<256x256xf32>, vector<1000x256xf32> -> vector<1000x256xf32>
    %get3A_145 = arith.constant 0 : index
    %get3A_146 = arith.constant 0 : index
    %get3A_147 = vector.load %arg6[%get3A_145, %get3A_146] : memref<1x256xf32, #tpu.memory_space<vmem>>, vector<1x256xf32>
    %add3A_148 = vector.broadcast %get3A_147 : vector<1x256xf32> to vector<1000x256xf32>
    %add3A_149 = arith.addf %dot_general3A_144, %add3A_148 : vector<1000x256xf32>
    %tanh3A_150 = math.tanh %add3A_149 : vector<1000x256xf32>
    %get3A_151 = arith.constant 0 : index
    %get3A_152 = arith.constant 0 : index
    %get3A_153 = vector.load %arg7[%get3A_151, %get3A_152] : memref<256x1xf32, #tpu.memory_space<vmem>>, vector<256x1xf32>
    %dot_general3A_154 = arith.constant dense<0.000000e+00> : vector<1000x1xf32>
    %dot_general3A_155 = tpu.matmul %tanh3A_150, %get3A_153, %dot_general3A_154 {dimension_numbers = #tpu.dot_dimension_numbers<[1], [0], [0], [1], [0, 0, 1, 1], [], []>, transpose_lhs_hint = false} : vector<1000x256xf32>, vector<256x1xf32>, vector<1000x1xf32> -> vector<1000x1xf32>
    %get3A_156 = arith.constant 0 : index
    %get3A_157 = arith.constant 0 : index
    %get3A_158 = vector.load %arg5[%get3A_156, %get3A_157] : memref<256x256xf32, #tpu.memory_space<vmem>>, vector<256x256xf32>
    %dot_general3A_159 = arith.constant dense<0.000000e+00> : vector<1000x256xf32>
    %dot_general3A_160 = tpu.matmul %max3A_125, %get3A_158, %dot_general3A_159 {dimension_numbers = #tpu.dot_dimension_numbers<[1], [0], [0], [1], [0, 0, 1, 1], [], []>, transpose_lhs_hint = false} : vector<1000x256xf32>, vector<256x256xf32>, vector<1000x256xf32> -> vector<1000x256xf32>
    %get3A_161 = arith.constant 0 : index
    %get3A_162 = arith.constant 0 : index
    %get3A_163 = vector.load %arg6[%get3A_161, %get3A_162] : memref<1x256xf32, #tpu.memory_space<vmem>>, vector<1x256xf32>
    %add3A_164 = vector.broadcast %get3A_163 : vector<1x256xf32> to vector<1000x256xf32>
    %add3A_165 = arith.addf %dot_general3A_160, %add3A_164 : vector<1000x256xf32>
    %tanh3A_166 = math.tanh %add3A_165 : vector<1000x256xf32>
    %get3A_167 = arith.constant 0 : index
    %get3A_168 = arith.constant 0 : index
    %get3A_169 = vector.load %arg7[%get3A_167, %get3A_168] : memref<256x1xf32, #tpu.memory_space<vmem>>, vector<256x1xf32>
    %dot_general3A_170 = arith.constant dense<0.000000e+00> : vector<1000x1xf32>
    %dot_general3A_171 = tpu.matmul %tanh3A_166, %get3A_169, %dot_general3A_170 {dimension_numbers = #tpu.dot_dimension_numbers<[1], [0], [0], [1], [0, 0, 1, 1], [], []>, transpose_lhs_hint = false} : vector<1000x256xf32>, vector<256x1xf32>, vector<1000x1xf32> -> vector<1000x1xf32>
    %concatenate3A_172 = tpu.concatenate %dot_general3A_139, %dot_general3A_155, %dot_general3A_171 in 1 : vector<1000x1xf32>, vector<1000x1xf32>, vector<1000x1xf32> -> vector<1000x3xf32>
    %reduce_max3A = arith.constant dense<0xFF800000> : vector<1000xf32>
    %reduce_max3A_173 = vector.multi_reduction <maximumf>, %concatenate3A_172, %reduce_max3A [1] : vector<1000x3xf32> to vector<1000xf32>
    %broadcast_in_dim3A_174 = vector.shape_cast %reduce_max3A_173 : vector<1000xf32> to vector<1000x1xf32>
    %sub3A = vector.broadcast %broadcast_in_dim3A_174 : vector<1000x1xf32> to vector<1000x3xf32>
    %sub3A_175 = arith.subf %concatenate3A_172, %sub3A : vector<1000x3xf32>
    %exp3A = math.exp %sub3A_175 : vector<1000x3xf32>
    %reduce_sum3A = arith.constant dense<0.000000e+00> : vector<1000xf32>
    %reduce_sum3A_176 = vector.multi_reduction <add>, %exp3A, %reduce_sum3A [1] : vector<1000x3xf32> to vector<1000xf32>
    %broadcast_in_dim3A_177 = vector.shape_cast %reduce_sum3A_176 : vector<1000xf32> to vector<1000x1xf32>
    %div3A = vector.broadcast %broadcast_in_dim3A_177 : vector<1000x1xf32> to vector<1000x3xf32>
    %div3A_178 = arith.divf %exp3A, %div3A : vector<1000x3xf32>
    %slice3A = vector.extract_strided_slice %div3A_178 {offsets = [0, 0], sizes = [1000, 1], strides = [1, 1]} : vector<1000x3xf32> to vector<1000x1xf32>
    %mul3A_179 = vector.broadcast %slice3A : vector<1000x1xf32> to vector<1000x256xf32>
    %mul3A_180 = arith.mulf %mul3A_179, %max3A_37 : vector<1000x256xf32>
    %slice3A_181 = vector.extract_strided_slice %div3A_178 {offsets = [0, 1], sizes = [1000, 1], strides = [1, 1]} : vector<1000x3xf32> to vector<1000x1xf32>
    %mul3A_182 = vector.broadcast %slice3A_181 : vector<1000x1xf32> to vector<1000x256xf32>
    %mul3A_183 = arith.mulf %mul3A_182, %max3A_81 : vector<1000x256xf32>
    %add3A_184 = arith.addf %mul3A_180, %mul3A_183 : vector<1000x256xf32>
    %slice3A_185 = vector.extract_strided_slice %div3A_178 {offsets = [0, 2], sizes = [1000, 1], strides = [1, 1]} : vector<1000x3xf32> to vector<1000x1xf32>
    %mul3A_186 = vector.broadcast %slice3A_185 : vector<1000x1xf32> to vector<1000x256xf32>
    %mul3A_187 = arith.mulf %mul3A_186, %max3A_125 : vector<1000x256xf32>
    %add3A_188 = arith.addf %add3A_184, %mul3A_187 : vector<1000x256xf32>
    %swap3A = arith.constant 0 : index
    %swap3A_189 = arith.constant 0 : index
    %swap3A_190 = vector.load %arg8[%swap3A, %swap3A_189] : memref<1000x256xf32, #tpu.memory_space<vmem>>, vector<1000x256xf32>
    tpu.vector_store %arg8[%swap3A, %swap3A_189], %add3A_188 {strides = array<i32>} : memref<1000x256xf32, #tpu.memory_space<vmem>>, vector<1000x256xf32>,
    %add3A_191 = arith.addf %max3A_37, %max3A_81 : vector<1000x256xf32>
    %add3A_192 = arith.addf %add3A_191, %max3A_125 : vector<1000x256xf32>
    %mul3A_193 = arith.constant 0.333333343 : f32
    %mul3A_194 = vector.broadcast %mul3A_193 : f32 to vector<1000x256xf32>
    %mul3A_195 = arith.mulf %add3A_192, %mul3A_194 : vector<1000x256xf32>
    %swap3A_196 = arith.constant 0 : index
    %swap3A_197 = arith.constant 0 : index
    %swap3A_198 = vector.load %arg9[%swap3A_196, %swap3A_197] : memref<1000x256xf32, #tpu.memory_space<vmem>>, vector<1000x256xf32>
    tpu.vector_store %arg9[%swap3A_196, %swap3A_197], %mul3A_195 {strides = array<i32>} : memref<1000x256xf32, #tpu.memory_space<vmem>>, vector<1000x256xf32>,
    return
  }
  func.func @transform_0(%arg0: i32) -> (i32, i32, i32, i32) {
    %c0_i32 = arith.constant 0 : i32
    %c0_i32_0 = arith.constant 0 : i32
    %c0_i32_1 = arith.constant 0 : i32
    %c0_i32_2 = arith.constant 0 : i32
    return %c0_i32, %c0_i32_0, %arg0, %c0_i32_1 : i32, i32, i32, i32
  }
  func.func @transform_1(%arg0: i32) -> (i32, i32, i32, i32) {
    %c0_i32 = arith.constant 0 : i32
    %c0_i32_0 = arith.constant 0 : i32
    %c0_i32_1 = arith.constant 0 : i32
    %c0_i32_2 = arith.constant 0 : i32
    return %c0_i32, %c0_i32_0, %arg0, %c0_i32_1 : i32, i32, i32, i32
  }
  func.func @transform_2(%arg0: i32) -> (i32, i32, i32) {
    %c0_i32 = arith.constant 0 : i32
    %c0_i32_0 = arith.constant 0 : i32
    %c0_i32_1 = arith.constant 0 : i32
    return %c0_i32, %arg0, %c0_i32_0 : i32, i32, i32
  }
  func.func @transform_3(%arg0: i32) -> (i32, i32) {
    %c0_i32 = arith.constant 0 : i32
    %c0_i32_0 = arith.constant 0 : i32
    %c0_i32_1 = arith.constant 0 : i32
    return %c0_i32, %c0_i32_0 : i32, i32
  }
  func.func @transform_4(%arg0: i32) -> (i32, i32) {
    %c0_i32 = arith.constant 0 : i32
    %c0_i32_0 = arith.constant 0 : i32
    %c0_i32_1 = arith.constant 0 : i32
    return %c0_i32, %c0_i32_0 : i32, i32
  }
  func.func @transform_5(%arg0: i32) -> (i32, i32) {
    %c0_i32 = arith.constant 0 : i32
    %c0_i32_0 = arith.constant 0 : i32
    %c0_i32_1 = arith.constant 0 : i32
    return %c0_i32, %c0_i32_0 : i32, i32
  }
  func.func @transform_6(%arg0: i32) -> (i32, i32) {
    %c0_i32 = arith.constant 0 : i32
    %c0_i32_0 = arith.constant 0 : i32
    %c0_i32_1 = arith.constant 0 : i32
    return %c0_i32, %c0_i32_0 : i32, i32
  }
  func.func @transform_7(%arg0: i32) -> (i32, i32) {
    %c0_i32 = arith.constant 0 : i32
    %c0_i32_0 = arith.constant 0 : i32
    return %arg0, %c0_i32 : i32, i32
  }
  func.func @transform_8(%arg0: i32) -> (i32, i32) {
    %c0_i32 = arith.constant 0 : i32
    %c0_i32_0 = arith.constant 0 : i32
    return %arg0, %c0_i32 : i32, i32
  }
}

</mosaic_0001>

<sc_bundles>
// kernel: kernel.6.cloned.1.call-start
scs
__scs_entry_jumppad:
0x0: {  	(pc) =	sbr.rel $0x88, $3  }
0x1: {  	(tag) =	ssettag $0x0;
	lr =	simm.s32 $0x1  }
0x2: {  	[smem:$0x3F98] =	sst lr;
	_ =	strace $0xD0000000  }
0x3: {  	_ = 	snop  }
0x4: {  	_ = 	snop  }
0x5: {  	_ = 	snop  }
0x6: {  	_ = 	snop  }
0x7: {  	_ = 	snop  }
__scs_overlays_trampoline_lowered:
0x8: {  	[smem:$0x3FA7] =	sst s0  }
0x9: {  	[smem:$0x3FA8] =	sst s1  }
0xa: {  	[smem:$0x3FA9] =	sst s2  }
0xb: {  	[smem:$0x3FAA] =	sst s3  }
0xc: {  	[smem:$0x3FAB] =	sst s4  }
0xd: {  	[smem:$0x3FAC] =	sst s5  }
0xe: {  	[smem:$0x3FAD] =	sst s6  }
0xf: {  	[smem:$0x3FAE] =	sst s7  }
0x10: {  	[smem:$0x3FAF] =	sst s8  }
0x11: {  	[smem:$0x3FB0] =	sst s9;
	s0 =	simm.s32 @!p0 $0x0  }
0x12: {  	s1 =	sld [smem:$0x3F96];
	s0 =	simm.s32 @p0 $0x1  }
0x13: {  	[smem:$0x3FB1] =	sst s0;
	s0 =	simm.s32 @!p1 $0x0  }
0x14: {  	s2 =	sld [smem:$0x3F95];
	s0 =	simm.s32 @p1 $0x1  }
0x15: {  	[smem:$0x3FB2] =	sst s0;
	s0 =	simm.s32 @!p2 $0x0  }
0x16: {  	s3 =	sld [smem:$0x3FDB];
	s0 =	simm.s32 @p2 $0x1  }
0x17: {  	s4 =	simm.s32 $0x1BF5;
	[smem:$0x3FB4] =	sst s0  }
0x18: {  	s0 =	sld [smem:$0x3F97];
	_ =	swait.ge [sflag:s4], $0x0  }
0x19: {  	s7 =	sld [smem:$0x3F98]  }
0x1a: {  	s8 =	sadd.s32 $0xFFFFE003, lr  }
0x1b: {  	s9 =	sadd.s32 $0xFFFFFEF7, lr;
	s5 =	simm.s32 $0xFFFFFFFF;
	p2 =	slt.u32 s8, $0xFFFFF086  }
0x1c: {  	p1 =	slt.u32 s9, $0xF7A;
	s5 =	simm.s32 @!p2 $0x0  }
0x1d: {  	s5 =	simm.s32 @p1 $0x1;
	p0 =	seq.s32 s7, s2  }
0x1e: {  	s7 =	smul.u32 @!p0 $0xF7A, s2;
	p2 =	seq.s32 @!p0 s5, $0x0  }
0x1f: {  	s9 =	smul.u32 $0xF7A, s1;
	s8 =	simm.s32 @!p0 $0x1BF5;
	p2 =	por !p2, p0  }
0x20: {  	[sflag:s8] =	ssyncset.s32 @!p0 $0xFFFFF086;
	s6 =	sadd.s32 @!p0 s3, s7;
	s7 =	simm.s32 @!p0 $0x108  }
0x21: {  	s3 =	sadd.s32 s3, s9;
	s6 =	sadd.s32 @!p0 $0x88, s6;
	s7 =	simm.s32 @p2 $0x1082  }
0x22: {  	[simem:s7], [sflag:s8] =	dma.local @!p0 [hbm:s6], $0xF7A  }
0x23: {  	s9 =	sor.u32 $0xD0000000, s2;
	s6 =	simm.s32 $0x108;
	_ =	swait.ge @!p0 [sflag:s8], $0x0  }
0x24: {  	s3 =	sadd.s32 $0x88, s3;
	s6 =	simm.s32 @!p1 $0x1082;
	[sflag:s4] =	ssyncset.s32 $0xFFFFF086  }
0x25: {  	[simem:s6], [sflag:s4] =	dma.local [hbm:s3], $0xF7A  }
0x26: {  	[smem:$0x3F98] =	sst s1;
	(tag) =	ssettag s2;
	_ =	strace s9  }
0x27: {  	s1 =	sld [smem:$0x3FA8]  }
0x28: {  	s2 =	sld [smem:$0x3FA9]  }
0x29: {  	s4 =	sld [smem:$0x3FAB]  }
0x2a: {  	p0 =	seq.s32 s5, $0x0;
	s5 =	sld [smem:$0x3FAC]  }
0x2b: {  	s6 =	sld [smem:$0x3FAD]  }
0x2c: {  	s7 =	sld [smem:$0x3FAE]  }
0x2d: {  	s3 =	simm.s32 $0x108;
	s8 =	sld [smem:$0x3FAF]  }
0x2e: {  	s3 =	simm.s32 @!p0 $0x1082;
	s9 =	sld [smem:$0x3FB0]  }
0x2f: {  	lr =	sadd.s32 s0, s3;
	s0 =	sld [smem:$0x3FA7]  }
0x30: {  	s3 =	sld [smem:$0x3FAA]  }
0x31: {  	[smem:$0x3FB3] =	sst s10  }
0x32: {  	s10 =	sld [smem:$0x3FB1];
	_ =	sdelay $0x3  }
0x33: {  	p0 =	seq.s32 s10, $0x1;
	s10 =	sld [smem:$0x3FB3];
	_ =	sdelay $0x3  }
0x34: {  	[smem:$0x3FB3] =	sst s10  }
0x35: {  	s10 =	sld [smem:$0x3FB2];
	_ =	sdelay $0x3  }
0x36: {  	p1 =	seq.s32 s10, $0x1;
	s10 =	sld [smem:$0x3FB3];
	_ =	sdelay $0x3  }
0x37: {  	[smem:$0x3FB3] =	sst s10  }
0x38: {  	s10 =	sld [smem:$0x3FB4]  }
0x39: {  	_ = 	snop;
	(pc) =	sbr.ind lr, $3  }
0x3a: {  	_ = 	snop  }
0x3b: {  	_ = 	snop  }
0x3c: {  	p2 =	seq.s32 s10, $0x1;
	s10 =	sld [smem:$0x3FB3]  }
0x3d: {  	_ =	shalt  }
0x3e: {  	_ =	shalt  }
0x3f: {  	_ =	shalt  }
0x40: {  	_ =	shalt  }
0x41: {  	_ =	shalt  }
0x42: {  	_ =	shalt  }
0x43: {  	_ =	shalt  }
0x44: {  	_ =	shalt  }
0x45: {  	_ =	shalt  }
0x46: {  	_ =	shalt  }
0x47: {  	_ =	shalt  }
0x48: {  	_ =	shalt  }
0x49: {  	_ =	shalt  }
0x4a: {  	_ =	shalt  }
0x4b: {  	_ =	shalt  }
0x4c: {  	_ =	shalt  }
0x4d: {  	_ =	shalt  }
0x4e: {  	_ =	shalt  }
0x4f: {  	_ =	shalt  }
0x50: {  	_ =	shalt  }
0x51: {  	_ =	shalt  }
0x52: {  	_ =	shalt  }
0x53: {  	_ =	shalt  }
0x54: {  	_ =	shalt  }
0x55: {  	_ =	shalt  }
0x56: {  	_ =	shalt  }
0x57: {  	_ =	shalt  }
0x58: {  	_ =	shalt  }
0x59: {  	_ =	shalt  }
0x5a: {  	_ =	shalt  }
0x5b: {  	_ =	shalt  }
0x5c: {  	_ =	shalt  }
0x5d: {  	_ =	shalt  }
0x5e: {  	_ =	shalt  }
0x5f: {  	_ =	shalt  }
0x60: {  	_ =	shalt  }
0x61: {  	_ =	shalt  }
0x62: {  	_ =	shalt  }
0x63: {  	_ =	shalt  }
0x64: {  	_ =	shalt  }
0x65: {  	_ =	shalt  }
0x66: {  	_ =	shalt  }
0x67: {  	_ =	shalt  }
0x68: {  	_ =	shalt  }
0x69: {  	_ =	shalt  }
0x6a: {  	_ =	shalt  }
0x6b: {  	_ =	shalt  }
0x6c: {  	_ =	shalt  }
0x6d: {  	_ =	shalt  }
0x6e: {  	_ =	shalt  }
0x6f: {  	_ =	shalt  }
0x70: {  	_ =	shalt  }
0x71: {  	_ =	shalt  }
0x72: {  	_ =	shalt  }
0x73: {  	_ =	shalt  }
0x74: {  	_ =	shalt  }
0x75: {  	_ =	shalt  }
0x76: {  	_ =	shalt  }
0x77: {  	_ =	shalt  }
0x78: {  	_ =	shalt  }
0x79: {  	_ =	shalt  }
0x7a: {  	_ =	shalt  }
0x7b: {  	_ =	shalt  }
0x7c: {  	_ =	shalt  }
0x7d: {  	_ =	shalt  }
0x7e: {  	_ =	shalt  }
0x7f: {  	_ =	shalt  }
0x80: {  	_ =	shalt  }
0x81: {  	_ =	shalt  }
0x82: {  	_ =	shalt  }
0x83: {  	_ =	shalt  }
0x84: {  	_ =	shalt  }
0x85: {  	_ =	shalt  }
0x86: {  	_ =	shalt  }
0x87: {  	_ =	shalt  }
.Lfunc_end0:
.L_simem_size_0:
called_computation_lowered:
.L_overlay_start_0:
0x88: {  	s2 =	sld [smem:$0x3FD9]  }
0x89: {  	s3 =	sld [smem:$0x3FFE];
	_ =	sdelay $0x1  }
0x8a: {  	s1 =	srdreg.scid  }
0x8b: {  	s0 =	sand.u32 $0x1, s1  }
0x8c: {  	s14 =	sshll.u32 s0, $0xA;
	s2 =	sadd.s32 s3, s2  }
0x8d: {  	s2 =	sadd.s32 s2, s14  }
0x8e: {  	[smem:$0x3FBF] =	sst s2  }
0x8f: {  	_ = 	snop  }
0x90: {  	s2 =	sld [smem:$0x3FD0];
	_ =	sdelay $0x2  }
0x91: {  	s15 =	simm.s32 $0xA;
	s4 =	simm.s32 $0x10  }
0x92: {  	[smem:s4], [sflag:s15] =	dma.local [hbm:s2], $0x1  }
0x93: {  	_ =	swait.eq [sflag:s15], $0x1  }
0x94: {  	[sflag:s15] =	ssyncset.done $0x0  }
0x95: {  	[sflag:s15] =	ssyncadd.s32 $0xFFFFFFFF  }
0x96: {  	s16 =	sld [smem:$0x11];
	(tm) =	ssettm $0x1  }
0x97: {  	s17 =	sld [smem:$0x3FFB];
	_ =	sdelay $0x3  }
0x98: {  	_ =	strace s17  }
0x99: {  	s3 =	sld [smem:$0x3FFC];
	_ =	sdelay $0x3  }
0x9a: {  	_ =	strace s3  }
0x9b: {  	s3 =	sld [smem:$0x3FFD];
	_ =	sdelay $0x3  }
0x9c: {  	_ =	strace s3  }
0x9d: {  	_ =	strace $0x8FFFFFFF  }
0x9e: {  	s18 =	sld [smem:$0x3FDB];
	_ =	sdelay $0x1  }
0x9f: {  	s19 =	simm.s32 $_scs_section_size  }
0xa0: {  	s5 =	simm.s32 $_size__tile_overlayer_lowered;
	s6 =	simm.s32 $_tile_overlayer_lowered  }
0xa1: {  	s22 =	simm.s32 $0x1BFF;
	s21 =	sshll.u32 s6, $0x1;
	s3 =	sadd.s32 s19, s18  }
0xa2: {  	s7 =	simm.s32 $0x0;
	s20 =	sshll.u32 s5, $0x1;
	s5 =	sadd.s32 s21, s3  }
0xa3: {  	[timem:s7], [sflag:s22] =	dma.local [hbm:s5], s20  }
0xa4: {  	_ =	swait.ge [sflag:s22], s20  }
0xa5: {  	s4 =	ssub.s32 $0x0, s20;
	[sflag:s22] =	ssyncset.done $0x0  }
0xa6: {  	[sflag:s22] =	ssyncadd.s32 s4;
	_ =	sdelay $0x1  }
0xa7: {  	s23 =	simm.s32 $0x1B8B  }
0xa8: {  	_ =	swait.ge [sflag:s23], $0x1  }
0xa9: {  	[sflag:s23] =	ssyncset.done $0x0  }
0xaa: {  	s25 =	simm.s32 $0x1B8E;
	s24 =	sld [smem:$0x3FFE];
	[sflag:s23] =	ssyncadd.s32 $0xFFFFFFFF  }
0xab: {  	s26 =	simm.s32 $execute0_lowered;
	[smem:$0x3FD2] =	sst s25  }
0xac: {  	s5 =	sshll.u32 s26, $0x1;
	_ =	strace $0x80000046;
	[dreg:$0x1] =	wrdreg $0xFFFFFFFF  }
0xad: {  	s28 =	simm.s32 $_size_execute0_lowered;
	s3 =	sadd.s32 s3, s5;
	[dreg:$0x0] =	wrdreg $0x0  }
0xae: {  	s5 =	sshll.u32 s28, $0x1;
	[dreg:$0x2] =	wrdreg s3  }
0xaf: {  	[dreg:$0x3] =	wrdreg s5  }
0xb0: {  	[dreg:$0x4] =	wrdreg $0xC0  }
0xb1: {  	_ =	task [dreg:s7], $0x5FFFF  }
0xb2: {  	[dreg:$0x1] =	wrdreg $0xFFFFFFFF  }
0xb3: {  	[dreg:$0x0] =	wrdreg $0x60  }
0xb4: {  	[dreg:$0x2] =	wrdreg s16  }
0xb5: {  	[dreg:$0x3] =	wrdreg s24  }
0xb6: {  	[dreg:$0x4] =	wrdreg $0x54800  }
0xb7: {  	[dreg:$0x5] =	wrdreg $0x56F80  }
0xb8: {  	[dreg:$0x6] =	wrdreg $0x59700  }
0xb9: {  	[dreg:$0x7] =	wrdreg $0x9  }
0xba: {  	_ =	task.clear_ibuf [dreg:s7], $0x8FFFF;
	_ =	strace $0x90000046  }
0xbb: {  	s29 =	simm.s32 $0x9;
	_ =	strace $0x80000048  }
0xbc: {  	_ =	swait.ge [sflag:s29], $0x1  }
0xbd: {  	[sflag:s29] =	ssyncadd.s32 $0xFFFFFFFF  }
0xbe: {  	_ =	strace $0x90000048  }
0xbf: {  	_ =	sfence  }
0xc0: {  	s30 =	sld [smem:$0x0];
	_ =	sdelay $0x2  }
0xc1: {  	s31 =	sshll.u32 s1, $0xD;
	s1 =	sshrl.u32 s1, $0x2  }
0xc2: {  	s3 =	sand.u32 $0x4000, s31;
	s1 =	sadd.s32 s1, s30  }
0xc3: {  	s0 =	sor.u32 s3, s0;
	s1 =	sshll.u32 s1, $0x11  }
0xc4: {  	s0 =	sor.u32 s1, s0  }
0xc5: {  	s0 =	sadd.s32 $0x8F2B, s0  }
0xc6: {  	[sflag:s0] =	ssyncadd.remote.s32 $0x1  }
0xc7: {  	_ =	sfence.sel $0xFFFF  }
0xc8: {  	[dreg:$0x0] =	wrdreg $0xFFFFFFFF;
	(pc) =	sbr.abs _section_cstart, $3  }
0xc9: {  	[dreg:$0x1] =	wrdreg $0xFFFFFFFF  }
0xca: {  	_ =	task.clear_ibuf [dreg:s7], $0x2FFFF;
	_ =	strace $0x9FFFFFFF  }
0xcb: {  	(tm) =	ssettm $0x7FFFFFFF  }
tec
execute0_lowered:
.L_overlay_start_1:
0x0: {  	(tag) =	ssettag $0x1  }
0x1: {  	s10 =	rddreg [dreg:$0x0]  }
0x2: {  	s7 =	rddreg [dreg:$0x1]  }
0x3: {  	s1 =	rddreg [dreg:$0x2]  }
0x4: {  	s2 =	rddreg [dreg:$0x3]  }
0x5: {  	s3 =	rddreg [dreg:$0x4]  }
0x6: {  	s0 =	rddreg [dreg:$0x5];
	s4 =	simm.s32 $0x0;
	s8 =	srdreg.scid  }
0x7: {  	s25 =	stileid.u32;
	s21 =	simm.s32 $0x4000;
	s22 =	simm.s32 $0x1  }
0x8: {  	s23 =	simm.s32 $0x28;
	s24 =	simm.s32 $0x4080;
	[smem:$0x7FF] =	sst s4  }
0x9: {  	s5 =	sadd.s32 $0x2600, s7;
	s6 =	sadd.s32 $0x2800, s7;
	s11 =	sand.u32 $0x1, s8  }
0xa: {  	s7 =	sadd.s32 $0x2C00, s7;
	s13 =	sshll.u32 s25, $0xB;
	p0 =	sne.s32 s25, $0x0  }
0xb: {  	p1 =	seq.s32 s25, $0x0;
	p2 =	seq.s32 s25, $0x1;
	p3 =	sne.s32 s25, $0x2  }
0xc: {  	s25 =	simm.s32 $0x0;
	_ =	strace $0x80000047;
	s8 =	ssub.s32 $0x2, s11  }
0xd: {  	s12 =	sshll.u32 s11, $0xF;
	s11 =	smul.u32 $0x7530, s11;
	s9 =	sshrl.u32 s8, $0x1  }
.Ltmp0:
0xe: {  	s12 =	sor.u32 s13, s12;
	s20 =	ssub.s32 s8, s9;
	(pc) =	sbr.rel .LBB2_1-.Ltmp0, $4  }
0xf: {  	s8 =	sadd.s32 $0x1388, s1;
	s9 =	sadd.s32 $0x1388, s2;
	s10 =	sadd.s32 s10, s12  }
0x10: {  	s12 =	sadd.s32 $0x1388, s3;
	s15 =	sadd.s32 $0x4E20, s11;
	s16 =	sadd.s32 $0x61A8, s11  }
0x11: {  	s17 =	sadd.s32 $0x2710, s11;
	s18 =	sadd.s32 $0x3A98, s11;
	s19 =	sadd.s32 $0x1388, s11  }
0x12: {  	s13 =	sadd.s32 $0x10000, s10;
	s14 =	sadd.s32 $0x20000, s10;
	s20 =	smax.u32 s20, $0x1  }
.LBB2_10:
0x13: {  	s29 =	smov.u32 s2  }
0x14: {  	s30 =	smov.u32 s17;
	s26 =	smov.u32 s9;
	s28 =	smov.u32 s18  }
.LBB2_11:
0x15: {  	[tilespmem:s24], [sflag:$0x1] =	stream.linear.gather [spmem:s29], $0x1388, $0x38;
	[tilespmem:$0x5BE8] =	vst v63  }
0x16: {  	_ =	swait.ge [sflag:s22], $0x1388  }
0x17: {  	s30 =	sshrl.u32 s30, $0x3;
	[sflag:s22] =	ssyncset.done $0x0  }
0x18: {  	s29 =	sadd.s32 s7, s30;
	[sflag:s22] =	ssyncadd.s32 $0xFFFFEC78  }
0x19: {  	[hbm4b:s29+s4] =	stream.linear.scatter [tilespmem:s24], [sflag:$0x1], $0x1388, $0x38;
	[tilespmem:$0x5BE8] =	vst v63  }
0x1a: {  	_ =	swait.ge [sflag:s22], $0x1388  }
0x1b: {  	[sflag:s22] =	ssyncset.done $0x0  }
0x1c: {  	[sflag:s22] =	ssyncadd.s32 $0xFFFFEC78  }
0x1d: {  	[tilespmem:s24], [sflag:$0x1] =	stream.linear.gather [spmem:s26], $0x1388, $0x38;
	[tilespmem:$0x5BE8] =	vst v63  }
0x1e: {  	_ =	swait.ge [sflag:s22], $0x1388  }
0x1f: {  	s31 =	sshrl.u32 s28, $0x3;
	[sflag:s22] =	ssyncset.done $0x0  }
0x20: {  	s26 =	sadd.s32 s7, s31;
	[sflag:s22] =	ssyncadd.s32 $0xFFFFEC78  }
0x21: {  	[hbm4b:s26+s4] =	stream.linear.scatter [tilespmem:s24], [sflag:$0x1], $0x1388, $0x38;
	[tilespmem:$0x5BE8] =	vst v63  }
0x22: {  	_ =	swait.ge [sflag:s22], $0x1388  }
0x23: {  	[sflag:s22] =	ssyncset.done $0x0  }
0x24: {  	[sflag:s22] =	ssyncadd.s32 $0xFFFFEC78  }
.LBB2_12:
0x25: {  	s25 =	sadd.s32 $0x1, s25  }
0x26: {  	p4 =	sne.s32 s25, s20  }
.Ltmp1:
0x27: {  	_ = 	snop;
	(pc) =	sbr.rel @!p4 .LBB2_13-.Ltmp1, $1  }
0x28: {  	_ =	sdelay $0x3  }
.LBB2_1:
0x29: {  	[tilespmem:s21], [sflag:$0x1] =	stream.linear.gather [hbm4b:s5+s4], $0x80, $0x38;
	[tilespmem:$0x5BE8] =	vst v63  }
0x2a: {  	_ =	swait.ge [sflag:s22], $0x80  }
0x2b: {  	[sflag:s22] =	ssyncset.done $0x0  }
0x2c: {  	s26 =	simm.s32 @!p0 $0x0;
	s28 =	simm.s32 @!p0 $0x4080;
	[sflag:s22] =	ssyncadd.s32 $0xFFFFFF80  }
0x2d: {  	[tilespmem:s28], [sflag:$0x1] =	stream.linear.gather @!p0 [hbm4b:s6+s26], $0x1400, $0x38;
	[tilespmem:$0x5BE8] =	vst v63  }
0x2e: {  	s26 =	simm.s32 @!p0 $0x1  }
0x2f: {  	_ =	swait.ge @!p0 [sflag:s26], $0x1400  }
0x30: {  	[sflag:s26] =	ssyncset.done @!p0 $0x0  }
0x31: {  	[sflag:s26] =	ssyncadd.s32 @!p0 $0xFFFFEC00  }
0x32: {  	[spmem:s1] =	stream.linear.scatter @!p0 [tilespmem:s28], [sflag:$0x1], $0x1388, $0x38;
	[tilespmem:$0x5BE8] =	vst v63  }
0x33: {  	_ =	swait.ge @!p0 [sflag:s26], $0x1388  }
0x34: {  	[sflag:s26] =	ssyncset.done @!p0 $0x0  }
0x35: {  	[sflag:s26] =	ssyncadd.s32 @!p0 $0xFFFFEC78  }
0x36: {  	[spmem:s8] =	stream.linear.scatter @!p0 [tilespmem:s28], [sflag:$0x1], $0x1388, $0x38;
	[tilespmem:$0x5BE8] =	vst v63  }
0x37: {  	_ =	swait.ge @!p0 [sflag:s26], $0x1388  }
0x38: {  	[sflag:s26] =	ssyncset.done @!p0 $0x0  }
0x39: {  	[sflag:s26] =	ssyncadd.s32 @!p0 $0xFFFFEC78  }
0x3a: {  	[spmem:s2] =	stream.linear.scatter @!p0 [tilespmem:s28], [sflag:$0x1], $0x1388, $0x38;
	[tilespmem:$0x5BE8] =	vst v63  }
0x3b: {  	_ =	swait.ge @!p0 [sflag:s26], $0x1388  }
0x3c: {  	[sflag:s26] =	ssyncset.done @!p0 $0x0  }
0x3d: {  	[sflag:s26] =	ssyncadd.s32 @!p0 $0xFFFFEC78  }
0x3e: {  	[spmem:s9] =	stream.linear.scatter @!p0 [tilespmem:s28], [sflag:$0x1], $0x1388, $0x38;
	[tilespmem:$0x5BE8] =	vst v63  }
0x3f: {  	_ =	swait.ge @!p0 [sflag:s26], $0x1388  }
0x40: {  	[sflag:s26] =	ssyncset.done @!p0 $0x0  }
0x41: {  	[sflag:s26] =	ssyncadd.s32 @!p0 $0xFFFFEC78  }
0x42: {  	[spmem:s3] =	stream.linear.scatter @!p0 [tilespmem:s28], [sflag:$0x1], $0x1388, $0x38;
	[tilespmem:$0x5BE8] =	vst v63  }
0x43: {  	_ =	swait.ge @!p0 [sflag:s26], $0x1388  }
0x44: {  	[sflag:s26] =	ssyncset.done @!p0 $0x0  }
0x45: {  	[sflag:s26] =	ssyncadd.s32 @!p0 $0xFFFFEC78  }
0x46: {  	[spmem:s12] =	stream.linear.scatter @!p0 [tilespmem:s28], [sflag:$0x1], $0x1388, $0x38;
	[tilespmem:$0x5BE8] =	vst v63  }
0x47: {  	_ =	swait.ge @!p0 [sflag:s26], $0x1388  }
0x48: {  	[sflag:s26] =	ssyncset.done @!p0 $0x0  }
0x49: {  	[sflag:s26] =	ssyncadd.s32 @!p0 $0xFFFFEC78  }
0x4a: {  	[bflag:$0x0] =	sbarrier.arrive $0xFFFF  }
0x4b: {  	[tilespmem:s4], [sflag:$0x1] =	stream.linear.gather [hbm4b:s10+s4], $0x3E80, $0x38;
	[tilespmem:$0x5BE8] =	vst v63  }
0x4c: {  	_ =	swait.ge [sflag:s22], $0x3E80  }
0x4d: {  	[sflag:s22] =	ssyncset.done $0x0  }
0x4e: {  	s31 =	simm.s32 $0x0;
	[sflag:s22] =	ssyncadd.s32 $0xFFFFC180  }
0x4f: {  	[spmem:s1] =	stream.indirect.scatter.add.f32 [tilespmem:s21], [sflag:$0x1], $0x1, s31, s23, $0xb8;
	[tilespmem:$0x5BE8] =	vst v63  }
0x50: {  	_ =	swait.ge [sflag:s22], $0x28  }
0x51: {  	s26 =	simm.s32 $0x200;
	[sflag:s22] =	ssyncset.done $0x0  }
.LBB2_2:
0x52: {  	s28 =	sshra.s32 s26, $0x2;
	[sflag:s22] =	ssyncadd.s32 $0xFFFFFFD8;
	p4 =	sne.s32 s26, $0xF800  }
0x53: {  	[spmem:s1] =	stream.indirect.scatter.add.f32 [tilespmem:s21], [sflag:$0x1], $0x1, s28, s23, $0xb8;
	[tilespmem:$0x5BE8] =	vst v63  }
.Ltmp2:
0x54: {  	_ = 	snop;
	(pc) =	sbr.rel @p4 .LBB2_2-.Ltmp2, $4  }
0x55: {  	_ = 	snop  }
0x56: {  	s26 =	sadd.s32 $0x200, s26  }
0x57: {  	_ =	swait.ge [sflag:s22], $0x28  }
0x58: {  	[sflag:s22] =	ssyncset.done $0x0  }
0x59: {  	[sflag:s22] =	ssyncadd.s32 $0xFFFFFFD8;
	s26 =	simm.s32 $0x0  }
0x5a: {  	[tilespmem:s26], [sflag:$0x1] =	stream.linear.gather [hbm4b:s13+s26], $0x3E80, $0x38;
	[tilespmem:$0x5BE8] =	vst v63  }
0x5b: {  	_ =	swait.ge [sflag:s22], $0x3E80  }
0x5c: {  	[sflag:s22] =	ssyncset.done $0x0  }
0x5d: {  	s31 =	simm.s32 $0x0;
	[sflag:s22] =	ssyncadd.s32 $0xFFFFC180  }
0x5e: {  	[spmem:s2] =	stream.indirect.scatter.add.f32 [tilespmem:s21], [sflag:$0x1], $0x1, s31, s23, $0xb8;
	[tilespmem:$0x5BE8] =	vst v63  }
0x5f: {  	_ =	swait.ge [sflag:s22], $0x28  }
0x60: {  	s26 =	simm.s32 $0x200;
	[sflag:s22] =	ssyncset.done $0x0  }
.LBB2_4:
0x61: {  	s28 =	sshra.s32 s26, $0x2;
	[sflag:s22] =	ssyncadd.s32 $0xFFFFFFD8;
	p4 =	sne.s32 s26, $0xF800  }
0x62: {  	[spmem:s2] =	stream.indirect.scatter.add.f32 [tilespmem:s21], [sflag:$0x1], $0x1, s28, s23, $0xb8;
	[tilespmem:$0x5BE8] =	vst v63  }
.Ltmp3:
0x63: {  	_ = 	snop;
	(pc) =	sbr.rel @p4 .LBB2_4-.Ltmp3, $4  }
0x64: {  	_ = 	snop  }
0x65: {  	s26 =	sadd.s32 $0x200, s26  }
0x66: {  	_ =	swait.ge [sflag:s22], $0x28  }
0x67: {  	[sflag:s22] =	ssyncset.done $0x0  }
0x68: {  	[sflag:s22] =	ssyncadd.s32 $0xFFFFFFD8;
	s26 =	simm.s32 $0x0  }
0x69: {  	[tilespmem:s26], [sflag:$0x1] =	stream.linear.gather [hbm4b:s14+s26], $0x3E80, $0x38;
	[tilespmem:$0x5BE8] =	vst v63  }
0x6a: {  	_ =	swait.ge [sflag:s22], $0x3E80  }
0x6b: {  	[sflag:s22] =	ssyncset.done $0x0  }
0x6c: {  	s31 =	simm.s32 $0x0;
	[sflag:s22] =	ssyncadd.s32 $0xFFFFC180  }
0x6d: {  	[spmem:s3] =	stream.indirect.scatter.add.f32 [tilespmem:s21], [sflag:$0x1], $0x1, s31, s23, $0xb8;
	[tilespmem:$0x5BE8] =	vst v63  }
0x6e: {  	_ =	swait.ge [sflag:s22], $0x28  }
0x6f: {  	s26 =	simm.s32 $0x200;
	[sflag:s22] =	ssyncset.done $0x0  }
.LBB2_6:
0x70: {  	s28 =	sshra.s32 s26, $0x2;
	[sflag:s22] =	ssyncadd.s32 $0xFFFFFFD8;
	p4 =	sne.s32 s26, $0xF800  }
0x71: {  	[spmem:s3] =	stream.indirect.scatter.add.f32 [tilespmem:s21], [sflag:$0x1], $0x1, s28, s23, $0xb8;
	[tilespmem:$0x5BE8] =	vst v63  }
.Ltmp4:
0x72: {  	_ = 	snop;
	(pc) =	sbr.rel @p4 .LBB2_6-.Ltmp4, $4  }
0x73: {  	_ = 	snop  }
0x74: {  	s26 =	sadd.s32 $0x200, s26  }
0x75: {  	_ =	swait.ge [sflag:s22], $0x28  }
0x76: {  	[sflag:s22] =	ssyncset.done $0x0  }
.Ltmp5:
0x77: {  	(pc) =	sbr.rel @p1 .LBB2_11-.Ltmp5, $4  }
0x78: {  	_ = 	snop  }
0x79: {  	[sflag:s22] =	ssyncadd.s32 $0xFFFFFFD8  }
0x7a: {  	s29 =	smov.u32 s1;
	[bflag:$0x0] =	sbarrier.arrive $0xFFFF  }
0x7b: {  	s30 =	smov.u32 s11;
	s26 =	smov.u32 s8;
	s28 =	smov.u32 s19  }
.Ltmp6:
0x7c: {  	(pc) =	sbr.rel @p2 .LBB2_10-.Ltmp6, $1  }
0x7d: {  	_ =	sdelay $0x3  }
.Ltmp7:
0x7e: {  	(pc) =	sbr.rel @p3 .LBB2_12-.Ltmp7, $4  }
.Ltmp8:
0x7f: {  	(pc) =	sbr.rel @!p3 .LBB2_11-.Ltmp8, $4  }
0x80: {  	_ = 	snop  }
0x81: {  	s29 =	smov.u32 s3  }
0x82: {  	s30 =	smov.u32 s15;
	s26 =	smov.u32 s12;
	s28 =	smov.u32 s16  }
0x83: {  	_ = 	snop  }
.LBB2_13:
0x84: {  	_ =	sfence.sel $0x180000  }
0x85: {  	[bflag:$0x0] =	sbarrier.arrive $0xFFFF  }
0x86: {  	_ =	strace $0x90000047  }
0x87: {  	s0 =	sadd.s32 @!p0 $0x100000, s0;
	[bflag:$0x2] =	sbarrier.arrive $0xFFFF  }
0x88: {  	[sflag:s0] =	ssyncadd.tile.s32 @!p0 $0x1;
	_ =	shalt  }
.Lfunc_end2:
_tile_overlayer_lowered:
.L_overlay_start_2:
0x89: {  	(tag) =	ssettag $0x2  }
0x8a: {  	s0 =	rddreg [dreg:$0x0];
	s2 =	stileid.u32  }
0x8b: {  	s1 =	rddreg [dreg:$0x1];
	p0 =	sne.s32 s2, $0x0  }
0x8c: {  	s3 =	rddreg [dreg:$0x2];
	[bflag:$0x3] =	sbarrier.arrive $0xFFFF;
	s2 =	simm.s32 @!p0 $0x1C01  }
0x8d: {  	[timem:s3], [sflag:s2] =	dma.local @!p0 [hbm:s0], s1  }
0x8e: {  	s0 =	simm.s32 @!p0 $0x1  }
0x8f: {  	_ =	swait.ge @!p0 [sflag:s0], s1  }
0x90: {  	s1 =	ssub.s32 @!p0 $0x0, s1;
	[sflag:s0] =	ssyncset.done @!p0 $0x0  }
0x91: {  	[sflag:s0] =	ssyncadd.s32 @!p0 s1  }
0x92: {  	[bflag:$0x3] =	sbarrier.arrive $0xFFFF  }
0x93: {  	_ =	shalt  }

// kernel: kernel.9.cloned.1.call-start
scs
__scs_entry_jumppad:
0x0: {  	(pc) =	sbr.rel $0x88, $3  }
0x1: {  	(tag) =	ssettag $0x0;
	lr =	simm.s32 $0x1  }
0x2: {  	[smem:$0x3F98] =	sst lr;
	_ =	strace $0xD0000000  }
0x3: {  	_ = 	snop  }
0x4: {  	_ = 	snop  }
0x5: {  	_ = 	snop  }
0x6: {  	_ = 	snop  }
0x7: {  	_ = 	snop  }
__scs_overlays_trampoline_lowered:
0x8: {  	[smem:$0x3FA7] =	sst s0  }
0x9: {  	[smem:$0x3FA8] =	sst s1  }
0xa: {  	[smem:$0x3FA9] =	sst s2  }
0xb: {  	[smem:$0x3FAA] =	sst s3  }
0xc: {  	[smem:$0x3FAB] =	sst s4  }
0xd: {  	[smem:$0x3FAC] =	sst s5  }
0xe: {  	[smem:$0x3FAD] =	sst s6  }
0xf: {  	[smem:$0x3FAE] =	sst s7  }
0x10: {  	[smem:$0x3FAF] =	sst s8  }
0x11: {  	[smem:$0x3FB0] =	sst s9;
	s0 =	simm.s32 @!p0 $0x0  }
0x12: {  	s1 =	sld [smem:$0x3F96];
	s0 =	simm.s32 @p0 $0x1  }
0x13: {  	[smem:$0x3FB1] =	sst s0;
	s0 =	simm.s32 @!p1 $0x0  }
0x14: {  	s2 =	sld [smem:$0x3F95];
	s0 =	simm.s32 @p1 $0x1  }
0x15: {  	[smem:$0x3FB2] =	sst s0;
	s0 =	simm.s32 @!p2 $0x0  }
0x16: {  	s3 =	sld [smem:$0x3FDB];
	s0 =	simm.s32 @p2 $0x1  }
0x17: {  	s4 =	simm.s32 $0x1BF5;
	[smem:$0x3FB4] =	sst s0  }
0x18: {  	s0 =	sld [smem:$0x3F97];
	_ =	swait.ge [sflag:s4], $0x0  }
0x19: {  	s7 =	sld [smem:$0x3F98]  }
0x1a: {  	s8 =	sadd.s32 $0xFFFFE003, lr  }
0x1b: {  	s9 =	sadd.s32 $0xFFFFFEF7, lr;
	s5 =	simm.s32 $0xFFFFFFFF;
	p2 =	slt.u32 s8, $0xFFFFF086  }
0x1c: {  	p1 =	slt.u32 s9, $0xF7A;
	s5 =	simm.s32 @!p2 $0x0  }
0x1d: {  	s5 =	simm.s32 @p1 $0x1;
	p0 =	seq.s32 s7, s2  }
0x1e: {  	s7 =	smul.u32 @!p0 $0xF7A, s2;
	p2 =	seq.s32 @!p0 s5, $0x0  }
0x1f: {  	s9 =	smul.u32 $0xF7A, s1;
	s8 =	simm.s32 @!p0 $0x1BF5;
	p2 =	por !p2, p0  }
0x20: {  	[sflag:s8] =	ssyncset.s32 @!p0 $0xFFFFF086;
	s6 =	sadd.s32 @!p0 s3, s7;
	s7 =	simm.s32 @!p0 $0x108  }
0x21: {  	s3 =	sadd.s32 s3, s9;
	s6 =	sadd.s32 @!p0 $0x88, s6;
	s7 =	simm.s32 @p2 $0x1082  }
0x22: {  	[simem:s7], [sflag:s8] =	dma.local @!p0 [hbm:s6], $0xF7A  }
0x23: {  	s9 =	sor.u32 $0xD0000000, s2;
	s6 =	simm.s32 $0x108;
	_ =	swait.ge @!p0 [sflag:s8], $0x0  }
0x24: {  	s3 =	sadd.s32 $0x88, s3;
	s6 =	simm.s32 @!p1 $0x1082;
	[sflag:s4] =	ssyncset.s32 $0xFFFFF086  }
0x25: {  	[simem:s6], [sflag:s4] =	dma.local [hbm:s3], $0xF7A  }
0x26: {  	[smem:$0x3F98] =	sst s1;
	(tag) =	ssettag s2;
	_ =	strace s9  }
0x27: {  	s1 =	sld [smem:$0x3FA8]  }
0x28: {  	s2 =	sld [smem:$0x3FA9]  }
0x29: {  	s4 =	sld [smem:$0x3FAB]  }
0x2a: {  	p0 =	seq.s32 s5, $0x0;
	s5 =	sld [smem:$0x3FAC]  }
0x2b: {  	s6 =	sld [smem:$0x3FAD]  }
0x2c: {  	s7 =	sld [smem:$0x3FAE]  }
0x2d: {  	s3 =	simm.s32 $0x108;
	s8 =	sld [smem:$0x3FAF]  }
0x2e: {  	s3 =	simm.s32 @!p0 $0x1082;
	s9 =	sld [smem:$0x3FB0]  }
0x2f: {  	lr =	sadd.s32 s0, s3;
	s0 =	sld [smem:$0x3FA7]  }
0x30: {  	s3 =	sld [smem:$0x3FAA]  }
0x31: {  	[smem:$0x3FB3] =	sst s10  }
0x32: {  	s10 =	sld [smem:$0x3FB1];
	_ =	sdelay $0x3  }
0x33: {  	p0 =	seq.s32 s10, $0x1;
	s10 =	sld [smem:$0x3FB3];
	_ =	sdelay $0x3  }
0x34: {  	[smem:$0x3FB3] =	sst s10  }
0x35: {  	s10 =	sld [smem:$0x3FB2];
	_ =	sdelay $0x3  }
0x36: {  	p1 =	seq.s32 s10, $0x1;
	s10 =	sld [smem:$0x3FB3];
	_ =	sdelay $0x3  }
0x37: {  	[smem:$0x3FB3] =	sst s10  }
0x38: {  	s10 =	sld [smem:$0x3FB4]  }
0x39: {  	_ = 	snop;
	(pc) =	sbr.ind lr, $3  }
0x3a: {  	_ = 	snop  }
0x3b: {  	_ = 	snop  }
0x3c: {  	p2 =	seq.s32 s10, $0x1;
	s10 =	sld [smem:$0x3FB3]  }
0x3d: {  	_ =	shalt  }
0x3e: {  	_ =	shalt  }
0x3f: {  	_ =	shalt  }
0x40: {  	_ =	shalt  }
0x41: {  	_ =	shalt  }
0x42: {  	_ =	shalt  }
0x43: {  	_ =	shalt  }
0x44: {  	_ =	shalt  }
0x45: {  	_ =	shalt  }
0x46: {  	_ =	shalt  }
0x47: {  	_ =	shalt  }
0x48: {  	_ =	shalt  }
0x49: {  	_ =	shalt  }
0x4a: {  	_ =	shalt  }
0x4b: {  	_ =	shalt  }
0x4c: {  	_ =	shalt  }
0x4d: {  	_ =	shalt  }
0x4e: {  	_ =	shalt  }
0x4f: {  	_ =	shalt  }
0x50: {  	_ =	shalt  }
0x51: {  	_ =	shalt  }
0x52: {  	_ =	shalt  }
0x53: {  	_ =	shalt  }
0x54: {  	_ =	shalt  }
0x55: {  	_ =	shalt  }
0x56: {  	_ =	shalt  }
0x57: {  	_ =	shalt  }
0x58: {  	_ =	shalt  }
0x59: {  	_ =	shalt  }
0x5a: {  	_ =	shalt  }
0x5b: {  	_ =	shalt  }
0x5c: {  	_ =	shalt  }
0x5d: {  	_ =	shalt  }
0x5e: {  	_ =	shalt  }
0x5f: {  	_ =	shalt  }
0x60: {  	_ =	shalt  }
0x61: {  	_ =	shalt  }
0x62: {  	_ =	shalt  }
0x63: {  	_ =	shalt  }
0x64: {  	_ =	shalt  }
0x65: {  	_ =	shalt  }
0x66: {  	_ =	shalt  }
0x67: {  	_ =	shalt  }
0x68: {  	_ =	shalt  }
0x69: {  	_ =	shalt  }
0x6a: {  	_ =	shalt  }
0x6b: {  	_ =	shalt  }
0x6c: {  	_ =	shalt  }
0x6d: {  	_ =	shalt  }
0x6e: {  	_ =	shalt  }
0x6f: {  	_ =	shalt  }
0x70: {  	_ =	shalt  }
0x71: {  	_ =	shalt  }
0x72: {  	_ =	shalt  }
0x73: {  	_ =	shalt  }
0x74: {  	_ =	shalt  }
0x75: {  	_ =	shalt  }
0x76: {  	_ =	shalt  }
0x77: {  	_ =	shalt  }
0x78: {  	_ =	shalt  }
0x79: {  	_ =	shalt  }
0x7a: {  	_ =	shalt  }
0x7b: {  	_ =	shalt  }
0x7c: {  	_ =	shalt  }
0x7d: {  	_ =	shalt  }
0x7e: {  	_ =	shalt  }
0x7f: {  	_ =	shalt  }
0x80: {  	_ =	shalt  }
0x81: {  	_ =	shalt  }
0x82: {  	_ =	shalt  }
0x83: {  	_ =	shalt  }
0x84: {  	_ =	shalt  }
0x85: {  	_ =	shalt  }
0x86: {  	_ =	shalt  }
0x87: {  	_ =	shalt  }
.Lfunc_end0:
.L_simem_size_0:
called_computation.1_lowered:
.L_overlay_start_0:
0x88: {  	s2 =	sld [smem:$0x3FD9]  }
0x89: {  	s3 =	sld [smem:$0x3FFE];
	_ =	sdelay $0x1  }
0x8a: {  	s1 =	srdreg.scid  }
0x8b: {  	s0 =	sand.u32 $0x1, s1  }
0x8c: {  	s14 =	sshll.u32 s0, $0xA;
	s2 =	sadd.s32 s3, s2  }
0x8d: {  	s2 =	sadd.s32 s2, s14  }
0x8e: {  	[smem:$0x3FBF] =	sst s2  }
0x8f: {  	_ = 	snop  }
0x90: {  	s2 =	sld [smem:$0x3FD0];
	_ =	sdelay $0x2  }
0x91: {  	s15 =	simm.s32 $0xA;
	s4 =	simm.s32 $0x10  }
0x92: {  	[smem:s4], [sflag:s15] =	dma.local [hbm:s2], $0x1  }
0x93: {  	_ =	swait.eq [sflag:s15], $0x1  }
0x94: {  	[sflag:s15] =	ssyncset.done $0x0  }
0x95: {  	s16 =	sld [smem:$0x10];
	[sflag:s15] =	ssyncadd.s32 $0xFFFFFFFF  }
0x96: {  	s17 =	sld [smem:$0x11];
	(tm) =	ssettm $0x1  }
0x97: {  	s18 =	sld [smem:$0x3FFB];
	_ =	sdelay $0x3  }
0x98: {  	_ =	strace s18  }
0x99: {  	s4 =	sld [smem:$0x3FFC];
	_ =	sdelay $0x3  }
0x9a: {  	_ =	strace s4  }
0x9b: {  	s4 =	sld [smem:$0x3FFD];
	_ =	sdelay $0x3  }
0x9c: {  	_ =	strace s4  }
0x9d: {  	_ =	strace $0x8FFFFFFF  }
0x9e: {  	s19 =	sld [smem:$0x3FDB];
	_ =	sdelay $0x1  }
0x9f: {  	s5 =	simm.s32 $_scs_section_size  }
0xa0: {  	s6 =	simm.s32 $_size__tile_overlayer_lowered;
	s7 =	simm.s32 $_tile_overlayer_lowered  }
0xa1: {  	s22 =	simm.s32 $0x1BFF;
	s21 =	sshll.u32 s7, $0x1;
	s4 =	sadd.s32 s5, s19  }
0xa2: {  	s8 =	simm.s32 $0x0;
	s20 =	sshll.u32 s6, $0x1;
	s6 =	sadd.s32 s21, s4  }
0xa3: {  	[timem:s8], [sflag:s22] =	dma.local [hbm:s6], s20  }
0xa4: {  	_ =	swait.ge [sflag:s22], s20  }
0xa5: {  	s5 =	ssub.s32 $0x0, s20;
	[sflag:s22] =	ssyncset.done $0x0  }
0xa6: {  	[sflag:s22] =	ssyncadd.s32 s5;
	_ =	sdelay $0x1  }
0xa7: {  	s23 =	simm.s32 $0x1B8B  }
0xa8: {  	_ =	swait.ge [sflag:s23], $0x1  }
0xa9: {  	[sflag:s23] =	ssyncset.done $0x0  }
0xaa: {  	s25 =	simm.s32 $0x1B8E;
	s24 =	sld [smem:$0x3FFE];
	[sflag:s23] =	ssyncadd.s32 $0xFFFFFFFF  }
0xab: {  	s26 =	simm.s32 $execute0_lowered;
	[smem:$0x3FD2] =	sst s25  }
0xac: {  	s6 =	sshll.u32 s26, $0x1;
	_ =	strace $0x80000049;
	[dreg:$0x1] =	wrdreg $0xFFFFFFFF  }
0xad: {  	s28 =	simm.s32 $_size_execute0_lowered;
	s4 =	sadd.s32 s4, s6;
	[dreg:$0x0] =	wrdreg $0x0  }
0xae: {  	s6 =	sshll.u32 s28, $0x1;
	[dreg:$0x2] =	wrdreg s4  }
0xaf: {  	[dreg:$0x3] =	wrdreg s6  }
0xb0: {  	[dreg:$0x4] =	wrdreg $0xC0  }
0xb1: {  	_ =	task [dreg:s8], $0x5FFFF  }
0xb2: {  	[dreg:$0x1] =	wrdreg $0xFFFFFFFF  }
0xb3: {  	[dreg:$0x0] =	wrdreg $0x60  }
0xb4: {  	[dreg:$0x2] =	wrdreg s24  }
0xb5: {  	[dreg:$0x3] =	wrdreg s16  }
0xb6: {  	[dreg:$0x4] =	wrdreg s17  }
0xb7: {  	[dreg:$0x5] =	wrdreg $0xB8000  }
0xb8: {  	[dreg:$0x6] =	wrdreg $0x9  }
0xb9: {  	_ =	task.clear_ibuf [dreg:s8], $0x7FFFF;
	_ =	strace $0x90000049  }
0xba: {  	s29 =	simm.s32 $0x9;
	_ =	strace $0x8000004B  }
0xbb: {  	_ =	swait.ge [sflag:s29], $0x1  }
0xbc: {  	[sflag:s29] =	ssyncadd.s32 $0xFFFFFFFF  }
0xbd: {  	_ =	strace $0x9000004B  }
0xbe: {  	_ =	sfence  }
0xbf: {  	s30 =	sld [smem:$0x0];
	_ =	sdelay $0x2  }
0xc0: {  	s31 =	sshll.u32 s1, $0xD;
	s1 =	sshrl.u32 s1, $0x2  }
0xc1: {  	s3 =	sand.u32 $0x4000, s31;
	s1 =	sadd.s32 s1, s30  }
0xc2: {  	s0 =	sor.u32 s3, s0;
	s1 =	sshll.u32 s1, $0x11  }
0xc3: {  	s0 =	sor.u32 s1, s0  }
0xc4: {  	s0 =	sadd.s32 $0x8F2B, s0  }
0xc5: {  	[sflag:s0] =	ssyncadd.remote.s32 $0x1  }
0xc6: {  	_ =	sfence.sel $0xFFFF  }
0xc7: {  	[dreg:$0x0] =	wrdreg $0xFFFFFFFF;
	(pc) =	sbr.abs _section_cstart, $3  }
0xc8: {  	[dreg:$0x1] =	wrdreg $0xFFFFFFFF  }
0xc9: {  	_ =	task.clear_ibuf [dreg:s8], $0x2FFFF;
	_ =	strace $0x9FFFFFFF  }
0xca: {  	(tm) =	ssettm $0x7FFFFFFF  }
0xcb: {  	_ =	shalt  }
tec
execute0_lowered:
.L_overlay_start_1:
0x0: {  	(tag) =	ssettag $0x1  }
0x1: {  	s3 =	rddreg [dreg:$0x0]  }
0x2: {  	s4 =	rddreg [dreg:$0x1]  }
0x3: {  	s2 =	rddreg [dreg:$0x3]  }
0x4: {  	s1 =	simm.s32 $0x0;
	s0 =	srdreg.scid;
	s13 =	stileid.u32  }
0x5: {  	[smem:$0x7FF] =	sst s1;
	s23 =	sand.u32 $0x1, s0;
	s7 =	smul.u32 $0x2800, s13  }
0x6: {  	s5 =	sadd.s32 $0x4A00, s3;
	s24 =	smul.u32 $0x270, s13;
	s6 =	ssub.s32 $0x2, s23  }
0x7: {  	s8 =	sadd.s32 $0x173400, s3;
	s0 =	smul.u32 $0x2710, s23;
	s9 =	sshrl.u32 s6, $0x1  }
0x8: {  	s1 =	smul.u32 $0x138800, s23;
	s7 =	sshrl.u32 s7, $0x3;
	s6 =	ssub.s32 s6, s9  }
0x9: {  	s10 =	sadd.s32 s4, s7;
	s25 =	sadd.s32 $0x280, s7;
	s11 =	sadd.s32 s5, s7  }
0xa: {  	s12 =	sadd.s32 s24, s0;
	s1 =	sshrl.u32 s1, $0x3;
	[dreg:$0x5] =	wrdreg s10  }
0xb: {  	s16 =	sadd.s32 $0x5000, s7;
	[dreg:$0x6] =	wrdreg s11;
	s26 =	sadd.s32 s4, s25  }
0xc: {  	s17 =	sadd.s32 $0x5280, s7;
	s10 =	sadd.s32 s5, s25;
	[dreg:$0x7] =	wrdreg s26  }
0xd: {  	s14 =	sshll.u32 s12, $0x4;
	s12 =	sadd.s32 s4, s16;
	[dreg:$0x8] =	wrdreg s10  }
0xe: {  	s20 =	sadd.s32 $0xA000, s7;
	s11 =	sadd.s32 s5, s16;
	[dreg:$0xa] =	wrdreg s12  }
0xf: {  	s7 =	sadd.s32 $0xA280, s7;
	s18 =	sadd.s32 s4, s17;
	[dreg:$0xb] =	wrdreg s11  }
0x10: {  	s15 =	sadd.s32 s8, s1;
	s21 =	sadd.s32 s5, s7;
	[dreg:$0xc] =	wrdreg s18  }
0x11: {  	s1 =	sadd.s32 $0x4E20, s0;
	s10 =	sadd.s32 s8, s14;
	[dreg:$0x11] =	wrdreg s21  }
0x12: {  	s19 =	sadd.s32 s24, s1;
	s12 =	sadd.s32 s5, s17;
	[dreg:$0x9] =	wrdreg s10  }
0x13: {  	s14 =	sadd.s32 s4, s20;
	s4 =	sadd.s32 s4, s7;
	[dreg:$0xd] =	wrdreg s12  }
0x14: {  	s11 =	sshll.u32 s19, $0x4;
	[dreg:$0x10] =	wrdreg s4;
	s4 =	sadd.s32 $0x9C40, s0  }
0x15: {  	[dreg:$0xe] =	wrdreg s14;
	s12 =	sadd.s32 s5, s20;
	s23 =	sadd.s32 s24, s4  }
0x16: {  	[dreg:$0xf] =	wrdreg s12;
	s22 =	sadd.s32 s8, s11;
	s5 =	sshll.u32 s23, $0x4  }
0x17: {  	s25 =	smul.u32 $0x4E000, s13;
	[dreg:$0x12] =	wrdreg s22;
	s5 =	sadd.s32 s8, s5  }
0x18: {  	s7 =	sadd.s32 $0x24900, s15;
	s24 =	smul.u32 $0x4E200, s13;
	[dreg:$0x13] =	wrdreg s5  }
0x19: {  	s8 =	sadd.s32 $0x72B00, s15;
	_ =	strace $0x8000004A;
	[dreg:$0x15] =	wrdreg s7  }
0x1a: {  	s9 =	sadd.s32 $0xC0D00, s15;
	s26 =	sshrl.u32 s24, $0x2;
	[dreg:$0x16] =	wrdreg s8  }
0x1b: {  	s10 =	smax.u32 s6, $0x1;
	s21 =	sadd.s32 s26, s2;
	[dreg:$0x17] =	wrdreg s9  }
0x1c: {  	s5 =	sshrl.u32 s25, $0x2;
	s26 =	sadd.s32 $0x124800, s2;
	[dreg:$0x18] =	wrdreg s10  }
0x1d: {  	s20 =	sadd.s32 $0x88E00, s3;
	s3 =	sadd.s32 s5, s2;
	[smem:$0x7FD] =	sst s26  }
0x1e: {  	s11 =	sadd.s32 $0xC80, s21;
	[dreg:$0x14] =	wrdreg s3  }
0x1f: {  	s12 =	sadd.s32 $0x1900, s21;
	[dreg:$0x19] =	wrdreg s11  }
0x20: {  	p0 =	seq.s32 s13, $0xF;
	s13 =	sadd.s32 $0x2580, s21;
	[dreg:$0x1a] =	wrdreg s12  }
0x21: {  	s14 =	sadd.s32 $0x3200, s21;
	[dreg:$0x1b] =	wrdreg s13  }
0x22: {  	s15 =	sadd.s32 $0x3E80, s21;
	[dreg:$0x1c] =	wrdreg s14  }
0x23: {  	s28 =	simm.s32 $0x2800;
	s16 =	sadd.s32 $0x4B00, s21;
	[dreg:$0x1d] =	wrdreg s15  }
0x24: {  	s29 =	simm.s32 $0x6800;
	s17 =	sadd.s32 $0x5780, s21;
	[dreg:$0x1e] =	wrdreg s16  }
0x25: {  	s30 =	simm.s32 $0x1;
	s18 =	sadd.s32 $0x6400, s21;
	[dreg:$0x1f] =	wrdreg s17  }
0x26: {  	s31 =	simm.s32 $0x2;
	s19 =	sadd.s32 $0x7080, s21;
	[smem:$0x7F7] =	sst s18  }
0x27: {  	v1 =	vmov s1;
	s1 =	simm.s32 $0x0;
	s22 =	sadd.s32 $0x7D00, s21;
	[smem:$0x7F8] =	sst s19  }
0x28: {  	v0 =	vmov s0;
	s0 =	simm.s32 $0x2780;
	s23 =	sadd.s32 $0x8980, s21;
	[smem:$0x7F9] =	sst s22  }
0x29: {  	s24 =	sadd.s32 $0x9600, s21;
	s25 =	sadd.s32 $0xA280, s21;
	[smem:$0x7FA] =	sst s23  }
0x2a: {  	s10 =	sadd.s32 $0xAF00, s21;
	s26 =	simm.s32 $0x3;
	[smem:$0x7FB] =	sst s24  }
0x2b: {  	[smem:$0x7FC] =	sst s25;
	s11 =	sadd.s32 $0xBB80, s21;
	s12 =	sadd.s32 $0xC800, s21  }
0x2c: {  	s13 =	sadd.s32 $0xD480, s21;
	s14 =	sadd.s32 $0xE100, s21;
	s15 =	sadd.s32 $0xED80, s21  }
0x2d: {  	s17 =	sadd.s32 $0xFA00, s21;
	s18 =	sadd.s32 $0x10680, s21;
	s19 =	sadd.s32 $0x11300, s21  }
0x2e: {  	s22 =	sadd.s32 $0x11F80, s21;
	s23 =	sadd.s32 $0x12C00, s21;
	s25 =	simm.s32 $0xA800  }
0x2f: {  	v2 =	vmov s4;
	s24 =	simm.s32 $0x1400;
	s3 =	simm.s32 $0x80;
	s16 =	simm.s32 $0x2700  }
.LBB2_1:
0x30: {  	s4 =	rddreg [dreg:$0x2];
	s5 =	simm.s32 $0x0  }
0x31: {  	[tilespmem:s25], [sflag:$0x3] =	stream.linear.gather [hbm4b:s4+s5], $0xC80, $0x38;
	[tilespmem:$0x1F100] =	vst v63  }
0x32: {  	_ =	swait.ge [sflag:s26], $0xC80  }
0x33: {  	[sflag:s26] =	ssyncset.done $0x0  }
0x34: {  	[sflag:s26] =	ssyncadd.s32 $0xFFFFF380  }
0x35: {  	[spmem:s21] =	stream.linear.scatter [tilespmem:s25], [sflag:$0x3], $0xC80, $0x38;
	[tilespmem:$0x1F100] =	vst v63  }
0x36: {  	_ =	swait.ge [sflag:s26], $0xC80  }
0x37: {  	[sflag:s26] =	ssyncset.done $0x0  }
0x38: {  	s7 =	rddreg [dreg:$0x19];
	[sflag:s26] =	ssyncadd.s32 $0xFFFFF380  }
0x39: {  	[spmem:s7] =	stream.linear.scatter [tilespmem:s25], [sflag:$0x3], $0xC80, $0x38;
	[tilespmem:$0x1F100] =	vst v63  }
0x3a: {  	_ =	swait.ge [sflag:s26], $0xC80  }
0x3b: {  	[sflag:s26] =	ssyncset.done $0x0  }
0x3c: {  	s8 =	rddreg [dreg:$0x1a];
	[sflag:s26] =	ssyncadd.s32 $0xFFFFF380  }
0x3d: {  	[spmem:s8] =	stream.linear.scatter [tilespmem:s25], [sflag:$0x3], $0xC80, $0x38;
	[tilespmem:$0x1F100] =	vst v63  }
0x3e: {  	_ =	swait.ge [sflag:s26], $0xC80  }
0x3f: {  	[sflag:s26] =	ssyncset.done $0x0  }
0x40: {  	s9 =	rddreg [dreg:$0x1b];
	[sflag:s26] =	ssyncadd.s32 $0xFFFFF380  }
0x41: {  	[spmem:s9] =	stream.linear.scatter [tilespmem:s25], [sflag:$0x3], $0xC80, $0x38;
	[tilespmem:$0x1F100] =	vst v63  }
0x42: {  	_ =	swait.ge [sflag:s26], $0xC80  }
0x43: {  	[sflag:s26] =	ssyncset.done $0x0  }
0x44: {  	s6 =	rddreg [dreg:$0x1c];
	[sflag:s26] =	ssyncadd.s32 $0xFFFFF380  }
0x45: {  	[spmem:s6] =	stream.linear.scatter [tilespmem:s25], [sflag:$0x3], $0xC80, $0x38;
	[tilespmem:$0x1F100] =	vst v63  }
0x46: {  	_ =	swait.ge [sflag:s26], $0xC80  }
0x47: {  	[sflag:s26] =	ssyncset.done $0x0  }
0x48: {  	s7 =	rddreg [dreg:$0x1d];
	[sflag:s26] =	ssyncadd.s32 $0xFFFFF380  }
0x49: {  	[spmem:s7] =	stream.linear.scatter [tilespmem:s25], [sflag:$0x3], $0xC80, $0x38;
	[tilespmem:$0x1F100] =	vst v63  }
0x4a: {  	_ =	swait.ge [sflag:s26], $0xC80  }
0x4b: {  	[sflag:s26] =	ssyncset.done $0x0  }
0x4c: {  	s8 =	rddreg [dreg:$0x1e];
	[sflag:s26] =	ssyncadd.s32 $0xFFFFF380  }
0x4d: {  	[spmem:s8] =	stream.linear.scatter [tilespmem:s25], [sflag:$0x3], $0xC80, $0x38;
	[tilespmem:$0x1F100] =	vst v63  }
0x4e: {  	_ =	swait.ge [sflag:s26], $0xC80  }
0x4f: {  	[sflag:s26] =	ssyncset.done $0x0  }
0x50: {  	s9 =	rddreg [dreg:$0x1f];
	[sflag:s26] =	ssyncadd.s32 $0xFFFFF380  }
0x51: {  	[spmem:s9] =	stream.linear.scatter [tilespmem:s25], [sflag:$0x3], $0xC80, $0x38;
	[tilespmem:$0x1F100] =	vst v63  }
0x52: {  	_ =	swait.ge [sflag:s26], $0xC80  }
0x53: {  	s6 =	sld [smem:$0x7F7]  }
0x54: {  	[sflag:s26] =	ssyncset.done $0x0  }
0x55: {  	[sflag:s26] =	ssyncadd.s32 $0xFFFFF380  }
0x56: {  	[spmem:s6] =	stream.linear.scatter [tilespmem:s25], [sflag:$0x3], $0xC80, $0x38;
	[tilespmem:$0x1F100] =	vst v63  }
0x57: {  	_ =	swait.ge [sflag:s26], $0xC80  }
0x58: {  	s7 =	sld [smem:$0x7F8]  }
0x59: {  	[sflag:s26] =	ssyncset.done $0x0  }
0x5a: {  	[sflag:s26] =	ssyncadd.s32 $0xFFFFF380  }
0x5b: {  	[spmem:s7] =	stream.linear.scatter [tilespmem:s25], [sflag:$0x3], $0xC80, $0x38;
	[tilespmem:$0x1F100] =	vst v63  }
0x5c: {  	_ =	swait.ge [sflag:s26], $0xC80  }
0x5d: {  	s8 =	sld [smem:$0x7F9]  }
0x5e: {  	[sflag:s26] =	ssyncset.done $0x0  }
0x5f: {  	[sflag:s26] =	ssyncadd.s32 $0xFFFFF380  }
0x60: {  	[spmem:s8] =	stream.linear.scatter [tilespmem:s25], [sflag:$0x3], $0xC80, $0x38;
	[tilespmem:$0x1F100] =	vst v63  }
0x61: {  	_ =	swait.ge [sflag:s26], $0xC80  }
0x62: {  	s9 =	sld [smem:$0x7FA]  }
0x63: {  	[sflag:s26] =	ssyncset.done $0x0  }
0x64: {  	[sflag:s26] =	ssyncadd.s32 $0xFFFFF380  }
0x65: {  	[spmem:s9] =	stream.linear.scatter [tilespmem:s25], [sflag:$0x3], $0xC80, $0x38;
	[tilespmem:$0x1F100] =	vst v63  }
0x66: {  	_ =	swait.ge [sflag:s26], $0xC80  }
0x67: {  	s6 =	sld [smem:$0x7FB]  }
0x68: {  	[sflag:s26] =	ssyncset.done $0x0  }
0x69: {  	[sflag:s26] =	ssyncadd.s32 $0xFFFFF380  }
0x6a: {  	[spmem:s6] =	stream.linear.scatter [tilespmem:s25], [sflag:$0x3], $0xC80, $0x38;
	[tilespmem:$0x1F100] =	vst v63  }
0x6b: {  	_ =	swait.ge [sflag:s26], $0xC80  }
0x6c: {  	s7 =	sld [smem:$0x7FC]  }
0x6d: {  	[sflag:s26] =	ssyncset.done $0x0  }
0x6e: {  	[sflag:s26] =	ssyncadd.s32 $0xFFFFF380  }
0x6f: {  	[spmem:s7] =	stream.linear.scatter [tilespmem:s25], [sflag:$0x3], $0xC80, $0x38;
	[tilespmem:$0x1F100] =	vst v63  }
0x70: {  	_ =	swait.ge [sflag:s26], $0xC80  }
0x71: {  	[sflag:s26] =	ssyncset.done $0x0  }
0x72: {  	[sflag:s26] =	ssyncadd.s32 $0xFFFFF380  }
0x73: {  	[spmem:s10] =	stream.linear.scatter [tilespmem:s25], [sflag:$0x3], $0xC80, $0x38;
	[tilespmem:$0x1F100] =	vst v63  }
0x74: {  	_ =	swait.ge [sflag:s26], $0xC80  }
0x75: {  	[sflag:s26] =	ssyncset.done $0x0  }
0x76: {  	[sflag:s26] =	ssyncadd.s32 $0xFFFFF380  }
0x77: {  	[spmem:s11] =	stream.linear.scatter [tilespmem:s25], [sflag:$0x3], $0xC80, $0x38;
	[tilespmem:$0x1F100] =	vst v63  }
0x78: {  	_ =	swait.ge [sflag:s26], $0xC80  }
0x79: {  	[sflag:s26] =	ssyncset.done $0x0  }
0x7a: {  	[sflag:s26] =	ssyncadd.s32 $0xFFFFF380  }
0x7b: {  	[spmem:s12] =	stream.linear.scatter [tilespmem:s25], [sflag:$0x3], $0xC80, $0x38;
	[tilespmem:$0x1F100] =	vst v63  }
0x7c: {  	_ =	swait.ge [sflag:s26], $0xC80  }
0x7d: {  	[sflag:s26] =	ssyncset.done $0x0  }
0x7e: {  	[sflag:s26] =	ssyncadd.s32 $0xFFFFF380  }
0x7f: {  	[spmem:s13] =	stream.linear.scatter [tilespmem:s25], [sflag:$0x3], $0xC80, $0x38;
	[tilespmem:$0x1F100] =	vst v63  }
0x80: {  	_ =	swait.ge [sflag:s26], $0xC80  }
0x81: {  	[sflag:s26] =	ssyncset.done $0x0  }
0x82: {  	[sflag:s26] =	ssyncadd.s32 $0xFFFFF380  }
0x83: {  	[spmem:s14] =	stream.linear.scatter [tilespmem:s25], [sflag:$0x3], $0xC80, $0x38;
	[tilespmem:$0x1F100] =	vst v63  }
0x84: {  	_ =	swait.ge [sflag:s26], $0xC80  }
0x85: {  	[sflag:s26] =	ssyncset.done $0x0  }
0x86: {  	[sflag:s26] =	ssyncadd.s32 $0xFFFFF380  }
0x87: {  	[spmem:s15] =	stream.linear.scatter [tilespmem:s25], [sflag:$0x3], $0xC80, $0x38;
	[tilespmem:$0x1F100] =	vst v63  }
0x88: {  	_ =	swait.ge [sflag:s26], $0xC80  }
0x89: {  	[sflag:s26] =	ssyncset.done $0x0  }
0x8a: {  	[sflag:s26] =	ssyncadd.s32 $0xFFFFF380  }
0x8b: {  	[spmem:s17] =	stream.linear.scatter [tilespmem:s25], [sflag:$0x3], $0xC80, $0x38;
	[tilespmem:$0x1F100] =	vst v63  }
0x8c: {  	_ =	swait.ge [sflag:s26], $0xC80  }
0x8d: {  	[sflag:s26] =	ssyncset.done $0x0  }
0x8e: {  	[sflag:s26] =	ssyncadd.s32 $0xFFFFF380  }
0x8f: {  	[spmem:s18] =	stream.linear.scatter [tilespmem:s25], [sflag:$0x3], $0xC80, $0x38;
	[tilespmem:$0x1F100] =	vst v63  }
0x90: {  	_ =	swait.ge [sflag:s26], $0xC80  }
0x91: {  	[sflag:s26] =	ssyncset.done $0x0  }
0x92: {  	[sflag:s26] =	ssyncadd.s32 $0xFFFFF380  }
0x93: {  	[spmem:s19] =	stream.linear.scatter [tilespmem:s25], [sflag:$0x3], $0xC80, $0x38;
	[tilespmem:$0x1F100] =	vst v63  }
0x94: {  	_ =	swait.ge [sflag:s26], $0xC80  }
0x95: {  	[sflag:s26] =	ssyncset.done $0x0  }
0x96: {  	[sflag:s26] =	ssyncadd.s32 $0xFFFFF380  }
0x97: {  	[spmem:s22] =	stream.linear.scatter [tilespmem:s25], [sflag:$0x3], $0xC80, $0x38;
	[tilespmem:$0x1F100] =	vst v63  }
0x98: {  	_ =	swait.ge [sflag:s26], $0xC80  }
0x99: {  	[sflag:s26] =	ssyncset.done $0x0  }
0x9a: {  	[sflag:s26] =	ssyncadd.s32 $0xFFFFF380  }
0x9b: {  	[spmem:s23] =	stream.linear.scatter [tilespmem:s25], [sflag:$0x3], $0xC80, $0x38;
	[tilespmem:$0x1F100] =	vst v63  }
0x9c: {  	_ =	swait.ge [sflag:s26], $0xC80  }
0x9d: {  	[sflag:s26] =	ssyncset.done $0x0  }
0x9e: {  	[sflag:s26] =	ssyncadd.s32 $0xFFFFF380  }
0x9f: {  	[bflag:$0x0] =	sbarrier.arrive $0xFFFF  }
0xa0: {  	s8 =	rddreg [dreg:$0x5]  }
0xa1: {  	[tilespmem:s5], [sflag:$0x3] =	stream.linear.gather [hbm4b:s8+s5], $0x1400, $0x38;
	[tilespmem:$0x1F100] =	vst v63  }
0xa2: {  	_ =	swait.ge [sflag:s26], $0x1400  }
0xa3: {  	[sflag:s26] =	ssyncset.done $0x0  }
0xa4: {  	s9 =	rddreg [dreg:$0x6];
	[sflag:s26] =	ssyncadd.s32 $0xFFFFEC00  }
0xa5: {  	[tilespmem:s24], [sflag:$0x3] =	stream.linear.gather [hbm4b:s9+s5], $0x1400, $0x38;
	[tilespmem:$0x1F100] =	vst v63  }
0xa6: {  	_ =	swait.ge [sflag:s26], $0x1400  }
0xa7: {  	[sflag:s26] =	ssyncset.done $0x0  }
0xa8: {  	s4 =	simm.s32 $0x0;
	[sflag:s26] =	ssyncadd.s32 $0xFFFFEC00  }
0xa9: {  	v5 =	vld [tilespmem:s4+$0x0]  }
0xaa: {  	v7 =	vld [tilespmem:s4+$0x10]  }
0xab: {  	v6 =	vld [tilespmem:s4+$0x20]  }
0xac: {  	v4 =	vld [tilespmem:s4+$0x30]  }
0xad: {  	v3 =	vld [tilespmem:s4+$0x40]  }
0xae: {  	v8 =	vadd.s32 v0, v5;
	v5 =	vld [tilespmem:s4+$0x50]  }
0xaf: {  	s5 =	simm.s32 $0x200;
	[tilespmem:s4+$0x0] =	vst v8;
	v8 =	vadd.s32 v0, v7;
	v7 =	vld [tilespmem:s4+$0x60]  }
.LBB2_2:
0xb0: {  	s6 =	sshra.s32 s5, $0x2;
	p1 =	sne.s32 s5, $0x4E00;
	[tilespmem:s4+$0x10] =	vst v8;
	v6 =	vadd.s32 v0, v6;
	v8 =	vld [tilespmem:s4+$0x70]  }
0xb1: {  	v9 =	vld [tilespmem:s6+$0x0];
	[tilespmem:s4+$0x20] =	vst v6;
	v4 =	vadd.s32 v0, v4  }
0xb2: {  	v10 =	vld [tilespmem:s6+$0x10];
	[tilespmem:s4+$0x30] =	vst v4;
	v3 =	vadd.s32 v0, v3  }
.Ltmp0:
0xb3: {  	v6 =	vld [tilespmem:s6+$0x20];
	[tilespmem:s4+$0x40] =	vst v3;
	v3 =	vadd.s32 v0, v5;
	(pc) =	sbr.rel @p1 .LBB2_2-.Ltmp0, $4  }
0xb4: {  	v4 =	vld [tilespmem:s6+$0x30];
	[tilespmem:s4+$0x50] =	vst v3;
	v5 =	vadd.s32 v0, v7  }
0xb5: {  	v3 =	vld [tilespmem:s6+$0x40];
	[tilespmem:s4+$0x60] =	vst v5;
	v7 =	vadd.s32 v0, v8  }
0xb6: {  	v8 =	vadd.s32 v0, v9;
	v5 =	vld [tilespmem:s6+$0x50];
	[tilespmem:s4+$0x70] =	vst v7;
	s4 =	smov.u32 s6  }
0xb7: {  	s5 =	sadd.s32 $0x200, s5;
	[tilespmem:s4+$0x0] =	vst v8;
	v8 =	vadd.s32 v0, v10;
	v7 =	vld [tilespmem:s4+$0x60]  }
0xb8: {  	[tilespmem:s4+$0x10] =	vst v8;
	v6 =	vadd.s32 v0, v6;
	v63 =	vld [tilespmem:s4+$0x70]  }
0xb9: {  	[tilespmem:s4+$0x20] =	vst v6;
	v4 =	vadd.s32 v0, v4  }
0xba: {  	[tilespmem:s4+$0x30] =	vst v4;
	v3 =	vadd.s32 v0, v3  }
0xbb: {  	[tilespmem:s4+$0x40] =	vst v3;
	v3 =	vadd.s32 v0, v5  }
0xbc: {  	[tilespmem:s4+$0x50] =	vst v3;
	v3 =	vadd.s32 v0, v7  }
0xbd: {  	[tilespmem:s4+$0x60] =	vst v3;
	v3 =	vadd.s32 v0, v63  }
0xbe: {  	s6 =	simm.s32 $0x0;
	[tilespmem:s4+$0x70] =	vst v3  }
0xbf: {  	[tilespmem:s28], [sflag:$0x1] =	stream.indirect.gather [hbm4b:s20+s3], $0x80, s6, s3, $0xb8;
	[tilespmem:$0x1F100] =	vst v63  }
0xc0: {  	_ = 	snop  }
0xc1: {  	[tilespmem:s29], [sflag:$0x2] =	stream.indirect.gather [hbm4b:s20+s3], $0x80, s3, s3, $0xb8;
	[tilespmem:$0x1F100] =	vst v63  }
0xc2: {  	_ =	swait.ge [sflag:s30], $0x4000  }
0xc3: {  	[sflag:s30] =	ssyncset.done $0x0  }
0xc4: {  	s7 =	simm.s32 $0x1400;
	[sflag:s30] =	ssyncadd.s32 $0xFFFFC000  }
0xc5: {  	[spmem:s2] =	stream.indirect.scatter.add.f32 [tilespmem:s28], [sflag:$0x3], $0x80, s7, s3, $0xb8;
	[tilespmem:$0x1F100] =	vst v63  }
0xc6: {  	_ =	swait.ge [sflag:s26], $0x4000  }
0xc7: {  	[sflag:s26] =	ssyncset.done $0x0  }
0xc8: {  	s8 =	simm.s32 $0x100;
	[sflag:s26] =	ssyncadd.s32 $0xFFFFC000  }
0xc9: {  	[tilespmem:s28], [sflag:$0x1] =	stream.indirect.gather [hbm4b:s20+s3], $0x80, s8, s3, $0xb8;
	[tilespmem:$0x1F100] =	vst v63  }
0xca: {  	_ =	swait.ge [sflag:s31], $0x4000  }
0xcb: {  	[sflag:s31] =	ssyncset.done $0x0  }
0xcc: {  	s9 =	simm.s32 $0x1480;
	[sflag:s31] =	ssyncadd.s32 $0xFFFFC000  }
0xcd: {  	[spmem:s2] =	stream.indirect.scatter.add.f32 [tilespmem:s29], [sflag:$0x3], $0x80, s9, s3, $0xb8;
	[tilespmem:$0x1F100] =	vst v63  }
0xce: {  	_ =	swait.ge [sflag:s26], $0x4000  }
0xcf: {  	[sflag:s26] =	ssyncset.done $0x0  }
0xd0: {  	s5 =	simm.s32 $0x180;
	s4 =	simm.s32 $0x400;
	[sflag:s26] =	ssyncadd.s32 $0xFFFFC000  }
.LBB2_4:
0xd1: {  	[tilespmem:s29], [sflag:$0x2] =	stream.indirect.gather [hbm4b:s20+s3], $0x80, s5, s3, $0xb8;
	[tilespmem:$0x1F100] =	vst v63  }
0xd2: {  	s5 =	smov.u32 s4  }
0xd3: {  	p1 =	sne.s32 s4, $0x4800;
	s4 =	sadd.s32 $0x400, s4;
	_ =	swait.ge [sflag:s30], $0x4000  }
0xd4: {  	s5 =	sshra.s32 s5, $0x2;
	[sflag:s30] =	ssyncset.done $0x0  }
0xd5: {  	s6 =	sadd.s32 $0x1400, s5;
	[sflag:s30] =	ssyncadd.s32 $0xFFFFC000  }
0xd6: {  	[spmem:s2] =	stream.indirect.scatter.add.f32 [tilespmem:s28], [sflag:$0x3], $0x80, s6, s3, $0xb8;
	[tilespmem:$0x1F100] =	vst v63  }
0xd7: {  	_ =	swait.ge [sflag:s26], $0x4000  }
0xd8: {  	[sflag:s26] =	ssyncset.done $0x0  }
0xd9: {  	s6 =	sadd.s32 $0x100, s5;
	[sflag:s26] =	ssyncadd.s32 $0xFFFFC000  }
0xda: {  	[tilespmem:s28], [sflag:$0x1] =	stream.indirect.gather [hbm4b:s20+s3], $0x80, s6, s3, $0xb8;
	[tilespmem:$0x1F100] =	vst v63  }
0xdb: {  	_ =	swait.ge [sflag:s31], $0x4000  }
0xdc: {  	[sflag:s31] =	ssyncset.done $0x0  }
.Ltmp1:
0xdd: {  	s6 =	sadd.s32 $0x1480, s5;
	[sflag:s31] =	ssyncadd.s32 $0xFFFFC000;
	(pc) =	sbr.rel @p1 .LBB2_4-.Ltmp1, $4  }
0xde: {  	[spmem:s2] =	stream.indirect.scatter.add.f32 [tilespmem:s29], [sflag:$0x3], $0x80, s6, s3, $0xb8;
	[tilespmem:$0x1F100] =	vst v63  }
0xdf: {  	_ =	swait.ge [sflag:s26], $0x4000  }
0xe0: {  	[sflag:s26] =	ssyncset.done $0x0  }
0xe1: {  	s5 =	sadd.s32 $0x180, s5;
	[sflag:s26] =	ssyncadd.s32 $0xFFFFC000  }
0xe2: {  	[tilespmem:s29], [sflag:$0x2] =	stream.indirect.gather [hbm4b:s20+s3], $0x80, s5, s3, $0xb8;
	[tilespmem:$0x1F100] =	vst v63  }
0xe3: {  	_ =	swait.ge [sflag:s30], $0x4000  }
0xe4: {  	[sflag:s30] =	ssyncset.done $0x0  }
0xe5: {  	[sflag:s30] =	ssyncadd.s32 $0xFFFFC000  }
0xe6: {  	[spmem:s2] =	stream.indirect.scatter.add.f32 [tilespmem:s28], [sflag:$0x3], $0x80, s16, s3, $0xb8;
	[tilespmem:$0x1F100] =	vst v63  }
0xe7: {  	_ =	swait.ge [sflag:s26], $0x4000  }
0xe8: {  	[sflag:s26] =	ssyncset.done $0x0  }
0xe9: {  	[sflag:s26] =	ssyncadd.s32 $0xFFFFC000  }
0xea: {  	_ =	swait.ge [sflag:s31], $0x4000  }
0xeb: {  	[sflag:s31] =	ssyncset.done $0x0  }
0xec: {  	[sflag:s31] =	ssyncadd.s32 $0xFFFFC000  }
0xed: {  	[spmem:s2] =	stream.indirect.scatter.add.f32 [tilespmem:s29], [sflag:$0x3], $0x80, s0, s3, $0xb8;
	[tilespmem:$0x1F100] =	vst v63  }
0xee: {  	_ =	swait.ge [sflag:s26], $0x4000  }
0xef: {  	[sflag:s26] =	ssyncset.done $0x0  }
0xf0: {  	s4 =	simm.s32 $0x0;
	s8 =	rddreg [dreg:$0x7];
	[sflag:s26] =	ssyncadd.s32 $0xFFFFC000  }
0xf1: {  	[tilespmem:s4], [sflag:$0x3] =	stream.linear.gather [hbm4b:s8+s4], $0x1400, $0x38;
	[tilespmem:$0x1F100] =	vst v63  }
0xf2: {  	_ =	swait.ge [sflag:s26], $0x1400  }
0xf3: {  	[sflag:s26] =	ssyncset.done $0x0  }
0xf4: {  	s9 =	rddreg [dreg:$0x8];
	[sflag:s26] =	ssyncadd.s32 $0xFFFFEC00  }
0xf5: {  	[tilespmem:s24], [sflag:$0x3] =	stream.linear.gather [hbm4b:s9+s4], $0x1400, $0x38;
	[tilespmem:$0x1F100] =	vst v63  }
0xf6: {  	_ =	swait.ge [sflag:s26], $0x1400  }
0xf7: {  	[sflag:s26] =	ssyncset.done $0x0  }
0xf8: {  	s4 =	simm.s32 $0x0;
	[sflag:s26] =	ssyncadd.s32 $0xFFFFEC00  }
0xf9: {  	v5 =	vld [tilespmem:s4+$0x0]  }
0xfa: {  	v7 =	vld [tilespmem:s4+$0x10]  }
0xfb: {  	v6 =	vld [tilespmem:s4+$0x20]  }
0xfc: {  	v4 =	vld [tilespmem:s4+$0x30]  }
0xfd: {  	v3 =	vld [tilespmem:s4+$0x40]  }
0xfe: {  	v8 =	vadd.s32 v0, v5;
	v5 =	vld [tilespmem:s4+$0x50]  }
0xff: {  	s5 =	simm.s32 $0x200;
	[tilespmem:s4+$0x0] =	vst v8;
	v8 =	vadd.s32 v0, v7;
	v7 =	vld [tilespmem:s4+$0x60]  }
.LBB2_6:
0x100: {  	s6 =	sshra.s32 s5, $0x2;
	p1 =	sne.s32 s5, $0x4E00;
	[tilespmem:s4+$0x10] =	vst v8;
	v6 =	vadd.s32 v0, v6;
	v8 =	vld [tilespmem:s4+$0x70]  }
0x101: {  	v9 =	vld [tilespmem:s6+$0x0];
	[tilespmem:s4+$0x20] =	vst v6;
	v4 =	vadd.s32 v0, v4  }
0x102: {  	v10 =	vld [tilespmem:s6+$0x10];
	[tilespmem:s4+$0x30] =	vst v4;
	v3 =	vadd.s32 v0, v3  }
.Ltmp2:
0x103: {  	v6 =	vld [tilespmem:s6+$0x20];
	[tilespmem:s4+$0x40] =	vst v3;
	v3 =	vadd.s32 v0, v5;
	(pc) =	sbr.rel @p1 .LBB2_6-.Ltmp2, $4  }
0x104: {  	v4 =	vld [tilespmem:s6+$0x30];
	[tilespmem:s4+$0x50] =	vst v3;
	v5 =	vadd.s32 v0, v7  }
0x105: {  	v3 =	vld [tilespmem:s6+$0x40];
	[tilespmem:s4+$0x60] =	vst v5;
	v7 =	vadd.s32 v0, v8  }
0x106: {  	v8 =	vadd.s32 v0, v9;
	v5 =	vld [tilespmem:s6+$0x50];
	[tilespmem:s4+$0x70] =	vst v7;
	s4 =	smov.u32 s6  }
0x107: {  	s5 =	sadd.s32 $0x200, s5;
	[tilespmem:s4+$0x0] =	vst v8;
	v8 =	vadd.s32 v0, v10;
	v7 =	vld [tilespmem:s4+$0x60]  }
0x108: {  	[tilespmem:s4+$0x10] =	vst v8;
	v6 =	vadd.s32 v0, v6;
	v63 =	vld [tilespmem:s4+$0x70]  }
0x109: {  	[tilespmem:s4+$0x20] =	vst v6;
	v4 =	vadd.s32 v0, v4  }
0x10a: {  	[tilespmem:s4+$0x30] =	vst v4;
	v3 =	vadd.s32 v0, v3  }
0x10b: {  	[tilespmem:s4+$0x40] =	vst v3;
	v3 =	vadd.s32 v0, v5  }
0x10c: {  	[tilespmem:s4+$0x50] =	vst v3;
	v3 =	vadd.s32 v0, v7  }
0x10d: {  	[tilespmem:s4+$0x60] =	vst v3;
	v3 =	vadd.s32 v0, v63  }
0x10e: {  	s6 =	simm.s32 $0x0;
	[tilespmem:s4+$0x70] =	vst v3  }
0x10f: {  	[tilespmem:s28], [sflag:$0x1] =	stream.indirect.gather [hbm4b:s20+s3], $0x80, s6, s3, $0xb8;
	[tilespmem:$0x1F100] =	vst v63  }
0x110: {  	_ = 	snop  }
0x111: {  	[tilespmem:s29], [sflag:$0x2] =	stream.indirect.gather [hbm4b:s20+s3], $0x80, s3, s3, $0xb8;
	[tilespmem:$0x1F100] =	vst v63  }
0x112: {  	_ =	swait.ge [sflag:s30], $0x4000  }
0x113: {  	[sflag:s30] =	ssyncset.done $0x0  }
0x114: {  	s7 =	simm.s32 $0x1400;
	[sflag:s30] =	ssyncadd.s32 $0xFFFFC000  }
0x115: {  	[spmem:s2] =	stream.indirect.scatter.add.f32 [tilespmem:s28], [sflag:$0x3], $0x80, s7, s3, $0xb8;
	[tilespmem:$0x1F100] =	vst v63  }
0x116: {  	_ =	swait.ge [sflag:s26], $0x4000  }
0x117: {  	[sflag:s26] =	ssyncset.done $0x0  }
0x118: {  	s8 =	simm.s32 $0x100;
	[sflag:s26] =	ssyncadd.s32 $0xFFFFC000  }
0x119: {  	[tilespmem:s28], [sflag:$0x1] =	stream.indirect.gather [hbm4b:s20+s3], $0x80, s8, s3, $0xb8;
	[tilespmem:$0x1F100] =	vst v63  }
0x11a: {  	_ =	swait.ge [sflag:s31], $0x4000  }
0x11b: {  	[sflag:s31] =	ssyncset.done $0x0  }
0x11c: {  	s9 =	simm.s32 $0x1480;
	[sflag:s31] =	ssyncadd.s32 $0xFFFFC000  }
0x11d: {  	[spmem:s2] =	stream.indirect.scatter.add.f32 [tilespmem:s29], [sflag:$0x3], $0x80, s9, s3, $0xb8;
	[tilespmem:$0x1F100] =	vst v63  }
0x11e: {  	_ =	swait.ge [sflag:s26], $0x4000  }
0x11f: {  	[sflag:s26] =	ssyncset.done $0x0  }
0x120: {  	s5 =	simm.s32 $0x180;
	s4 =	simm.s32 $0x400;
	[sflag:s26] =	ssyncadd.s32 $0xFFFFC000  }
.LBB2_8:
0x121: {  	[tilespmem:s29], [sflag:$0x2] =	stream.indirect.gather [hbm4b:s20+s3], $0x80, s5, s3, $0xb8;
	[tilespmem:$0x1F100] =	vst v63  }
0x122: {  	s5 =	smov.u32 s4  }
0x123: {  	p1 =	sne.s32 s4, $0x4800;
	s4 =	sadd.s32 $0x400, s4;
	_ =	swait.ge [sflag:s30], $0x4000  }
0x124: {  	s5 =	sshra.s32 s5, $0x2;
	[sflag:s30] =	ssyncset.done $0x0  }
0x125: {  	s6 =	sadd.s32 $0x1400, s5;
	[sflag:s30] =	ssyncadd.s32 $0xFFFFC000  }
0x126: {  	[spmem:s2] =	stream.indirect.scatter.add.f32 [tilespmem:s28], [sflag:$0x3], $0x80, s6, s3, $0xb8;
	[tilespmem:$0x1F100] =	vst v63  }
0x127: {  	_ =	swait.ge [sflag:s26], $0x4000  }
0x128: {  	[sflag:s26] =	ssyncset.done $0x0  }
0x129: {  	s6 =	sadd.s32 $0x100, s5;
	[sflag:s26] =	ssyncadd.s32 $0xFFFFC000  }
0x12a: {  	[tilespmem:s28], [sflag:$0x1] =	stream.indirect.gather [hbm4b:s20+s3], $0x80, s6, s3, $0xb8;
	[tilespmem:$0x1F100] =	vst v63  }
0x12b: {  	_ =	swait.ge [sflag:s31], $0x4000  }
0x12c: {  	[sflag:s31] =	ssyncset.done $0x0  }
.Ltmp3:
0x12d: {  	s6 =	sadd.s32 $0x1480, s5;
	[sflag:s31] =	ssyncadd.s32 $0xFFFFC000;
	(pc) =	sbr.rel @p1 .LBB2_8-.Ltmp3, $4  }
0x12e: {  	[spmem:s2] =	stream.indirect.scatter.add.f32 [tilespmem:s29], [sflag:$0x3], $0x80, s6, s3, $0xb8;
	[tilespmem:$0x1F100] =	vst v63  }
0x12f: {  	_ =	swait.ge [sflag:s26], $0x4000  }
0x130: {  	[sflag:s26] =	ssyncset.done $0x0  }
0x131: {  	s5 =	sadd.s32 $0x180, s5;
	[sflag:s26] =	ssyncadd.s32 $0xFFFFC000  }
0x132: {  	[tilespmem:s29], [sflag:$0x2] =	stream.indirect.gather [hbm4b:s20+s3], $0x80, s5, s3, $0xb8;
	[tilespmem:$0x1F100] =	vst v63  }
0x133: {  	_ =	swait.ge [sflag:s30], $0x4000  }
0x134: {  	[sflag:s30] =	ssyncset.done $0x0  }
0x135: {  	[sflag:s30] =	ssyncadd.s32 $0xFFFFC000  }
0x136: {  	[spmem:s2] =	stream.indirect.scatter.add.f32 [tilespmem:s28], [sflag:$0x3], $0x80, s16, s3, $0xb8;
	[tilespmem:$0x1F100] =	vst v63  }
0x137: {  	_ =	swait.ge [sflag:s26], $0x4000  }
0x138: {  	[sflag:s26] =	ssyncset.done $0x0  }
0x139: {  	[sflag:s26] =	ssyncadd.s32 $0xFFFFC000  }
0x13a: {  	_ =	swait.ge [sflag:s31], $0x4000  }
0x13b: {  	[sflag:s31] =	ssyncset.done $0x0  }
0x13c: {  	[sflag:s31] =	ssyncadd.s32 $0xFFFFC000  }
0x13d: {  	[spmem:s2] =	stream.indirect.scatter.add.f32 [tilespmem:s29], [sflag:$0x3], $0x80, s0, s3, $0xb8;
	[tilespmem:$0x1F100] =	vst v63  }
0x13e: {  	_ =	swait.ge [sflag:s26], $0x4000  }
0x13f: {  	[sflag:s26] =	ssyncset.done $0x0  }
0x140: {  	[sflag:s26] =	ssyncadd.s32 $0xFFFFC000  }
0x141: {  	[bflag:$0x0] =	sbarrier.arrive $0xFFFF  }
0x142: {  	s4 =	sld [smem:$0x7FD];
	_ =	sdelay $0x2  }
0x143: {  	s5 =	simm.s32 @p0 $0x1FC3;
	s6 =	rddreg [dreg:$0x15];
	s4 =	sshrl.u32 @p0 s4, $0x3  }
0x144: {  	[hbm:s6], [sflag:s5] =	dma.local @p0 [spmem:s4], $0x2800  }
0x145: {  	s5 =	simm.s32 @p0 $0x3  }
0x146: {  	s6 =	stileid.u32;
	_ =	swait.ge @p0 [sflag:s5], $0x2800  }
0x147: {  	s6 =	sshll.u32 @!p0 s6, $0x6;
	[sflag:s5] =	ssyncset.done @p0 $0x0  }
0x148: {  	[sflag:s5] =	ssyncadd.s32 @p0 $0xFFFFD800;
	s5 =	sor.u32 @!p0 $0x1C03, s6;
	s6 =	rddreg [dreg:$0x14]  }
0x149: {  	s7 =	rddreg [dreg:$0x9];
	s6 =	sshrl.u32 @!p0 s6, $0x3  }
0x14a: {  	[hbm:s7], [sflag:s5] =	dma.local @!p0 [spmem:s6], $0x2700  }
0x14b: {  	s7 =	simm.s32 @!p0 $0x3  }
0x14c: {  	_ =	swait.ge @!p0 [sflag:s7], $0x2700  }
0x14d: {  	[sflag:s7] =	ssyncset.done @!p0 $0x0  }
0x14e: {  	[sflag:s7] =	ssyncadd.s32 @!p0 $0xFFFFD900  }
0x14f: {  	[spmem:s21] =	stream.linear.scatter [tilespmem:s25], [sflag:$0x3], $0xC80, $0x38;
	[tilespmem:$0x1F100] =	vst v63  }
0x150: {  	_ =	swait.ge [sflag:s26], $0xC80  }
0x151: {  	[sflag:s26] =	ssyncset.done $0x0  }
0x152: {  	s8 =	rddreg [dreg:$0x19];
	[sflag:s26] =	ssyncadd.s32 $0xFFFFF380  }
0x153: {  	[spmem:s8] =	stream.linear.scatter [tilespmem:s25], [sflag:$0x3], $0xC80, $0x38;
	[tilespmem:$0x1F100] =	vst v63  }
0x154: {  	_ =	swait.ge [sflag:s26], $0xC80  }
0x155: {  	[sflag:s26] =	ssyncset.done $0x0  }
0x156: {  	s9 =	rddreg [dreg:$0x1a];
	[sflag:s26] =	ssyncadd.s32 $0xFFFFF380  }
0x157: {  	[spmem:s9] =	stream.linear.scatter [tilespmem:s25], [sflag:$0x3], $0xC80, $0x38;
	[tilespmem:$0x1F100] =	vst v63  }
0x158: {  	_ =	swait.ge [sflag:s26], $0xC80  }
0x159: {  	[sflag:s26] =	ssyncset.done $0x0  }
0x15a: {  	s8 =	rddreg [dreg:$0x1b];
	[sflag:s26] =	ssyncadd.s32 $0xFFFFF380  }
0x15b: {  	[spmem:s8] =	stream.linear.scatter [tilespmem:s25], [sflag:$0x3], $0xC80, $0x38;
	[tilespmem:$0x1F100] =	vst v63  }
0x15c: {  	_ =	swait.ge [sflag:s26], $0xC80  }
0x15d: {  	[sflag:s26] =	ssyncset.done $0x0  }
0x15e: {  	s9 =	rddreg [dreg:$0x1c];
	[sflag:s26] =	ssyncadd.s32 $0xFFFFF380  }
0x15f: {  	[spmem:s9] =	stream.linear.scatter [tilespmem:s25], [sflag:$0x3], $0xC80, $0x38;
	[tilespmem:$0x1F100] =	vst v63  }
0x160: {  	_ =	swait.ge [sflag:s26], $0xC80  }
0x161: {  	[sflag:s26] =	ssyncset.done $0x0  }
0x162: {  	s8 =	rddreg [dreg:$0x1d];
	[sflag:s26] =	ssyncadd.s32 $0xFFFFF380  }
0x163: {  	[spmem:s8] =	stream.linear.scatter [tilespmem:s25], [sflag:$0x3], $0xC80, $0x38;
	[tilespmem:$0x1F100] =	vst v63  }
0x164: {  	_ =	swait.ge [sflag:s26], $0xC80  }
0x165: {  	[sflag:s26] =	ssyncset.done $0x0  }
0x166: {  	s9 =	rddreg [dreg:$0x1e];
	[sflag:s26] =	ssyncadd.s32 $0xFFFFF380  }
0x167: {  	[spmem:s9] =	stream.linear.scatter [tilespmem:s25], [sflag:$0x3], $0xC80, $0x38;
	[tilespmem:$0x1F100] =	vst v63  }
0x168: {  	_ =	swait.ge [sflag:s26], $0xC80  }
0x169: {  	[sflag:s26] =	ssyncset.done $0x0  }
0x16a: {  	s8 =	rddreg [dreg:$0x1f];
	[sflag:s26] =	ssyncadd.s32 $0xFFFFF380  }
0x16b: {  	[spmem:s8] =	stream.linear.scatter [tilespmem:s25], [sflag:$0x3], $0xC80, $0x38;
	[tilespmem:$0x1F100] =	vst v63  }
0x16c: {  	_ =	swait.ge [sflag:s26], $0xC80  }
0x16d: {  	s9 =	sld [smem:$0x7F7]  }
0x16e: {  	[sflag:s26] =	ssyncset.done $0x0  }
0x16f: {  	[sflag:s26] =	ssyncadd.s32 $0xFFFFF380  }
0x170: {  	[spmem:s9] =	stream.linear.scatter [tilespmem:s25], [sflag:$0x3], $0xC80, $0x38;
	[tilespmem:$0x1F100] =	vst v63  }
0x171: {  	_ =	swait.ge [sflag:s26], $0xC80  }
0x172: {  	s8 =	sld [smem:$0x7F8]  }
0x173: {  	[sflag:s26] =	ssyncset.done $0x0  }
0x174: {  	[sflag:s26] =	ssyncadd.s32 $0xFFFFF380  }
0x175: {  	[spmem:s8] =	stream.linear.scatter [tilespmem:s25], [sflag:$0x3], $0xC80, $0x38;
	[tilespmem:$0x1F100] =	vst v63  }
0x176: {  	_ =	swait.ge [sflag:s26], $0xC80  }
0x177: {  	s9 =	sld [smem:$0x7F9]  }
0x178: {  	[sflag:s26] =	ssyncset.done $0x0  }
0x179: {  	[sflag:s26] =	ssyncadd.s32 $0xFFFFF380  }
0x17a: {  	[spmem:s9] =	stream.linear.scatter [tilespmem:s25], [sflag:$0x3], $0xC80, $0x38;
	[tilespmem:$0x1F100] =	vst v63  }
0x17b: {  	_ =	swait.ge [sflag:s26], $0xC80  }
0x17c: {  	s8 =	sld [smem:$0x7FA]  }
0x17d: {  	[sflag:s26] =	ssyncset.done $0x0  }
0x17e: {  	[sflag:s26] =	ssyncadd.s32 $0xFFFFF380  }
0x17f: {  	[spmem:s8] =	stream.linear.scatter [tilespmem:s25], [sflag:$0x3], $0xC80, $0x38;
	[tilespmem:$0x1F100] =	vst v63  }
0x180: {  	_ =	swait.ge [sflag:s26], $0xC80  }
0x181: {  	s9 =	sld [smem:$0x7FB]  }
0x182: {  	[sflag:s26] =	ssyncset.done $0x0  }
0x183: {  	[sflag:s26] =	ssyncadd.s32 $0xFFFFF380  }
0x184: {  	[spmem:s9] =	stream.linear.scatter [tilespmem:s25], [sflag:$0x3], $0xC80, $0x38;
	[tilespmem:$0x1F100] =	vst v63  }
0x185: {  	_ =	swait.ge [sflag:s26], $0xC80  }
0x186: {  	s8 =	sld [smem:$0x7FC]  }
0x187: {  	[sflag:s26] =	ssyncset.done $0x0  }
0x188: {  	[sflag:s26] =	ssyncadd.s32 $0xFFFFF380  }
0x189: {  	[spmem:s8] =	stream.linear.scatter [tilespmem:s25], [sflag:$0x3], $0xC80, $0x38;
	[tilespmem:$0x1F100] =	vst v63  }
0x18a: {  	_ =	swait.ge [sflag:s26], $0xC80  }
0x18b: {  	[sflag:s26] =	ssyncset.done $0x0  }
0x18c: {  	[sflag:s26] =	ssyncadd.s32 $0xFFFFF380  }
0x18d: {  	[spmem:s10] =	stream.linear.scatter [tilespmem:s25], [sflag:$0x3], $0xC80, $0x38;
	[tilespmem:$0x1F100] =	vst v63  }
0x18e: {  	_ =	swait.ge [sflag:s26], $0xC80  }
0x18f: {  	[sflag:s26] =	ssyncset.done $0x0  }
0x190: {  	[sflag:s26] =	ssyncadd.s32 $0xFFFFF380  }
0x191: {  	[spmem:s11] =	stream.linear.scatter [tilespmem:s25], [sflag:$0x3], $0xC80, $0x38;
	[tilespmem:$0x1F100] =	vst v63  }
0x192: {  	_ =	swait.ge [sflag:s26], $0xC80  }
0x193: {  	[sflag:s26] =	ssyncset.done $0x0  }
0x194: {  	[sflag:s26] =	ssyncadd.s32 $0xFFFFF380  }
0x195: {  	[spmem:s12] =	stream.linear.scatter [tilespmem:s25], [sflag:$0x3], $0xC80, $0x38;
	[tilespmem:$0x1F100] =	vst v63  }
0x196: {  	_ =	swait.ge [sflag:s26], $0xC80  }
0x197: {  	[sflag:s26] =	ssyncset.done $0x0  }
0x198: {  	[sflag:s26] =	ssyncadd.s32 $0xFFFFF380  }
0x199: {  	[spmem:s13] =	stream.linear.scatter [tilespmem:s25], [sflag:$0x3], $0xC80, $0x38;
	[tilespmem:$0x1F100] =	vst v63  }
0x19a: {  	_ =	swait.ge [sflag:s26], $0xC80  }
0x19b: {  	[sflag:s26] =	ssyncset.done $0x0  }
0x19c: {  	[sflag:s26] =	ssyncadd.s32 $0xFFFFF380  }
0x19d: {  	[spmem:s14] =	stream.linear.scatter [tilespmem:s25], [sflag:$0x3], $0xC80, $0x38;
	[tilespmem:$0x1F100] =	vst v63  }
0x19e: {  	_ =	swait.ge [sflag:s26], $0xC80  }
0x19f: {  	[sflag:s26] =	ssyncset.done $0x0  }
0x1a0: {  	[sflag:s26] =	ssyncadd.s32 $0xFFFFF380  }
0x1a1: {  	[spmem:s15] =	stream.linear.scatter [tilespmem:s25], [sflag:$0x3], $0xC80, $0x38;
	[tilespmem:$0x1F100] =	vst v63  }
0x1a2: {  	_ =	swait.ge [sflag:s26], $0xC80  }
0x1a3: {  	[sflag:s26] =	ssyncset.done $0x0  }
0x1a4: {  	[sflag:s26] =	ssyncadd.s32 $0xFFFFF380  }
0x1a5: {  	[spmem:s17] =	stream.linear.scatter [tilespmem:s25], [sflag:$0x3], $0xC80, $0x38;
	[tilespmem:$0x1F100] =	vst v63  }
0x1a6: {  	_ =	swait.ge [sflag:s26], $0xC80  }
0x1a7: {  	[sflag:s26] =	ssyncset.done $0x0  }
0x1a8: {  	[sflag:s26] =	ssyncadd.s32 $0xFFFFF380  }
0x1a9: {  	[spmem:s18] =	stream.linear.scatter [tilespmem:s25], [sflag:$0x3], $0xC80, $0x38;
	[tilespmem:$0x1F100] =	vst v63  }
0x1aa: {  	_ =	swait.ge [sflag:s26], $0xC80  }
0x1ab: {  	[sflag:s26] =	ssyncset.done $0x0  }
0x1ac: {  	[sflag:s26] =	ssyncadd.s32 $0xFFFFF380  }
0x1ad: {  	[spmem:s19] =	stream.linear.scatter [tilespmem:s25], [sflag:$0x3], $0xC80, $0x38;
	[tilespmem:$0x1F100] =	vst v63  }
0x1ae: {  	_ =	swait.ge [sflag:s26], $0xC80  }
0x1af: {  	[sflag:s26] =	ssyncset.done $0x0  }
0x1b0: {  	[sflag:s26] =	ssyncadd.s32 $0xFFFFF380  }
0x1b1: {  	[spmem:s22] =	stream.linear.scatter [tilespmem:s25], [sflag:$0x3], $0xC80, $0x38;
	[tilespmem:$0x1F100] =	vst v63  }
0x1b2: {  	_ =	swait.ge [sflag:s26], $0xC80  }
0x1b3: {  	[sflag:s26] =	ssyncset.done $0x0  }
0x1b4: {  	[sflag:s26] =	ssyncadd.s32 $0xFFFFF380  }
0x1b5: {  	[spmem:s23] =	stream.linear.scatter [tilespmem:s25], [sflag:$0x3], $0xC80, $0x38;
	[tilespmem:$0x1F100] =	vst v63  }
0x1b6: {  	_ =	swait.ge [sflag:s26], $0xC80  }
0x1b7: {  	[sflag:s26] =	ssyncset.done $0x0  }
0x1b8: {  	[sflag:s26] =	ssyncadd.s32 $0xFFFFF380  }
0x1b9: {  	[bflag:$0x0] =	sbarrier.arrive $0xFFFF  }
0x1ba: {  	s7 =	simm.s32 $0x0;
	s8 =	rddreg [dreg:$0xa]  }
0x1bb: {  	[tilespmem:s7], [sflag:$0x3] =	stream.linear.gather [hbm4b:s8+s7], $0x1400, $0x38;
	[tilespmem:$0x1F100] =	vst v63  }
0x1bc: {  	_ =	swait.ge [sflag:s26], $0x1400  }
0x1bd: {  	[sflag:s26] =	ssyncset.done $0x0  }
0x1be: {  	s9 =	rddreg [dreg:$0xb];
	[sflag:s26] =	ssyncadd.s32 $0xFFFFEC00  }
0x1bf: {  	[tilespmem:s24], [sflag:$0x3] =	stream.linear.gather [hbm4b:s9+s7], $0x1400, $0x38;
	[tilespmem:$0x1F100] =	vst v63  }
0x1c0: {  	_ =	swait.ge [sflag:s26], $0x1400  }
0x1c1: {  	[sflag:s26] =	ssyncset.done $0x0  }
0x1c2: {  	s7 =	simm.s32 $0x0;
	[sflag:s26] =	ssyncadd.s32 $0xFFFFEC00  }
0x1c3: {  	v5 =	vld [tilespmem:s7+$0x0]  }
0x1c4: {  	v7 =	vld [tilespmem:s7+$0x10]  }
0x1c5: {  	v6 =	vld [tilespmem:s7+$0x20]  }
0x1c6: {  	v4 =	vld [tilespmem:s7+$0x30]  }
0x1c7: {  	v3 =	vld [tilespmem:s7+$0x40]  }
0x1c8: {  	v8 =	vadd.s32 v1, v5;
	v5 =	vld [tilespmem:s7+$0x50]  }
0x1c9: {  	s8 =	simm.s32 $0x200;
	[tilespmem:s7+$0x0] =	vst v8;
	v8 =	vadd.s32 v1, v7;
	v7 =	vld [tilespmem:s7+$0x60]  }
.LBB2_10:
0x1ca: {  	s9 =	sshra.s32 s8, $0x2;
	p1 =	sne.s32 s8, $0x4E00;
	[tilespmem:s7+$0x10] =	vst v8;
	v6 =	vadd.s32 v1, v6;
	v8 =	vld [tilespmem:s7+$0x70]  }
0x1cb: {  	v9 =	vld [tilespmem:s9+$0x0];
	[tilespmem:s7+$0x20] =	vst v6;
	v4 =	vadd.s32 v1, v4  }
0x1cc: {  	v10 =	vld [tilespmem:s9+$0x10];
	[tilespmem:s7+$0x30] =	vst v4;
	v3 =	vadd.s32 v1, v3  }
.Ltmp4:
0x1cd: {  	v6 =	vld [tilespmem:s9+$0x20];
	[tilespmem:s7+$0x40] =	vst v3;
	v3 =	vadd.s32 v1, v5;
	(pc) =	sbr.rel @p1 .LBB2_10-.Ltmp4, $4  }
0x1ce: {  	v4 =	vld [tilespmem:s9+$0x30];
	[tilespmem:s7+$0x50] =	vst v3;
	v5 =	vadd.s32 v1, v7  }
0x1cf: {  	v3 =	vld [tilespmem:s9+$0x40];
	[tilespmem:s7+$0x60] =	vst v5;
	v7 =	vadd.s32 v1, v8  }
0x1d0: {  	v8 =	vadd.s32 v1, v9;
	v5 =	vld [tilespmem:s9+$0x50];
	[tilespmem:s7+$0x70] =	vst v7;
	s7 =	smov.u32 s9  }
0x1d1: {  	s8 =	sadd.s32 $0x200, s8;
	[tilespmem:s7+$0x0] =	vst v8;
	v8 =	vadd.s32 v1, v10;
	v7 =	vld [tilespmem:s7+$0x60]  }
0x1d2: {  	[tilespmem:s7+$0x10] =	vst v8;
	v6 =	vadd.s32 v1, v6;
	v63 =	vld [tilespmem:s7+$0x70]  }
0x1d3: {  	[tilespmem:s7+$0x20] =	vst v6;
	v4 =	vadd.s32 v1, v4  }
0x1d4: {  	[tilespmem:s7+$0x30] =	vst v4;
	v3 =	vadd.s32 v1, v3  }
0x1d5: {  	[tilespmem:s7+$0x40] =	vst v3;
	v3 =	vadd.s32 v1, v5  }
0x1d6: {  	[tilespmem:s7+$0x50] =	vst v3;
	v3 =	vadd.s32 v1, v7  }
0x1d7: {  	[tilespmem:s7+$0x60] =	vst v3;
	v3 =	vadd.s32 v1, v63  }
0x1d8: {  	s8 =	simm.s32 $0x0;
	[tilespmem:s7+$0x70] =	vst v3  }
0x1d9: {  	[tilespmem:s28], [sflag:$0x1] =	stream.indirect.gather [hbm4b:s20+s3], $0x80, s8, s3, $0xb8;
	[tilespmem:$0x1F100] =	vst v63  }
0x1da: {  	_ = 	snop  }
0x1db: {  	[tilespmem:s29], [sflag:$0x2] =	stream.indirect.gather [hbm4b:s20+s3], $0x80, s3, s3, $0xb8;
	[tilespmem:$0x1F100] =	vst v63  }
0x1dc: {  	_ =	swait.ge [sflag:s30], $0x4000  }
0x1dd: {  	[sflag:s30] =	ssyncset.done $0x0  }
0x1de: {  	s9 =	simm.s32 $0x1400;
	[sflag:s30] =	ssyncadd.s32 $0xFFFFC000  }
0x1df: {  	[spmem:s2] =	stream.indirect.scatter.add.f32 [tilespmem:s28], [sflag:$0x3], $0x80, s9, s3, $0xb8;
	[tilespmem:$0x1F100] =	vst v63  }
0x1e0: {  	_ =	swait.ge [sflag:s26], $0x4000  }
0x1e1: {  	[sflag:s26] =	ssyncset.done $0x0  }
0x1e2: {  	s8 =	simm.s32 $0x100;
	[sflag:s26] =	ssyncadd.s32 $0xFFFFC000  }
0x1e3: {  	[tilespmem:s28], [sflag:$0x1] =	stream.indirect.gather [hbm4b:s20+s3], $0x80, s8, s3, $0xb8;
	[tilespmem:$0x1F100] =	vst v63  }
0x1e4: {  	_ =	swait.ge [sflag:s31], $0x4000  }
0x1e5: {  	[sflag:s31] =	ssyncset.done $0x0  }
0x1e6: {  	s9 =	simm.s32 $0x1480;
	[sflag:s31] =	ssyncadd.s32 $0xFFFFC000  }
0x1e7: {  	[spmem:s2] =	stream.indirect.scatter.add.f32 [tilespmem:s29], [sflag:$0x3], $0x80, s9, s3, $0xb8;
	[tilespmem:$0x1F100] =	vst v63  }
0x1e8: {  	_ =	swait.ge [sflag:s26], $0x4000  }
0x1e9: {  	[sflag:s26] =	ssyncset.done $0x0  }
0x1ea: {  	s7 =	simm.s32 $0x400;
	s8 =	simm.s32 $0x180;
	[sflag:s26] =	ssyncadd.s32 $0xFFFFC000  }
.LBB2_12:
0x1eb: {  	[tilespmem:s29], [sflag:$0x2] =	stream.indirect.gather [hbm4b:s20+s3], $0x80, s8, s3, $0xb8;
	[tilespmem:$0x1F100] =	vst v63  }
0x1ec: {  	s8 =	smov.u32 s7  }
0x1ed: {  	p1 =	sne.s32 s7, $0x4800;
	s7 =	sadd.s32 $0x400, s7;
	_ =	swait.ge [sflag:s30], $0x4000  }
0x1ee: {  	s8 =	sshra.s32 s8, $0x2;
	[sflag:s30] =	ssyncset.done $0x0  }
0x1ef: {  	s9 =	sadd.s32 $0x1400, s8;
	[sflag:s30] =	ssyncadd.s32 $0xFFFFC000  }
0x1f0: {  	[spmem:s2] =	stream.indirect.scatter.add.f32 [tilespmem:s28], [sflag:$0x3], $0x80, s9, s3, $0xb8;
	[tilespmem:$0x1F100] =	vst v63  }
0x1f1: {  	_ =	swait.ge [sflag:s26], $0x4000  }
0x1f2: {  	[sflag:s26] =	ssyncset.done $0x0  }
0x1f3: {  	s9 =	sadd.s32 $0x100, s8;
	[sflag:s26] =	ssyncadd.s32 $0xFFFFC000  }
0x1f4: {  	[tilespmem:s28], [sflag:$0x1] =	stream.indirect.gather [hbm4b:s20+s3], $0x80, s9, s3, $0xb8;
	[tilespmem:$0x1F100] =	vst v63  }
0x1f5: {  	_ =	swait.ge [sflag:s31], $0x4000  }
0x1f6: {  	[sflag:s31] =	ssyncset.done $0x0  }
.Ltmp5:
0x1f7: {  	s9 =	sadd.s32 $0x1480, s8;
	[sflag:s31] =	ssyncadd.s32 $0xFFFFC000;
	(pc) =	sbr.rel @p1 .LBB2_12-.Ltmp5, $4  }
0x1f8: {  	[spmem:s2] =	stream.indirect.scatter.add.f32 [tilespmem:s29], [sflag:$0x3], $0x80, s9, s3, $0xb8;
	[tilespmem:$0x1F100] =	vst v63  }
0x1f9: {  	_ =	swait.ge [sflag:s26], $0x4000  }
0x1fa: {  	[sflag:s26] =	ssyncset.done $0x0  }
0x1fb: {  	s8 =	sadd.s32 $0x180, s8;
	[sflag:s26] =	ssyncadd.s32 $0xFFFFC000  }
0x1fc: {  	[tilespmem:s29], [sflag:$0x2] =	stream.indirect.gather [hbm4b:s20+s3], $0x80, s8, s3, $0xb8;
	[tilespmem:$0x1F100] =	vst v63  }
0x1fd: {  	_ =	swait.ge [sflag:s30], $0x4000  }
0x1fe: {  	[sflag:s30] =	ssyncset.done $0x0  }
0x1ff: {  	[sflag:s30] =	ssyncadd.s32 $0xFFFFC000  }
0x200: {  	[spmem:s2] =	stream.indirect.scatter.add.f32 [tilespmem:s28], [sflag:$0x3], $0x80, s16, s3, $0xb8;
	[tilespmem:$0x1F100] =	vst v63  }
0x201: {  	_ =	swait.ge [sflag:s26], $0x4000  }
0x202: {  	[sflag:s26] =	ssyncset.done $0x0  }
0x203: {  	[sflag:s26] =	ssyncadd.s32 $0xFFFFC000  }
0x204: {  	_ =	swait.ge [sflag:s31], $0x4000  }
0x205: {  	[sflag:s31] =	ssyncset.done $0x0  }
0x206: {  	[sflag:s31] =	ssyncadd.s32 $0xFFFFC000  }
0x207: {  	[spmem:s2] =	stream.indirect.scatter.add.f32 [tilespmem:s29], [sflag:$0x3], $0x80, s0, s3, $0xb8;
	[tilespmem:$0x1F100] =	vst v63  }
0x208: {  	_ =	swait.ge [sflag:s26], $0x4000  }
0x209: {  	[sflag:s26] =	ssyncset.done $0x0  }
0x20a: {  	s7 =	simm.s32 $0x0;
	s9 =	rddreg [dreg:$0xc];
	[sflag:s26] =	ssyncadd.s32 $0xFFFFC000  }
0x20b: {  	[tilespmem:s7], [sflag:$0x3] =	stream.linear.gather [hbm4b:s9+s7], $0x1400, $0x38;
	[tilespmem:$0x1F100] =	vst v63  }
0x20c: {  	_ =	swait.ge [sflag:s26], $0x1400  }
0x20d: {  	[sflag:s26] =	ssyncset.done $0x0  }
0x20e: {  	s9 =	rddreg [dreg:$0xd];
	[sflag:s26] =	ssyncadd.s32 $0xFFFFEC00  }
0x20f: {  	[tilespmem:s24], [sflag:$0x3] =	stream.linear.gather [hbm4b:s9+s7], $0x1400, $0x38;
	[tilespmem:$0x1F100] =	vst v63  }
0x210: {  	_ =	swait.ge [sflag:s26], $0x1400  }
0x211: {  	[sflag:s26] =	ssyncset.done $0x0  }
0x212: {  	s7 =	simm.s32 $0x0;
	[sflag:s26] =	ssyncadd.s32 $0xFFFFEC00  }
0x213: {  	v5 =	vld [tilespmem:s7+$0x0]  }
0x214: {  	v7 =	vld [tilespmem:s7+$0x10]  }
0x215: {  	v6 =	vld [tilespmem:s7+$0x20]  }
0x216: {  	v4 =	vld [tilespmem:s7+$0x30]  }
0x217: {  	v3 =	vld [tilespmem:s7+$0x40]  }
0x218: {  	v8 =	vadd.s32 v1, v5;
	v5 =	vld [tilespmem:s7+$0x50]  }
0x219: {  	s8 =	simm.s32 $0x200;
	[tilespmem:s7+$0x0] =	vst v8;
	v8 =	vadd.s32 v1, v7;
	v7 =	vld [tilespmem:s7+$0x60]  }
.LBB2_14:
0x21a: {  	s9 =	sshra.s32 s8, $0x2;
	p1 =	sne.s32 s8, $0x4E00;
	[tilespmem:s7+$0x10] =	vst v8;
	v6 =	vadd.s32 v1, v6;
	v8 =	vld [tilespmem:s7+$0x70]  }
0x21b: {  	v9 =	vld [tilespmem:s9+$0x0];
	[tilespmem:s7+$0x20] =	vst v6;
	v4 =	vadd.s32 v1, v4  }
0x21c: {  	v10 =	vld [tilespmem:s9+$0x10];
	[tilespmem:s7+$0x30] =	vst v4;
	v3 =	vadd.s32 v1, v3  }
.Ltmp6:
0x21d: {  	v6 =	vld [tilespmem:s9+$0x20];
	[tilespmem:s7+$0x40] =	vst v3;
	v3 =	vadd.s32 v1, v5;
	(pc) =	sbr.rel @p1 .LBB2_14-.Ltmp6, $4  }
0x21e: {  	v4 =	vld [tilespmem:s9+$0x30];
	[tilespmem:s7+$0x50] =	vst v3;
	v5 =	vadd.s32 v1, v7  }
0x21f: {  	v3 =	vld [tilespmem:s9+$0x40];
	[tilespmem:s7+$0x60] =	vst v5;
	v7 =	vadd.s32 v1, v8  }
0x220: {  	v8 =	vadd.s32 v1, v9;
	v5 =	vld [tilespmem:s9+$0x50];
	[tilespmem:s7+$0x70] =	vst v7;
	s7 =	smov.u32 s9  }
0x221: {  	s8 =	sadd.s32 $0x200, s8;
	[tilespmem:s7+$0x0] =	vst v8;
	v8 =	vadd.s32 v1, v10;
	v7 =	vld [tilespmem:s7+$0x60]  }
0x222: {  	[tilespmem:s7+$0x10] =	vst v8;
	v6 =	vadd.s32 v1, v6;
	v63 =	vld [tilespmem:s7+$0x70]  }
0x223: {  	[tilespmem:s7+$0x20] =	vst v6;
	v4 =	vadd.s32 v1, v4  }
0x224: {  	[tilespmem:s7+$0x30] =	vst v4;
	v3 =	vadd.s32 v1, v3  }
0x225: {  	[tilespmem:s7+$0x40] =	vst v3;
	v3 =	vadd.s32 v1, v5  }
0x226: {  	[tilespmem:s7+$0x50] =	vst v3;
	v3 =	vadd.s32 v1, v7  }
0x227: {  	[tilespmem:s7+$0x60] =	vst v3;
	v3 =	vadd.s32 v1, v63  }
0x228: {  	s8 =	simm.s32 $0x0;
	[tilespmem:s7+$0x70] =	vst v3  }
0x229: {  	[tilespmem:s28], [sflag:$0x1] =	stream.indirect.gather [hbm4b:s20+s3], $0x80, s8, s3, $0xb8;
	[tilespmem:$0x1F100] =	vst v63  }
0x22a: {  	_ = 	snop  }
0x22b: {  	[tilespmem:s29], [sflag:$0x2] =	stream.indirect.gather [hbm4b:s20+s3], $0x80, s3, s3, $0xb8;
	[tilespmem:$0x1F100] =	vst v63  }
0x22c: {  	_ =	swait.ge [sflag:s30], $0x4000  }
0x22d: {  	[sflag:s30] =	ssyncset.done $0x0  }
0x22e: {  	s9 =	simm.s32 $0x1400;
	[sflag:s30] =	ssyncadd.s32 $0xFFFFC000  }
0x22f: {  	[spmem:s2] =	stream.indirect.scatter.add.f32 [tilespmem:s28], [sflag:$0x3], $0x80, s9, s3, $0xb8;
	[tilespmem:$0x1F100] =	vst v63  }
0x230: {  	_ =	swait.ge [sflag:s26], $0x4000  }
0x231: {  	[sflag:s26] =	ssyncset.done $0x0  }
0x232: {  	s8 =	simm.s32 $0x100;
	[sflag:s26] =	ssyncadd.s32 $0xFFFFC000  }
0x233: {  	[tilespmem:s28], [sflag:$0x1] =	stream.indirect.gather [hbm4b:s20+s3], $0x80, s8, s3, $0xb8;
	[tilespmem:$0x1F100] =	vst v63  }
0x234: {  	_ =	swait.ge [sflag:s31], $0x4000  }
0x235: {  	[sflag:s31] =	ssyncset.done $0x0  }
0x236: {  	s9 =	simm.s32 $0x1480;
	[sflag:s31] =	ssyncadd.s32 $0xFFFFC000  }
0x237: {  	[spmem:s2] =	stream.indirect.scatter.add.f32 [tilespmem:s29], [sflag:$0x3], $0x80, s9, s3, $0xb8;
	[tilespmem:$0x1F100] =	vst v63  }
0x238: {  	_ =	swait.ge [sflag:s26], $0x4000  }
0x239: {  	[sflag:s26] =	ssyncset.done $0x0  }
0x23a: {  	s7 =	simm.s32 $0x400;
	s8 =	simm.s32 $0x180;
	[sflag:s26] =	ssyncadd.s32 $0xFFFFC000  }
.LBB2_16:
0x23b: {  	[tilespmem:s29], [sflag:$0x2] =	stream.indirect.gather [hbm4b:s20+s3], $0x80, s8, s3, $0xb8;
	[tilespmem:$0x1F100] =	vst v63  }
0x23c: {  	s8 =	smov.u32 s7  }
0x23d: {  	p1 =	sne.s32 s7, $0x4800;
	s7 =	sadd.s32 $0x400, s7;
	_ =	swait.ge [sflag:s30], $0x4000  }
0x23e: {  	s8 =	sshra.s32 s8, $0x2;
	[sflag:s30] =	ssyncset.done $0x0  }
0x23f: {  	s9 =	sadd.s32 $0x1400, s8;
	[sflag:s30] =	ssyncadd.s32 $0xFFFFC000  }
0x240: {  	[spmem:s2] =	stream.indirect.scatter.add.f32 [tilespmem:s28], [sflag:$0x3], $0x80, s9, s3, $0xb8;
	[tilespmem:$0x1F100] =	vst v63  }
0x241: {  	_ =	swait.ge [sflag:s26], $0x4000  }
0x242: {  	[sflag:s26] =	ssyncset.done $0x0  }
0x243: {  	s9 =	sadd.s32 $0x100, s8;
	[sflag:s26] =	ssyncadd.s32 $0xFFFFC000  }
0x244: {  	[tilespmem:s28], [sflag:$0x1] =	stream.indirect.gather [hbm4b:s20+s3], $0x80, s9, s3, $0xb8;
	[tilespmem:$0x1F100] =	vst v63  }
0x245: {  	_ =	swait.ge [sflag:s31], $0x4000  }
0x246: {  	[sflag:s31] =	ssyncset.done $0x0  }
.Ltmp7:
0x247: {  	s9 =	sadd.s32 $0x1480, s8;
	[sflag:s31] =	ssyncadd.s32 $0xFFFFC000;
	(pc) =	sbr.rel @p1 .LBB2_16-.Ltmp7, $4  }
0x248: {  	[spmem:s2] =	stream.indirect.scatter.add.f32 [tilespmem:s29], [sflag:$0x3], $0x80, s9, s3, $0xb8;
	[tilespmem:$0x1F100] =	vst v63  }
0x249: {  	_ =	swait.ge [sflag:s26], $0x4000  }
0x24a: {  	[sflag:s26] =	ssyncset.done $0x0  }
0x24b: {  	s8 =	sadd.s32 $0x180, s8;
	[sflag:s26] =	ssyncadd.s32 $0xFFFFC000  }
0x24c: {  	[tilespmem:s29], [sflag:$0x2] =	stream.indirect.gather [hbm4b:s20+s3], $0x80, s8, s3, $0xb8;
	[tilespmem:$0x1F100] =	vst v63  }
0x24d: {  	_ =	swait.ge [sflag:s30], $0x4000  }
0x24e: {  	[sflag:s30] =	ssyncset.done $0x0  }
0x24f: {  	[sflag:s30] =	ssyncadd.s32 $0xFFFFC000  }
0x250: {  	[spmem:s2] =	stream.indirect.scatter.add.f32 [tilespmem:s28], [sflag:$0x3], $0x80, s16, s3, $0xb8;
	[tilespmem:$0x1F100] =	vst v63  }
0x251: {  	_ =	swait.ge [sflag:s26], $0x4000  }
0x252: {  	[sflag:s26] =	ssyncset.done $0x0  }
0x253: {  	[sflag:s26] =	ssyncadd.s32 $0xFFFFC000  }
0x254: {  	_ =	swait.ge [sflag:s31], $0x4000  }
0x255: {  	[sflag:s31] =	ssyncset.done $0x0  }
0x256: {  	[sflag:s31] =	ssyncadd.s32 $0xFFFFC000  }
0x257: {  	[spmem:s2] =	stream.indirect.scatter.add.f32 [tilespmem:s29], [sflag:$0x3], $0x80, s0, s3, $0xb8;
	[tilespmem:$0x1F100] =	vst v63  }
0x258: {  	_ =	swait.ge [sflag:s26], $0x4000  }
0x259: {  	[sflag:s26] =	ssyncset.done $0x0  }
0x25a: {  	[sflag:s26] =	ssyncadd.s32 $0xFFFFC000  }
0x25b: {  	[bflag:$0x0] =	sbarrier.arrive $0xFFFF  }
0x25c: {  	s7 =	simm.s32 @p0 $0x1FC3;
	s8 =	rddreg [dreg:$0x16]  }
0x25d: {  	[hbm:s8], [sflag:s7] =	dma.local @p0 [spmem:s4], $0x2800  }
0x25e: {  	s7 =	simm.s32 @p0 $0x3  }
0x25f: {  	_ =	swait.ge @p0 [sflag:s7], $0x2800  }
0x260: {  	[sflag:s7] =	ssyncset.done @p0 $0x0  }
0x261: {  	[sflag:s7] =	ssyncadd.s32 @p0 $0xFFFFD800;
	s7 =	rddreg [dreg:$0x12]  }
0x262: {  	[hbm:s7], [sflag:s5] =	dma.local @!p0 [spmem:s6], $0x2700  }
0x263: {  	s7 =	simm.s32 @!p0 $0x3  }
0x264: {  	_ =	swait.ge @!p0 [sflag:s7], $0x2700  }
0x265: {  	[sflag:s7] =	ssyncset.done @!p0 $0x0  }
0x266: {  	[sflag:s7] =	ssyncadd.s32 @!p0 $0xFFFFD900  }
0x267: {  	[spmem:s21] =	stream.linear.scatter [tilespmem:s25], [sflag:$0x3], $0xC80, $0x38;
	[tilespmem:$0x1F100] =	vst v63  }
0x268: {  	_ =	swait.ge [sflag:s26], $0xC80  }
0x269: {  	[sflag:s26] =	ssyncset.done $0x0  }
0x26a: {  	s8 =	rddreg [dreg:$0x19];
	[sflag:s26] =	ssyncadd.s32 $0xFFFFF380  }
0x26b: {  	[spmem:s8] =	stream.linear.scatter [tilespmem:s25], [sflag:$0x3], $0xC80, $0x38;
	[tilespmem:$0x1F100] =	vst v63  }
0x26c: {  	_ =	swait.ge [sflag:s26], $0xC80  }
0x26d: {  	[sflag:s26] =	ssyncset.done $0x0  }
0x26e: {  	s9 =	rddreg [dreg:$0x1a];
	[sflag:s26] =	ssyncadd.s32 $0xFFFFF380  }
0x26f: {  	[spmem:s9] =	stream.linear.scatter [tilespmem:s25], [sflag:$0x3], $0xC80, $0x38;
	[tilespmem:$0x1F100] =	vst v63  }
0x270: {  	_ =	swait.ge [sflag:s26], $0xC80  }
0x271: {  	[sflag:s26] =	ssyncset.done $0x0  }
0x272: {  	s8 =	rddreg [dreg:$0x1b];
	[sflag:s26] =	ssyncadd.s32 $0xFFFFF380  }
0x273: {  	[spmem:s8] =	stream.linear.scatter [tilespmem:s25], [sflag:$0x3], $0xC80, $0x38;
	[tilespmem:$0x1F100] =	vst v63  }
0x274: {  	_ =	swait.ge [sflag:s26], $0xC80  }
0x275: {  	[sflag:s26] =	ssyncset.done $0x0  }
0x276: {  	s9 =	rddreg [dreg:$0x1c];
	[sflag:s26] =	ssyncadd.s32 $0xFFFFF380  }
0x277: {  	[spmem:s9] =	stream.linear.scatter [tilespmem:s25], [sflag:$0x3], $0xC80, $0x38;
	[tilespmem:$0x1F100] =	vst v63  }
0x278: {  	_ =	swait.ge [sflag:s26], $0xC80  }
0x279: {  	[sflag:s26] =	ssyncset.done $0x0  }
0x27a: {  	s8 =	rddreg [dreg:$0x1d];
	[sflag:s26] =	ssyncadd.s32 $0xFFFFF380  }
0x27b: {  	[spmem:s8] =	stream.linear.scatter [tilespmem:s25], [sflag:$0x3], $0xC80, $0x38;
	[tilespmem:$0x1F100] =	vst v63  }
0x27c: {  	_ =	swait.ge [sflag:s26], $0xC80  }
0x27d: {  	[sflag:s26] =	ssyncset.done $0x0  }
0x27e: {  	s9 =	rddreg [dreg:$0x1e];
	[sflag:s26] =	ssyncadd.s32 $0xFFFFF380  }
0x27f: {  	[spmem:s9] =	stream.linear.scatter [tilespmem:s25], [sflag:$0x3], $0xC80, $0x38;
	[tilespmem:$0x1F100] =	vst v63  }
0x280: {  	_ =	swait.ge [sflag:s26], $0xC80  }
0x281: {  	[sflag:s26] =	ssyncset.done $0x0  }
0x282: {  	s8 =	rddreg [dreg:$0x1f];
	[sflag:s26] =	ssyncadd.s32 $0xFFFFF380  }
0x283: {  	[spmem:s8] =	stream.linear.scatter [tilespmem:s25], [sflag:$0x3], $0xC80, $0x38;
	[tilespmem:$0x1F100] =	vst v63  }
0x284: {  	_ =	swait.ge [sflag:s26], $0xC80  }
0x285: {  	s9 =	sld [smem:$0x7F7]  }
0x286: {  	[sflag:s26] =	ssyncset.done $0x0  }
0x287: {  	[sflag:s26] =	ssyncadd.s32 $0xFFFFF380  }
0x288: {  	[spmem:s9] =	stream.linear.scatter [tilespmem:s25], [sflag:$0x3], $0xC80, $0x38;
	[tilespmem:$0x1F100] =	vst v63  }
0x289: {  	_ =	swait.ge [sflag:s26], $0xC80  }
0x28a: {  	s8 =	sld [smem:$0x7F8]  }
0x28b: {  	[sflag:s26] =	ssyncset.done $0x0  }
0x28c: {  	[sflag:s26] =	ssyncadd.s32 $0xFFFFF380  }
0x28d: {  	[spmem:s8] =	stream.linear.scatter [tilespmem:s25], [sflag:$0x3], $0xC80, $0x38;
	[tilespmem:$0x1F100] =	vst v63  }
0x28e: {  	_ =	swait.ge [sflag:s26], $0xC80  }
0x28f: {  	s9 =	sld [smem:$0x7F9]  }
0x290: {  	[sflag:s26] =	ssyncset.done $0x0  }
0x291: {  	[sflag:s26] =	ssyncadd.s32 $0xFFFFF380  }
0x292: {  	[spmem:s9] =	stream.linear.scatter [tilespmem:s25], [sflag:$0x3], $0xC80, $0x38;
	[tilespmem:$0x1F100] =	vst v63  }
0x293: {  	_ =	swait.ge [sflag:s26], $0xC80  }
0x294: {  	s8 =	sld [smem:$0x7FA]  }
0x295: {  	[sflag:s26] =	ssyncset.done $0x0  }
0x296: {  	[sflag:s26] =	ssyncadd.s32 $0xFFFFF380  }
0x297: {  	[spmem:s8] =	stream.linear.scatter [tilespmem:s25], [sflag:$0x3], $0xC80, $0x38;
	[tilespmem:$0x1F100] =	vst v63  }
0x298: {  	_ =	swait.ge [sflag:s26], $0xC80  }
0x299: {  	s9 =	sld [smem:$0x7FB]  }
0x29a: {  	[sflag:s26] =	ssyncset.done $0x0  }
0x29b: {  	[sflag:s26] =	ssyncadd.s32 $0xFFFFF380  }
0x29c: {  	[spmem:s9] =	stream.linear.scatter [tilespmem:s25], [sflag:$0x3], $0xC80, $0x38;
	[tilespmem:$0x1F100] =	vst v63  }
0x29d: {  	_ =	swait.ge [sflag:s26], $0xC80  }
0x29e: {  	s8 =	sld [smem:$0x7FC]  }
0x29f: {  	[sflag:s26] =	ssyncset.done $0x0  }
0x2a0: {  	[sflag:s26] =	ssyncadd.s32 $0xFFFFF380  }
0x2a1: {  	[spmem:s8] =	stream.linear.scatter [tilespmem:s25], [sflag:$0x3], $0xC80, $0x38;
	[tilespmem:$0x1F100] =	vst v63  }
0x2a2: {  	_ =	swait.ge [sflag:s26], $0xC80  }
0x2a3: {  	[sflag:s26] =	ssyncset.done $0x0  }
0x2a4: {  	[sflag:s26] =	ssyncadd.s32 $0xFFFFF380  }
0x2a5: {  	[spmem:s10] =	stream.linear.scatter [tilespmem:s25], [sflag:$0x3], $0xC80, $0x38;
	[tilespmem:$0x1F100] =	vst v63  }
0x2a6: {  	_ =	swait.ge [sflag:s26], $0xC80  }
0x2a7: {  	[sflag:s26] =	ssyncset.done $0x0  }
0x2a8: {  	[sflag:s26] =	ssyncadd.s32 $0xFFFFF380  }
0x2a9: {  	[spmem:s11] =	stream.linear.scatter [tilespmem:s25], [sflag:$0x3], $0xC80, $0x38;
	[tilespmem:$0x1F100] =	vst v63  }
0x2aa: {  	_ =	swait.ge [sflag:s26], $0xC80  }
0x2ab: {  	[sflag:s26] =	ssyncset.done $0x0  }
0x2ac: {  	[sflag:s26] =	ssyncadd.s32 $0xFFFFF380  }
0x2ad: {  	[spmem:s12] =	stream.linear.scatter [tilespmem:s25], [sflag:$0x3], $0xC80, $0x38;
	[tilespmem:$0x1F100] =	vst v63  }
0x2ae: {  	_ =	swait.ge [sflag:s26], $0xC80  }
0x2af: {  	[sflag:s26] =	ssyncset.done $0x0  }
0x2b0: {  	[sflag:s26] =	ssyncadd.s32 $0xFFFFF380  }
0x2b1: {  	[spmem:s13] =	stream.linear.scatter [tilespmem:s25], [sflag:$0x3], $0xC80, $0x38;
	[tilespmem:$0x1F100] =	vst v63  }
0x2b2: {  	_ =	swait.ge [sflag:s26], $0xC80  }
0x2b3: {  	[sflag:s26] =	ssyncset.done $0x0  }
0x2b4: {  	[sflag:s26] =	ssyncadd.s32 $0xFFFFF380  }
0x2b5: {  	[spmem:s14] =	stream.linear.scatter [tilespmem:s25], [sflag:$0x3], $0xC80, $0x38;
	[tilespmem:$0x1F100] =	vst v63  }
0x2b6: {  	_ =	swait.ge [sflag:s26], $0xC80  }
0x2b7: {  	[sflag:s26] =	ssyncset.done $0x0  }
0x2b8: {  	[sflag:s26] =	ssyncadd.s32 $0xFFFFF380  }
0x2b9: {  	[spmem:s15] =	stream.linear.scatter [tilespmem:s25], [sflag:$0x3], $0xC80, $0x38;
	[tilespmem:$0x1F100] =	vst v63  }
0x2ba: {  	_ =	swait.ge [sflag:s26], $0xC80  }
0x2bb: {  	[sflag:s26] =	ssyncset.done $0x0  }
0x2bc: {  	[sflag:s26] =	ssyncadd.s32 $0xFFFFF380  }
0x2bd: {  	[spmem:s17] =	stream.linear.scatter [tilespmem:s25], [sflag:$0x3], $0xC80, $0x38;
	[tilespmem:$0x1F100] =	vst v63  }
0x2be: {  	_ =	swait.ge [sflag:s26], $0xC80  }
0x2bf: {  	[sflag:s26] =	ssyncset.done $0x0  }
0x2c0: {  	[sflag:s26] =	ssyncadd.s32 $0xFFFFF380  }
0x2c1: {  	[spmem:s18] =	stream.linear.scatter [tilespmem:s25], [sflag:$0x3], $0xC80, $0x38;
	[tilespmem:$0x1F100] =	vst v63  }
0x2c2: {  	_ =	swait.ge [sflag:s26], $0xC80  }
0x2c3: {  	[sflag:s26] =	ssyncset.done $0x0  }
0x2c4: {  	[sflag:s26] =	ssyncadd.s32 $0xFFFFF380  }
0x2c5: {  	[spmem:s19] =	stream.linear.scatter [tilespmem:s25], [sflag:$0x3], $0xC80, $0x38;
	[tilespmem:$0x1F100] =	vst v63  }
0x2c6: {  	_ =	swait.ge [sflag:s26], $0xC80  }
0x2c7: {  	[sflag:s26] =	ssyncset.done $0x0  }
0x2c8: {  	[sflag:s26] =	ssyncadd.s32 $0xFFFFF380  }
0x2c9: {  	[spmem:s22] =	stream.linear.scatter [tilespmem:s25], [sflag:$0x3], $0xC80, $0x38;
	[tilespmem:$0x1F100] =	vst v63  }
0x2ca: {  	_ =	swait.ge [sflag:s26], $0xC80  }
0x2cb: {  	[sflag:s26] =	ssyncset.done $0x0  }
0x2cc: {  	[sflag:s26] =	ssyncadd.s32 $0xFFFFF380  }
0x2cd: {  	[spmem:s23] =	stream.linear.scatter [tilespmem:s25], [sflag:$0x3], $0xC80, $0x38;
	[tilespmem:$0x1F100] =	vst v63  }
0x2ce: {  	_ =	swait.ge [sflag:s26], $0xC80  }
0x2cf: {  	[sflag:s26] =	ssyncset.done $0x0  }
0x2d0: {  	[sflag:s26] =	ssyncadd.s32 $0xFFFFF380  }
0x2d1: {  	[bflag:$0x0] =	sbarrier.arrive $0xFFFF  }
0x2d2: {  	s7 =	simm.s32 $0x0;
	s9 =	rddreg [dreg:$0xe]  }
0x2d3: {  	[tilespmem:s7], [sflag:$0x3] =	stream.linear.gather [hbm4b:s9+s7], $0x1400, $0x38;
	[tilespmem:$0x1F100] =	vst v63  }
0x2d4: {  	_ =	swait.ge [sflag:s26], $0x1400  }
0x2d5: {  	[sflag:s26] =	ssyncset.done $0x0  }
0x2d6: {  	s9 =	rddreg [dreg:$0xf];
	[sflag:s26] =	ssyncadd.s32 $0xFFFFEC00  }
0x2d7: {  	[tilespmem:s24], [sflag:$0x3] =	stream.linear.gather [hbm4b:s9+s7], $0x1400, $0x38;
	[tilespmem:$0x1F100] =	vst v63  }
0x2d8: {  	_ =	swait.ge [sflag:s26], $0x1400  }
0x2d9: {  	[sflag:s26] =	ssyncset.done $0x0  }
0x2da: {  	s7 =	simm.s32 $0x0;
	[sflag:s26] =	ssyncadd.s32 $0xFFFFEC00  }
0x2db: {  	v5 =	vld [tilespmem:s7+$0x0]  }
0x2dc: {  	v7 =	vld [tilespmem:s7+$0x10]  }
0x2dd: {  	v6 =	vld [tilespmem:s7+$0x20]  }
0x2de: {  	v4 =	vld [tilespmem:s7+$0x30]  }
0x2df: {  	v3 =	vld [tilespmem:s7+$0x40]  }
0x2e0: {  	v8 =	vadd.s32 v2, v5;
	v5 =	vld [tilespmem:s7+$0x50]  }
0x2e1: {  	s8 =	simm.s32 $0x200;
	[tilespmem:s7+$0x0] =	vst v8;
	v8 =	vadd.s32 v2, v7;
	v7 =	vld [tilespmem:s7+$0x60]  }
.LBB2_18:
0x2e2: {  	s9 =	sshra.s32 s8, $0x2;
	p1 =	sne.s32 s8, $0x4E00;
	[tilespmem:s7+$0x10] =	vst v8;
	v6 =	vadd.s32 v2, v6;
	v8 =	vld [tilespmem:s7+$0x70]  }
0x2e3: {  	v9 =	vld [tilespmem:s9+$0x0];
	[tilespmem:s7+$0x20] =	vst v6;
	v4 =	vadd.s32 v2, v4  }
0x2e4: {  	v10 =	vld [tilespmem:s9+$0x10];
	[tilespmem:s7+$0x30] =	vst v4;
	v3 =	vadd.s32 v2, v3  }
.Ltmp8:
0x2e5: {  	v6 =	vld [tilespmem:s9+$0x20];
	[tilespmem:s7+$0x40] =	vst v3;
	v3 =	vadd.s32 v2, v5;
	(pc) =	sbr.rel @p1 .LBB2_18-.Ltmp8, $4  }
0x2e6: {  	v4 =	vld [tilespmem:s9+$0x30];
	[tilespmem:s7+$0x50] =	vst v3;
	v5 =	vadd.s32 v2, v7  }
0x2e7: {  	v3 =	vld [tilespmem:s9+$0x40];
	[tilespmem:s7+$0x60] =	vst v5;
	v7 =	vadd.s32 v2, v8  }
0x2e8: {  	v8 =	vadd.s32 v2, v9;
	v5 =	vld [tilespmem:s9+$0x50];
	[tilespmem:s7+$0x70] =	vst v7;
	s7 =	smov.u32 s9  }
0x2e9: {  	s8 =	sadd.s32 $0x200, s8;
	[tilespmem:s7+$0x0] =	vst v8;
	v8 =	vadd.s32 v2, v10;
	v7 =	vld [tilespmem:s7+$0x60]  }
0x2ea: {  	[tilespmem:s7+$0x10] =	vst v8;
	v6 =	vadd.s32 v2, v6;
	v63 =	vld [tilespmem:s7+$0x70]  }
0x2eb: {  	[tilespmem:s7+$0x20] =	vst v6;
	v4 =	vadd.s32 v2, v4  }
0x2ec: {  	[tilespmem:s7+$0x30] =	vst v4;
	v3 =	vadd.s32 v2, v3  }
0x2ed: {  	[tilespmem:s7+$0x40] =	vst v3;
	v3 =	vadd.s32 v2, v5  }
0x2ee: {  	[tilespmem:s7+$0x50] =	vst v3;
	v3 =	vadd.s32 v2, v7  }
0x2ef: {  	[tilespmem:s7+$0x60] =	vst v3;
	v3 =	vadd.s32 v2, v63  }
0x2f0: {  	s8 =	simm.s32 $0x0;
	[tilespmem:s7+$0x70] =	vst v3  }
0x2f1: {  	[tilespmem:s28], [sflag:$0x1] =	stream.indirect.gather [hbm4b:s20+s3], $0x80, s8, s3, $0xb8;
	[tilespmem:$0x1F100] =	vst v63  }
0x2f2: {  	_ = 	snop  }
0x2f3: {  	[tilespmem:s29], [sflag:$0x2] =	stream.indirect.gather [hbm4b:s20+s3], $0x80, s3, s3, $0xb8;
	[tilespmem:$0x1F100] =	vst v63  }
0x2f4: {  	_ =	swait.ge [sflag:s30], $0x4000  }
0x2f5: {  	[sflag:s30] =	ssyncset.done $0x0  }
0x2f6: {  	s9 =	simm.s32 $0x1400;
	[sflag:s30] =	ssyncadd.s32 $0xFFFFC000  }
0x2f7: {  	[spmem:s2] =	stream.indirect.scatter.add.f32 [tilespmem:s28], [sflag:$0x3], $0x80, s9, s3, $0xb8;
	[tilespmem:$0x1F100] =	vst v63  }
0x2f8: {  	_ =	swait.ge [sflag:s26], $0x4000  }
0x2f9: {  	[sflag:s26] =	ssyncset.done $0x0  }
0x2fa: {  	s8 =	simm.s32 $0x100;
	[sflag:s26] =	ssyncadd.s32 $0xFFFFC000  }
0x2fb: {  	[tilespmem:s28], [sflag:$0x1] =	stream.indirect.gather [hbm4b:s20+s3], $0x80, s8, s3, $0xb8;
	[tilespmem:$0x1F100] =	vst v63  }
0x2fc: {  	_ =	swait.ge [sflag:s31], $0x4000  }
0x2fd: {  	[sflag:s31] =	ssyncset.done $0x0  }
0x2fe: {  	s9 =	simm.s32 $0x1480;
	[sflag:s31] =	ssyncadd.s32 $0xFFFFC000  }
0x2ff: {  	[spmem:s2] =	stream.indirect.scatter.add.f32 [tilespmem:s29], [sflag:$0x3], $0x80, s9, s3, $0xb8;
	[tilespmem:$0x1F100] =	vst v63  }
0x300: {  	_ =	swait.ge [sflag:s26], $0x4000  }
0x301: {  	[sflag:s26] =	ssyncset.done $0x0  }
0x302: {  	s7 =	simm.s32 $0x400;
	s8 =	simm.s32 $0x180;
	[sflag:s26] =	ssyncadd.s32 $0xFFFFC000  }
.LBB2_20:
0x303: {  	[tilespmem:s29], [sflag:$0x2] =	stream.indirect.gather [hbm4b:s20+s3], $0x80, s8, s3, $0xb8;
	[tilespmem:$0x1F100] =	vst v63  }
0x304: {  	s8 =	smov.u32 s7  }
0x305: {  	p1 =	sne.s32 s7, $0x4800;
	s7 =	sadd.s32 $0x400, s7;
	_ =	swait.ge [sflag:s30], $0x4000  }
0x306: {  	s8 =	sshra.s32 s8, $0x2;
	[sflag:s30] =	ssyncset.done $0x0  }
0x307: {  	s9 =	sadd.s32 $0x1400, s8;
	[sflag:s30] =	ssyncadd.s32 $0xFFFFC000  }
0x308: {  	[spmem:s2] =	stream.indirect.scatter.add.f32 [tilespmem:s28], [sflag:$0x3], $0x80, s9, s3, $0xb8;
	[tilespmem:$0x1F100] =	vst v63  }
0x309: {  	_ =	swait.ge [sflag:s26], $0x4000  }
0x30a: {  	[sflag:s26] =	ssyncset.done $0x0  }
0x30b: {  	s9 =	sadd.s32 $0x100, s8;
	[sflag:s26] =	ssyncadd.s32 $0xFFFFC000  }
0x30c: {  	[tilespmem:s28], [sflag:$0x1] =	stream.indirect.gather [hbm4b:s20+s3], $0x80, s9, s3, $0xb8;
	[tilespmem:$0x1F100] =	vst v63  }
0x30d: {  	_ =	swait.ge [sflag:s31], $0x4000  }
0x30e: {  	[sflag:s31] =	ssyncset.done $0x0  }
.Ltmp9:
0x30f: {  	s9 =	sadd.s32 $0x1480, s8;
	[sflag:s31] =	ssyncadd.s32 $0xFFFFC000;
	(pc) =	sbr.rel @p1 .LBB2_20-.Ltmp9, $4  }
0x310: {  	[spmem:s2] =	stream.indirect.scatter.add.f32 [tilespmem:s29], [sflag:$0x3], $0x80, s9, s3, $0xb8;
	[tilespmem:$0x1F100] =	vst v63  }
0x311: {  	_ =	swait.ge [sflag:s26], $0x4000  }
0x312: {  	[sflag:s26] =	ssyncset.done $0x0  }
0x313: {  	s8 =	sadd.s32 $0x180, s8;
	[sflag:s26] =	ssyncadd.s32 $0xFFFFC000  }
0x314: {  	[tilespmem:s29], [sflag:$0x2] =	stream.indirect.gather [hbm4b:s20+s3], $0x80, s8, s3, $0xb8;
	[tilespmem:$0x1F100] =	vst v63  }
0x315: {  	_ =	swait.ge [sflag:s30], $0x4000  }
0x316: {  	[sflag:s30] =	ssyncset.done $0x0  }
0x317: {  	[sflag:s30] =	ssyncadd.s32 $0xFFFFC000  }
0x318: {  	[spmem:s2] =	stream.indirect.scatter.add.f32 [tilespmem:s28], [sflag:$0x3], $0x80, s16, s3, $0xb8;
	[tilespmem:$0x1F100] =	vst v63  }
0x319: {  	_ =	swait.ge [sflag:s26], $0x4000  }
0x31a: {  	[sflag:s26] =	ssyncset.done $0x0  }
0x31b: {  	[sflag:s26] =	ssyncadd.s32 $0xFFFFC000  }
0x31c: {  	_ =	swait.ge [sflag:s31], $0x4000  }
0x31d: {  	[sflag:s31] =	ssyncset.done $0x0  }
0x31e: {  	[sflag:s31] =	ssyncadd.s32 $0xFFFFC000  }
0x31f: {  	[spmem:s2] =	stream.indirect.scatter.add.f32 [tilespmem:s29], [sflag:$0x3], $0x80, s0, s3, $0xb8;
	[tilespmem:$0x1F100] =	vst v63  }
0x320: {  	_ =	swait.ge [sflag:s26], $0x4000  }
0x321: {  	[sflag:s26] =	ssyncset.done $0x0  }
0x322: {  	s7 =	simm.s32 $0x0;
	s9 =	rddreg [dreg:$0x10];
	[sflag:s26] =	ssyncadd.s32 $0xFFFFC000  }
0x323: {  	[tilespmem:s7], [sflag:$0x3] =	stream.linear.gather [hbm4b:s9+s7], $0x1400, $0x38;
	[tilespmem:$0x1F100] =	vst v63  }
0x324: {  	_ =	swait.ge [sflag:s26], $0x1400  }
0x325: {  	[sflag:s26] =	ssyncset.done $0x0  }
0x326: {  	s9 =	rddreg [dreg:$0x11];
	[sflag:s26] =	ssyncadd.s32 $0xFFFFEC00  }
0x327: {  	[tilespmem:s24], [sflag:$0x3] =	stream.linear.gather [hbm4b:s9+s7], $0x1400, $0x38;
	[tilespmem:$0x1F100] =	vst v63  }
0x328: {  	_ =	swait.ge [sflag:s26], $0x1400  }
0x329: {  	[sflag:s26] =	ssyncset.done $0x0  }
0x32a: {  	s7 =	simm.s32 $0x0;
	[sflag:s26] =	ssyncadd.s32 $0xFFFFEC00  }
0x32b: {  	v5 =	vld [tilespmem:s7+$0x0]  }
0x32c: {  	v7 =	vld [tilespmem:s7+$0x10]  }
0x32d: {  	v6 =	vld [tilespmem:s7+$0x20]  }
0x32e: {  	v4 =	vld [tilespmem:s7+$0x30]  }
0x32f: {  	v3 =	vld [tilespmem:s7+$0x40]  }
0x330: {  	v8 =	vadd.s32 v2, v5;
	v5 =	vld [tilespmem:s7+$0x50]  }
0x331: {  	s8 =	simm.s32 $0x200;
	[tilespmem:s7+$0x0] =	vst v8;
	v8 =	vadd.s32 v2, v7;
	v7 =	vld [tilespmem:s7+$0x60]  }
.LBB2_22:
0x332: {  	s9 =	sshra.s32 s8, $0x2;
	p1 =	sne.s32 s8, $0x4E00;
	[tilespmem:s7+$0x10] =	vst v8;
	v6 =	vadd.s32 v2, v6;
	v8 =	vld [tilespmem:s7+$0x70]  }
0x333: {  	v9 =	vld [tilespmem:s9+$0x0];
	[tilespmem:s7+$0x20] =	vst v6;
	v4 =	vadd.s32 v2, v4  }
0x334: {  	v10 =	vld [tilespmem:s9+$0x10];
	[tilespmem:s7+$0x30] =	vst v4;
	v3 =	vadd.s32 v2, v3  }
.Ltmp10:
0x335: {  	v6 =	vld [tilespmem:s9+$0x20];
	[tilespmem:s7+$0x40] =	vst v3;
	v3 =	vadd.s32 v2, v5;
	(pc) =	sbr.rel @p1 .LBB2_22-.Ltmp10, $4  }
0x336: {  	v4 =	vld [tilespmem:s9+$0x30];
	[tilespmem:s7+$0x50] =	vst v3;
	v5 =	vadd.s32 v2, v7  }
0x337: {  	v3 =	vld [tilespmem:s9+$0x40];
	[tilespmem:s7+$0x60] =	vst v5;
	v7 =	vadd.s32 v2, v8  }
0x338: {  	v8 =	vadd.s32 v2, v9;
	v5 =	vld [tilespmem:s9+$0x50];
	[tilespmem:s7+$0x70] =	vst v7;
	s7 =	smov.u32 s9  }
0x339: {  	s8 =	sadd.s32 $0x200, s8;
	[tilespmem:s7+$0x0] =	vst v8;
	v8 =	vadd.s32 v2, v10;
	v7 =	vld [tilespmem:s7+$0x60]  }
0x33a: {  	[tilespmem:s7+$0x10] =	vst v8;
	v6 =	vadd.s32 v2, v6;
	v63 =	vld [tilespmem:s7+$0x70]  }
0x33b: {  	[tilespmem:s7+$0x20] =	vst v6;
	v4 =	vadd.s32 v2, v4  }
0x33c: {  	[tilespmem:s7+$0x30] =	vst v4;
	v3 =	vadd.s32 v2, v3  }
0x33d: {  	[tilespmem:s7+$0x40] =	vst v3;
	v3 =	vadd.s32 v2, v5  }
0x33e: {  	[tilespmem:s7+$0x50] =	vst v3;
	v3 =	vadd.s32 v2, v7  }
0x33f: {  	[tilespmem:s7+$0x60] =	vst v3;
	v3 =	vadd.s32 v2, v63  }
0x340: {  	s8 =	simm.s32 $0x0;
	[tilespmem:s7+$0x70] =	vst v3  }
0x341: {  	[tilespmem:s28], [sflag:$0x1] =	stream.indirect.gather [hbm4b:s20+s3], $0x80, s8, s3, $0xb8;
	[tilespmem:$0x1F100] =	vst v63  }
0x342: {  	_ = 	snop  }
0x343: {  	[tilespmem:s29], [sflag:$0x2] =	stream.indirect.gather [hbm4b:s20+s3], $0x80, s3, s3, $0xb8;
	[tilespmem:$0x1F100] =	vst v63  }
0x344: {  	_ =	swait.ge [sflag:s30], $0x4000  }
0x345: {  	[sflag:s30] =	ssyncset.done $0x0  }
0x346: {  	s9 =	simm.s32 $0x1400;
	[sflag:s30] =	ssyncadd.s32 $0xFFFFC000  }
0x347: {  	[spmem:s2] =	stream.indirect.scatter.add.f32 [tilespmem:s28], [sflag:$0x3], $0x80, s9, s3, $0xb8;
	[tilespmem:$0x1F100] =	vst v63  }
0x348: {  	_ =	swait.ge [sflag:s26], $0x4000  }
0x349: {  	[sflag:s26] =	ssyncset.done $0x0  }
0x34a: {  	s8 =	simm.s32 $0x100;
	[sflag:s26] =	ssyncadd.s32 $0xFFFFC000  }
0x34b: {  	[tilespmem:s28], [sflag:$0x1] =	stream.indirect.gather [hbm4b:s20+s3], $0x80, s8, s3, $0xb8;
	[tilespmem:$0x1F100] =	vst v63  }
0x34c: {  	_ =	swait.ge [sflag:s31], $0x4000  }
0x34d: {  	[sflag:s31] =	ssyncset.done $0x0  }
0x34e: {  	s9 =	simm.s32 $0x1480;
	[sflag:s31] =	ssyncadd.s32 $0xFFFFC000  }
0x34f: {  	[spmem:s2] =	stream.indirect.scatter.add.f32 [tilespmem:s29], [sflag:$0x3], $0x80, s9, s3, $0xb8;
	[tilespmem:$0x1F100] =	vst v63  }
0x350: {  	_ =	swait.ge [sflag:s26], $0x4000  }
0x351: {  	[sflag:s26] =	ssyncset.done $0x0  }
0x352: {  	s7 =	simm.s32 $0x400;
	s8 =	simm.s32 $0x180;
	[sflag:s26] =	ssyncadd.s32 $0xFFFFC000  }
.LBB2_24:
0x353: {  	[tilespmem:s29], [sflag:$0x2] =	stream.indirect.gather [hbm4b:s20+s3], $0x80, s8, s3, $0xb8;
	[tilespmem:$0x1F100] =	vst v63  }
0x354: {  	s8 =	smov.u32 s7  }
0x355: {  	p1 =	sne.s32 s7, $0x4800;
	s7 =	sadd.s32 $0x400, s7;
	_ =	swait.ge [sflag:s30], $0x4000  }
0x356: {  	s8 =	sshra.s32 s8, $0x2;
	[sflag:s30] =	ssyncset.done $0x0  }
0x357: {  	s9 =	sadd.s32 $0x1400, s8;
	[sflag:s30] =	ssyncadd.s32 $0xFFFFC000  }
0x358: {  	[spmem:s2] =	stream.indirect.scatter.add.f32 [tilespmem:s28], [sflag:$0x3], $0x80, s9, s3, $0xb8;
	[tilespmem:$0x1F100] =	vst v63  }
0x359: {  	_ =	swait.ge [sflag:s26], $0x4000  }
0x35a: {  	[sflag:s26] =	ssyncset.done $0x0  }
0x35b: {  	s9 =	sadd.s32 $0x100, s8;
	[sflag:s26] =	ssyncadd.s32 $0xFFFFC000  }
0x35c: {  	[tilespmem:s28], [sflag:$0x1] =	stream.indirect.gather [hbm4b:s20+s3], $0x80, s9, s3, $0xb8;
	[tilespmem:$0x1F100] =	vst v63  }
0x35d: {  	_ =	swait.ge [sflag:s31], $0x4000  }
0x35e: {  	[sflag:s31] =	ssyncset.done $0x0  }
.Ltmp11:
0x35f: {  	s9 =	sadd.s32 $0x1480, s8;
	[sflag:s31] =	ssyncadd.s32 $0xFFFFC000;
	(pc) =	sbr.rel @p1 .LBB2_24-.Ltmp11, $4  }
0x360: {  	[spmem:s2] =	stream.indirect.scatter.add.f32 [tilespmem:s29], [sflag:$0x3], $0x80, s9, s3, $0xb8;
	[tilespmem:$0x1F100] =	vst v63  }
0x361: {  	_ =	swait.ge [sflag:s26], $0x4000  }
0x362: {  	[sflag:s26] =	ssyncset.done $0x0  }
0x363: {  	s8 =	sadd.s32 $0x180, s8;
	[sflag:s26] =	ssyncadd.s32 $0xFFFFC000  }
0x364: {  	[tilespmem:s29], [sflag:$0x2] =	stream.indirect.gather [hbm4b:s20+s3], $0x80, s8, s3, $0xb8;
	[tilespmem:$0x1F100] =	vst v63  }
0x365: {  	_ =	swait.ge [sflag:s30], $0x4000  }
0x366: {  	[sflag:s30] =	ssyncset.done $0x0  }
0x367: {  	[sflag:s30] =	ssyncadd.s32 $0xFFFFC000  }
0x368: {  	[spmem:s2] =	stream.indirect.scatter.add.f32 [tilespmem:s28], [sflag:$0x3], $0x80, s16, s3, $0xb8;
	[tilespmem:$0x1F100] =	vst v63  }
0x369: {  	_ =	swait.ge [sflag:s26], $0x4000  }
0x36a: {  	[sflag:s26] =	ssyncset.done $0x0  }
0x36b: {  	[sflag:s26] =	ssyncadd.s32 $0xFFFFC000  }
0x36c: {  	_ =	swait.ge [sflag:s31], $0x4000  }
0x36d: {  	[sflag:s31] =	ssyncset.done $0x0  }
0x36e: {  	[sflag:s31] =	ssyncadd.s32 $0xFFFFC000  }
0x36f: {  	[spmem:s2] =	stream.indirect.scatter.add.f32 [tilespmem:s29], [sflag:$0x3], $0x80, s0, s3, $0xb8;
	[tilespmem:$0x1F100] =	vst v63  }
0x370: {  	_ =	swait.ge [sflag:s26], $0x4000  }
0x371: {  	[sflag:s26] =	ssyncset.done $0x0  }
0x372: {  	[sflag:s26] =	ssyncadd.s32 $0xFFFFC000  }
0x373: {  	[bflag:$0x0] =	sbarrier.arrive $0xFFFF  }
0x374: {  	s7 =	simm.s32 @p0 $0x1FC3;
	s8 =	rddreg [dreg:$0x17]  }
0x375: {  	[hbm:s8], [sflag:s7] =	dma.local @p0 [spmem:s4], $0x2800  }
0x376: {  	s4 =	simm.s32 @p0 $0x3  }
0x377: {  	_ =	swait.ge @p0 [sflag:s4], $0x2800  }
0x378: {  	[sflag:s4] =	ssyncset.done @p0 $0x0  }
0x379: {  	[sflag:s4] =	ssyncadd.s32 @p0 $0xFFFFD800;
	s4 =	rddreg [dreg:$0x13]  }
0x37a: {  	[hbm:s4], [sflag:s5] =	dma.local @!p0 [spmem:s6], $0x2700  }
0x37b: {  	s4 =	simm.s32 @!p0 $0x3  }
0x37c: {  	_ =	swait.ge @!p0 [sflag:s4], $0x2700  }
0x37d: {  	s1 =	sadd.s32 $0x1, s1;
	s9 =	rddreg [dreg:$0x18]  }
0x37e: {  	p1 =	sne.s32 s1, s9  }
.Ltmp12:
0x37f: {  	_ = 	snop;
	(pc) =	sbr.rel @p1 .LBB2_1-.Ltmp12, $3  }
0x380: {  	_ =	sdelay $0x1  }
0x381: {  	[sflag:s4] =	ssyncset.done @!p0 $0x0  }
0x382: {  	[sflag:s4] =	ssyncadd.s32 @!p0 $0xFFFFD900  }
0x383: {  	_ =	sfence.sel $0x180000  }
0x384: {  	[bflag:$0x0] =	sbarrier.arrive $0xFFFF  }
0x385: {  	_ =	strace $0x9000004A  }
0x386: {  	s0 =	stileid.u32;
	[bflag:$0x2] =	sbarrier.arrive $0xFFFF  }
0x387: {  	p0 =	sne.s32 s0, $0x0;
	s0 =	rddreg [dreg:$0x4]  }
0x388: {  	s0 =	sadd.s32 @!p0 $0x100000, s0  }
0x389: {  	[sflag:s0] =	ssyncadd.tile.s32 @!p0 $0x1;
	_ =	shalt  }
.Lfunc_end2:
_tile_overlayer_lowered:
.L_overlay_start_2:
0x38a: {  	(tag) =	ssettag $0x2  }
0x38b: {  	s0 =	rddreg [dreg:$0x0];
	s2 =	stileid.u32  }
0x38c: {  	s1 =	rddreg [dreg:$0x1];
	p0 =	sne.s32 s2, $0x0  }
0x38d: {  	s3 =	rddreg [dreg:$0x2];
	[bflag:$0x3] =	sbarrier.arrive $0xFFFF;
	s2 =	simm.s32 @!p0 $0x1C03  }
0x38e: {  	[timem:s3], [sflag:s2] =	dma.local @!p0 [hbm:s0], s1  }
0x38f: {  	s0 =	simm.s32 @!p0 $0x3  }
0x390: {  	_ =	swait.ge @!p0 [sflag:s0], s1  }
0x391: {  	s1 =	ssub.s32 @!p0 $0x0, s1;
	[sflag:s0] =	ssyncset.done @!p0 $0x0  }
0x392: {  	[sflag:s0] =	ssyncadd.s32 @!p0 s1  }
0x393: {  	[bflag:$0x3] =	sbarrier.arrive $0xFFFF  }
0x394: {  	_ =	shalt  }

</sc_bundles>
